<compile_context>
chip_gen: v7x
topology: tpu7x:2x2x1
jax: 0.10.2.dev20260603
libtpu: 0.0.44.dev20260713+nightly
codegen_flags: <defaults>
</compile_context>

<pallas_src>
import functools

import jax
import jax.numpy as jnp
from jax import lax
from jax.experimental import pallas as pl
from jax.experimental.pallas import tpu as pltpu
from jax.experimental.pallas import tpu_sc as plsc

N = 10000
E = 320000
F = 128
D = 128
G = 256

NC = 2
NS = 16
NW = NC * NS

C = 80
CHUNKS = E // C
CPW = CHUNKS // NW
ST = 5
SB = CPW // ST
NB = 4
NP = 10240
RPT = NP // NS


def _seg_sum_sc(x, ei, zrows):
    mesh = plsc.VectorSubcoreMesh(core_axis_name="c", subcore_axis_name="s")

    @functools.partial(
        pl.kernel,
        mesh=mesh,
        out_type=jax.ShapeDtypeStruct((NC, NP, D), jnp.float32),
        scratch_types=[
            pltpu.VMEM((SB, C), jnp.int32),
            pltpu.VMEM((SB, C), jnp.int32),
            [pltpu.VMEM((C, D), jnp.float32) for _ in range(NB)],
            [pltpu.SemaphoreType.DMA for _ in range(NB)],
            [pltpu.SemaphoreType.DMA for _ in range(NB)],
            pltpu.VMEM_SHARED((NP, D), jnp.float32),
        ],
    )
    def k(x_hbm, ei_hbm, z_hbm, out_hbm,
          srcb, dstb, rows, gsems, ssems, acc):
        c = lax.axis_index("c")
        s = lax.axis_index("s")
        w = s * NC + c

        pltpu.sync_copy(z_hbm, acc.at[pl.ds(s * RPT, RPT)])
        plsc.subcore_barrier()

        def stage(st, _):
            pltpu.sync_copy(ei_hbm.at[0, w, st], srcb)
            pltpu.sync_copy(ei_hbm.at[1, w, st], dstb)
            for j in range(NB):
                pltpu.async_copy(x_hbm.at[srcb.at[j]], rows[j], gsems[j])

            def body(i, _):
                g0 = i * NB
                for j in range(NB):
                    g = g0 + j
                    pltpu.make_async_copy(
                        x_hbm.at[srcb.at[g]], rows[j], gsems[j]).wait()
                    pltpu.async_copy(rows[j], acc.at[dstb.at[g]], ssems[j],
                                     add=True)
                for j in range(NB):
                    g = g0 + j
                    pltpu.make_async_copy(
                        rows[j], acc.at[dstb.at[g]], ssems[j]).wait()

                    @pl.when(g + NB < SB)
                    def _():
                        pltpu.async_copy(x_hbm.at[srcb.at[g + NB]], rows[j],
                                         gsems[j])
                return 0

            lax.fori_loop(0, SB // NB, body, 0)
            gt = (SB // NB) * NB
            pltpu.make_async_copy(
                x_hbm.at[srcb.at[gt]], rows[0], gsems[0]).wait()
            pltpu.sync_copy(rows[0], acc.at[dstb.at[gt]], add=True)
            return 0

        lax.fori_loop(0, ST, stage, 0)
        plsc.subcore_barrier()

        pltpu.sync_copy(acc.at[pl.ds(s * RPT, RPT)],
                        out_hbm.at[c, pl.ds(s * RPT, RPT)])

    return k(x, ei, zrows)


def _tc_layer_body(x_ref, p_ref, w1_ref, b1_ref, w2_ref, b2_ref,
                   g_ref, be_ref, bt_ref, h_ref, pool_ref):
    h0 = x_ref[...] + p_ref[0, :N] + p_ref[1, :N]
    t = jnp.maximum(
        jnp.dot(h0, w1_ref[...], preferred_element_type=jnp.float32)
        + b1_ref[...], 0.0)
    u = (jnp.dot(t, w2_ref[...], preferred_element_type=jnp.float32)
         + b2_ref[...])
    pre = jnp.maximum(u, 0.0)
    mean = jnp.sum(pre, axis=0, keepdims=True) / N
    var = jnp.sum(pre * pre, axis=0, keepdims=True) / N - mean * mean
    h = (pre - mean) * lax.rsqrt(var + 1e-5) * g_ref[...] + be_ref[...]
    h_ref[...] = h
    onehot = (bt_ref[...] == lax.broadcasted_iota(jnp.int32, (G, 1), 0)
              ).astype(jnp.float32)
    pool_ref[...] = jnp.dot(onehot, h, preferred_element_type=jnp.float32)


def _tc_layer(x, parts, W1, b1, W2, b2, gamma, beta, batch2d):
    return pl.pallas_call(
        _tc_layer_body,
        out_shape=(
            jax.ShapeDtypeStruct((N, D), jnp.float32),
            jax.ShapeDtypeStruct((G, D), jnp.float32),
        ),
    )(x, parts, W1, b1.reshape(1, D), W2, b2.reshape(1, D),
      gamma.reshape(1, D), beta.reshape(1, D), batch2d)


def _tc_final_body(x_ref, p_ref, w1_ref, b1_ref, w2_ref, b2_ref,
                   g_ref, be_ref, bt_ref, h0_ref, h1_ref, q0_ref, q1_ref,
                   hcat_ref, pcat_ref):
    h0 = x_ref[...] + p_ref[0, :N] + p_ref[1, :N]
    t = jnp.maximum(
        jnp.dot(h0, w1_ref[...], preferred_element_type=jnp.float32)
        + b1_ref[...], 0.0)
    u = (jnp.dot(t, w2_ref[...], preferred_element_type=jnp.float32)
         + b2_ref[...])
    pre = jnp.maximum(u, 0.0)
    mean = jnp.sum(pre, axis=0, keepdims=True) / N
    var = jnp.sum(pre * pre, axis=0, keepdims=True) / N - mean * mean
    h = (pre - mean) * lax.rsqrt(var + 1e-5) * g_ref[...] + be_ref[...]
    onehot = (bt_ref[...] == lax.broadcasted_iota(jnp.int32, (G, 1), 0)
              ).astype(jnp.float32)
    pool = jnp.dot(onehot, h, preferred_element_type=jnp.float32)
    hcat_ref[:, :D] = h0_ref[...]
    hcat_ref[:, D:2 * D] = h1_ref[...]
    hcat_ref[:, 2 * D:] = h
    pcat_ref[:, :D] = q0_ref[...]
    pcat_ref[:, D:2 * D] = q1_ref[...]
    pcat_ref[:, 2 * D:] = pool


def _tc_final(x, parts, W1, b1, W2, b2, gamma, beta, batch2d,
              h0, h1, q0, q1):
    return pl.pallas_call(
        _tc_final_body,
        out_shape=(
            jax.ShapeDtypeStruct((N, 3 * D), jnp.float32),
            jax.ShapeDtypeStruct((G, 3 * D), jnp.float32),
        ),
    )(x, parts, W1, b1.reshape(1, D), W2, b2.reshape(1, D),
      gamma.reshape(1, D), beta.reshape(1, D), batch2d, h0, h1, q0, q1)


def kernel(x, edge_index, batch,
           W1_0, b1_0, W2_0, b2_0, gamma_0, beta_0,
           W1_1, b1_1, W2_1, b2_1, gamma_1, beta_1,
           W1_2, b1_2, W2_2, b2_2, gamma_2, beta_2):
    ei = edge_index.reshape(2, NW, ST, SB, C)
    zrows = jnp.zeros((RPT, D), dtype=jnp.float32)
    batch2d = batch.reshape(1, N)

    parts = _seg_sum_sc(x, ei, zrows)
    h0, q0 = _tc_layer(x, parts, W1_0, b1_0, W2_0, b2_0, gamma_0, beta_0,
                       batch2d)
    parts = _seg_sum_sc(h0, ei, zrows)
    h1, q1 = _tc_layer(h0, parts, W1_1, b1_1, W2_1, b2_1, gamma_1, beta_1,
                       batch2d)
    parts = _seg_sum_sc(h1, ei, zrows)
    hcat, pcat = _tc_final(h1, parts, W1_2, b1_2, W2_2, b2_2, gamma_2,
                           beta_2, batch2d, h0, h1, q0, q1)
    return (pcat, hcat)

# --- scband reference (transcript-rebuilt; emitter-appended) ---
"""Pipeline reference for scband-encoder-17386027614470 (READ-ONLY COPY).

The authoritative reference and input builder live on the scoring server;
editing this copy changes nothing except your own understanding.
"""

import jax, jax.numpy as jnp
import numpy as np

N = 10000
E = 320000
F = 128
D = 128
L = 3
G = 256


def setup_inputs(seed: int = 0) -> dict:
    key = jax.random.key(seed)
    ks = jax.random.split(key, 3 + L)
    inp = {}
    inp["x"] = jax.random.normal(ks[0], (N, F), dtype=jnp.float32)
    inp["edge_index"] = jax.random.randint(ks[1], (2, E), 0, N, dtype=jnp.int32)
    inp["batch"] = jnp.sort(jax.random.randint(ks[2], (N,), 0, G, dtype=jnp.int32))
    for i in range(L):
        fin = F if i == 0 else D
        k = jax.random.split(ks[3 + i], 2)
        inp[f"W1_{i}"] = jax.random.normal(k[0], (fin, D), dtype=jnp.float32) * (1.0 / np.sqrt(fin))
        inp[f"b1_{i}"] = jnp.zeros((D,), dtype=jnp.float32)
        inp[f"W2_{i}"] = jax.random.normal(k[1], (D, D), dtype=jnp.float32) * (1.0 / np.sqrt(D))
        inp[f"b2_{i}"] = jnp.zeros((D,), dtype=jnp.float32)
        inp[f"gamma_{i}"] = jnp.ones((D,), dtype=jnp.float32)
        inp[f"beta_{i}"] = jnp.zeros((D,), dtype=jnp.float32)
    return inp


def _gin_layer(x, src, dst, W1, b1, W2, b2, gamma, beta):
    # GINConv (eps=0): nn((1+eps)*x + sum_{j in N(i)} x_j)
    aggr = jax.ops.segment_sum(x[src], dst, num_segments=x.shape[0])
    h = x + aggr
    h = jnp.maximum(h @ W1 + b1, 0.0) @ W2 + b2
    # Encoder applies relu after conv
    h = jnp.maximum(h, 0.0)
    # BatchNorm1d (training mode: batch statistics)
    mean = jnp.mean(h, axis=0)
    var = jnp.var(h, axis=0)
    h = (h - mean) / jnp.sqrt(var + 1e-5) * gamma + beta
    return h


def reference(x, edge_index, batch, W1_0, b1_0, W2_0, b2_0, gamma_0, beta_0, W1_1, b1_1, W2_1, b2_1, gamma_1, beta_1, W1_2, b1_2, W2_2, b2_2, gamma_2, beta_2):
    src = edge_index[0]
    dst = edge_index[1]
    layers = [
        (W1_0, b1_0, W2_0, b2_0, gamma_0, beta_0),
        (W1_1, b1_1, W2_1, b2_1, gamma_1, beta_1),
        (W1_2, b1_2, W2_2, b2_2, gamma_2, beta_2),
    ]
    xs = []
    h = x
    for (W1, b1, W2, b2, g, b_) in layers:
        h = _gin_layer(h, src, dst, W1, b1, W2, b2, g, b_)
        xs.append(h)
    xpool = [jax.ops.segment_sum(t, batch, num_segments=G) for t in xs]
    return (jnp.concatenate(xpool, axis=1), jnp.concatenate(xs, axis=1))

if __name__ == "__main__":
    import jax
    _d = setup_inputs()
    print(jax.jit(kernel)(*tuple(_d.values())))

</pallas_src>

<mosaic_0001>
#map = affine_map<(d0, d1) -> (0, 0)>
#map1 = affine_map<(d0, d1) -> (0, 0, 0, 0, 0)>
#map2 = affine_map<(d0, d1) -> (0, 0, 0)>
module attributes {stable_mosaic.version = 14 : i64} {
  func.func @k(%arg0: i32, %arg1: i32, %arg2: memref<10000x128xf32, #tpu.memory_space<hbm>>, %arg3: memref<2x32x5x25x80xi32, #tpu.memory_space<hbm>>, %arg4: memref<640x128xf32, #tpu.memory_space<hbm>>, %arg5: memref<2x10240x128xf32, #tpu.memory_space<hbm>>, %arg6: memref<25x80xi32, #tpu.memory_space<vmem>>, %arg7: memref<25x80xi32, #tpu.memory_space<vmem>>, %arg8: memref<80x128xf32, #tpu.memory_space<vmem>>, %arg9: memref<80x128xf32, #tpu.memory_space<vmem>>, %arg10: memref<80x128xf32, #tpu.memory_space<vmem>>, %arg11: memref<80x128xf32, #tpu.memory_space<vmem>>, %arg12: memref<!tpu.dma_semaphore, #tpu.memory_space<semaphore_mem>>, %arg13: memref<!tpu.dma_semaphore, #tpu.memory_space<semaphore_mem>>, %arg14: memref<!tpu.dma_semaphore, #tpu.memory_space<semaphore_mem>>, %arg15: memref<!tpu.dma_semaphore, #tpu.memory_space<semaphore_mem>>, %arg16: memref<!tpu.dma_semaphore, #tpu.memory_space<semaphore_mem>>, %arg17: memref<!tpu.dma_semaphore, #tpu.memory_space<semaphore_mem>>, %arg18: memref<!tpu.dma_semaphore, #tpu.memory_space<semaphore_mem>>, %arg19: memref<!tpu.dma_semaphore, #tpu.memory_space<semaphore_mem>>, %arg20: memref<10240x128xf32, #tpu.memory_space<vmem_shared>>) attributes {dimension_semantics = [#tpu.dimension_semantics<core_parallel>, #tpu.dimension_semantics<subcore_parallel>], iteration_bounds = array<i64: 2, 16>, scalar_prefetch = 0 : i64, scratch_operands = 15 : i64, tpu.core_type = #tpu.core_type<sc_vector_subcore>, window_params = [{transform_indices = #map}, {transform_indices = #map1}, {transform_indices = #map}, {transform_indices = #map2}]} {
    %mul3A = arith.constant 2 : i32
    %mul3A_0 = arith.muli %arg1, %mul3A : i32
    %add3A = arith.addi %mul3A_0, %arg0 : i32
    %mul3A_1 = arith.constant 640 : i32
    %mul3A_2 = arith.muli %arg1, %mul3A_1 : i32
    "tpu.region"() ({
      %run_scoped3A = tpu.sem_alloc : memref<!tpu.dma_semaphore, #tpu.memory_space<semaphore_mem>>
      %dma_start3A = arith.constant 0 : i32
      %dma_start3A_14 = tpu.memref_slice %arg20[%mul3A_2, %dma_start3A] : memref<10240x128xf32, #tpu.memory_space<vmem_shared>> -> memref<640x128xf32, #tpu.memory_space<vmem_shared>>
      tpu.enqueue_dma source(%arg4 : memref<640x128xf32, #tpu.memory_space<hbm>>) target(%dma_start3A_14 : memref<640x128xf32, #tpu.memory_space<vmem_shared>>) target_semaphore(%run_scoped3A : memref<!tpu.dma_semaphore, #tpu.memory_space<semaphore_mem>>)
      %dma_wait3A = arith.constant 0 : i32
      %dma_wait3A_15 = tpu.memref_slice %arg20[%mul3A_2, %dma_wait3A] : memref<10240x128xf32, #tpu.memory_space<vmem_shared>> -> memref<640x128xf32, #tpu.memory_space<vmem_shared>>
      tpu.wait_dma2 semaphore(%run_scoped3A : memref<!tpu.dma_semaphore, #tpu.memory_space<semaphore_mem>>) src(%arg4 : memref<640x128xf32, #tpu.memory_space<hbm>>) dst(%dma_wait3A_15 : memref<640x128xf32, #tpu.memory_space<vmem_shared>>)
      tpu.yield
    }) : () -> ()
    %barrier3A = arith.constant 0 : index
    tpu.barrier barrier_id(%barrier3A)
    %scan3A = arith.constant 0 : i32
    %scan3A_3 = arith.constant 0 : i32
    %scan3A_4 = arith.constant 5 : i32
    %scan3A_5 = arith.addi %scan3A_3, %scan3A_4 : i32
    %scan3A_6 = arith.constant 1 : i32
    %scan3A_7 = scf.for %scan3A_14 = %scan3A_3 to %scan3A_5 step %scan3A_6 iter_args(%scan3A_15 = %scan3A) -> (i32)  : i32 {
      %run_scoped3A = arith.constant 0 : i32
      "tpu.region"() ({
        %run_scoped3A_59 = tpu.sem_alloc : memref<!tpu.dma_semaphore, #tpu.memory_space<semaphore_mem>>
        %dma_start3A_60 = arith.constant 0 : i32
        %dma_start3A_61 = arith.constant 0 : i32
        %dma_start3A_62 = tpu.memref_slice %arg3[%run_scoped3A, %add3A, %scan3A_14, %dma_start3A_60, %dma_start3A_61] : memref<2x32x5x25x80xi32, #tpu.memory_space<hbm>> -> memref<1x1x1x25x80xi32, #tpu.memory_space<hbm>>
        %dma_start3A_63 = tpu.memref_squeeze %dma_start3A_62 : memref<1x1x1x25x80xi32, #tpu.memory_space<hbm>> -> memref<25x80xi32, #tpu.memory_space<hbm>>
        %dma_start3A_64 = arith.constant 0 : i32
        %dma_start3A_65 = arith.constant 0 : i32
        %dma_start3A_66 = tpu.memref_slice %arg3[%run_scoped3A, %add3A, %scan3A_14, %dma_start3A_64, %dma_start3A_65] : memref<2x32x5x25x80xi32, #tpu.memory_space<hbm>> -> memref<1x1x1x25x80xi32, #tpu.memory_space<hbm>>
        %dma_start3A_67 = tpu.memref_squeeze %dma_start3A_66 : memref<1x1x1x25x80xi32, #tpu.memory_space<hbm>> -> memref<25x80xi32, #tpu.memory_space<hbm>>
        tpu.enqueue_dma source(%dma_start3A_67 : memref<25x80xi32, #tpu.memory_space<hbm>>) target(%arg6 : memref<25x80xi32, #tpu.memory_space<vmem>>) target_semaphore(%run_scoped3A_59 : memref<!tpu.dma_semaphore, #tpu.memory_space<semaphore_mem>>)
        %dma_wait3A_68 = arith.constant 0 : i32
        %dma_wait3A_69 = arith.constant 0 : i32
        %dma_wait3A_70 = tpu.memref_slice %arg3[%run_scoped3A, %add3A, %scan3A_14, %dma_wait3A_68, %dma_wait3A_69] : memref<2x32x5x25x80xi32, #tpu.memory_space<hbm>> -> memref<1x1x1x25x80xi32, #tpu.memory_space<hbm>>
        %dma_wait3A_71 = tpu.memref_squeeze %dma_wait3A_70 : memref<1x1x1x25x80xi32, #tpu.memory_space<hbm>> -> memref<25x80xi32, #tpu.memory_space<hbm>>
        %dma_wait3A_72 = arith.constant 0 : i32
        %dma_wait3A_73 = arith.constant 0 : i32
        %dma_wait3A_74 = tpu.memref_slice %arg3[%run_scoped3A, %add3A, %scan3A_14, %dma_wait3A_72, %dma_wait3A_73] : memref<2x32x5x25x80xi32, #tpu.memory_space<hbm>> -> memref<1x1x1x25x80xi32, #tpu.memory_space<hbm>>
        %dma_wait3A_75 = tpu.memref_squeeze %dma_wait3A_74 : memref<1x1x1x25x80xi32, #tpu.memory_space<hbm>> -> memref<25x80xi32, #tpu.memory_space<hbm>>
        tpu.wait_dma2 semaphore(%run_scoped3A_59 : memref<!tpu.dma_semaphore, #tpu.memory_space<semaphore_mem>>) src(%dma_wait3A_75 : memref<25x80xi32, #tpu.memory_space<hbm>>) dst(%arg6 : memref<25x80xi32, #tpu.memory_space<vmem>>)
        tpu.yield
      }) : () -> ()
      %run_scoped3A_16 = arith.constant 1 : i32
      "tpu.region"() ({
        %run_scoped3A_59 = tpu.sem_alloc : memref<!tpu.dma_semaphore, #tpu.memory_space<semaphore_mem>>
        %dma_start3A_60 = arith.constant 0 : i32
        %dma_start3A_61 = arith.constant 0 : i32
        %dma_start3A_62 = tpu.memref_slice %arg3[%run_scoped3A_16, %add3A, %scan3A_14, %dma_start3A_60, %dma_start3A_61] : memref<2x32x5x25x80xi32, #tpu.memory_space<hbm>> -> memref<1x1x1x25x80xi32, #tpu.memory_space<hbm>>
        %dma_start3A_63 = tpu.memref_squeeze %dma_start3A_62 : memref<1x1x1x25x80xi32, #tpu.memory_space<hbm>> -> memref<25x80xi32, #tpu.memory_space<hbm>>
        %dma_start3A_64 = arith.constant 0 : i32
        %dma_start3A_65 = arith.constant 0 : i32
        %dma_start3A_66 = tpu.memref_slice %arg3[%run_scoped3A_16, %add3A, %scan3A_14, %dma_start3A_64, %dma_start3A_65] : memref<2x32x5x25x80xi32, #tpu.memory_space<hbm>> -> memref<1x1x1x25x80xi32, #tpu.memory_space<hbm>>
        %dma_start3A_67 = tpu.memref_squeeze %dma_start3A_66 : memref<1x1x1x25x80xi32, #tpu.memory_space<hbm>> -> memref<25x80xi32, #tpu.memory_space<hbm>>
        tpu.enqueue_dma source(%dma_start3A_67 : memref<25x80xi32, #tpu.memory_space<hbm>>) target(%arg7 : memref<25x80xi32, #tpu.memory_space<vmem>>) target_semaphore(%run_scoped3A_59 : memref<!tpu.dma_semaphore, #tpu.memory_space<semaphore_mem>>)
        %dma_wait3A_68 = arith.constant 0 : i32
        %dma_wait3A_69 = arith.constant 0 : i32
        %dma_wait3A_70 = tpu.memref_slice %arg3[%run_scoped3A_16, %add3A, %scan3A_14, %dma_wait3A_68, %dma_wait3A_69] : memref<2x32x5x25x80xi32, #tpu.memory_space<hbm>> -> memref<1x1x1x25x80xi32, #tpu.memory_space<hbm>>
        %dma_wait3A_71 = tpu.memref_squeeze %dma_wait3A_70 : memref<1x1x1x25x80xi32, #tpu.memory_space<hbm>> -> memref<25x80xi32, #tpu.memory_space<hbm>>
        %dma_wait3A_72 = arith.constant 0 : i32
        %dma_wait3A_73 = arith.constant 0 : i32
        %dma_wait3A_74 = tpu.memref_slice %arg3[%run_scoped3A_16, %add3A, %scan3A_14, %dma_wait3A_72, %dma_wait3A_73] : memref<2x32x5x25x80xi32, #tpu.memory_space<hbm>> -> memref<1x1x1x25x80xi32, #tpu.memory_space<hbm>>
        %dma_wait3A_75 = tpu.memref_squeeze %dma_wait3A_74 : memref<1x1x1x25x80xi32, #tpu.memory_space<hbm>> -> memref<25x80xi32, #tpu.memory_space<hbm>>
        tpu.wait_dma2 semaphore(%run_scoped3A_59 : memref<!tpu.dma_semaphore, #tpu.memory_space<semaphore_mem>>) src(%dma_wait3A_75 : memref<25x80xi32, #tpu.memory_space<hbm>>) dst(%arg7 : memref<25x80xi32, #tpu.memory_space<vmem>>)
        tpu.yield
      }) : () -> ()
      %dma_start3A = arith.constant 0 : i32
      %dma_start3A_17 = arith.constant 0 : i32
      %dma_start3A_18 = tpu.memref_slice %arg6[%dma_start3A, %dma_start3A_17] : memref<25x80xi32, #tpu.memory_space<vmem>> -> memref<1x80xi32, #tpu.memory_space<vmem>>
      %dma_start3A_19 = tpu.memref_squeeze %dma_start3A_18 : memref<1x80xi32, #tpu.memory_space<vmem>> -> memref<80xi32, #tpu.memory_space<vmem>>
      %dma_start3A_20 = arith.constant 0 : i32
      %dma_start3A_21 = arith.constant 0 : i32
      %dma_start3A_22 = tpu.memref_slice %arg2[%dma_start3A_20, %dma_start3A_21] : memref<10000x128xf32, #tpu.memory_space<hbm>> -> memref<10000x128xf32, #tpu.memory_space<hbm>>
      tpu.enqueue_indirect_dma source(%dma_start3A_22 : memref<10000x128xf32, #tpu.memory_space<hbm>>) target(%arg8 : memref<80x128xf32, #tpu.memory_space<vmem>>) offsets(%dma_start3A_19 : memref<80xi32, #tpu.memory_space<vmem>>) semaphore(%arg12 : memref<!tpu.dma_semaphore, #tpu.memory_space<semaphore_mem>>)
      %dma_start3A_23 = arith.constant 1 : i32
      %dma_start3A_24 = arith.constant 0 : i32
      %dma_start3A_25 = tpu.memref_slice %arg6[%dma_start3A_23, %dma_start3A_24] : memref<25x80xi32, #tpu.memory_space<vmem>> -> memref<1x80xi32, #tpu.memory_space<vmem>>
      %dma_start3A_26 = tpu.memref_squeeze %dma_start3A_25 : memref<1x80xi32, #tpu.memory_space<vmem>> -> memref<80xi32, #tpu.memory_space<vmem>>
      %dma_start3A_27 = arith.constant 0 : i32
      %dma_start3A_28 = arith.constant 0 : i32
      %dma_start3A_29 = tpu.memref_slice %arg2[%dma_start3A_27, %dma_start3A_28] : memref<10000x128xf32, #tpu.memory_space<hbm>> -> memref<10000x128xf32, #tpu.memory_space<hbm>>
      tpu.enqueue_indirect_dma source(%dma_start3A_29 : memref<10000x128xf32, #tpu.memory_space<hbm>>) target(%arg9 : memref<80x128xf32, #tpu.memory_space<vmem>>) offsets(%dma_start3A_26 : memref<80xi32, #tpu.memory_space<vmem>>) semaphore(%arg13 : memref<!tpu.dma_semaphore, #tpu.memory_space<semaphore_mem>>)
      %dma_start3A_30 = arith.constant 2 : i32
      %dma_start3A_31 = arith.constant 0 : i32
      %dma_start3A_32 = tpu.memref_slice %arg6[%dma_start3A_30, %dma_start3A_31] : memref<25x80xi32, #tpu.memory_space<vmem>> -> memref<1x80xi32, #tpu.memory_space<vmem>>
      %dma_start3A_33 = tpu.memref_squeeze %dma_start3A_32 : memref<1x80xi32, #tpu.memory_space<vmem>> -> memref<80xi32, #tpu.memory_space<vmem>>
      %dma_start3A_34 = arith.constant 0 : i32
      %dma_start3A_35 = arith.constant 0 : i32
      %dma_start3A_36 = tpu.memref_slice %arg2[%dma_start3A_34, %dma_start3A_35] : memref<10000x128xf32, #tpu.memory_space<hbm>> -> memref<10000x128xf32, #tpu.memory_space<hbm>>
      tpu.enqueue_indirect_dma source(%dma_start3A_36 : memref<10000x128xf32, #tpu.memory_space<hbm>>) target(%arg10 : memref<80x128xf32, #tpu.memory_space<vmem>>) offsets(%dma_start3A_33 : memref<80xi32, #tpu.memory_space<vmem>>) semaphore(%arg14 : memref<!tpu.dma_semaphore, #tpu.memory_space<semaphore_mem>>)
      %dma_start3A_37 = arith.constant 3 : i32
      %dma_start3A_38 = arith.constant 0 : i32
      %dma_start3A_39 = tpu.memref_slice %arg6[%dma_start3A_37, %dma_start3A_38] : memref<25x80xi32, #tpu.memory_space<vmem>> -> memref<1x80xi32, #tpu.memory_space<vmem>>
      %dma_start3A_40 = tpu.memref_squeeze %dma_start3A_39 : memref<1x80xi32, #tpu.memory_space<vmem>> -> memref<80xi32, #tpu.memory_space<vmem>>
      %dma_start3A_41 = arith.constant 0 : i32
      %dma_start3A_42 = arith.constant 0 : i32
      %dma_start3A_43 = tpu.memref_slice %arg2[%dma_start3A_41, %dma_start3A_42] : memref<10000x128xf32, #tpu.memory_space<hbm>> -> memref<10000x128xf32, #tpu.memory_space<hbm>>
      tpu.enqueue_indirect_dma source(%dma_start3A_43 : memref<10000x128xf32, #tpu.memory_space<hbm>>) target(%arg11 : memref<80x128xf32, #tpu.memory_space<vmem>>) offsets(%dma_start3A_40 : memref<80xi32, #tpu.memory_space<vmem>>) semaphore(%arg15 : memref<!tpu.dma_semaphore, #tpu.memory_space<semaphore_mem>>)
      %scan3A_44 = arith.constant 0 : i32
      %scan3A_45 = arith.constant 0 : i32
      %scan3A_46 = arith.constant 6 : i32
      %scan3A_47 = arith.addi %scan3A_45, %scan3A_46 : i32
      %scan3A_48 = arith.constant 1 : i32
      %scan3A_49 = scf.for %scan3A_59 = %scan3A_45 to %scan3A_47 step %scan3A_48 iter_args(%scan3A_60 = %scan3A_44) -> (i32)  : i32 {
        %mul3A_61 = arith.constant 4 : i32
        %mul3A_62 = arith.muli %scan3A_59, %mul3A_61 : i32
        %add3A_63 = arith.constant 0 : i32
        %add3A_64 = arith.addi %mul3A_62, %add3A_63 : i32
        %dma_wait3A_65 = arith.constant 0 : i32
        %dma_wait3A_66 = tpu.memref_slice %arg6[%add3A_64, %dma_wait3A_65] : memref<25x80xi32, #tpu.memory_space<vmem>> -> memref<1x80xi32, #tpu.memory_space<vmem>>
        %dma_wait3A_67 = tpu.memref_squeeze %dma_wait3A_66 : memref<1x80xi32, #tpu.memory_space<vmem>> -> memref<80xi32, #tpu.memory_space<vmem>>
        %dma_wait3A_68 = arith.constant 0 : i32
        %dma_wait3A_69 = arith.constant 0 : i32
        %dma_wait3A_70 = tpu.memref_slice %arg2[%dma_wait3A_68, %dma_wait3A_69] : memref<10000x128xf32, #tpu.memory_space<hbm>> -> memref<10000x128xf32, #tpu.memory_space<hbm>>
        tpu.wait_indirect_dma semaphore(%arg12 : memref<!tpu.dma_semaphore, #tpu.memory_space<semaphore_mem>>) src(%dma_wait3A_70 : memref<10000x128xf32, #tpu.memory_space<hbm>>) dst(%arg8 : memref<80x128xf32, #tpu.memory_space<vmem>>)
        %dma_start3A_71 = arith.constant 0 : i32
        %dma_start3A_72 = tpu.memref_slice %arg7[%add3A_64, %dma_start3A_71] : memref<25x80xi32, #tpu.memory_space<vmem>> -> memref<1x80xi32, #tpu.memory_space<vmem>>
        %dma_start3A_73 = tpu.memref_squeeze %dma_start3A_72 : memref<1x80xi32, #tpu.memory_space<vmem>> -> memref<80xi32, #tpu.memory_space<vmem>>
        %dma_start3A_74 = arith.constant 0 : i32
        %dma_start3A_75 = arith.constant 0 : i32
        %dma_start3A_76 = tpu.memref_slice %arg20[%dma_start3A_74, %dma_start3A_75] : memref<10240x128xf32, #tpu.memory_space<vmem_shared>> -> memref<10240x128xf32, #tpu.memory_space<vmem_shared>>
        tpu.enqueue_indirect_dma source(%arg8 : memref<80x128xf32, #tpu.memory_space<vmem>>) target(%dma_start3A_76 : memref<10240x128xf32, #tpu.memory_space<vmem_shared>>) offsets(%dma_start3A_73 : memref<80xi32, #tpu.memory_space<vmem>>) semaphore(%arg16 : memref<!tpu.dma_semaphore, #tpu.memory_space<semaphore_mem>>) {add = true}
        %add3A_77 = arith.constant 1 : i32
        %add3A_78 = arith.addi %mul3A_62, %add3A_77 : i32
        %dma_wait3A_79 = arith.constant 0 : i32
        %dma_wait3A_80 = tpu.memref_slice %arg6[%add3A_78, %dma_wait3A_79] : memref<25x80xi32, #tpu.memory_space<vmem>> -> memref<1x80xi32, #tpu.memory_space<vmem>>
        %dma_wait3A_81 = tpu.memref_squeeze %dma_wait3A_80 : memref<1x80xi32, #tpu.memory_space<vmem>> -> memref<80xi32, #tpu.memory_space<vmem>>
        %dma_wait3A_82 = arith.constant 0 : i32
        %dma_wait3A_83 = arith.constant 0 : i32
        %dma_wait3A_84 = tpu.memref_slice %arg2[%dma_wait3A_82, %dma_wait3A_83] : memref<10000x128xf32, #tpu.memory_space<hbm>> -> memref<10000x128xf32, #tpu.memory_space<hbm>>
        tpu.wait_indirect_dma semaphore(%arg13 : memref<!tpu.dma_semaphore, #tpu.memory_space<semaphore_mem>>) src(%dma_wait3A_84 : memref<10000x128xf32, #tpu.memory_space<hbm>>) dst(%arg9 : memref<80x128xf32, #tpu.memory_space<vmem>>)
        %dma_start3A_85 = arith.constant 0 : i32
        %dma_start3A_86 = tpu.memref_slice %arg7[%add3A_78, %dma_start3A_85] : memref<25x80xi32, #tpu.memory_space<vmem>> -> memref<1x80xi32, #tpu.memory_space<vmem>>
        %dma_start3A_87 = tpu.memref_squeeze %dma_start3A_86 : memref<1x80xi32, #tpu.memory_space<vmem>> -> memref<80xi32, #tpu.memory_space<vmem>>
        %dma_start3A_88 = arith.constant 0 : i32
        %dma_start3A_89 = arith.constant 0 : i32
        %dma_start3A_90 = tpu.memref_slice %arg20[%dma_start3A_88, %dma_start3A_89] : memref<10240x128xf32, #tpu.memory_space<vmem_shared>> -> memref<10240x128xf32, #tpu.memory_space<vmem_shared>>
        tpu.enqueue_indirect_dma source(%arg9 : memref<80x128xf32, #tpu.memory_space<vmem>>) target(%dma_start3A_90 : memref<10240x128xf32, #tpu.memory_space<vmem_shared>>) offsets(%dma_start3A_87 : memref<80xi32, #tpu.memory_space<vmem>>) semaphore(%arg17 : memref<!tpu.dma_semaphore, #tpu.memory_space<semaphore_mem>>) {add = true}
        %add3A_91 = arith.constant 2 : i32
        %add3A_92 = arith.addi %mul3A_62, %add3A_91 : i32
        %dma_wait3A_93 = arith.constant 0 : i32
        %dma_wait3A_94 = tpu.memref_slice %arg6[%add3A_92, %dma_wait3A_93] : memref<25x80xi32, #tpu.memory_space<vmem>> -> memref<1x80xi32, #tpu.memory_space<vmem>>
        %dma_wait3A_95 = tpu.memref_squeeze %dma_wait3A_94 : memref<1x80xi32, #tpu.memory_space<vmem>> -> memref<80xi32, #tpu.memory_space<vmem>>
        %dma_wait3A_96 = arith.constant 0 : i32
        %dma_wait3A_97 = arith.constant 0 : i32
        %dma_wait3A_98 = tpu.memref_slice %arg2[%dma_wait3A_96, %dma_wait3A_97] : memref<10000x128xf32, #tpu.memory_space<hbm>> -> memref<10000x128xf32, #tpu.memory_space<hbm>>
        tpu.wait_indirect_dma semaphore(%arg14 : memref<!tpu.dma_semaphore, #tpu.memory_space<semaphore_mem>>) src(%dma_wait3A_98 : memref<10000x128xf32, #tpu.memory_space<hbm>>) dst(%arg10 : memref<80x128xf32, #tpu.memory_space<vmem>>)
        %dma_start3A_99 = arith.constant 0 : i32
        %dma_start3A_100 = tpu.memref_slice %arg7[%add3A_92, %dma_start3A_99] : memref<25x80xi32, #tpu.memory_space<vmem>> -> memref<1x80xi32, #tpu.memory_space<vmem>>
        %dma_start3A_101 = tpu.memref_squeeze %dma_start3A_100 : memref<1x80xi32, #tpu.memory_space<vmem>> -> memref<80xi32, #tpu.memory_space<vmem>>
        %dma_start3A_102 = arith.constant 0 : i32
        %dma_start3A_103 = arith.constant 0 : i32
        %dma_start3A_104 = tpu.memref_slice %arg20[%dma_start3A_102, %dma_start3A_103] : memref<10240x128xf32, #tpu.memory_space<vmem_shared>> -> memref<10240x128xf32, #tpu.memory_space<vmem_shared>>
        tpu.enqueue_indirect_dma source(%arg10 : memref<80x128xf32, #tpu.memory_space<vmem>>) target(%dma_start3A_104 : memref<10240x128xf32, #tpu.memory_space<vmem_shared>>) offsets(%dma_start3A_101 : memref<80xi32, #tpu.memory_space<vmem>>) semaphore(%arg18 : memref<!tpu.dma_semaphore, #tpu.memory_space<semaphore_mem>>) {add = true}
        %add3A_105 = arith.constant 3 : i32
        %add3A_106 = arith.addi %mul3A_62, %add3A_105 : i32
        %dma_wait3A_107 = arith.constant 0 : i32
        %dma_wait3A_108 = tpu.memref_slice %arg6[%add3A_106, %dma_wait3A_107] : memref<25x80xi32, #tpu.memory_space<vmem>> -> memref<1x80xi32, #tpu.memory_space<vmem>>
        %dma_wait3A_109 = tpu.memref_squeeze %dma_wait3A_108 : memref<1x80xi32, #tpu.memory_space<vmem>> -> memref<80xi32, #tpu.memory_space<vmem>>
        %dma_wait3A_110 = arith.constant 0 : i32
        %dma_wait3A_111 = arith.constant 0 : i32
        %dma_wait3A_112 = tpu.memref_slice %arg2[%dma_wait3A_110, %dma_wait3A_111] : memref<10000x128xf32, #tpu.memory_space<hbm>> -> memref<10000x128xf32, #tpu.memory_space<hbm>>
        tpu.wait_indirect_dma semaphore(%arg15 : memref<!tpu.dma_semaphore, #tpu.memory_space<semaphore_mem>>) src(%dma_wait3A_112 : memref<10000x128xf32, #tpu.memory_space<hbm>>) dst(%arg11 : memref<80x128xf32, #tpu.memory_space<vmem>>)
        %dma_start3A_113 = arith.constant 0 : i32
        %dma_start3A_114 = tpu.memref_slice %arg7[%add3A_106, %dma_start3A_113] : memref<25x80xi32, #tpu.memory_space<vmem>> -> memref<1x80xi32, #tpu.memory_space<vmem>>
        %dma_start3A_115 = tpu.memref_squeeze %dma_start3A_114 : memref<1x80xi32, #tpu.memory_space<vmem>> -> memref<80xi32, #tpu.memory_space<vmem>>
        %dma_start3A_116 = arith.constant 0 : i32
        %dma_start3A_117 = arith.constant 0 : i32
        %dma_start3A_118 = tpu.memref_slice %arg20[%dma_start3A_116, %dma_start3A_117] : memref<10240x128xf32, #tpu.memory_space<vmem_shared>> -> memref<10240x128xf32, #tpu.memory_space<vmem_shared>>
        tpu.enqueue_indirect_dma source(%arg11 : memref<80x128xf32, #tpu.memory_space<vmem>>) target(%dma_start3A_118 : memref<10240x128xf32, #tpu.memory_space<vmem_shared>>) offsets(%dma_start3A_115 : memref<80xi32, #tpu.memory_space<vmem>>) semaphore(%arg19 : memref<!tpu.dma_semaphore, #tpu.memory_space<semaphore_mem>>) {add = true}
        %add3A_119 = arith.constant 0 : i32
        %add3A_120 = arith.addi %mul3A_62, %add3A_119 : i32
        %dma_wait3A_121 = arith.constant 0 : i32
        %dma_wait3A_122 = tpu.memref_slice %arg7[%add3A_120, %dma_wait3A_121] : memref<25x80xi32, #tpu.memory_space<vmem>> -> memref<1x80xi32, #tpu.memory_space<vmem>>
        %dma_wait3A_123 = tpu.memref_squeeze %dma_wait3A_122 : memref<1x80xi32, #tpu.memory_space<vmem>> -> memref<80xi32, #tpu.memory_space<vmem>>
        %dma_wait3A_124 = arith.constant 0 : i32
        %dma_wait3A_125 = arith.constant 0 : i32
        %dma_wait3A_126 = tpu.memref_slice %arg20[%dma_wait3A_124, %dma_wait3A_125] : memref<10240x128xf32, #tpu.memory_space<vmem_shared>> -> memref<10240x128xf32, #tpu.memory_space<vmem_shared>>
        tpu.wait_indirect_dma semaphore(%arg16 : memref<!tpu.dma_semaphore, #tpu.memory_space<semaphore_mem>>) src(%arg8 : memref<80x128xf32, #tpu.memory_space<vmem>>) dst(%dma_wait3A_126 : memref<10240x128xf32, #tpu.memory_space<vmem_shared>>)
        %add3A_127 = arith.constant 4 : i32
        %add3A_128 = arith.addi %add3A_120, %add3A_127 : i32
        %lt3A = arith.constant 25 : i32
        %lt3A_129 = arith.cmpi slt, %add3A_128, %lt3A : i32
        %convert_element_type3A = arith.extui %lt3A_129 : i1 to i32
        %cond3A = arith.constant 0 : i32
        %cond3A_130 = arith.cmpi ne, %convert_element_type3A, %cond3A : i32
        scf.if %cond3A_130 {
          %add3A_177 = arith.constant 4 : i32
          %add3A_178 = arith.addi %add3A_120, %add3A_177 : i32
          %dma_start3A_179 = arith.constant 0 : i32
          %dma_start3A_180 = tpu.memref_slice %arg6[%add3A_178, %dma_start3A_179] : memref<25x80xi32, #tpu.memory_space<vmem>> -> memref<1x80xi32, #tpu.memory_space<vmem>>
          %dma_start3A_181 = tpu.memref_squeeze %dma_start3A_180 : memref<1x80xi32, #tpu.memory_space<vmem>> -> memref<80xi32, #tpu.memory_space<vmem>>
          %dma_start3A_182 = arith.constant 0 : i32
          %dma_start3A_183 = arith.constant 0 : i32
          %dma_start3A_184 = tpu.memref_slice %arg2[%dma_start3A_182, %dma_start3A_183] : memref<10000x128xf32, #tpu.memory_space<hbm>> -> memref<10000x128xf32, #tpu.memory_space<hbm>>
          tpu.enqueue_indirect_dma source(%dma_start3A_184 : memref<10000x128xf32, #tpu.memory_space<hbm>>) target(%arg8 : memref<80x128xf32, #tpu.memory_space<vmem>>) offsets(%dma_start3A_181 : memref<80xi32, #tpu.memory_space<vmem>>) semaphore(%arg12 : memref<!tpu.dma_semaphore, #tpu.memory_space<semaphore_mem>>)
        } else {
        }
        %add3A_131 = arith.constant 1 : i32
        %add3A_132 = arith.addi %mul3A_62, %add3A_131 : i32
        %dma_wait3A_133 = arith.constant 0 : i32
        %dma_wait3A_134 = tpu.memref_slice %arg7[%add3A_132, %dma_wait3A_133] : memref<25x80xi32, #tpu.memory_space<vmem>> -> memref<1x80xi32, #tpu.memory_space<vmem>>
        %dma_wait3A_135 = tpu.memref_squeeze %dma_wait3A_134 : memref<1x80xi32, #tpu.memory_space<vmem>> -> memref<80xi32, #tpu.memory_space<vmem>>
        %dma_wait3A_136 = arith.constant 0 : i32
        %dma_wait3A_137 = arith.constant 0 : i32
        %dma_wait3A_138 = tpu.memref_slice %arg20[%dma_wait3A_136, %dma_wait3A_137] : memref<10240x128xf32, #tpu.memory_space<vmem_shared>> -> memref<10240x128xf32, #tpu.memory_space<vmem_shared>>
        tpu.wait_indirect_dma semaphore(%arg17 : memref<!tpu.dma_semaphore, #tpu.memory_space<semaphore_mem>>) src(%arg9 : memref<80x128xf32, #tpu.memory_space<vmem>>) dst(%dma_wait3A_138 : memref<10240x128xf32, #tpu.memory_space<vmem_shared>>)
        %add3A_139 = arith.constant 4 : i32
        %add3A_140 = arith.addi %add3A_132, %add3A_139 : i32
        %lt3A_141 = arith.constant 25 : i32
        %lt3A_142 = arith.cmpi slt, %add3A_140, %lt3A_141 : i32
        %convert_element_type3A_143 = arith.extui %lt3A_142 : i1 to i32
        %cond3A_144 = arith.constant 0 : i32
        %cond3A_145 = arith.cmpi ne, %convert_element_type3A_143, %cond3A_144 : i32
        scf.if %cond3A_145 {
          %add3A_177 = arith.constant 4 : i32
          %add3A_178 = arith.addi %add3A_132, %add3A_177 : i32
          %dma_start3A_179 = arith.constant 0 : i32
          %dma_start3A_180 = tpu.memref_slice %arg6[%add3A_178, %dma_start3A_179] : memref<25x80xi32, #tpu.memory_space<vmem>> -> memref<1x80xi32, #tpu.memory_space<vmem>>
          %dma_start3A_181 = tpu.memref_squeeze %dma_start3A_180 : memref<1x80xi32, #tpu.memory_space<vmem>> -> memref<80xi32, #tpu.memory_space<vmem>>
          %dma_start3A_182 = arith.constant 0 : i32
          %dma_start3A_183 = arith.constant 0 : i32
          %dma_start3A_184 = tpu.memref_slice %arg2[%dma_start3A_182, %dma_start3A_183] : memref<10000x128xf32, #tpu.memory_space<hbm>> -> memref<10000x128xf32, #tpu.memory_space<hbm>>
          tpu.enqueue_indirect_dma source(%dma_start3A_184 : memref<10000x128xf32, #tpu.memory_space<hbm>>) target(%arg9 : memref<80x128xf32, #tpu.memory_space<vmem>>) offsets(%dma_start3A_181 : memref<80xi32, #tpu.memory_space<vmem>>) semaphore(%arg13 : memref<!tpu.dma_semaphore, #tpu.memory_space<semaphore_mem>>)
        } else {
        }
        %add3A_146 = arith.constant 2 : i32
        %add3A_147 = arith.addi %mul3A_62, %add3A_146 : i32
        %dma_wait3A_148 = arith.constant 0 : i32
        %dma_wait3A_149 = tpu.memref_slice %arg7[%add3A_147, %dma_wait3A_148] : memref<25x80xi32, #tpu.memory_space<vmem>> -> memref<1x80xi32, #tpu.memory_space<vmem>>
        %dma_wait3A_150 = tpu.memref_squeeze %dma_wait3A_149 : memref<1x80xi32, #tpu.memory_space<vmem>> -> memref<80xi32, #tpu.memory_space<vmem>>
        %dma_wait3A_151 = arith.constant 0 : i32
        %dma_wait3A_152 = arith.constant 0 : i32
        %dma_wait3A_153 = tpu.memref_slice %arg20[%dma_wait3A_151, %dma_wait3A_152] : memref<10240x128xf32, #tpu.memory_space<vmem_shared>> -> memref<10240x128xf32, #tpu.memory_space<vmem_shared>>
        tpu.wait_indirect_dma semaphore(%arg18 : memref<!tpu.dma_semaphore, #tpu.memory_space<semaphore_mem>>) src(%arg10 : memref<80x128xf32, #tpu.memory_space<vmem>>) dst(%dma_wait3A_153 : memref<10240x128xf32, #tpu.memory_space<vmem_shared>>)
        %add3A_154 = arith.constant 4 : i32
        %add3A_155 = arith.addi %add3A_147, %add3A_154 : i32
        %lt3A_156 = arith.constant 25 : i32
        %lt3A_157 = arith.cmpi slt, %add3A_155, %lt3A_156 : i32
        %convert_element_type3A_158 = arith.extui %lt3A_157 : i1 to i32
        %cond3A_159 = arith.constant 0 : i32
        %cond3A_160 = arith.cmpi ne, %convert_element_type3A_158, %cond3A_159 : i32
        scf.if %cond3A_160 {
          %add3A_177 = arith.constant 4 : i32
          %add3A_178 = arith.addi %add3A_147, %add3A_177 : i32
          %dma_start3A_179 = arith.constant 0 : i32
          %dma_start3A_180 = tpu.memref_slice %arg6[%add3A_178, %dma_start3A_179] : memref<25x80xi32, #tpu.memory_space<vmem>> -> memref<1x80xi32, #tpu.memory_space<vmem>>
          %dma_start3A_181 = tpu.memref_squeeze %dma_start3A_180 : memref<1x80xi32, #tpu.memory_space<vmem>> -> memref<80xi32, #tpu.memory_space<vmem>>
          %dma_start3A_182 = arith.constant 0 : i32
          %dma_start3A_183 = arith.constant 0 : i32
          %dma_start3A_184 = tpu.memref_slice %arg2[%dma_start3A_182, %dma_start3A_183] : memref<10000x128xf32, #tpu.memory_space<hbm>> -> memref<10000x128xf32, #tpu.memory_space<hbm>>
          tpu.enqueue_indirect_dma source(%dma_start3A_184 : memref<10000x128xf32, #tpu.memory_space<hbm>>) target(%arg10 : memref<80x128xf32, #tpu.memory_space<vmem>>) offsets(%dma_start3A_181 : memref<80xi32, #tpu.memory_space<vmem>>) semaphore(%arg14 : memref<!tpu.dma_semaphore, #tpu.memory_space<semaphore_mem>>)
        } else {
        }
        %add3A_161 = arith.constant 3 : i32
        %add3A_162 = arith.addi %mul3A_62, %add3A_161 : i32
        %dma_wait3A_163 = arith.constant 0 : i32
        %dma_wait3A_164 = tpu.memref_slice %arg7[%add3A_162, %dma_wait3A_163] : memref<25x80xi32, #tpu.memory_space<vmem>> -> memref<1x80xi32, #tpu.memory_space<vmem>>
        %dma_wait3A_165 = tpu.memref_squeeze %dma_wait3A_164 : memref<1x80xi32, #tpu.memory_space<vmem>> -> memref<80xi32, #tpu.memory_space<vmem>>
        %dma_wait3A_166 = arith.constant 0 : i32
        %dma_wait3A_167 = arith.constant 0 : i32
        %dma_wait3A_168 = tpu.memref_slice %arg20[%dma_wait3A_166, %dma_wait3A_167] : memref<10240x128xf32, #tpu.memory_space<vmem_shared>> -> memref<10240x128xf32, #tpu.memory_space<vmem_shared>>
        tpu.wait_indirect_dma semaphore(%arg19 : memref<!tpu.dma_semaphore, #tpu.memory_space<semaphore_mem>>) src(%arg11 : memref<80x128xf32, #tpu.memory_space<vmem>>) dst(%dma_wait3A_168 : memref<10240x128xf32, #tpu.memory_space<vmem_shared>>)
        %add3A_169 = arith.constant 4 : i32
        %add3A_170 = arith.addi %add3A_162, %add3A_169 : i32
        %lt3A_171 = arith.constant 25 : i32
        %lt3A_172 = arith.cmpi slt, %add3A_170, %lt3A_171 : i32
        %convert_element_type3A_173 = arith.extui %lt3A_172 : i1 to i32
        %cond3A_174 = arith.constant 0 : i32
        %cond3A_175 = arith.cmpi ne, %convert_element_type3A_173, %cond3A_174 : i32
        scf.if %cond3A_175 {
          %add3A_177 = arith.constant 4 : i32
          %add3A_178 = arith.addi %add3A_162, %add3A_177 : i32
          %dma_start3A_179 = arith.constant 0 : i32
          %dma_start3A_180 = tpu.memref_slice %arg6[%add3A_178, %dma_start3A_179] : memref<25x80xi32, #tpu.memory_space<vmem>> -> memref<1x80xi32, #tpu.memory_space<vmem>>
          %dma_start3A_181 = tpu.memref_squeeze %dma_start3A_180 : memref<1x80xi32, #tpu.memory_space<vmem>> -> memref<80xi32, #tpu.memory_space<vmem>>
          %dma_start3A_182 = arith.constant 0 : i32
          %dma_start3A_183 = arith.constant 0 : i32
          %dma_start3A_184 = tpu.memref_slice %arg2[%dma_start3A_182, %dma_start3A_183] : memref<10000x128xf32, #tpu.memory_space<hbm>> -> memref<10000x128xf32, #tpu.memory_space<hbm>>
          tpu.enqueue_indirect_dma source(%dma_start3A_184 : memref<10000x128xf32, #tpu.memory_space<hbm>>) target(%arg11 : memref<80x128xf32, #tpu.memory_space<vmem>>) offsets(%dma_start3A_181 : memref<80xi32, #tpu.memory_space<vmem>>) semaphore(%arg15 : memref<!tpu.dma_semaphore, #tpu.memory_space<semaphore_mem>>)
        } else {
        }
        %scan3A_176 = arith.constant 0 : i32
        scf.yield %scan3A_176 : i32
      }
      %scan3A_50 = arith.constant 6 : i32
      %dma_wait3A = arith.constant 24 : i32
      %dma_wait3A_51 = arith.constant 0 : i32
      %dma_wait3A_52 = tpu.memref_slice %arg6[%dma_wait3A, %dma_wait3A_51] : memref<25x80xi32, #tpu.memory_space<vmem>> -> memref<1x80xi32, #tpu.memory_space<vmem>>
      %dma_wait3A_53 = tpu.memref_squeeze %dma_wait3A_52 : memref<1x80xi32, #tpu.memory_space<vmem>> -> memref<80xi32, #tpu.memory_space<vmem>>
      %dma_wait3A_54 = arith.constant 0 : i32
      %dma_wait3A_55 = arith.constant 0 : i32
      %dma_wait3A_56 = tpu.memref_slice %arg2[%dma_wait3A_54, %dma_wait3A_55] : memref<10000x128xf32, #tpu.memory_space<hbm>> -> memref<10000x128xf32, #tpu.memory_space<hbm>>
      tpu.wait_indirect_dma semaphore(%arg12 : memref<!tpu.dma_semaphore, #tpu.memory_space<semaphore_mem>>) src(%dma_wait3A_56 : memref<10000x128xf32, #tpu.memory_space<hbm>>) dst(%arg8 : memref<80x128xf32, #tpu.memory_space<vmem>>)
      %run_scoped3A_57 = arith.constant 24 : i32
      "tpu.region"() ({
        %run_scoped3A_59 = tpu.sem_alloc : memref<!tpu.dma_semaphore, #tpu.memory_space<semaphore_mem>>
        %dma_start3A_60 = arith.constant 0 : i32
        %dma_start3A_61 = tpu.memref_slice %arg7[%run_scoped3A_57, %dma_start3A_60] : memref<25x80xi32, #tpu.memory_space<vmem>> -> memref<1x80xi32, #tpu.memory_space<vmem>>
        %dma_start3A_62 = tpu.memref_squeeze %dma_start3A_61 : memref<1x80xi32, #tpu.memory_space<vmem>> -> memref<80xi32, #tpu.memory_space<vmem>>
        %dma_start3A_63 = arith.constant 0 : i32
        %dma_start3A_64 = arith.constant 0 : i32
        %dma_start3A_65 = tpu.memref_slice %arg20[%dma_start3A_63, %dma_start3A_64] : memref<10240x128xf32, #tpu.memory_space<vmem_shared>> -> memref<10240x128xf32, #tpu.memory_space<vmem_shared>>
        tpu.enqueue_indirect_dma source(%arg8 : memref<80x128xf32, #tpu.memory_space<vmem>>) target(%dma_start3A_65 : memref<10240x128xf32, #tpu.memory_space<vmem_shared>>) offsets(%dma_start3A_62 : memref<80xi32, #tpu.memory_space<vmem>>) semaphore(%run_scoped3A_59 : memref<!tpu.dma_semaphore, #tpu.memory_space<semaphore_mem>>) {add = true}
        %dma_wait3A_66 = arith.constant 0 : i32
        %dma_wait3A_67 = tpu.memref_slice %arg7[%run_scoped3A_57, %dma_wait3A_66] : memref<25x80xi32, #tpu.memory_space<vmem>> -> memref<1x80xi32, #tpu.memory_space<vmem>>
        %dma_wait3A_68 = tpu.memref_squeeze %dma_wait3A_67 : memref<1x80xi32, #tpu.memory_space<vmem>> -> memref<80xi32, #tpu.memory_space<vmem>>
        %dma_wait3A_69 = arith.constant 0 : i32
        %dma_wait3A_70 = arith.constant 0 : i32
        %dma_wait3A_71 = tpu.memref_slice %arg20[%dma_wait3A_69, %dma_wait3A_70] : memref<10240x128xf32, #tpu.memory_space<vmem_shared>> -> memref<10240x128xf32, #tpu.memory_space<vmem_shared>>
        tpu.wait_indirect_dma semaphore(%run_scoped3A_59 : memref<!tpu.dma_semaphore, #tpu.memory_space<semaphore_mem>>) src(%arg8 : memref<80x128xf32, #tpu.memory_space<vmem>>) dst(%dma_wait3A_71 : memref<10240x128xf32, #tpu.memory_space<vmem_shared>>)
        tpu.yield
      }) : () -> ()
      %scan3A_58 = arith.constant 0 : i32
      scf.yield %scan3A_58 : i32
    }
    %scan3A_8 = arith.constant 5 : i32
    %barrier3A_9 = arith.constant 0 : index
    tpu.barrier barrier_id(%barrier3A_9)
    %mul3A_10 = arith.constant 640 : i32
    %mul3A_11 = arith.muli %arg1, %mul3A_10 : i32
    %mul3A_12 = arith.constant 640 : i32
    %mul3A_13 = arith.muli %arg1, %mul3A_12 : i32
    "tpu.region"() ({
      %run_scoped3A = tpu.sem_alloc : memref<!tpu.dma_semaphore, #tpu.memory_space<semaphore_mem>>
      %dma_start3A = arith.constant 0 : i32
      %dma_start3A_14 = tpu.memref_slice %arg5[%arg0, %mul3A_13, %dma_start3A] : memref<2x10240x128xf32, #tpu.memory_space<hbm>> -> memref<1x640x128xf32, #tpu.memory_space<hbm>>
      %dma_start3A_15 = tpu.memref_squeeze %dma_start3A_14 : memref<1x640x128xf32, #tpu.memory_space<hbm>> -> memref<640x128xf32, #tpu.memory_space<hbm>>
      %dma_start3A_16 = arith.constant 0 : i32
      %dma_start3A_17 = tpu.memref_slice %arg20[%mul3A_11, %dma_start3A_16] : memref<10240x128xf32, #tpu.memory_space<vmem_shared>> -> memref<640x128xf32, #tpu.memory_space<vmem_shared>>
      tpu.enqueue_dma source(%dma_start3A_17 : memref<640x128xf32, #tpu.memory_space<vmem_shared>>) target(%dma_start3A_15 : memref<640x128xf32, #tpu.memory_space<hbm>>) target_semaphore(%run_scoped3A : memref<!tpu.dma_semaphore, #tpu.memory_space<semaphore_mem>>)
      %dma_wait3A = arith.constant 0 : i32
      %dma_wait3A_18 = tpu.memref_slice %arg5[%arg0, %mul3A_13, %dma_wait3A] : memref<2x10240x128xf32, #tpu.memory_space<hbm>> -> memref<1x640x128xf32, #tpu.memory_space<hbm>>
      %dma_wait3A_19 = tpu.memref_squeeze %dma_wait3A_18 : memref<1x640x128xf32, #tpu.memory_space<hbm>> -> memref<640x128xf32, #tpu.memory_space<hbm>>
      %dma_wait3A_20 = arith.constant 0 : i32
      %dma_wait3A_21 = tpu.memref_slice %arg20[%mul3A_11, %dma_wait3A_20] : memref<10240x128xf32, #tpu.memory_space<vmem_shared>> -> memref<640x128xf32, #tpu.memory_space<vmem_shared>>
      tpu.wait_dma2 semaphore(%run_scoped3A : memref<!tpu.dma_semaphore, #tpu.memory_space<semaphore_mem>>) src(%dma_wait3A_21 : memref<640x128xf32, #tpu.memory_space<vmem_shared>>) dst(%dma_wait3A_19 : memref<640x128xf32, #tpu.memory_space<hbm>>)
      tpu.yield
    }) : () -> ()
    return
  }
}

#map = affine_map<(d0, d1) -> (0, 0)>
#map1 = affine_map<(d0, d1) -> (0, 0, 0, 0, 0)>
#map2 = affine_map<(d0, d1) -> (0, 0, 0)>
module attributes {stable_mosaic.version = 14 : i64} {
  func.func @k(%arg0: i32, %arg1: i32, %arg2: memref<10000x128xf32, #tpu.memory_space<hbm>>, %arg3: memref<2x32x5x25x80xi32, #tpu.memory_space<hbm>>, %arg4: memref<640x128xf32, #tpu.memory_space<hbm>>, %arg5: memref<2x10240x128xf32, #tpu.memory_space<hbm>>, %arg6: memref<25x80xi32, #tpu.memory_space<vmem>>, %arg7: memref<25x80xi32, #tpu.memory_space<vmem>>, %arg8: memref<80x128xf32, #tpu.memory_space<vmem>>, %arg9: memref<80x128xf32, #tpu.memory_space<vmem>>, %arg10: memref<80x128xf32, #tpu.memory_space<vmem>>, %arg11: memref<80x128xf32, #tpu.memory_space<vmem>>, %arg12: memref<!tpu.dma_semaphore, #tpu.memory_space<semaphore_mem>>, %arg13: memref<!tpu.dma_semaphore, #tpu.memory_space<semaphore_mem>>, %arg14: memref<!tpu.dma_semaphore, #tpu.memory_space<semaphore_mem>>, %arg15: memref<!tpu.dma_semaphore, #tpu.memory_space<semaphore_mem>>, %arg16: memref<!tpu.dma_semaphore, #tpu.memory_space<semaphore_mem>>, %arg17: memref<!tpu.dma_semaphore, #tpu.memory_space<semaphore_mem>>, %arg18: memref<!tpu.dma_semaphore, #tpu.memory_space<semaphore_mem>>, %arg19: memref<!tpu.dma_semaphore, #tpu.memory_space<semaphore_mem>>, %arg20: memref<10240x128xf32, #tpu.memory_space<vmem_shared>>) attributes {dimension_semantics = [#tpu.dimension_semantics<core_parallel>, #tpu.dimension_semantics<subcore_parallel>], iteration_bounds = array<i64: 2, 16>, scalar_prefetch = 0 : i64, scratch_operands = 15 : i64, tpu.core_type = #tpu.core_type<sc_vector_subcore>, window_params = [{transform_indices = #map}, {transform_indices = #map1}, {transform_indices = #map}, {transform_indices = #map2}]} {
    %mul3A = arith.constant 2 : i32
    %mul3A_0 = arith.muli %arg1, %mul3A : i32
    %add3A = arith.addi %mul3A_0, %arg0 : i32
    %mul3A_1 = arith.constant 640 : i32
    %mul3A_2 = arith.muli %arg1, %mul3A_1 : i32
    "tpu.region"() ({
      %run_scoped3A = tpu.sem_alloc : memref<!tpu.dma_semaphore, #tpu.memory_space<semaphore_mem>>
      %dma_start3A = arith.constant 0 : i32
      %dma_start3A_14 = tpu.memref_slice %arg20[%mul3A_2, %dma_start3A] : memref<10240x128xf32, #tpu.memory_space<vmem_shared>> -> memref<640x128xf32, #tpu.memory_space<vmem_shared>>
      tpu.enqueue_dma source(%arg4 : memref<640x128xf32, #tpu.memory_space<hbm>>) target(%dma_start3A_14 : memref<640x128xf32, #tpu.memory_space<vmem_shared>>) target_semaphore(%run_scoped3A : memref<!tpu.dma_semaphore, #tpu.memory_space<semaphore_mem>>)
      %dma_wait3A = arith.constant 0 : i32
      %dma_wait3A_15 = tpu.memref_slice %arg20[%mul3A_2, %dma_wait3A] : memref<10240x128xf32, #tpu.memory_space<vmem_shared>> -> memref<640x128xf32, #tpu.memory_space<vmem_shared>>
      tpu.wait_dma2 semaphore(%run_scoped3A : memref<!tpu.dma_semaphore, #tpu.memory_space<semaphore_mem>>) src(%arg4 : memref<640x128xf32, #tpu.memory_space<hbm>>) dst(%dma_wait3A_15 : memref<640x128xf32, #tpu.memory_space<vmem_shared>>)
      tpu.yield
    }) : () -> ()
    %barrier3A = arith.constant 0 : index
    tpu.barrier barrier_id(%barrier3A)
    %scan3A = arith.constant 0 : i32
    %scan3A_3 = arith.constant 0 : i32
    %scan3A_4 = arith.constant 5 : i32
    %scan3A_5 = arith.addi %scan3A_3, %scan3A_4 : i32
    %scan3A_6 = arith.constant 1 : i32
    %scan3A_7 = scf.for %scan3A_14 = %scan3A_3 to %scan3A_5 step %scan3A_6 iter_args(%scan3A_15 = %scan3A) -> (i32)  : i32 {
      %run_scoped3A = arith.constant 0 : i32
      "tpu.region"() ({
        %run_scoped3A_59 = tpu.sem_alloc : memref<!tpu.dma_semaphore, #tpu.memory_space<semaphore_mem>>
        %dma_start3A_60 = arith.constant 0 : i32
        %dma_start3A_61 = arith.constant 0 : i32
        %dma_start3A_62 = tpu.memref_slice %arg3[%run_scoped3A, %add3A, %scan3A_14, %dma_start3A_60, %dma_start3A_61] : memref<2x32x5x25x80xi32, #tpu.memory_space<hbm>> -> memref<1x1x1x25x80xi32, #tpu.memory_space<hbm>>
        %dma_start3A_63 = tpu.memref_squeeze %dma_start3A_62 : memref<1x1x1x25x80xi32, #tpu.memory_space<hbm>> -> memref<25x80xi32, #tpu.memory_space<hbm>>
        %dma_start3A_64 = arith.constant 0 : i32
        %dma_start3A_65 = arith.constant 0 : i32
        %dma_start3A_66 = tpu.memref_slice %arg3[%run_scoped3A, %add3A, %scan3A_14, %dma_start3A_64, %dma_start3A_65] : memref<2x32x5x25x80xi32, #tpu.memory_space<hbm>> -> memref<1x1x1x25x80xi32, #tpu.memory_space<hbm>>
        %dma_start3A_67 = tpu.memref_squeeze %dma_start3A_66 : memref<1x1x1x25x80xi32, #tpu.memory_space<hbm>> -> memref<25x80xi32, #tpu.memory_space<hbm>>
        tpu.enqueue_dma source(%dma_start3A_67 : memref<25x80xi32, #tpu.memory_space<hbm>>) target(%arg6 : memref<25x80xi32, #tpu.memory_space<vmem>>) target_semaphore(%run_scoped3A_59 : memref<!tpu.dma_semaphore, #tpu.memory_space<semaphore_mem>>)
        %dma_wait3A_68 = arith.constant 0 : i32
        %dma_wait3A_69 = arith.constant 0 : i32
        %dma_wait3A_70 = tpu.memref_slice %arg3[%run_scoped3A, %add3A, %scan3A_14, %dma_wait3A_68, %dma_wait3A_69] : memref<2x32x5x25x80xi32, #tpu.memory_space<hbm>> -> memref<1x1x1x25x80xi32, #tpu.memory_space<hbm>>
        %dma_wait3A_71 = tpu.memref_squeeze %dma_wait3A_70 : memref<1x1x1x25x80xi32, #tpu.memory_space<hbm>> -> memref<25x80xi32, #tpu.memory_space<hbm>>
        %dma_wait3A_72 = arith.constant 0 : i32
        %dma_wait3A_73 = arith.constant 0 : i32
        %dma_wait3A_74 = tpu.memref_slice %arg3[%run_scoped3A, %add3A, %scan3A_14, %dma_wait3A_72, %dma_wait3A_73] : memref<2x32x5x25x80xi32, #tpu.memory_space<hbm>> -> memref<1x1x1x25x80xi32, #tpu.memory_space<hbm>>
        %dma_wait3A_75 = tpu.memref_squeeze %dma_wait3A_74 : memref<1x1x1x25x80xi32, #tpu.memory_space<hbm>> -> memref<25x80xi32, #tpu.memory_space<hbm>>
        tpu.wait_dma2 semaphore(%run_scoped3A_59 : memref<!tpu.dma_semaphore, #tpu.memory_space<semaphore_mem>>) src(%dma_wait3A_75 : memref<25x80xi32, #tpu.memory_space<hbm>>) dst(%arg6 : memref<25x80xi32, #tpu.memory_space<vmem>>)
        tpu.yield
      }) : () -> ()
      %run_scoped3A_16 = arith.constant 1 : i32
      "tpu.region"() ({
        %run_scoped3A_59 = tpu.sem_alloc : memref<!tpu.dma_semaphore, #tpu.memory_space<semaphore_mem>>
        %dma_start3A_60 = arith.constant 0 : i32
        %dma_start3A_61 = arith.constant 0 : i32
        %dma_start3A_62 = tpu.memref_slice %arg3[%run_scoped3A_16, %add3A, %scan3A_14, %dma_start3A_60, %dma_start3A_61] : memref<2x32x5x25x80xi32, #tpu.memory_space<hbm>> -> memref<1x1x1x25x80xi32, #tpu.memory_space<hbm>>
        %dma_start3A_63 = tpu.memref_squeeze %dma_start3A_62 : memref<1x1x1x25x80xi32, #tpu.memory_space<hbm>> -> memref<25x80xi32, #tpu.memory_space<hbm>>
        %dma_start3A_64 = arith.constant 0 : i32
        %dma_start3A_65 = arith.constant 0 : i32
        %dma_start3A_66 = tpu.memref_slice %arg3[%run_scoped3A_16, %add3A, %scan3A_14, %dma_start3A_64, %dma_start3A_65] : memref<2x32x5x25x80xi32, #tpu.memory_space<hbm>> -> memref<1x1x1x25x80xi32, #tpu.memory_space<hbm>>
        %dma_start3A_67 = tpu.memref_squeeze %dma_start3A_66 : memref<1x1x1x25x80xi32, #tpu.memory_space<hbm>> -> memref<25x80xi32, #tpu.memory_space<hbm>>
        tpu.enqueue_dma source(%dma_start3A_67 : memref<25x80xi32, #tpu.memory_space<hbm>>) target(%arg7 : memref<25x80xi32, #tpu.memory_space<vmem>>) target_semaphore(%run_scoped3A_59 : memref<!tpu.dma_semaphore, #tpu.memory_space<semaphore_mem>>)
        %dma_wait3A_68 = arith.constant 0 : i32
        %dma_wait3A_69 = arith.constant 0 : i32
        %dma_wait3A_70 = tpu.memref_slice %arg3[%run_scoped3A_16, %add3A, %scan3A_14, %dma_wait3A_68, %dma_wait3A_69] : memref<2x32x5x25x80xi32, #tpu.memory_space<hbm>> -> memref<1x1x1x25x80xi32, #tpu.memory_space<hbm>>
        %dma_wait3A_71 = tpu.memref_squeeze %dma_wait3A_70 : memref<1x1x1x25x80xi32, #tpu.memory_space<hbm>> -> memref<25x80xi32, #tpu.memory_space<hbm>>
        %dma_wait3A_72 = arith.constant 0 : i32
        %dma_wait3A_73 = arith.constant 0 : i32
        %dma_wait3A_74 = tpu.memref_slice %arg3[%run_scoped3A_16, %add3A, %scan3A_14, %dma_wait3A_72, %dma_wait3A_73] : memref<2x32x5x25x80xi32, #tpu.memory_space<hbm>> -> memref<1x1x1x25x80xi32, #tpu.memory_space<hbm>>
        %dma_wait3A_75 = tpu.memref_squeeze %dma_wait3A_74 : memref<1x1x1x25x80xi32, #tpu.memory_space<hbm>> -> memref<25x80xi32, #tpu.memory_space<hbm>>
        tpu.wait_dma2 semaphore(%run_scoped3A_59 : memref<!tpu.dma_semaphore, #tpu.memory_space<semaphore_mem>>) src(%dma_wait3A_75 : memref<25x80xi32, #tpu.memory_space<hbm>>) dst(%arg7 : memref<25x80xi32, #tpu.memory_space<vmem>>)
        tpu.yield
      }) : () -> ()
      %dma_start3A = arith.constant 0 : i32
      %dma_start3A_17 = arith.constant 0 : i32
      %dma_start3A_18 = tpu.memref_slice %arg6[%dma_start3A, %dma_start3A_17] : memref<25x80xi32, #tpu.memory_space<vmem>> -> memref<1x80xi32, #tpu.memory_space<vmem>>
      %dma_start3A_19 = tpu.memref_squeeze %dma_start3A_18 : memref<1x80xi32, #tpu.memory_space<vmem>> -> memref<80xi32, #tpu.memory_space<vmem>>
      %dma_start3A_20 = arith.constant 0 : i32
      %dma_start3A_21 = arith.constant 0 : i32
      %dma_start3A_22 = tpu.memref_slice %arg2[%dma_start3A_20, %dma_start3A_21] : memref<10000x128xf32, #tpu.memory_space<hbm>> -> memref<10000x128xf32, #tpu.memory_space<hbm>>
      tpu.enqueue_indirect_dma source(%dma_start3A_22 : memref<10000x128xf32, #tpu.memory_space<hbm>>) target(%arg8 : memref<80x128xf32, #tpu.memory_space<vmem>>) offsets(%dma_start3A_19 : memref<80xi32, #tpu.memory_space<vmem>>) semaphore(%arg12 : memref<!tpu.dma_semaphore, #tpu.memory_space<semaphore_mem>>)
      %dma_start3A_23 = arith.constant 1 : i32
      %dma_start3A_24 = arith.constant 0 : i32
      %dma_start3A_25 = tpu.memref_slice %arg6[%dma_start3A_23, %dma_start3A_24] : memref<25x80xi32, #tpu.memory_space<vmem>> -> memref<1x80xi32, #tpu.memory_space<vmem>>
      %dma_start3A_26 = tpu.memref_squeeze %dma_start3A_25 : memref<1x80xi32, #tpu.memory_space<vmem>> -> memref<80xi32, #tpu.memory_space<vmem>>
      %dma_start3A_27 = arith.constant 0 : i32
      %dma_start3A_28 = arith.constant 0 : i32
      %dma_start3A_29 = tpu.memref_slice %arg2[%dma_start3A_27, %dma_start3A_28] : memref<10000x128xf32, #tpu.memory_space<hbm>> -> memref<10000x128xf32, #tpu.memory_space<hbm>>
      tpu.enqueue_indirect_dma source(%dma_start3A_29 : memref<10000x128xf32, #tpu.memory_space<hbm>>) target(%arg9 : memref<80x128xf32, #tpu.memory_space<vmem>>) offsets(%dma_start3A_26 : memref<80xi32, #tpu.memory_space<vmem>>) semaphore(%arg13 : memref<!tpu.dma_semaphore, #tpu.memory_space<semaphore_mem>>)
      %dma_start3A_30 = arith.constant 2 : i32
      %dma_start3A_31 = arith.constant 0 : i32
      %dma_start3A_32 = tpu.memref_slice %arg6[%dma_start3A_30, %dma_start3A_31] : memref<25x80xi32, #tpu.memory_space<vmem>> -> memref<1x80xi32, #tpu.memory_space<vmem>>
      %dma_start3A_33 = tpu.memref_squeeze %dma_start3A_32 : memref<1x80xi32, #tpu.memory_space<vmem>> -> memref<80xi32, #tpu.memory_space<vmem>>
      %dma_start3A_34 = arith.constant 0 : i32
      %dma_start3A_35 = arith.constant 0 : i32
      %dma_start3A_36 = tpu.memref_slice %arg2[%dma_start3A_34, %dma_start3A_35] : memref<10000x128xf32, #tpu.memory_space<hbm>> -> memref<10000x128xf32, #tpu.memory_space<hbm>>
      tpu.enqueue_indirect_dma source(%dma_start3A_36 : memref<10000x128xf32, #tpu.memory_space<hbm>>) target(%arg10 : memref<80x128xf32, #tpu.memory_space<vmem>>) offsets(%dma_start3A_33 : memref<80xi32, #tpu.memory_space<vmem>>) semaphore(%arg14 : memref<!tpu.dma_semaphore, #tpu.memory_space<semaphore_mem>>)
      %dma_start3A_37 = arith.constant 3 : i32
      %dma_start3A_38 = arith.constant 0 : i32
      %dma_start3A_39 = tpu.memref_slice %arg6[%dma_start3A_37, %dma_start3A_38] : memref<25x80xi32, #tpu.memory_space<vmem>> -> memref<1x80xi32, #tpu.memory_space<vmem>>
      %dma_start3A_40 = tpu.memref_squeeze %dma_start3A_39 : memref<1x80xi32, #tpu.memory_space<vmem>> -> memref<80xi32, #tpu.memory_space<vmem>>
      %dma_start3A_41 = arith.constant 0 : i32
      %dma_start3A_42 = arith.constant 0 : i32
      %dma_start3A_43 = tpu.memref_slice %arg2[%dma_start3A_41, %dma_start3A_42] : memref<10000x128xf32, #tpu.memory_space<hbm>> -> memref<10000x128xf32, #tpu.memory_space<hbm>>
      tpu.enqueue_indirect_dma source(%dma_start3A_43 : memref<10000x128xf32, #tpu.memory_space<hbm>>) target(%arg11 : memref<80x128xf32, #tpu.memory_space<vmem>>) offsets(%dma_start3A_40 : memref<80xi32, #tpu.memory_space<vmem>>) semaphore(%arg15 : memref<!tpu.dma_semaphore, #tpu.memory_space<semaphore_mem>>)
      %scan3A_44 = arith.constant 0 : i32
      %scan3A_45 = arith.constant 0 : i32
      %scan3A_46 = arith.constant 6 : i32
      %scan3A_47 = arith.addi %scan3A_45, %scan3A_46 : i32
      %scan3A_48 = arith.constant 1 : i32
      %scan3A_49 = scf.for %scan3A_59 = %scan3A_45 to %scan3A_47 step %scan3A_48 iter_args(%scan3A_60 = %scan3A_44) -> (i32)  : i32 {
        %mul3A_61 = arith.constant 4 : i32
        %mul3A_62 = arith.muli %scan3A_59, %mul3A_61 : i32
        %add3A_63 = arith.constant 0 : i32
        %add3A_64 = arith.addi %mul3A_62, %add3A_63 : i32
        %dma_wait3A_65 = arith.constant 0 : i32
        %dma_wait3A_66 = tpu.memref_slice %arg6[%add3A_64, %dma_wait3A_65] : memref<25x80xi32, #tpu.memory_space<vmem>> -> memref<1x80xi32, #tpu.memory_space<vmem>>
        %dma_wait3A_67 = tpu.memref_squeeze %dma_wait3A_66 : memref<1x80xi32, #tpu.memory_space<vmem>> -> memref<80xi32, #tpu.memory_space<vmem>>
        %dma_wait3A_68 = arith.constant 0 : i32
        %dma_wait3A_69 = arith.constant 0 : i32
        %dma_wait3A_70 = tpu.memref_slice %arg2[%dma_wait3A_68, %dma_wait3A_69] : memref<10000x128xf32, #tpu.memory_space<hbm>> -> memref<10000x128xf32, #tpu.memory_space<hbm>>
        tpu.wait_indirect_dma semaphore(%arg12 : memref<!tpu.dma_semaphore, #tpu.memory_space<semaphore_mem>>) src(%dma_wait3A_70 : memref<10000x128xf32, #tpu.memory_space<hbm>>) dst(%arg8 : memref<80x128xf32, #tpu.memory_space<vmem>>)
        %dma_start3A_71 = arith.constant 0 : i32
        %dma_start3A_72 = tpu.memref_slice %arg7[%add3A_64, %dma_start3A_71] : memref<25x80xi32, #tpu.memory_space<vmem>> -> memref<1x80xi32, #tpu.memory_space<vmem>>
        %dma_start3A_73 = tpu.memref_squeeze %dma_start3A_72 : memref<1x80xi32, #tpu.memory_space<vmem>> -> memref<80xi32, #tpu.memory_space<vmem>>
        %dma_start3A_74 = arith.constant 0 : i32
        %dma_start3A_75 = arith.constant 0 : i32
        %dma_start3A_76 = tpu.memref_slice %arg20[%dma_start3A_74, %dma_start3A_75] : memref<10240x128xf32, #tpu.memory_space<vmem_shared>> -> memref<10240x128xf32, #tpu.memory_space<vmem_shared>>
        tpu.enqueue_indirect_dma source(%arg8 : memref<80x128xf32, #tpu.memory_space<vmem>>) target(%dma_start3A_76 : memref<10240x128xf32, #tpu.memory_space<vmem_shared>>) offsets(%dma_start3A_73 : memref<80xi32, #tpu.memory_space<vmem>>) semaphore(%arg16 : memref<!tpu.dma_semaphore, #tpu.memory_space<semaphore_mem>>) {add = true}
        %add3A_77 = arith.constant 1 : i32
        %add3A_78 = arith.addi %mul3A_62, %add3A_77 : i32
        %dma_wait3A_79 = arith.constant 0 : i32
        %dma_wait3A_80 = tpu.memref_slice %arg6[%add3A_78, %dma_wait3A_79] : memref<25x80xi32, #tpu.memory_space<vmem>> -> memref<1x80xi32, #tpu.memory_space<vmem>>
        %dma_wait3A_81 = tpu.memref_squeeze %dma_wait3A_80 : memref<1x80xi32, #tpu.memory_space<vmem>> -> memref<80xi32, #tpu.memory_space<vmem>>
        %dma_wait3A_82 = arith.constant 0 : i32
        %dma_wait3A_83 = arith.constant 0 : i32
        %dma_wait3A_84 = tpu.memref_slice %arg2[%dma_wait3A_82, %dma_wait3A_83] : memref<10000x128xf32, #tpu.memory_space<hbm>> -> memref<10000x128xf32, #tpu.memory_space<hbm>>
        tpu.wait_indirect_dma semaphore(%arg13 : memref<!tpu.dma_semaphore, #tpu.memory_space<semaphore_mem>>) src(%dma_wait3A_84 : memref<10000x128xf32, #tpu.memory_space<hbm>>) dst(%arg9 : memref<80x128xf32, #tpu.memory_space<vmem>>)
        %dma_start3A_85 = arith.constant 0 : i32
        %dma_start3A_86 = tpu.memref_slice %arg7[%add3A_78, %dma_start3A_85] : memref<25x80xi32, #tpu.memory_space<vmem>> -> memref<1x80xi32, #tpu.memory_space<vmem>>
        %dma_start3A_87 = tpu.memref_squeeze %dma_start3A_86 : memref<1x80xi32, #tpu.memory_space<vmem>> -> memref<80xi32, #tpu.memory_space<vmem>>
        %dma_start3A_88 = arith.constant 0 : i32
        %dma_start3A_89 = arith.constant 0 : i32
        %dma_start3A_90 = tpu.memref_slice %arg20[%dma_start3A_88, %dma_start3A_89] : memref<10240x128xf32, #tpu.memory_space<vmem_shared>> -> memref<10240x128xf32, #tpu.memory_space<vmem_shared>>
        tpu.enqueue_indirect_dma source(%arg9 : memref<80x128xf32, #tpu.memory_space<vmem>>) target(%dma_start3A_90 : memref<10240x128xf32, #tpu.memory_space<vmem_shared>>) offsets(%dma_start3A_87 : memref<80xi32, #tpu.memory_space<vmem>>) semaphore(%arg17 : memref<!tpu.dma_semaphore, #tpu.memory_space<semaphore_mem>>) {add = true}
        %add3A_91 = arith.constant 2 : i32
        %add3A_92 = arith.addi %mul3A_62, %add3A_91 : i32
        %dma_wait3A_93 = arith.constant 0 : i32
        %dma_wait3A_94 = tpu.memref_slice %arg6[%add3A_92, %dma_wait3A_93] : memref<25x80xi32, #tpu.memory_space<vmem>> -> memref<1x80xi32, #tpu.memory_space<vmem>>
        %dma_wait3A_95 = tpu.memref_squeeze %dma_wait3A_94 : memref<1x80xi32, #tpu.memory_space<vmem>> -> memref<80xi32, #tpu.memory_space<vmem>>
        %dma_wait3A_96 = arith.constant 0 : i32
        %dma_wait3A_97 = arith.constant 0 : i32
        %dma_wait3A_98 = tpu.memref_slice %arg2[%dma_wait3A_96, %dma_wait3A_97] : memref<10000x128xf32, #tpu.memory_space<hbm>> -> memref<10000x128xf32, #tpu.memory_space<hbm>>
        tpu.wait_indirect_dma semaphore(%arg14 : memref<!tpu.dma_semaphore, #tpu.memory_space<semaphore_mem>>) src(%dma_wait3A_98 : memref<10000x128xf32, #tpu.memory_space<hbm>>) dst(%arg10 : memref<80x128xf32, #tpu.memory_space<vmem>>)
        %dma_start3A_99 = arith.constant 0 : i32
        %dma_start3A_100 = tpu.memref_slice %arg7[%add3A_92, %dma_start3A_99] : memref<25x80xi32, #tpu.memory_space<vmem>> -> memref<1x80xi32, #tpu.memory_space<vmem>>
        %dma_start3A_101 = tpu.memref_squeeze %dma_start3A_100 : memref<1x80xi32, #tpu.memory_space<vmem>> -> memref<80xi32, #tpu.memory_space<vmem>>
        %dma_start3A_102 = arith.constant 0 : i32
        %dma_start3A_103 = arith.constant 0 : i32
        %dma_start3A_104 = tpu.memref_slice %arg20[%dma_start3A_102, %dma_start3A_103] : memref<10240x128xf32, #tpu.memory_space<vmem_shared>> -> memref<10240x128xf32, #tpu.memory_space<vmem_shared>>
        tpu.enqueue_indirect_dma source(%arg10 : memref<80x128xf32, #tpu.memory_space<vmem>>) target(%dma_start3A_104 : memref<10240x128xf32, #tpu.memory_space<vmem_shared>>) offsets(%dma_start3A_101 : memref<80xi32, #tpu.memory_space<vmem>>) semaphore(%arg18 : memref<!tpu.dma_semaphore, #tpu.memory_space<semaphore_mem>>) {add = true}
        %add3A_105 = arith.constant 3 : i32
        %add3A_106 = arith.addi %mul3A_62, %add3A_105 : i32
        %dma_wait3A_107 = arith.constant 0 : i32
        %dma_wait3A_108 = tpu.memref_slice %arg6[%add3A_106, %dma_wait3A_107] : memref<25x80xi32, #tpu.memory_space<vmem>> -> memref<1x80xi32, #tpu.memory_space<vmem>>
        %dma_wait3A_109 = tpu.memref_squeeze %dma_wait3A_108 : memref<1x80xi32, #tpu.memory_space<vmem>> -> memref<80xi32, #tpu.memory_space<vmem>>
        %dma_wait3A_110 = arith.constant 0 : i32
        %dma_wait3A_111 = arith.constant 0 : i32
        %dma_wait3A_112 = tpu.memref_slice %arg2[%dma_wait3A_110, %dma_wait3A_111] : memref<10000x128xf32, #tpu.memory_space<hbm>> -> memref<10000x128xf32, #tpu.memory_space<hbm>>
        tpu.wait_indirect_dma semaphore(%arg15 : memref<!tpu.dma_semaphore, #tpu.memory_space<semaphore_mem>>) src(%dma_wait3A_112 : memref<10000x128xf32, #tpu.memory_space<hbm>>) dst(%arg11 : memref<80x128xf32, #tpu.memory_space<vmem>>)
        %dma_start3A_113 = arith.constant 0 : i32
        %dma_start3A_114 = tpu.memref_slice %arg7[%add3A_106, %dma_start3A_113] : memref<25x80xi32, #tpu.memory_space<vmem>> -> memref<1x80xi32, #tpu.memory_space<vmem>>
        %dma_start3A_115 = tpu.memref_squeeze %dma_start3A_114 : memref<1x80xi32, #tpu.memory_space<vmem>> -> memref<80xi32, #tpu.memory_space<vmem>>
        %dma_start3A_116 = arith.constant 0 : i32
        %dma_start3A_117 = arith.constant 0 : i32
        %dma_start3A_118 = tpu.memref_slice %arg20[%dma_start3A_116, %dma_start3A_117] : memref<10240x128xf32, #tpu.memory_space<vmem_shared>> -> memref<10240x128xf32, #tpu.memory_space<vmem_shared>>
        tpu.enqueue_indirect_dma source(%arg11 : memref<80x128xf32, #tpu.memory_space<vmem>>) target(%dma_start3A_118 : memref<10240x128xf32, #tpu.memory_space<vmem_shared>>) offsets(%dma_start3A_115 : memref<80xi32, #tpu.memory_space<vmem>>) semaphore(%arg19 : memref<!tpu.dma_semaphore, #tpu.memory_space<semaphore_mem>>) {add = true}
        %add3A_119 = arith.constant 0 : i32
        %add3A_120 = arith.addi %mul3A_62, %add3A_119 : i32
        %dma_wait3A_121 = arith.constant 0 : i32
        %dma_wait3A_122 = tpu.memref_slice %arg7[%add3A_120, %dma_wait3A_121] : memref<25x80xi32, #tpu.memory_space<vmem>> -> memref<1x80xi32, #tpu.memory_space<vmem>>
        %dma_wait3A_123 = tpu.memref_squeeze %dma_wait3A_122 : memref<1x80xi32, #tpu.memory_space<vmem>> -> memref<80xi32, #tpu.memory_space<vmem>>
        %dma_wait3A_124 = arith.constant 0 : i32
        %dma_wait3A_125 = arith.constant 0 : i32
        %dma_wait3A_126 = tpu.memref_slice %arg20[%dma_wait3A_124, %dma_wait3A_125] : memref<10240x128xf32, #tpu.memory_space<vmem_shared>> -> memref<10240x128xf32, #tpu.memory_space<vmem_shared>>
        tpu.wait_indirect_dma semaphore(%arg16 : memref<!tpu.dma_semaphore, #tpu.memory_space<semaphore_mem>>) src(%arg8 : memref<80x128xf32, #tpu.memory_space<vmem>>) dst(%dma_wait3A_126 : memref<10240x128xf32, #tpu.memory_space<vmem_shared>>)
        %add3A_127 = arith.constant 4 : i32
        %add3A_128 = arith.addi %add3A_120, %add3A_127 : i32
        %lt3A = arith.constant 25 : i32
        %lt3A_129 = arith.cmpi slt, %add3A_128, %lt3A : i32
        %convert_element_type3A = arith.extui %lt3A_129 : i1 to i32
        %cond3A = arith.constant 0 : i32
        %cond3A_130 = arith.cmpi ne, %convert_element_type3A, %cond3A : i32
        scf.if %cond3A_130 {
          %add3A_177 = arith.constant 4 : i32
          %add3A_178 = arith.addi %add3A_120, %add3A_177 : i32
          %dma_start3A_179 = arith.constant 0 : i32
          %dma_start3A_180 = tpu.memref_slice %arg6[%add3A_178, %dma_start3A_179] : memref<25x80xi32, #tpu.memory_space<vmem>> -> memref<1x80xi32, #tpu.memory_space<vmem>>
          %dma_start3A_181 = tpu.memref_squeeze %dma_start3A_180 : memref<1x80xi32, #tpu.memory_space<vmem>> -> memref<80xi32, #tpu.memory_space<vmem>>
          %dma_start3A_182 = arith.constant 0 : i32
          %dma_start3A_183 = arith.constant 0 : i32
          %dma_start3A_184 = tpu.memref_slice %arg2[%dma_start3A_182, %dma_start3A_183] : memref<10000x128xf32, #tpu.memory_space<hbm>> -> memref<10000x128xf32, #tpu.memory_space<hbm>>
          tpu.enqueue_indirect_dma source(%dma_start3A_184 : memref<10000x128xf32, #tpu.memory_space<hbm>>) target(%arg8 : memref<80x128xf32, #tpu.memory_space<vmem>>) offsets(%dma_start3A_181 : memref<80xi32, #tpu.memory_space<vmem>>) semaphore(%arg12 : memref<!tpu.dma_semaphore, #tpu.memory_space<semaphore_mem>>)
        } else {
        }
        %add3A_131 = arith.constant 1 : i32
        %add3A_132 = arith.addi %mul3A_62, %add3A_131 : i32
        %dma_wait3A_133 = arith.constant 0 : i32
        %dma_wait3A_134 = tpu.memref_slice %arg7[%add3A_132, %dma_wait3A_133] : memref<25x80xi32, #tpu.memory_space<vmem>> -> memref<1x80xi32, #tpu.memory_space<vmem>>
        %dma_wait3A_135 = tpu.memref_squeeze %dma_wait3A_134 : memref<1x80xi32, #tpu.memory_space<vmem>> -> memref<80xi32, #tpu.memory_space<vmem>>
        %dma_wait3A_136 = arith.constant 0 : i32
        %dma_wait3A_137 = arith.constant 0 : i32
        %dma_wait3A_138 = tpu.memref_slice %arg20[%dma_wait3A_136, %dma_wait3A_137] : memref<10240x128xf32, #tpu.memory_space<vmem_shared>> -> memref<10240x128xf32, #tpu.memory_space<vmem_shared>>
        tpu.wait_indirect_dma semaphore(%arg17 : memref<!tpu.dma_semaphore, #tpu.memory_space<semaphore_mem>>) src(%arg9 : memref<80x128xf32, #tpu.memory_space<vmem>>) dst(%dma_wait3A_138 : memref<10240x128xf32, #tpu.memory_space<vmem_shared>>)
        %add3A_139 = arith.constant 4 : i32
        %add3A_140 = arith.addi %add3A_132, %add3A_139 : i32
        %lt3A_141 = arith.constant 25 : i32
        %lt3A_142 = arith.cmpi slt, %add3A_140, %lt3A_141 : i32
        %convert_element_type3A_143 = arith.extui %lt3A_142 : i1 to i32
        %cond3A_144 = arith.constant 0 : i32
        %cond3A_145 = arith.cmpi ne, %convert_element_type3A_143, %cond3A_144 : i32
        scf.if %cond3A_145 {
          %add3A_177 = arith.constant 4 : i32
          %add3A_178 = arith.addi %add3A_132, %add3A_177 : i32
          %dma_start3A_179 = arith.constant 0 : i32
          %dma_start3A_180 = tpu.memref_slice %arg6[%add3A_178, %dma_start3A_179] : memref<25x80xi32, #tpu.memory_space<vmem>> -> memref<1x80xi32, #tpu.memory_space<vmem>>
          %dma_start3A_181 = tpu.memref_squeeze %dma_start3A_180 : memref<1x80xi32, #tpu.memory_space<vmem>> -> memref<80xi32, #tpu.memory_space<vmem>>
          %dma_start3A_182 = arith.constant 0 : i32
          %dma_start3A_183 = arith.constant 0 : i32
          %dma_start3A_184 = tpu.memref_slice %arg2[%dma_start3A_182, %dma_start3A_183] : memref<10000x128xf32, #tpu.memory_space<hbm>> -> memref<10000x128xf32, #tpu.memory_space<hbm>>
          tpu.enqueue_indirect_dma source(%dma_start3A_184 : memref<10000x128xf32, #tpu.memory_space<hbm>>) target(%arg9 : memref<80x128xf32, #tpu.memory_space<vmem>>) offsets(%dma_start3A_181 : memref<80xi32, #tpu.memory_space<vmem>>) semaphore(%arg13 : memref<!tpu.dma_semaphore, #tpu.memory_space<semaphore_mem>>)
        } else {
        }
        %add3A_146 = arith.constant 2 : i32
        %add3A_147 = arith.addi %mul3A_62, %add3A_146 : i32
        %dma_wait3A_148 = arith.constant 0 : i32
        %dma_wait3A_149 = tpu.memref_slice %arg7[%add3A_147, %dma_wait3A_148] : memref<25x80xi32, #tpu.memory_space<vmem>> -> memref<1x80xi32, #tpu.memory_space<vmem>>
        %dma_wait3A_150 = tpu.memref_squeeze %dma_wait3A_149 : memref<1x80xi32, #tpu.memory_space<vmem>> -> memref<80xi32, #tpu.memory_space<vmem>>
        %dma_wait3A_151 = arith.constant 0 : i32
        %dma_wait3A_152 = arith.constant 0 : i32
        %dma_wait3A_153 = tpu.memref_slice %arg20[%dma_wait3A_151, %dma_wait3A_152] : memref<10240x128xf32, #tpu.memory_space<vmem_shared>> -> memref<10240x128xf32, #tpu.memory_space<vmem_shared>>
        tpu.wait_indirect_dma semaphore(%arg18 : memref<!tpu.dma_semaphore, #tpu.memory_space<semaphore_mem>>) src(%arg10 : memref<80x128xf32, #tpu.memory_space<vmem>>) dst(%dma_wait3A_153 : memref<10240x128xf32, #tpu.memory_space<vmem_shared>>)
        %add3A_154 = arith.constant 4 : i32
        %add3A_155 = arith.addi %add3A_147, %add3A_154 : i32
        %lt3A_156 = arith.constant 25 : i32
        %lt3A_157 = arith.cmpi slt, %add3A_155, %lt3A_156 : i32
        %convert_element_type3A_158 = arith.extui %lt3A_157 : i1 to i32
        %cond3A_159 = arith.constant 0 : i32
        %cond3A_160 = arith.cmpi ne, %convert_element_type3A_158, %cond3A_159 : i32
        scf.if %cond3A_160 {
          %add3A_177 = arith.constant 4 : i32
          %add3A_178 = arith.addi %add3A_147, %add3A_177 : i32
          %dma_start3A_179 = arith.constant 0 : i32
          %dma_start3A_180 = tpu.memref_slice %arg6[%add3A_178, %dma_start3A_179] : memref<25x80xi32, #tpu.memory_space<vmem>> -> memref<1x80xi32, #tpu.memory_space<vmem>>
          %dma_start3A_181 = tpu.memref_squeeze %dma_start3A_180 : memref<1x80xi32, #tpu.memory_space<vmem>> -> memref<80xi32, #tpu.memory_space<vmem>>
          %dma_start3A_182 = arith.constant 0 : i32
          %dma_start3A_183 = arith.constant 0 : i32
          %dma_start3A_184 = tpu.memref_slice %arg2[%dma_start3A_182, %dma_start3A_183] : memref<10000x128xf32, #tpu.memory_space<hbm>> -> memref<10000x128xf32, #tpu.memory_space<hbm>>
          tpu.enqueue_indirect_dma source(%dma_start3A_184 : memref<10000x128xf32, #tpu.memory_space<hbm>>) target(%arg10 : memref<80x128xf32, #tpu.memory_space<vmem>>) offsets(%dma_start3A_181 : memref<80xi32, #tpu.memory_space<vmem>>) semaphore(%arg14 : memref<!tpu.dma_semaphore, #tpu.memory_space<semaphore_mem>>)
        } else {
        }
        %add3A_161 = arith.constant 3 : i32
        %add3A_162 = arith.addi %mul3A_62, %add3A_161 : i32
        %dma_wait3A_163 = arith.constant 0 : i32
        %dma_wait3A_164 = tpu.memref_slice %arg7[%add3A_162, %dma_wait3A_163] : memref<25x80xi32, #tpu.memory_space<vmem>> -> memref<1x80xi32, #tpu.memory_space<vmem>>
        %dma_wait3A_165 = tpu.memref_squeeze %dma_wait3A_164 : memref<1x80xi32, #tpu.memory_space<vmem>> -> memref<80xi32, #tpu.memory_space<vmem>>
        %dma_wait3A_166 = arith.constant 0 : i32
        %dma_wait3A_167 = arith.constant 0 : i32
        %dma_wait3A_168 = tpu.memref_slice %arg20[%dma_wait3A_166, %dma_wait3A_167] : memref<10240x128xf32, #tpu.memory_space<vmem_shared>> -> memref<10240x128xf32, #tpu.memory_space<vmem_shared>>
        tpu.wait_indirect_dma semaphore(%arg19 : memref<!tpu.dma_semaphore, #tpu.memory_space<semaphore_mem>>) src(%arg11 : memref<80x128xf32, #tpu.memory_space<vmem>>) dst(%dma_wait3A_168 : memref<10240x128xf32, #tpu.memory_space<vmem_shared>>)
        %add3A_169 = arith.constant 4 : i32
        %add3A_170 = arith.addi %add3A_162, %add3A_169 : i32
        %lt3A_171 = arith.constant 25 : i32
        %lt3A_172 = arith.cmpi slt, %add3A_170, %lt3A_171 : i32
        %convert_element_type3A_173 = arith.extui %lt3A_172 : i1 to i32
        %cond3A_174 = arith.constant 0 : i32
        %cond3A_175 = arith.cmpi ne, %convert_element_type3A_173, %cond3A_174 : i32
        scf.if %cond3A_175 {
          %add3A_177 = arith.constant 4 : i32
          %add3A_178 = arith.addi %add3A_162, %add3A_177 : i32
          %dma_start3A_179 = arith.constant 0 : i32
          %dma_start3A_180 = tpu.memref_slice %arg6[%add3A_178, %dma_start3A_179] : memref<25x80xi32, #tpu.memory_space<vmem>> -> memref<1x80xi32, #tpu.memory_space<vmem>>
          %dma_start3A_181 = tpu.memref_squeeze %dma_start3A_180 : memref<1x80xi32, #tpu.memory_space<vmem>> -> memref<80xi32, #tpu.memory_space<vmem>>
          %dma_start3A_182 = arith.constant 0 : i32
          %dma_start3A_183 = arith.constant 0 : i32
          %dma_start3A_184 = tpu.memref_slice %arg2[%dma_start3A_182, %dma_start3A_183] : memref<10000x128xf32, #tpu.memory_space<hbm>> -> memref<10000x128xf32, #tpu.memory_space<hbm>>
          tpu.enqueue_indirect_dma source(%dma_start3A_184 : memref<10000x128xf32, #tpu.memory_space<hbm>>) target(%arg11 : memref<80x128xf32, #tpu.memory_space<vmem>>) offsets(%dma_start3A_181 : memref<80xi32, #tpu.memory_space<vmem>>) semaphore(%arg15 : memref<!tpu.dma_semaphore, #tpu.memory_space<semaphore_mem>>)
        } else {
        }
        %scan3A_176 = arith.constant 0 : i32
        scf.yield %scan3A_176 : i32
      }
      %scan3A_50 = arith.constant 6 : i32
      %dma_wait3A = arith.constant 24 : i32
      %dma_wait3A_51 = arith.constant 0 : i32
      %dma_wait3A_52 = tpu.memref_slice %arg6[%dma_wait3A, %dma_wait3A_51] : memref<25x80xi32, #tpu.memory_space<vmem>> -> memref<1x80xi32, #tpu.memory_space<vmem>>
      %dma_wait3A_53 = tpu.memref_squeeze %dma_wait3A_52 : memref<1x80xi32, #tpu.memory_space<vmem>> -> memref<80xi32, #tpu.memory_space<vmem>>
      %dma_wait3A_54 = arith.constant 0 : i32
      %dma_wait3A_55 = arith.constant 0 : i32
      %dma_wait3A_56 = tpu.memref_slice %arg2[%dma_wait3A_54, %dma_wait3A_55] : memref<10000x128xf32, #tpu.memory_space<hbm>> -> memref<10000x128xf32, #tpu.memory_space<hbm>>
      tpu.wait_indirect_dma semaphore(%arg12 : memref<!tpu.dma_semaphore, #tpu.memory_space<semaphore_mem>>) src(%dma_wait3A_56 : memref<10000x128xf32, #tpu.memory_space<hbm>>) dst(%arg8 : memref<80x128xf32, #tpu.memory_space<vmem>>)
      %run_scoped3A_57 = arith.constant 24 : i32
      "tpu.region"() ({
        %run_scoped3A_59 = tpu.sem_alloc : memref<!tpu.dma_semaphore, #tpu.memory_space<semaphore_mem>>
        %dma_start3A_60 = arith.constant 0 : i32
        %dma_start3A_61 = tpu.memref_slice %arg7[%run_scoped3A_57, %dma_start3A_60] : memref<25x80xi32, #tpu.memory_space<vmem>> -> memref<1x80xi32, #tpu.memory_space<vmem>>
        %dma_start3A_62 = tpu.memref_squeeze %dma_start3A_61 : memref<1x80xi32, #tpu.memory_space<vmem>> -> memref<80xi32, #tpu.memory_space<vmem>>
        %dma_start3A_63 = arith.constant 0 : i32
        %dma_start3A_64 = arith.constant 0 : i32
        %dma_start3A_65 = tpu.memref_slice %arg20[%dma_start3A_63, %dma_start3A_64] : memref<10240x128xf32, #tpu.memory_space<vmem_shared>> -> memref<10240x128xf32, #tpu.memory_space<vmem_shared>>
        tpu.enqueue_indirect_dma source(%arg8 : memref<80x128xf32, #tpu.memory_space<vmem>>) target(%dma_start3A_65 : memref<10240x128xf32, #tpu.memory_space<vmem_shared>>) offsets(%dma_start3A_62 : memref<80xi32, #tpu.memory_space<vmem>>) semaphore(%run_scoped3A_59 : memref<!tpu.dma_semaphore, #tpu.memory_space<semaphore_mem>>) {add = true}
        %dma_wait3A_66 = arith.constant 0 : i32
        %dma_wait3A_67 = tpu.memref_slice %arg7[%run_scoped3A_57, %dma_wait3A_66] : memref<25x80xi32, #tpu.memory_space<vmem>> -> memref<1x80xi32, #tpu.memory_space<vmem>>
        %dma_wait3A_68 = tpu.memref_squeeze %dma_wait3A_67 : memref<1x80xi32, #tpu.memory_space<vmem>> -> memref<80xi32, #tpu.memory_space<vmem>>
        %dma_wait3A_69 = arith.constant 0 : i32
        %dma_wait3A_70 = arith.constant 0 : i32
        %dma_wait3A_71 = tpu.memref_slice %arg20[%dma_wait3A_69, %dma_wait3A_70] : memref<10240x128xf32, #tpu.memory_space<vmem_shared>> -> memref<10240x128xf32, #tpu.memory_space<vmem_shared>>
        tpu.wait_indirect_dma semaphore(%run_scoped3A_59 : memref<!tpu.dma_semaphore, #tpu.memory_space<semaphore_mem>>) src(%arg8 : memref<80x128xf32, #tpu.memory_space<vmem>>) dst(%dma_wait3A_71 : memref<10240x128xf32, #tpu.memory_space<vmem_shared>>)
        tpu.yield
      }) : () -> ()
      %scan3A_58 = arith.constant 0 : i32
      scf.yield %scan3A_58 : i32
    }
    %scan3A_8 = arith.constant 5 : i32
    %barrier3A_9 = arith.constant 0 : index
    tpu.barrier barrier_id(%barrier3A_9)
    %mul3A_10 = arith.constant 640 : i32
    %mul3A_11 = arith.muli %arg1, %mul3A_10 : i32
    %mul3A_12 = arith.constant 640 : i32
    %mul3A_13 = arith.muli %arg1, %mul3A_12 : i32
    "tpu.region"() ({
      %run_scoped3A = tpu.sem_alloc : memref<!tpu.dma_semaphore, #tpu.memory_space<semaphore_mem>>
      %dma_start3A = arith.constant 0 : i32
      %dma_start3A_14 = tpu.memref_slice %arg5[%arg0, %mul3A_13, %dma_start3A] : memref<2x10240x128xf32, #tpu.memory_space<hbm>> -> memref<1x640x128xf32, #tpu.memory_space<hbm>>
      %dma_start3A_15 = tpu.memref_squeeze %dma_start3A_14 : memref<1x640x128xf32, #tpu.memory_space<hbm>> -> memref<640x128xf32, #tpu.memory_space<hbm>>
      %dma_start3A_16 = arith.constant 0 : i32
      %dma_start3A_17 = tpu.memref_slice %arg20[%mul3A_11, %dma_start3A_16] : memref<10240x128xf32, #tpu.memory_space<vmem_shared>> -> memref<640x128xf32, #tpu.memory_space<vmem_shared>>
      tpu.enqueue_dma source(%dma_start3A_17 : memref<640x128xf32, #tpu.memory_space<vmem_shared>>) target(%dma_start3A_15 : memref<640x128xf32, #tpu.memory_space<hbm>>) target_semaphore(%run_scoped3A : memref<!tpu.dma_semaphore, #tpu.memory_space<semaphore_mem>>)
      %dma_wait3A = arith.constant 0 : i32
      %dma_wait3A_18 = tpu.memref_slice %arg5[%arg0, %mul3A_13, %dma_wait3A] : memref<2x10240x128xf32, #tpu.memory_space<hbm>> -> memref<1x640x128xf32, #tpu.memory_space<hbm>>
      %dma_wait3A_19 = tpu.memref_squeeze %dma_wait3A_18 : memref<1x640x128xf32, #tpu.memory_space<hbm>> -> memref<640x128xf32, #tpu.memory_space<hbm>>
      %dma_wait3A_20 = arith.constant 0 : i32
      %dma_wait3A_21 = tpu.memref_slice %arg20[%mul3A_11, %dma_wait3A_20] : memref<10240x128xf32, #tpu.memory_space<vmem_shared>> -> memref<640x128xf32, #tpu.memory_space<vmem_shared>>
      tpu.wait_dma2 semaphore(%run_scoped3A : memref<!tpu.dma_semaphore, #tpu.memory_space<semaphore_mem>>) src(%dma_wait3A_21 : memref<640x128xf32, #tpu.memory_space<vmem_shared>>) dst(%dma_wait3A_19 : memref<640x128xf32, #tpu.memory_space<hbm>>)
      tpu.yield
    }) : () -> ()
    return
  }
}

#map = affine_map<(d0, d1) -> (0, 0)>
#map1 = affine_map<(d0, d1) -> (0, 0, 0, 0, 0)>
#map2 = affine_map<(d0, d1) -> (0, 0, 0)>
module attributes {stable_mosaic.version = 14 : i64} {
  func.func @k(%arg0: i32, %arg1: i32, %arg2: memref<10000x128xf32, #tpu.memory_space<hbm>>, %arg3: memref<2x32x5x25x80xi32, #tpu.memory_space<hbm>>, %arg4: memref<640x128xf32, #tpu.memory_space<hbm>>, %arg5: memref<2x10240x128xf32, #tpu.memory_space<hbm>>, %arg6: memref<25x80xi32, #tpu.memory_space<vmem>>, %arg7: memref<25x80xi32, #tpu.memory_space<vmem>>, %arg8: memref<80x128xf32, #tpu.memory_space<vmem>>, %arg9: memref<80x128xf32, #tpu.memory_space<vmem>>, %arg10: memref<80x128xf32, #tpu.memory_space<vmem>>, %arg11: memref<80x128xf32, #tpu.memory_space<vmem>>, %arg12: memref<!tpu.dma_semaphore, #tpu.memory_space<semaphore_mem>>, %arg13: memref<!tpu.dma_semaphore, #tpu.memory_space<semaphore_mem>>, %arg14: memref<!tpu.dma_semaphore, #tpu.memory_space<semaphore_mem>>, %arg15: memref<!tpu.dma_semaphore, #tpu.memory_space<semaphore_mem>>, %arg16: memref<!tpu.dma_semaphore, #tpu.memory_space<semaphore_mem>>, %arg17: memref<!tpu.dma_semaphore, #tpu.memory_space<semaphore_mem>>, %arg18: memref<!tpu.dma_semaphore, #tpu.memory_space<semaphore_mem>>, %arg19: memref<!tpu.dma_semaphore, #tpu.memory_space<semaphore_mem>>, %arg20: memref<10240x128xf32, #tpu.memory_space<vmem_shared>>) attributes {dimension_semantics = [#tpu.dimension_semantics<core_parallel>, #tpu.dimension_semantics<subcore_parallel>], iteration_bounds = array<i64: 2, 16>, scalar_prefetch = 0 : i64, scratch_operands = 15 : i64, tpu.core_type = #tpu.core_type<sc_vector_subcore>, window_params = [{transform_indices = #map}, {transform_indices = #map1}, {transform_indices = #map}, {transform_indices = #map2}]} {
    %mul3A = arith.constant 2 : i32
    %mul3A_0 = arith.muli %arg1, %mul3A : i32
    %add3A = arith.addi %mul3A_0, %arg0 : i32
    %mul3A_1 = arith.constant 640 : i32
    %mul3A_2 = arith.muli %arg1, %mul3A_1 : i32
    "tpu.region"() ({
      %run_scoped3A = tpu.sem_alloc : memref<!tpu.dma_semaphore, #tpu.memory_space<semaphore_mem>>
      %dma_start3A = arith.constant 0 : i32
      %dma_start3A_14 = tpu.memref_slice %arg20[%mul3A_2, %dma_start3A] : memref<10240x128xf32, #tpu.memory_space<vmem_shared>> -> memref<640x128xf32, #tpu.memory_space<vmem_shared>>
      tpu.enqueue_dma source(%arg4 : memref<640x128xf32, #tpu.memory_space<hbm>>) target(%dma_start3A_14 : memref<640x128xf32, #tpu.memory_space<vmem_shared>>) target_semaphore(%run_scoped3A : memref<!tpu.dma_semaphore, #tpu.memory_space<semaphore_mem>>)
      %dma_wait3A = arith.constant 0 : i32
      %dma_wait3A_15 = tpu.memref_slice %arg20[%mul3A_2, %dma_wait3A] : memref<10240x128xf32, #tpu.memory_space<vmem_shared>> -> memref<640x128xf32, #tpu.memory_space<vmem_shared>>
      tpu.wait_dma2 semaphore(%run_scoped3A : memref<!tpu.dma_semaphore, #tpu.memory_space<semaphore_mem>>) src(%arg4 : memref<640x128xf32, #tpu.memory_space<hbm>>) dst(%dma_wait3A_15 : memref<640x128xf32, #tpu.memory_space<vmem_shared>>)
      tpu.yield
    }) : () -> ()
    %barrier3A = arith.constant 0 : index
    tpu.barrier barrier_id(%barrier3A)
    %scan3A = arith.constant 0 : i32
    %scan3A_3 = arith.constant 0 : i32
    %scan3A_4 = arith.constant 5 : i32
    %scan3A_5 = arith.addi %scan3A_3, %scan3A_4 : i32
    %scan3A_6 = arith.constant 1 : i32
    %scan3A_7 = scf.for %scan3A_14 = %scan3A_3 to %scan3A_5 step %scan3A_6 iter_args(%scan3A_15 = %scan3A) -> (i32)  : i32 {
      %run_scoped3A = arith.constant 0 : i32
      "tpu.region"() ({
        %run_scoped3A_59 = tpu.sem_alloc : memref<!tpu.dma_semaphore, #tpu.memory_space<semaphore_mem>>
        %dma_start3A_60 = arith.constant 0 : i32
        %dma_start3A_61 = arith.constant 0 : i32
        %dma_start3A_62 = tpu.memref_slice %arg3[%run_scoped3A, %add3A, %scan3A_14, %dma_start3A_60, %dma_start3A_61] : memref<2x32x5x25x80xi32, #tpu.memory_space<hbm>> -> memref<1x1x1x25x80xi32, #tpu.memory_space<hbm>>
        %dma_start3A_63 = tpu.memref_squeeze %dma_start3A_62 : memref<1x1x1x25x80xi32, #tpu.memory_space<hbm>> -> memref<25x80xi32, #tpu.memory_space<hbm>>
        %dma_start3A_64 = arith.constant 0 : i32
        %dma_start3A_65 = arith.constant 0 : i32
        %dma_start3A_66 = tpu.memref_slice %arg3[%run_scoped3A, %add3A, %scan3A_14, %dma_start3A_64, %dma_start3A_65] : memref<2x32x5x25x80xi32, #tpu.memory_space<hbm>> -> memref<1x1x1x25x80xi32, #tpu.memory_space<hbm>>
        %dma_start3A_67 = tpu.memref_squeeze %dma_start3A_66 : memref<1x1x1x25x80xi32, #tpu.memory_space<hbm>> -> memref<25x80xi32, #tpu.memory_space<hbm>>
        tpu.enqueue_dma source(%dma_start3A_67 : memref<25x80xi32, #tpu.memory_space<hbm>>) target(%arg6 : memref<25x80xi32, #tpu.memory_space<vmem>>) target_semaphore(%run_scoped3A_59 : memref<!tpu.dma_semaphore, #tpu.memory_space<semaphore_mem>>)
        %dma_wait3A_68 = arith.constant 0 : i32
        %dma_wait3A_69 = arith.constant 0 : i32
        %dma_wait3A_70 = tpu.memref_slice %arg3[%run_scoped3A, %add3A, %scan3A_14, %dma_wait3A_68, %dma_wait3A_69] : memref<2x32x5x25x80xi32, #tpu.memory_space<hbm>> -> memref<1x1x1x25x80xi32, #tpu.memory_space<hbm>>
        %dma_wait3A_71 = tpu.memref_squeeze %dma_wait3A_70 : memref<1x1x1x25x80xi32, #tpu.memory_space<hbm>> -> memref<25x80xi32, #tpu.memory_space<hbm>>
        %dma_wait3A_72 = arith.constant 0 : i32
        %dma_wait3A_73 = arith.constant 0 : i32
        %dma_wait3A_74 = tpu.memref_slice %arg3[%run_scoped3A, %add3A, %scan3A_14, %dma_wait3A_72, %dma_wait3A_73] : memref<2x32x5x25x80xi32, #tpu.memory_space<hbm>> -> memref<1x1x1x25x80xi32, #tpu.memory_space<hbm>>
        %dma_wait3A_75 = tpu.memref_squeeze %dma_wait3A_74 : memref<1x1x1x25x80xi32, #tpu.memory_space<hbm>> -> memref<25x80xi32, #tpu.memory_space<hbm>>
        tpu.wait_dma2 semaphore(%run_scoped3A_59 : memref<!tpu.dma_semaphore, #tpu.memory_space<semaphore_mem>>) src(%dma_wait3A_75 : memref<25x80xi32, #tpu.memory_space<hbm>>) dst(%arg6 : memref<25x80xi32, #tpu.memory_space<vmem>>)
        tpu.yield
      }) : () -> ()
      %run_scoped3A_16 = arith.constant 1 : i32
      "tpu.region"() ({
        %run_scoped3A_59 = tpu.sem_alloc : memref<!tpu.dma_semaphore, #tpu.memory_space<semaphore_mem>>
        %dma_start3A_60 = arith.constant 0 : i32
        %dma_start3A_61 = arith.constant 0 : i32
        %dma_start3A_62 = tpu.memref_slice %arg3[%run_scoped3A_16, %add3A, %scan3A_14, %dma_start3A_60, %dma_start3A_61] : memref<2x32x5x25x80xi32, #tpu.memory_space<hbm>> -> memref<1x1x1x25x80xi32, #tpu.memory_space<hbm>>
        %dma_start3A_63 = tpu.memref_squeeze %dma_start3A_62 : memref<1x1x1x25x80xi32, #tpu.memory_space<hbm>> -> memref<25x80xi32, #tpu.memory_space<hbm>>
        %dma_start3A_64 = arith.constant 0 : i32
        %dma_start3A_65 = arith.constant 0 : i32
        %dma_start3A_66 = tpu.memref_slice %arg3[%run_scoped3A_16, %add3A, %scan3A_14, %dma_start3A_64, %dma_start3A_65] : memref<2x32x5x25x80xi32, #tpu.memory_space<hbm>> -> memref<1x1x1x25x80xi32, #tpu.memory_space<hbm>>
        %dma_start3A_67 = tpu.memref_squeeze %dma_start3A_66 : memref<1x1x1x25x80xi32, #tpu.memory_space<hbm>> -> memref<25x80xi32, #tpu.memory_space<hbm>>
        tpu.enqueue_dma source(%dma_start3A_67 : memref<25x80xi32, #tpu.memory_space<hbm>>) target(%arg7 : memref<25x80xi32, #tpu.memory_space<vmem>>) target_semaphore(%run_scoped3A_59 : memref<!tpu.dma_semaphore, #tpu.memory_space<semaphore_mem>>)
        %dma_wait3A_68 = arith.constant 0 : i32
        %dma_wait3A_69 = arith.constant 0 : i32
        %dma_wait3A_70 = tpu.memref_slice %arg3[%run_scoped3A_16, %add3A, %scan3A_14, %dma_wait3A_68, %dma_wait3A_69] : memref<2x32x5x25x80xi32, #tpu.memory_space<hbm>> -> memref<1x1x1x25x80xi32, #tpu.memory_space<hbm>>
        %dma_wait3A_71 = tpu.memref_squeeze %dma_wait3A_70 : memref<1x1x1x25x80xi32, #tpu.memory_space<hbm>> -> memref<25x80xi32, #tpu.memory_space<hbm>>
        %dma_wait3A_72 = arith.constant 0 : i32
        %dma_wait3A_73 = arith.constant 0 : i32
        %dma_wait3A_74 = tpu.memref_slice %arg3[%run_scoped3A_16, %add3A, %scan3A_14, %dma_wait3A_72, %dma_wait3A_73] : memref<2x32x5x25x80xi32, #tpu.memory_space<hbm>> -> memref<1x1x1x25x80xi32, #tpu.memory_space<hbm>>
        %dma_wait3A_75 = tpu.memref_squeeze %dma_wait3A_74 : memref<1x1x1x25x80xi32, #tpu.memory_space<hbm>> -> memref<25x80xi32, #tpu.memory_space<hbm>>
        tpu.wait_dma2 semaphore(%run_scoped3A_59 : memref<!tpu.dma_semaphore, #tpu.memory_space<semaphore_mem>>) src(%dma_wait3A_75 : memref<25x80xi32, #tpu.memory_space<hbm>>) dst(%arg7 : memref<25x80xi32, #tpu.memory_space<vmem>>)
        tpu.yield
      }) : () -> ()
      %dma_start3A = arith.constant 0 : i32
      %dma_start3A_17 = arith.constant 0 : i32
      %dma_start3A_18 = tpu.memref_slice %arg6[%dma_start3A, %dma_start3A_17] : memref<25x80xi32, #tpu.memory_space<vmem>> -> memref<1x80xi32, #tpu.memory_space<vmem>>
      %dma_start3A_19 = tpu.memref_squeeze %dma_start3A_18 : memref<1x80xi32, #tpu.memory_space<vmem>> -> memref<80xi32, #tpu.memory_space<vmem>>
      %dma_start3A_20 = arith.constant 0 : i32
      %dma_start3A_21 = arith.constant 0 : i32
      %dma_start3A_22 = tpu.memref_slice %arg2[%dma_start3A_20, %dma_start3A_21] : memref<10000x128xf32, #tpu.memory_space<hbm>> -> memref<10000x128xf32, #tpu.memory_space<hbm>>
      tpu.enqueue_indirect_dma source(%dma_start3A_22 : memref<10000x128xf32, #tpu.memory_space<hbm>>) target(%arg8 : memref<80x128xf32, #tpu.memory_space<vmem>>) offsets(%dma_start3A_19 : memref<80xi32, #tpu.memory_space<vmem>>) semaphore(%arg12 : memref<!tpu.dma_semaphore, #tpu.memory_space<semaphore_mem>>)
      %dma_start3A_23 = arith.constant 1 : i32
      %dma_start3A_24 = arith.constant 0 : i32
      %dma_start3A_25 = tpu.memref_slice %arg6[%dma_start3A_23, %dma_start3A_24] : memref<25x80xi32, #tpu.memory_space<vmem>> -> memref<1x80xi32, #tpu.memory_space<vmem>>
      %dma_start3A_26 = tpu.memref_squeeze %dma_start3A_25 : memref<1x80xi32, #tpu.memory_space<vmem>> -> memref<80xi32, #tpu.memory_space<vmem>>
      %dma_start3A_27 = arith.constant 0 : i32
      %dma_start3A_28 = arith.constant 0 : i32
      %dma_start3A_29 = tpu.memref_slice %arg2[%dma_start3A_27, %dma_start3A_28] : memref<10000x128xf32, #tpu.memory_space<hbm>> -> memref<10000x128xf32, #tpu.memory_space<hbm>>
      tpu.enqueue_indirect_dma source(%dma_start3A_29 : memref<10000x128xf32, #tpu.memory_space<hbm>>) target(%arg9 : memref<80x128xf32, #tpu.memory_space<vmem>>) offsets(%dma_start3A_26 : memref<80xi32, #tpu.memory_space<vmem>>) semaphore(%arg13 : memref<!tpu.dma_semaphore, #tpu.memory_space<semaphore_mem>>)
      %dma_start3A_30 = arith.constant 2 : i32
      %dma_start3A_31 = arith.constant 0 : i32
      %dma_start3A_32 = tpu.memref_slice %arg6[%dma_start3A_30, %dma_start3A_31] : memref<25x80xi32, #tpu.memory_space<vmem>> -> memref<1x80xi32, #tpu.memory_space<vmem>>
      %dma_start3A_33 = tpu.memref_squeeze %dma_start3A_32 : memref<1x80xi32, #tpu.memory_space<vmem>> -> memref<80xi32, #tpu.memory_space<vmem>>
      %dma_start3A_34 = arith.constant 0 : i32
      %dma_start3A_35 = arith.constant 0 : i32
      %dma_start3A_36 = tpu.memref_slice %arg2[%dma_start3A_34, %dma_start3A_35] : memref<10000x128xf32, #tpu.memory_space<hbm>> -> memref<10000x128xf32, #tpu.memory_space<hbm>>
      tpu.enqueue_indirect_dma source(%dma_start3A_36 : memref<10000x128xf32, #tpu.memory_space<hbm>>) target(%arg10 : memref<80x128xf32, #tpu.memory_space<vmem>>) offsets(%dma_start3A_33 : memref<80xi32, #tpu.memory_space<vmem>>) semaphore(%arg14 : memref<!tpu.dma_semaphore, #tpu.memory_space<semaphore_mem>>)
      %dma_start3A_37 = arith.constant 3 : i32
      %dma_start3A_38 = arith.constant 0 : i32
      %dma_start3A_39 = tpu.memref_slice %arg6[%dma_start3A_37, %dma_start3A_38] : memref<25x80xi32, #tpu.memory_space<vmem>> -> memref<1x80xi32, #tpu.memory_space<vmem>>
      %dma_start3A_40 = tpu.memref_squeeze %dma_start3A_39 : memref<1x80xi32, #tpu.memory_space<vmem>> -> memref<80xi32, #tpu.memory_space<vmem>>
      %dma_start3A_41 = arith.constant 0 : i32
      %dma_start3A_42 = arith.constant 0 : i32
      %dma_start3A_43 = tpu.memref_slice %arg2[%dma_start3A_41, %dma_start3A_42] : memref<10000x128xf32, #tpu.memory_space<hbm>> -> memref<10000x128xf32, #tpu.memory_space<hbm>>
      tpu.enqueue_indirect_dma source(%dma_start3A_43 : memref<10000x128xf32, #tpu.memory_space<hbm>>) target(%arg11 : memref<80x128xf32, #tpu.memory_space<vmem>>) offsets(%dma_start3A_40 : memref<80xi32, #tpu.memory_space<vmem>>) semaphore(%arg15 : memref<!tpu.dma_semaphore, #tpu.memory_space<semaphore_mem>>)
      %scan3A_44 = arith.constant 0 : i32
      %scan3A_45 = arith.constant 0 : i32
      %scan3A_46 = arith.constant 6 : i32
      %scan3A_47 = arith.addi %scan3A_45, %scan3A_46 : i32
      %scan3A_48 = arith.constant 1 : i32
      %scan3A_49 = scf.for %scan3A_59 = %scan3A_45 to %scan3A_47 step %scan3A_48 iter_args(%scan3A_60 = %scan3A_44) -> (i32)  : i32 {
        %mul3A_61 = arith.constant 4 : i32
        %mul3A_62 = arith.muli %scan3A_59, %mul3A_61 : i32
        %add3A_63 = arith.constant 0 : i32
        %add3A_64 = arith.addi %mul3A_62, %add3A_63 : i32
        %dma_wait3A_65 = arith.constant 0 : i32
        %dma_wait3A_66 = tpu.memref_slice %arg6[%add3A_64, %dma_wait3A_65] : memref<25x80xi32, #tpu.memory_space<vmem>> -> memref<1x80xi32, #tpu.memory_space<vmem>>
        %dma_wait3A_67 = tpu.memref_squeeze %dma_wait3A_66 : memref<1x80xi32, #tpu.memory_space<vmem>> -> memref<80xi32, #tpu.memory_space<vmem>>
        %dma_wait3A_68 = arith.constant 0 : i32
        %dma_wait3A_69 = arith.constant 0 : i32
        %dma_wait3A_70 = tpu.memref_slice %arg2[%dma_wait3A_68, %dma_wait3A_69] : memref<10000x128xf32, #tpu.memory_space<hbm>> -> memref<10000x128xf32, #tpu.memory_space<hbm>>
        tpu.wait_indirect_dma semaphore(%arg12 : memref<!tpu.dma_semaphore, #tpu.memory_space<semaphore_mem>>) src(%dma_wait3A_70 : memref<10000x128xf32, #tpu.memory_space<hbm>>) dst(%arg8 : memref<80x128xf32, #tpu.memory_space<vmem>>)
        %dma_start3A_71 = arith.constant 0 : i32
        %dma_start3A_72 = tpu.memref_slice %arg7[%add3A_64, %dma_start3A_71] : memref<25x80xi32, #tpu.memory_space<vmem>> -> memref<1x80xi32, #tpu.memory_space<vmem>>
        %dma_start3A_73 = tpu.memref_squeeze %dma_start3A_72 : memref<1x80xi32, #tpu.memory_space<vmem>> -> memref<80xi32, #tpu.memory_space<vmem>>
        %dma_start3A_74 = arith.constant 0 : i32
        %dma_start3A_75 = arith.constant 0 : i32
        %dma_start3A_76 = tpu.memref_slice %arg20[%dma_start3A_74, %dma_start3A_75] : memref<10240x128xf32, #tpu.memory_space<vmem_shared>> -> memref<10240x128xf32, #tpu.memory_space<vmem_shared>>
        tpu.enqueue_indirect_dma source(%arg8 : memref<80x128xf32, #tpu.memory_space<vmem>>) target(%dma_start3A_76 : memref<10240x128xf32, #tpu.memory_space<vmem_shared>>) offsets(%dma_start3A_73 : memref<80xi32, #tpu.memory_space<vmem>>) semaphore(%arg16 : memref<!tpu.dma_semaphore, #tpu.memory_space<semaphore_mem>>) {add = true}
        %add3A_77 = arith.constant 1 : i32
        %add3A_78 = arith.addi %mul3A_62, %add3A_77 : i32
        %dma_wait3A_79 = arith.constant 0 : i32
        %dma_wait3A_80 = tpu.memref_slice %arg6[%add3A_78, %dma_wait3A_79] : memref<25x80xi32, #tpu.memory_space<vmem>> -> memref<1x80xi32, #tpu.memory_space<vmem>>
        %dma_wait3A_81 = tpu.memref_squeeze %dma_wait3A_80 : memref<1x80xi32, #tpu.memory_space<vmem>> -> memref<80xi32, #tpu.memory_space<vmem>>
        %dma_wait3A_82 = arith.constant 0 : i32
        %dma_wait3A_83 = arith.constant 0 : i32
        %dma_wait3A_84 = tpu.memref_slice %arg2[%dma_wait3A_82, %dma_wait3A_83] : memref<10000x128xf32, #tpu.memory_space<hbm>> -> memref<10000x128xf32, #tpu.memory_space<hbm>>
        tpu.wait_indirect_dma semaphore(%arg13 : memref<!tpu.dma_semaphore, #tpu.memory_space<semaphore_mem>>) src(%dma_wait3A_84 : memref<10000x128xf32, #tpu.memory_space<hbm>>) dst(%arg9 : memref<80x128xf32, #tpu.memory_space<vmem>>)
        %dma_start3A_85 = arith.constant 0 : i32
        %dma_start3A_86 = tpu.memref_slice %arg7[%add3A_78, %dma_start3A_85] : memref<25x80xi32, #tpu.memory_space<vmem>> -> memref<1x80xi32, #tpu.memory_space<vmem>>
        %dma_start3A_87 = tpu.memref_squeeze %dma_start3A_86 : memref<1x80xi32, #tpu.memory_space<vmem>> -> memref<80xi32, #tpu.memory_space<vmem>>
        %dma_start3A_88 = arith.constant 0 : i32
        %dma_start3A_89 = arith.constant 0 : i32
        %dma_start3A_90 = tpu.memref_slice %arg20[%dma_start3A_88, %dma_start3A_89] : memref<10240x128xf32, #tpu.memory_space<vmem_shared>> -> memref<10240x128xf32, #tpu.memory_space<vmem_shared>>
        tpu.enqueue_indirect_dma source(%arg9 : memref<80x128xf32, #tpu.memory_space<vmem>>) target(%dma_start3A_90 : memref<10240x128xf32, #tpu.memory_space<vmem_shared>>) offsets(%dma_start3A_87 : memref<80xi32, #tpu.memory_space<vmem>>) semaphore(%arg17 : memref<!tpu.dma_semaphore, #tpu.memory_space<semaphore_mem>>) {add = true}
        %add3A_91 = arith.constant 2 : i32
        %add3A_92 = arith.addi %mul3A_62, %add3A_91 : i32
        %dma_wait3A_93 = arith.constant 0 : i32
        %dma_wait3A_94 = tpu.memref_slice %arg6[%add3A_92, %dma_wait3A_93] : memref<25x80xi32, #tpu.memory_space<vmem>> -> memref<1x80xi32, #tpu.memory_space<vmem>>
        %dma_wait3A_95 = tpu.memref_squeeze %dma_wait3A_94 : memref<1x80xi32, #tpu.memory_space<vmem>> -> memref<80xi32, #tpu.memory_space<vmem>>
        %dma_wait3A_96 = arith.constant 0 : i32
        %dma_wait3A_97 = arith.constant 0 : i32
        %dma_wait3A_98 = tpu.memref_slice %arg2[%dma_wait3A_96, %dma_wait3A_97] : memref<10000x128xf32, #tpu.memory_space<hbm>> -> memref<10000x128xf32, #tpu.memory_space<hbm>>
        tpu.wait_indirect_dma semaphore(%arg14 : memref<!tpu.dma_semaphore, #tpu.memory_space<semaphore_mem>>) src(%dma_wait3A_98 : memref<10000x128xf32, #tpu.memory_space<hbm>>) dst(%arg10 : memref<80x128xf32, #tpu.memory_space<vmem>>)
        %dma_start3A_99 = arith.constant 0 : i32
        %dma_start3A_100 = tpu.memref_slice %arg7[%add3A_92, %dma_start3A_99] : memref<25x80xi32, #tpu.memory_space<vmem>> -> memref<1x80xi32, #tpu.memory_space<vmem>>
        %dma_start3A_101 = tpu.memref_squeeze %dma_start3A_100 : memref<1x80xi32, #tpu.memory_space<vmem>> -> memref<80xi32, #tpu.memory_space<vmem>>
        %dma_start3A_102 = arith.constant 0 : i32
        %dma_start3A_103 = arith.constant 0 : i32
        %dma_start3A_104 = tpu.memref_slice %arg20[%dma_start3A_102, %dma_start3A_103] : memref<10240x128xf32, #tpu.memory_space<vmem_shared>> -> memref<10240x128xf32, #tpu.memory_space<vmem_shared>>
        tpu.enqueue_indirect_dma source(%arg10 : memref<80x128xf32, #tpu.memory_space<vmem>>) target(%dma_start3A_104 : memref<10240x128xf32, #tpu.memory_space<vmem_shared>>) offsets(%dma_start3A_101 : memref<80xi32, #tpu.memory_space<vmem>>) semaphore(%arg18 : memref<!tpu.dma_semaphore, #tpu.memory_space<semaphore_mem>>) {add = true}
        %add3A_105 = arith.constant 3 : i32
        %add3A_106 = arith.addi %mul3A_62, %add3A_105 : i32
        %dma_wait3A_107 = arith.constant 0 : i32
        %dma_wait3A_108 = tpu.memref_slice %arg6[%add3A_106, %dma_wait3A_107] : memref<25x80xi32, #tpu.memory_space<vmem>> -> memref<1x80xi32, #tpu.memory_space<vmem>>
        %dma_wait3A_109 = tpu.memref_squeeze %dma_wait3A_108 : memref<1x80xi32, #tpu.memory_space<vmem>> -> memref<80xi32, #tpu.memory_space<vmem>>
        %dma_wait3A_110 = arith.constant 0 : i32
        %dma_wait3A_111 = arith.constant 0 : i32
        %dma_wait3A_112 = tpu.memref_slice %arg2[%dma_wait3A_110, %dma_wait3A_111] : memref<10000x128xf32, #tpu.memory_space<hbm>> -> memref<10000x128xf32, #tpu.memory_space<hbm>>
        tpu.wait_indirect_dma semaphore(%arg15 : memref<!tpu.dma_semaphore, #tpu.memory_space<semaphore_mem>>) src(%dma_wait3A_112 : memref<10000x128xf32, #tpu.memory_space<hbm>>) dst(%arg11 : memref<80x128xf32, #tpu.memory_space<vmem>>)
        %dma_start3A_113 = arith.constant 0 : i32
        %dma_start3A_114 = tpu.memref_slice %arg7[%add3A_106, %dma_start3A_113] : memref<25x80xi32, #tpu.memory_space<vmem>> -> memref<1x80xi32, #tpu.memory_space<vmem>>
        %dma_start3A_115 = tpu.memref_squeeze %dma_start3A_114 : memref<1x80xi32, #tpu.memory_space<vmem>> -> memref<80xi32, #tpu.memory_space<vmem>>
        %dma_start3A_116 = arith.constant 0 : i32
        %dma_start3A_117 = arith.constant 0 : i32
        %dma_start3A_118 = tpu.memref_slice %arg20[%dma_start3A_116, %dma_start3A_117] : memref<10240x128xf32, #tpu.memory_space<vmem_shared>> -> memref<10240x128xf32, #tpu.memory_space<vmem_shared>>
        tpu.enqueue_indirect_dma source(%arg11 : memref<80x128xf32, #tpu.memory_space<vmem>>) target(%dma_start3A_118 : memref<10240x128xf32, #tpu.memory_space<vmem_shared>>) offsets(%dma_start3A_115 : memref<80xi32, #tpu.memory_space<vmem>>) semaphore(%arg19 : memref<!tpu.dma_semaphore, #tpu.memory_space<semaphore_mem>>) {add = true}
        %add3A_119 = arith.constant 0 : i32
        %add3A_120 = arith.addi %mul3A_62, %add3A_119 : i32
        %dma_wait3A_121 = arith.constant 0 : i32
        %dma_wait3A_122 = tpu.memref_slice %arg7[%add3A_120, %dma_wait3A_121] : memref<25x80xi32, #tpu.memory_space<vmem>> -> memref<1x80xi32, #tpu.memory_space<vmem>>
        %dma_wait3A_123 = tpu.memref_squeeze %dma_wait3A_122 : memref<1x80xi32, #tpu.memory_space<vmem>> -> memref<80xi32, #tpu.memory_space<vmem>>
        %dma_wait3A_124 = arith.constant 0 : i32
        %dma_wait3A_125 = arith.constant 0 : i32
        %dma_wait3A_126 = tpu.memref_slice %arg20[%dma_wait3A_124, %dma_wait3A_125] : memref<10240x128xf32, #tpu.memory_space<vmem_shared>> -> memref<10240x128xf32, #tpu.memory_space<vmem_shared>>
        tpu.wait_indirect_dma semaphore(%arg16 : memref<!tpu.dma_semaphore, #tpu.memory_space<semaphore_mem>>) src(%arg8 : memref<80x128xf32, #tpu.memory_space<vmem>>) dst(%dma_wait3A_126 : memref<10240x128xf32, #tpu.memory_space<vmem_shared>>)
        %add3A_127 = arith.constant 4 : i32
        %add3A_128 = arith.addi %add3A_120, %add3A_127 : i32
        %lt3A = arith.constant 25 : i32
        %lt3A_129 = arith.cmpi slt, %add3A_128, %lt3A : i32
        %convert_element_type3A = arith.extui %lt3A_129 : i1 to i32
        %cond3A = arith.constant 0 : i32
        %cond3A_130 = arith.cmpi ne, %convert_element_type3A, %cond3A : i32
        scf.if %cond3A_130 {
          %add3A_177 = arith.constant 4 : i32
          %add3A_178 = arith.addi %add3A_120, %add3A_177 : i32
          %dma_start3A_179 = arith.constant 0 : i32
          %dma_start3A_180 = tpu.memref_slice %arg6[%add3A_178, %dma_start3A_179] : memref<25x80xi32, #tpu.memory_space<vmem>> -> memref<1x80xi32, #tpu.memory_space<vmem>>
          %dma_start3A_181 = tpu.memref_squeeze %dma_start3A_180 : memref<1x80xi32, #tpu.memory_space<vmem>> -> memref<80xi32, #tpu.memory_space<vmem>>
          %dma_start3A_182 = arith.constant 0 : i32
          %dma_start3A_183 = arith.constant 0 : i32
          %dma_start3A_184 = tpu.memref_slice %arg2[%dma_start3A_182, %dma_start3A_183] : memref<10000x128xf32, #tpu.memory_space<hbm>> -> memref<10000x128xf32, #tpu.memory_space<hbm>>
          tpu.enqueue_indirect_dma source(%dma_start3A_184 : memref<10000x128xf32, #tpu.memory_space<hbm>>) target(%arg8 : memref<80x128xf32, #tpu.memory_space<vmem>>) offsets(%dma_start3A_181 : memref<80xi32, #tpu.memory_space<vmem>>) semaphore(%arg12 : memref<!tpu.dma_semaphore, #tpu.memory_space<semaphore_mem>>)
        } else {
        }
        %add3A_131 = arith.constant 1 : i32
        %add3A_132 = arith.addi %mul3A_62, %add3A_131 : i32
        %dma_wait3A_133 = arith.constant 0 : i32
        %dma_wait3A_134 = tpu.memref_slice %arg7[%add3A_132, %dma_wait3A_133] : memref<25x80xi32, #tpu.memory_space<vmem>> -> memref<1x80xi32, #tpu.memory_space<vmem>>
        %dma_wait3A_135 = tpu.memref_squeeze %dma_wait3A_134 : memref<1x80xi32, #tpu.memory_space<vmem>> -> memref<80xi32, #tpu.memory_space<vmem>>
        %dma_wait3A_136 = arith.constant 0 : i32
        %dma_wait3A_137 = arith.constant 0 : i32
        %dma_wait3A_138 = tpu.memref_slice %arg20[%dma_wait3A_136, %dma_wait3A_137] : memref<10240x128xf32, #tpu.memory_space<vmem_shared>> -> memref<10240x128xf32, #tpu.memory_space<vmem_shared>>
        tpu.wait_indirect_dma semaphore(%arg17 : memref<!tpu.dma_semaphore, #tpu.memory_space<semaphore_mem>>) src(%arg9 : memref<80x128xf32, #tpu.memory_space<vmem>>) dst(%dma_wait3A_138 : memref<10240x128xf32, #tpu.memory_space<vmem_shared>>)
        %add3A_139 = arith.constant 4 : i32
        %add3A_140 = arith.addi %add3A_132, %add3A_139 : i32
        %lt3A_141 = arith.constant 25 : i32
        %lt3A_142 = arith.cmpi slt, %add3A_140, %lt3A_141 : i32
        %convert_element_type3A_143 = arith.extui %lt3A_142 : i1 to i32
        %cond3A_144 = arith.constant 0 : i32
        %cond3A_145 = arith.cmpi ne, %convert_element_type3A_143, %cond3A_144 : i32
        scf.if %cond3A_145 {
          %add3A_177 = arith.constant 4 : i32
          %add3A_178 = arith.addi %add3A_132, %add3A_177 : i32
          %dma_start3A_179 = arith.constant 0 : i32
          %dma_start3A_180 = tpu.memref_slice %arg6[%add3A_178, %dma_start3A_179] : memref<25x80xi32, #tpu.memory_space<vmem>> -> memref<1x80xi32, #tpu.memory_space<vmem>>
          %dma_start3A_181 = tpu.memref_squeeze %dma_start3A_180 : memref<1x80xi32, #tpu.memory_space<vmem>> -> memref<80xi32, #tpu.memory_space<vmem>>
          %dma_start3A_182 = arith.constant 0 : i32
          %dma_start3A_183 = arith.constant 0 : i32
          %dma_start3A_184 = tpu.memref_slice %arg2[%dma_start3A_182, %dma_start3A_183] : memref<10000x128xf32, #tpu.memory_space<hbm>> -> memref<10000x128xf32, #tpu.memory_space<hbm>>
          tpu.enqueue_indirect_dma source(%dma_start3A_184 : memref<10000x128xf32, #tpu.memory_space<hbm>>) target(%arg9 : memref<80x128xf32, #tpu.memory_space<vmem>>) offsets(%dma_start3A_181 : memref<80xi32, #tpu.memory_space<vmem>>) semaphore(%arg13 : memref<!tpu.dma_semaphore, #tpu.memory_space<semaphore_mem>>)
        } else {
        }
        %add3A_146 = arith.constant 2 : i32
        %add3A_147 = arith.addi %mul3A_62, %add3A_146 : i32
        %dma_wait3A_148 = arith.constant 0 : i32
        %dma_wait3A_149 = tpu.memref_slice %arg7[%add3A_147, %dma_wait3A_148] : memref<25x80xi32, #tpu.memory_space<vmem>> -> memref<1x80xi32, #tpu.memory_space<vmem>>
        %dma_wait3A_150 = tpu.memref_squeeze %dma_wait3A_149 : memref<1x80xi32, #tpu.memory_space<vmem>> -> memref<80xi32, #tpu.memory_space<vmem>>
        %dma_wait3A_151 = arith.constant 0 : i32
        %dma_wait3A_152 = arith.constant 0 : i32
        %dma_wait3A_153 = tpu.memref_slice %arg20[%dma_wait3A_151, %dma_wait3A_152] : memref<10240x128xf32, #tpu.memory_space<vmem_shared>> -> memref<10240x128xf32, #tpu.memory_space<vmem_shared>>
        tpu.wait_indirect_dma semaphore(%arg18 : memref<!tpu.dma_semaphore, #tpu.memory_space<semaphore_mem>>) src(%arg10 : memref<80x128xf32, #tpu.memory_space<vmem>>) dst(%dma_wait3A_153 : memref<10240x128xf32, #tpu.memory_space<vmem_shared>>)
        %add3A_154 = arith.constant 4 : i32
        %add3A_155 = arith.addi %add3A_147, %add3A_154 : i32
        %lt3A_156 = arith.constant 25 : i32
        %lt3A_157 = arith.cmpi slt, %add3A_155, %lt3A_156 : i32
        %convert_element_type3A_158 = arith.extui %lt3A_157 : i1 to i32
        %cond3A_159 = arith.constant 0 : i32
        %cond3A_160 = arith.cmpi ne, %convert_element_type3A_158, %cond3A_159 : i32
        scf.if %cond3A_160 {
          %add3A_177 = arith.constant 4 : i32
          %add3A_178 = arith.addi %add3A_147, %add3A_177 : i32
          %dma_start3A_179 = arith.constant 0 : i32
          %dma_start3A_180 = tpu.memref_slice %arg6[%add3A_178, %dma_start3A_179] : memref<25x80xi32, #tpu.memory_space<vmem>> -> memref<1x80xi32, #tpu.memory_space<vmem>>
          %dma_start3A_181 = tpu.memref_squeeze %dma_start3A_180 : memref<1x80xi32, #tpu.memory_space<vmem>> -> memref<80xi32, #tpu.memory_space<vmem>>
          %dma_start3A_182 = arith.constant 0 : i32
          %dma_start3A_183 = arith.constant 0 : i32
          %dma_start3A_184 = tpu.memref_slice %arg2[%dma_start3A_182, %dma_start3A_183] : memref<10000x128xf32, #tpu.memory_space<hbm>> -> memref<10000x128xf32, #tpu.memory_space<hbm>>
          tpu.enqueue_indirect_dma source(%dma_start3A_184 : memref<10000x128xf32, #tpu.memory_space<hbm>>) target(%arg10 : memref<80x128xf32, #tpu.memory_space<vmem>>) offsets(%dma_start3A_181 : memref<80xi32, #tpu.memory_space<vmem>>) semaphore(%arg14 : memref<!tpu.dma_semaphore, #tpu.memory_space<semaphore_mem>>)
        } else {
        }
        %add3A_161 = arith.constant 3 : i32
        %add3A_162 = arith.addi %mul3A_62, %add3A_161 : i32
        %dma_wait3A_163 = arith.constant 0 : i32
        %dma_wait3A_164 = tpu.memref_slice %arg7[%add3A_162, %dma_wait3A_163] : memref<25x80xi32, #tpu.memory_space<vmem>> -> memref<1x80xi32, #tpu.memory_space<vmem>>
        %dma_wait3A_165 = tpu.memref_squeeze %dma_wait3A_164 : memref<1x80xi32, #tpu.memory_space<vmem>> -> memref<80xi32, #tpu.memory_space<vmem>>
        %dma_wait3A_166 = arith.constant 0 : i32
        %dma_wait3A_167 = arith.constant 0 : i32
        %dma_wait3A_168 = tpu.memref_slice %arg20[%dma_wait3A_166, %dma_wait3A_167] : memref<10240x128xf32, #tpu.memory_space<vmem_shared>> -> memref<10240x128xf32, #tpu.memory_space<vmem_shared>>
        tpu.wait_indirect_dma semaphore(%arg19 : memref<!tpu.dma_semaphore, #tpu.memory_space<semaphore_mem>>) src(%arg11 : memref<80x128xf32, #tpu.memory_space<vmem>>) dst(%dma_wait3A_168 : memref<10240x128xf32, #tpu.memory_space<vmem_shared>>)
        %add3A_169 = arith.constant 4 : i32
        %add3A_170 = arith.addi %add3A_162, %add3A_169 : i32
        %lt3A_171 = arith.constant 25 : i32
        %lt3A_172 = arith.cmpi slt, %add3A_170, %lt3A_171 : i32
        %convert_element_type3A_173 = arith.extui %lt3A_172 : i1 to i32
        %cond3A_174 = arith.constant 0 : i32
        %cond3A_175 = arith.cmpi ne, %convert_element_type3A_173, %cond3A_174 : i32
        scf.if %cond3A_175 {
          %add3A_177 = arith.constant 4 : i32
          %add3A_178 = arith.addi %add3A_162, %add3A_177 : i32
          %dma_start3A_179 = arith.constant 0 : i32
          %dma_start3A_180 = tpu.memref_slice %arg6[%add3A_178, %dma_start3A_179] : memref<25x80xi32, #tpu.memory_space<vmem>> -> memref<1x80xi32, #tpu.memory_space<vmem>>
          %dma_start3A_181 = tpu.memref_squeeze %dma_start3A_180 : memref<1x80xi32, #tpu.memory_space<vmem>> -> memref<80xi32, #tpu.memory_space<vmem>>
          %dma_start3A_182 = arith.constant 0 : i32
          %dma_start3A_183 = arith.constant 0 : i32
          %dma_start3A_184 = tpu.memref_slice %arg2[%dma_start3A_182, %dma_start3A_183] : memref<10000x128xf32, #tpu.memory_space<hbm>> -> memref<10000x128xf32, #tpu.memory_space<hbm>>
          tpu.enqueue_indirect_dma source(%dma_start3A_184 : memref<10000x128xf32, #tpu.memory_space<hbm>>) target(%arg11 : memref<80x128xf32, #tpu.memory_space<vmem>>) offsets(%dma_start3A_181 : memref<80xi32, #tpu.memory_space<vmem>>) semaphore(%arg15 : memref<!tpu.dma_semaphore, #tpu.memory_space<semaphore_mem>>)
        } else {
        }
        %scan3A_176 = arith.constant 0 : i32
        scf.yield %scan3A_176 : i32
      }
      %scan3A_50 = arith.constant 6 : i32
      %dma_wait3A = arith.constant 24 : i32
      %dma_wait3A_51 = arith.constant 0 : i32
      %dma_wait3A_52 = tpu.memref_slice %arg6[%dma_wait3A, %dma_wait3A_51] : memref<25x80xi32, #tpu.memory_space<vmem>> -> memref<1x80xi32, #tpu.memory_space<vmem>>
      %dma_wait3A_53 = tpu.memref_squeeze %dma_wait3A_52 : memref<1x80xi32, #tpu.memory_space<vmem>> -> memref<80xi32, #tpu.memory_space<vmem>>
      %dma_wait3A_54 = arith.constant 0 : i32
      %dma_wait3A_55 = arith.constant 0 : i32
      %dma_wait3A_56 = tpu.memref_slice %arg2[%dma_wait3A_54, %dma_wait3A_55] : memref<10000x128xf32, #tpu.memory_space<hbm>> -> memref<10000x128xf32, #tpu.memory_space<hbm>>
      tpu.wait_indirect_dma semaphore(%arg12 : memref<!tpu.dma_semaphore, #tpu.memory_space<semaphore_mem>>) src(%dma_wait3A_56 : memref<10000x128xf32, #tpu.memory_space<hbm>>) dst(%arg8 : memref<80x128xf32, #tpu.memory_space<vmem>>)
      %run_scoped3A_57 = arith.constant 24 : i32
      "tpu.region"() ({
        %run_scoped3A_59 = tpu.sem_alloc : memref<!tpu.dma_semaphore, #tpu.memory_space<semaphore_mem>>
        %dma_start3A_60 = arith.constant 0 : i32
        %dma_start3A_61 = tpu.memref_slice %arg7[%run_scoped3A_57, %dma_start3A_60] : memref<25x80xi32, #tpu.memory_space<vmem>> -> memref<1x80xi32, #tpu.memory_space<vmem>>
        %dma_start3A_62 = tpu.memref_squeeze %dma_start3A_61 : memref<1x80xi32, #tpu.memory_space<vmem>> -> memref<80xi32, #tpu.memory_space<vmem>>
        %dma_start3A_63 = arith.constant 0 : i32
        %dma_start3A_64 = arith.constant 0 : i32
        %dma_start3A_65 = tpu.memref_slice %arg20[%dma_start3A_63, %dma_start3A_64] : memref<10240x128xf32, #tpu.memory_space<vmem_shared>> -> memref<10240x128xf32, #tpu.memory_space<vmem_shared>>
        tpu.enqueue_indirect_dma source(%arg8 : memref<80x128xf32, #tpu.memory_space<vmem>>) target(%dma_start3A_65 : memref<10240x128xf32, #tpu.memory_space<vmem_shared>>) offsets(%dma_start3A_62 : memref<80xi32, #tpu.memory_space<vmem>>) semaphore(%run_scoped3A_59 : memref<!tpu.dma_semaphore, #tpu.memory_space<semaphore_mem>>) {add = true}
        %dma_wait3A_66 = arith.constant 0 : i32
        %dma_wait3A_67 = tpu.memref_slice %arg7[%run_scoped3A_57, %dma_wait3A_66] : memref<25x80xi32, #tpu.memory_space<vmem>> -> memref<1x80xi32, #tpu.memory_space<vmem>>
        %dma_wait3A_68 = tpu.memref_squeeze %dma_wait3A_67 : memref<1x80xi32, #tpu.memory_space<vmem>> -> memref<80xi32, #tpu.memory_space<vmem>>
        %dma_wait3A_69 = arith.constant 0 : i32
        %dma_wait3A_70 = arith.constant 0 : i32
        %dma_wait3A_71 = tpu.memref_slice %arg20[%dma_wait3A_69, %dma_wait3A_70] : memref<10240x128xf32, #tpu.memory_space<vmem_shared>> -> memref<10240x128xf32, #tpu.memory_space<vmem_shared>>
        tpu.wait_indirect_dma semaphore(%run_scoped3A_59 : memref<!tpu.dma_semaphore, #tpu.memory_space<semaphore_mem>>) src(%arg8 : memref<80x128xf32, #tpu.memory_space<vmem>>) dst(%dma_wait3A_71 : memref<10240x128xf32, #tpu.memory_space<vmem_shared>>)
        tpu.yield
      }) : () -> ()
      %scan3A_58 = arith.constant 0 : i32
      scf.yield %scan3A_58 : i32
    }
    %scan3A_8 = arith.constant 5 : i32
    %barrier3A_9 = arith.constant 0 : index
    tpu.barrier barrier_id(%barrier3A_9)
    %mul3A_10 = arith.constant 640 : i32
    %mul3A_11 = arith.muli %arg1, %mul3A_10 : i32
    %mul3A_12 = arith.constant 640 : i32
    %mul3A_13 = arith.muli %arg1, %mul3A_12 : i32
    "tpu.region"() ({
      %run_scoped3A = tpu.sem_alloc : memref<!tpu.dma_semaphore, #tpu.memory_space<semaphore_mem>>
      %dma_start3A = arith.constant 0 : i32
      %dma_start3A_14 = tpu.memref_slice %arg5[%arg0, %mul3A_13, %dma_start3A] : memref<2x10240x128xf32, #tpu.memory_space<hbm>> -> memref<1x640x128xf32, #tpu.memory_space<hbm>>
      %dma_start3A_15 = tpu.memref_squeeze %dma_start3A_14 : memref<1x640x128xf32, #tpu.memory_space<hbm>> -> memref<640x128xf32, #tpu.memory_space<hbm>>
      %dma_start3A_16 = arith.constant 0 : i32
      %dma_start3A_17 = tpu.memref_slice %arg20[%mul3A_11, %dma_start3A_16] : memref<10240x128xf32, #tpu.memory_space<vmem_shared>> -> memref<640x128xf32, #tpu.memory_space<vmem_shared>>
      tpu.enqueue_dma source(%dma_start3A_17 : memref<640x128xf32, #tpu.memory_space<vmem_shared>>) target(%dma_start3A_15 : memref<640x128xf32, #tpu.memory_space<hbm>>) target_semaphore(%run_scoped3A : memref<!tpu.dma_semaphore, #tpu.memory_space<semaphore_mem>>)
      %dma_wait3A = arith.constant 0 : i32
      %dma_wait3A_18 = tpu.memref_slice %arg5[%arg0, %mul3A_13, %dma_wait3A] : memref<2x10240x128xf32, #tpu.memory_space<hbm>> -> memref<1x640x128xf32, #tpu.memory_space<hbm>>
      %dma_wait3A_19 = tpu.memref_squeeze %dma_wait3A_18 : memref<1x640x128xf32, #tpu.memory_space<hbm>> -> memref<640x128xf32, #tpu.memory_space<hbm>>
      %dma_wait3A_20 = arith.constant 0 : i32
      %dma_wait3A_21 = tpu.memref_slice %arg20[%mul3A_11, %dma_wait3A_20] : memref<10240x128xf32, #tpu.memory_space<vmem_shared>> -> memref<640x128xf32, #tpu.memory_space<vmem_shared>>
      tpu.wait_dma2 semaphore(%run_scoped3A : memref<!tpu.dma_semaphore, #tpu.memory_space<semaphore_mem>>) src(%dma_wait3A_21 : memref<640x128xf32, #tpu.memory_space<vmem_shared>>) dst(%dma_wait3A_19 : memref<640x128xf32, #tpu.memory_space<hbm>>)
      tpu.yield
    }) : () -> ()
    return
  }
}

module attributes {stable_mosaic.version = 14 : i64} {
  func.func @_tc_layer_body(%arg0: memref<10000x128xf32, #tpu.memory_space<vmem>>, %arg1: memref<2x10240x128xf32, #tpu.memory_space<vmem>>, %arg2: memref<128x128xf32, #tpu.memory_space<vmem>>, %arg3: memref<1x128xf32, #tpu.memory_space<vmem>>, %arg4: memref<128x128xf32, #tpu.memory_space<vmem>>, %arg5: memref<1x128xf32, #tpu.memory_space<vmem>>, %arg6: memref<1x128xf32, #tpu.memory_space<vmem>>, %arg7: memref<1x128xf32, #tpu.memory_space<vmem>>, %arg8: memref<1x10000xi32, #tpu.memory_space<vmem>>, %arg9: memref<10000x128xf32, #tpu.memory_space<vmem>>, %arg10: memref<256x128xf32, #tpu.memory_space<vmem>>) attributes {dimension_semantics = [], scalar_prefetch = 0 : i64, scratch_operands = 0 : i64, tpu.core_type = #tpu.core_type<tc>} {
    %get3A = arith.constant 0 : index
    %get3A_0 = arith.constant 0 : index
    %get3A_1 = vector.load %arg0[%get3A, %get3A_0] : memref<10000x128xf32, #tpu.memory_space<vmem>>, vector<10000x128xf32>
    %get3A_2 = arith.constant 0 : index
    %get3A_3 = arith.constant 0 : index
    %get3A_4 = arith.constant 0 : index
    %get3A_5 = vector.load %arg1[%get3A_2, %get3A_3, %get3A_4] : memref<2x10240x128xf32, #tpu.memory_space<vmem>>, vector<1x10000x128xf32>
    %get3A_6 = vector.shape_cast %get3A_5 : vector<1x10000x128xf32> to vector<10000x128xf32>
    %add3A = arith.addf %get3A_1, %get3A_6 : vector<10000x128xf32>
    %get3A_7 = arith.constant 1 : index
    %get3A_8 = arith.constant 0 : index
    %get3A_9 = arith.constant 0 : index
    %get3A_10 = vector.load %arg1[%get3A_7, %get3A_8, %get3A_9] : memref<2x10240x128xf32, #tpu.memory_space<vmem>>, vector<1x10000x128xf32>
    %get3A_11 = vector.shape_cast %get3A_10 : vector<1x10000x128xf32> to vector<10000x128xf32>
    %add3A_12 = arith.addf %add3A, %get3A_11 : vector<10000x128xf32>
    %get3A_13 = arith.constant 0 : index
    %get3A_14 = arith.constant 0 : index
    %get3A_15 = vector.load %arg2[%get3A_13, %get3A_14] : memref<128x128xf32, #tpu.memory_space<vmem>>, vector<128x128xf32>
    %dot_general3A = arith.constant dense<0.000000e+00> : vector<10000x128xf32>
    %dot_general3A_16 = tpu.matmul %add3A_12, %get3A_15, %dot_general3A {dimension_numbers = #tpu.dot_dimension_numbers<[1], [0], [0], [1], [0, 0, 1, 1], [], []>, transpose_lhs_hint = false} : vector<10000x128xf32>, vector<128x128xf32>, vector<10000x128xf32> -> vector<10000x128xf32>
    %get3A_17 = arith.constant 0 : index
    %get3A_18 = arith.constant 0 : index
    %get3A_19 = vector.load %arg3[%get3A_17, %get3A_18] : memref<1x128xf32, #tpu.memory_space<vmem>>, vector<1x128xf32>
    %add3A_20 = vector.broadcast %get3A_19 : vector<1x128xf32> to vector<10000x128xf32>
    %add3A_21 = arith.addf %dot_general3A_16, %add3A_20 : vector<10000x128xf32>
    %max3A = arith.constant 0.000000e+00 : f32
    %max3A_22 = vector.broadcast %max3A : f32 to vector<10000x128xf32>
    %max3A_23 = arith.maximumf %add3A_21, %max3A_22 : vector<10000x128xf32>
    %get3A_24 = arith.constant 0 : index
    %get3A_25 = arith.constant 0 : index
    %get3A_26 = vector.load %arg4[%get3A_24, %get3A_25] : memref<128x128xf32, #tpu.memory_space<vmem>>, vector<128x128xf32>
    %dot_general3A_27 = arith.constant dense<0.000000e+00> : vector<10000x128xf32>
    %dot_general3A_28 = tpu.matmul %max3A_23, %get3A_26, %dot_general3A_27 {dimension_numbers = #tpu.dot_dimension_numbers<[1], [0], [0], [1], [0, 0, 1, 1], [], []>, transpose_lhs_hint = false} : vector<10000x128xf32>, vector<128x128xf32>, vector<10000x128xf32> -> vector<10000x128xf32>
    %get3A_29 = arith.constant 0 : index
    %get3A_30 = arith.constant 0 : index
    %get3A_31 = vector.load %arg5[%get3A_29, %get3A_30] : memref<1x128xf32, #tpu.memory_space<vmem>>, vector<1x128xf32>
    %add3A_32 = vector.broadcast %get3A_31 : vector<1x128xf32> to vector<10000x128xf32>
    %add3A_33 = arith.addf %dot_general3A_28, %add3A_32 : vector<10000x128xf32>
    %max3A_34 = arith.constant 0.000000e+00 : f32
    %max3A_35 = vector.broadcast %max3A_34 : f32 to vector<10000x128xf32>
    %max3A_36 = arith.maximumf %add3A_33, %max3A_35 : vector<10000x128xf32>
    %reduce_sum3A = arith.constant dense<0.000000e+00> : vector<128xf32>
    %reduce_sum3A_37 = vector.multi_reduction <add>, %max3A_36, %reduce_sum3A [0] : vector<10000x128xf32> to vector<128xf32>
    %broadcast_in_dim3A = vector.shape_cast %reduce_sum3A_37 : vector<128xf32> to vector<1x128xf32>
    %div3A = arith.constant 1.000000e+04 : f32
    %div3A_38 = vector.broadcast %div3A : f32 to vector<1x128xf32>
    %div3A_39 = arith.divf %broadcast_in_dim3A, %div3A_38 : vector<1x128xf32>
    %mul3A = arith.mulf %max3A_36, %max3A_36 : vector<10000x128xf32>
    %reduce_sum3A_40 = arith.constant dense<0.000000e+00> : vector<128xf32>
    %reduce_sum3A_41 = vector.multi_reduction <add>, %mul3A, %reduce_sum3A_40 [0] : vector<10000x128xf32> to vector<128xf32>
    %broadcast_in_dim3A_42 = vector.shape_cast %reduce_sum3A_41 : vector<128xf32> to vector<1x128xf32>
    %div3A_43 = arith.constant 1.000000e+04 : f32
    %div3A_44 = vector.broadcast %div3A_43 : f32 to vector<1x128xf32>
    %div3A_45 = arith.divf %broadcast_in_dim3A_42, %div3A_44 : vector<1x128xf32>
    %mul3A_46 = arith.mulf %div3A_39, %div3A_39 : vector<1x128xf32>
    %sub3A = arith.subf %div3A_45, %mul3A_46 : vector<1x128xf32>
    %sub3A_47 = vector.broadcast %div3A_39 : vector<1x128xf32> to vector<10000x128xf32>
    %sub3A_48 = arith.subf %max3A_36, %sub3A_47 : vector<10000x128xf32>
    %add3A_49 = arith.constant 9.99999974E-6 : f32
    %add3A_50 = vector.broadcast %add3A_49 : f32 to vector<1x128xf32>
    %add3A_51 = arith.addf %sub3A, %add3A_50 : vector<1x128xf32>
    %rsqrt3A = math.rsqrt %add3A_51 : vector<1x128xf32>
    %mul3A_52 = vector.broadcast %rsqrt3A : vector<1x128xf32> to vector<10000x128xf32>
    %mul3A_53 = arith.mulf %sub3A_48, %mul3A_52 : vector<10000x128xf32>
    %get3A_54 = arith.constant 0 : index
    %get3A_55 = arith.constant 0 : index
    %get3A_56 = vector.load %arg6[%get3A_54, %get3A_55] : memref<1x128xf32, #tpu.memory_space<vmem>>, vector<1x128xf32>
    %mul3A_57 = vector.broadcast %get3A_56 : vector<1x128xf32> to vector<10000x128xf32>
    %mul3A_58 = arith.mulf %mul3A_53, %mul3A_57 : vector<10000x128xf32>
    %get3A_59 = arith.constant 0 : index
    %get3A_60 = arith.constant 0 : index
    %get3A_61 = vector.load %arg7[%get3A_59, %get3A_60] : memref<1x128xf32, #tpu.memory_space<vmem>>, vector<1x128xf32>
    %add3A_62 = vector.broadcast %get3A_61 : vector<1x128xf32> to vector<10000x128xf32>
    %add3A_63 = arith.addf %mul3A_58, %add3A_62 : vector<10000x128xf32>
    %swap3A = arith.constant 0 : index
    %swap3A_64 = arith.constant 0 : index
    %swap3A_65 = vector.load %arg9[%swap3A, %swap3A_64] : memref<10000x128xf32, #tpu.memory_space<vmem>>, vector<10000x128xf32>
    tpu.vector_store %arg9[%swap3A, %swap3A_64], %add3A_63 {strides = array<i32>} : memref<10000x128xf32, #tpu.memory_space<vmem>>, vector<10000x128xf32>,
    %get3A_66 = arith.constant 0 : index
    %get3A_67 = arith.constant 0 : index
    %get3A_68 = vector.load %arg8[%get3A_66, %get3A_67] : memref<1x10000xi32, #tpu.memory_space<vmem>>, vector<1x10000xi32>
    %iota3A = tpu.iota {dimensions = array<i32: 0>} : vector<256x1xi32>
    %eq3A = vector.broadcast %get3A_68 : vector<1x10000xi32> to vector<256x10000xi32>
    %eq3A_69 = vector.broadcast %iota3A : vector<256x1xi32> to vector<256x10000xi32>
    %eq3A_70 = arith.cmpi eq, %eq3A, %eq3A_69 : vector<256x10000xi32>
    %convert_element_type3A = arith.extui %eq3A_70 : vector<256x10000xi1> to vector<256x10000xi32>
    %convert_element_type3A_71 = arith.sitofp %convert_element_type3A : vector<256x10000xi32> to vector<256x10000xf32>
    %dot_general3A_72 = arith.constant dense<0.000000e+00> : vector<256x128xf32>
    %dot_general3A_73 = tpu.matmul %convert_element_type3A_71, %add3A_63, %dot_general3A_72 {dimension_numbers = #tpu.dot_dimension_numbers<[1], [0], [0], [1], [0, 0, 1, 1], [], []>, transpose_lhs_hint = false} : vector<256x10000xf32>, vector<10000x128xf32>, vector<256x128xf32> -> vector<256x128xf32>
    %swap3A_74 = arith.constant 0 : index
    %swap3A_75 = arith.constant 0 : index
    %swap3A_76 = vector.load %arg10[%swap3A_74, %swap3A_75] : memref<256x128xf32, #tpu.memory_space<vmem>>, vector<256x128xf32>
    tpu.vector_store %arg10[%swap3A_74, %swap3A_75], %dot_general3A_73 {strides = array<i32>} : memref<256x128xf32, #tpu.memory_space<vmem>>, vector<256x128xf32>,
    return
  }
}

module attributes {stable_mosaic.version = 14 : i64} {
  func.func @_tc_final_body(%arg0: memref<10000x128xf32, #tpu.memory_space<vmem>>, %arg1: memref<2x10240x128xf32, #tpu.memory_space<vmem>>, %arg2: memref<128x128xf32, #tpu.memory_space<vmem>>, %arg3: memref<1x128xf32, #tpu.memory_space<vmem>>, %arg4: memref<128x128xf32, #tpu.memory_space<vmem>>, %arg5: memref<1x128xf32, #tpu.memory_space<vmem>>, %arg6: memref<1x128xf32, #tpu.memory_space<vmem>>, %arg7: memref<1x128xf32, #tpu.memory_space<vmem>>, %arg8: memref<1x10000xi32, #tpu.memory_space<vmem>>, %arg9: memref<10000x128xf32, #tpu.memory_space<vmem>>, %arg10: memref<10000x128xf32, #tpu.memory_space<vmem>>, %arg11: memref<256x128xf32, #tpu.memory_space<vmem>>, %arg12: memref<256x128xf32, #tpu.memory_space<vmem>>, %arg13: memref<10000x384xf32, #tpu.memory_space<vmem>>, %arg14: memref<256x384xf32, #tpu.memory_space<vmem>>) attributes {dimension_semantics = [], scalar_prefetch = 0 : i64, scratch_operands = 0 : i64, tpu.core_type = #tpu.core_type<tc>} {
    %get3A = arith.constant 0 : index
    %get3A_0 = arith.constant 0 : index
    %get3A_1 = vector.load %arg0[%get3A, %get3A_0] : memref<10000x128xf32, #tpu.memory_space<vmem>>, vector<10000x128xf32>
    %get3A_2 = arith.constant 0 : index
    %get3A_3 = arith.constant 0 : index
    %get3A_4 = arith.constant 0 : index
    %get3A_5 = vector.load %arg1[%get3A_2, %get3A_3, %get3A_4] : memref<2x10240x128xf32, #tpu.memory_space<vmem>>, vector<1x10000x128xf32>
    %get3A_6 = vector.shape_cast %get3A_5 : vector<1x10000x128xf32> to vector<10000x128xf32>
    %add3A = arith.addf %get3A_1, %get3A_6 : vector<10000x128xf32>
    %get3A_7 = arith.constant 1 : index
    %get3A_8 = arith.constant 0 : index
    %get3A_9 = arith.constant 0 : index
    %get3A_10 = vector.load %arg1[%get3A_7, %get3A_8, %get3A_9] : memref<2x10240x128xf32, #tpu.memory_space<vmem>>, vector<1x10000x128xf32>
    %get3A_11 = vector.shape_cast %get3A_10 : vector<1x10000x128xf32> to vector<10000x128xf32>
    %add3A_12 = arith.addf %add3A, %get3A_11 : vector<10000x128xf32>
    %get3A_13 = arith.constant 0 : index
    %get3A_14 = arith.constant 0 : index
    %get3A_15 = vector.load %arg2[%get3A_13, %get3A_14] : memref<128x128xf32, #tpu.memory_space<vmem>>, vector<128x128xf32>
    %dot_general3A = arith.constant dense<0.000000e+00> : vector<10000x128xf32>
    %dot_general3A_16 = tpu.matmul %add3A_12, %get3A_15, %dot_general3A {dimension_numbers = #tpu.dot_dimension_numbers<[1], [0], [0], [1], [0, 0, 1, 1], [], []>, transpose_lhs_hint = false} : vector<10000x128xf32>, vector<128x128xf32>, vector<10000x128xf32> -> vector<10000x128xf32>
    %get3A_17 = arith.constant 0 : index
    %get3A_18 = arith.constant 0 : index
    %get3A_19 = vector.load %arg3[%get3A_17, %get3A_18] : memref<1x128xf32, #tpu.memory_space<vmem>>, vector<1x128xf32>
    %add3A_20 = vector.broadcast %get3A_19 : vector<1x128xf32> to vector<10000x128xf32>
    %add3A_21 = arith.addf %dot_general3A_16, %add3A_20 : vector<10000x128xf32>
    %max3A = arith.constant 0.000000e+00 : f32
    %max3A_22 = vector.broadcast %max3A : f32 to vector<10000x128xf32>
    %max3A_23 = arith.maximumf %add3A_21, %max3A_22 : vector<10000x128xf32>
    %get3A_24 = arith.constant 0 : index
    %get3A_25 = arith.constant 0 : index
    %get3A_26 = vector.load %arg4[%get3A_24, %get3A_25] : memref<128x128xf32, #tpu.memory_space<vmem>>, vector<128x128xf32>
    %dot_general3A_27 = arith.constant dense<0.000000e+00> : vector<10000x128xf32>
    %dot_general3A_28 = tpu.matmul %max3A_23, %get3A_26, %dot_general3A_27 {dimension_numbers = #tpu.dot_dimension_numbers<[1], [0], [0], [1], [0, 0, 1, 1], [], []>, transpose_lhs_hint = false} : vector<10000x128xf32>, vector<128x128xf32>, vector<10000x128xf32> -> vector<10000x128xf32>
    %get3A_29 = arith.constant 0 : index
    %get3A_30 = arith.constant 0 : index
    %get3A_31 = vector.load %arg5[%get3A_29, %get3A_30] : memref<1x128xf32, #tpu.memory_space<vmem>>, vector<1x128xf32>
    %add3A_32 = vector.broadcast %get3A_31 : vector<1x128xf32> to vector<10000x128xf32>
    %add3A_33 = arith.addf %dot_general3A_28, %add3A_32 : vector<10000x128xf32>
    %max3A_34 = arith.constant 0.000000e+00 : f32
    %max3A_35 = vector.broadcast %max3A_34 : f32 to vector<10000x128xf32>
    %max3A_36 = arith.maximumf %add3A_33, %max3A_35 : vector<10000x128xf32>
    %reduce_sum3A = arith.constant dense<0.000000e+00> : vector<128xf32>
    %reduce_sum3A_37 = vector.multi_reduction <add>, %max3A_36, %reduce_sum3A [0] : vector<10000x128xf32> to vector<128xf32>
    %broadcast_in_dim3A = vector.shape_cast %reduce_sum3A_37 : vector<128xf32> to vector<1x128xf32>
    %div3A = arith.constant 1.000000e+04 : f32
    %div3A_38 = vector.broadcast %div3A : f32 to vector<1x128xf32>
    %div3A_39 = arith.divf %broadcast_in_dim3A, %div3A_38 : vector<1x128xf32>
    %mul3A = arith.mulf %max3A_36, %max3A_36 : vector<10000x128xf32>
    %reduce_sum3A_40 = arith.constant dense<0.000000e+00> : vector<128xf32>
    %reduce_sum3A_41 = vector.multi_reduction <add>, %mul3A, %reduce_sum3A_40 [0] : vector<10000x128xf32> to vector<128xf32>
    %broadcast_in_dim3A_42 = vector.shape_cast %reduce_sum3A_41 : vector<128xf32> to vector<1x128xf32>
    %div3A_43 = arith.constant 1.000000e+04 : f32
    %div3A_44 = vector.broadcast %div3A_43 : f32 to vector<1x128xf32>
    %div3A_45 = arith.divf %broadcast_in_dim3A_42, %div3A_44 : vector<1x128xf32>
    %mul3A_46 = arith.mulf %div3A_39, %div3A_39 : vector<1x128xf32>
    %sub3A = arith.subf %div3A_45, %mul3A_46 : vector<1x128xf32>
    %sub3A_47 = vector.broadcast %div3A_39 : vector<1x128xf32> to vector<10000x128xf32>
    %sub3A_48 = arith.subf %max3A_36, %sub3A_47 : vector<10000x128xf32>
    %add3A_49 = arith.constant 9.99999974E-6 : f32
    %add3A_50 = vector.broadcast %add3A_49 : f32 to vector<1x128xf32>
    %add3A_51 = arith.addf %sub3A, %add3A_50 : vector<1x128xf32>
    %rsqrt3A = math.rsqrt %add3A_51 : vector<1x128xf32>
    %mul3A_52 = vector.broadcast %rsqrt3A : vector<1x128xf32> to vector<10000x128xf32>
    %mul3A_53 = arith.mulf %sub3A_48, %mul3A_52 : vector<10000x128xf32>
    %get3A_54 = arith.constant 0 : index
    %get3A_55 = arith.constant 0 : index
    %get3A_56 = vector.load %arg6[%get3A_54, %get3A_55] : memref<1x128xf32, #tpu.memory_space<vmem>>, vector<1x128xf32>
    %mul3A_57 = vector.broadcast %get3A_56 : vector<1x128xf32> to vector<10000x128xf32>
    %mul3A_58 = arith.mulf %mul3A_53, %mul3A_57 : vector<10000x128xf32>
    %get3A_59 = arith.constant 0 : index
    %get3A_60 = arith.constant 0 : index
    %get3A_61 = vector.load %arg7[%get3A_59, %get3A_60] : memref<1x128xf32, #tpu.memory_space<vmem>>, vector<1x128xf32>
    %add3A_62 = vector.broadcast %get3A_61 : vector<1x128xf32> to vector<10000x128xf32>
    %add3A_63 = arith.addf %mul3A_58, %add3A_62 : vector<10000x128xf32>
    %get3A_64 = arith.constant 0 : index
    %get3A_65 = arith.constant 0 : index
    %get3A_66 = vector.load %arg8[%get3A_64, %get3A_65] : memref<1x10000xi32, #tpu.memory_space<vmem>>, vector<1x10000xi32>
    %iota3A = tpu.iota {dimensions = array<i32: 0>} : vector<256x1xi32>
    %eq3A = vector.broadcast %get3A_66 : vector<1x10000xi32> to vector<256x10000xi32>
    %eq3A_67 = vector.broadcast %iota3A : vector<256x1xi32> to vector<256x10000xi32>
    %eq3A_68 = arith.cmpi eq, %eq3A, %eq3A_67 : vector<256x10000xi32>
    %convert_element_type3A = arith.extui %eq3A_68 : vector<256x10000xi1> to vector<256x10000xi32>
    %convert_element_type3A_69 = arith.sitofp %convert_element_type3A : vector<256x10000xi32> to vector<256x10000xf32>
    %dot_general3A_70 = arith.constant dense<0.000000e+00> : vector<256x128xf32>
    %dot_general3A_71 = tpu.matmul %convert_element_type3A_69, %add3A_63, %dot_general3A_70 {dimension_numbers = #tpu.dot_dimension_numbers<[1], [0], [0], [1], [0, 0, 1, 1], [], []>, transpose_lhs_hint = false} : vector<256x10000xf32>, vector<10000x128xf32>, vector<256x128xf32> -> vector<256x128xf32>
    %get3A_72 = arith.constant 0 : index
    %get3A_73 = arith.constant 0 : index
    %get3A_74 = vector.load %arg9[%get3A_72, %get3A_73] : memref<10000x128xf32, #tpu.memory_space<vmem>>, vector<10000x128xf32>
    %swap3A = arith.constant 0 : index
    %swap3A_75 = arith.constant 0 : index
    %swap3A_76 = vector.load %arg13[%swap3A, %swap3A_75] : memref<10000x384xf32, #tpu.memory_space<vmem>>, vector<10000x128xf32>
    tpu.vector_store %arg13[%swap3A, %swap3A_75], %get3A_74 {strides = array<i32>} : memref<10000x384xf32, #tpu.memory_space<vmem>>, vector<10000x128xf32>,
    %get3A_77 = arith.constant 0 : index
    %get3A_78 = arith.constant 0 : index
    %get3A_79 = vector.load %arg10[%get3A_77, %get3A_78] : memref<10000x128xf32, #tpu.memory_space<vmem>>, vector<10000x128xf32>
    %swap3A_80 = arith.constant 0 : index
    %swap3A_81 = arith.constant 128 : index
    %swap3A_82 = vector.load %arg13[%swap3A_80, %swap3A_81] : memref<10000x384xf32, #tpu.memory_space<vmem>>, vector<10000x128xf32>
    tpu.vector_store %arg13[%swap3A_80, %swap3A_81], %get3A_79 {strides = array<i32>} : memref<10000x384xf32, #tpu.memory_space<vmem>>, vector<10000x128xf32>,
    %swap3A_83 = arith.constant 0 : index
    %swap3A_84 = arith.constant 256 : index
    %swap3A_85 = vector.load %arg13[%swap3A_83, %swap3A_84] : memref<10000x384xf32, #tpu.memory_space<vmem>>, vector<10000x128xf32>
    tpu.vector_store %arg13[%swap3A_83, %swap3A_84], %add3A_63 {strides = array<i32>} : memref<10000x384xf32, #tpu.memory_space<vmem>>, vector<10000x128xf32>,
    %get3A_86 = arith.constant 0 : index
    %get3A_87 = arith.constant 0 : index
    %get3A_88 = vector.load %arg11[%get3A_86, %get3A_87] : memref<256x128xf32, #tpu.memory_space<vmem>>, vector<256x128xf32>
    %swap3A_89 = arith.constant 0 : index
    %swap3A_90 = arith.constant 0 : index
    %swap3A_91 = vector.load %arg14[%swap3A_89, %swap3A_90] : memref<256x384xf32, #tpu.memory_space<vmem>>, vector<256x128xf32>
    tpu.vector_store %arg14[%swap3A_89, %swap3A_90], %get3A_88 {strides = array<i32>} : memref<256x384xf32, #tpu.memory_space<vmem>>, vector<256x128xf32>,
    %get3A_92 = arith.constant 0 : index
    %get3A_93 = arith.constant 0 : index
    %get3A_94 = vector.load %arg12[%get3A_92, %get3A_93] : memref<256x128xf32, #tpu.memory_space<vmem>>, vector<256x128xf32>
    %swap3A_95 = arith.constant 0 : index
    %swap3A_96 = arith.constant 128 : index
    %swap3A_97 = vector.load %arg14[%swap3A_95, %swap3A_96] : memref<256x384xf32, #tpu.memory_space<vmem>>, vector<256x128xf32>
    tpu.vector_store %arg14[%swap3A_95, %swap3A_96], %get3A_94 {strides = array<i32>} : memref<256x384xf32, #tpu.memory_space<vmem>>, vector<256x128xf32>,
    %swap3A_98 = arith.constant 0 : index
    %swap3A_99 = arith.constant 256 : index
    %swap3A_100 = vector.load %arg14[%swap3A_98, %swap3A_99] : memref<256x384xf32, #tpu.memory_space<vmem>>, vector<256x128xf32>
    tpu.vector_store %arg14[%swap3A_98, %swap3A_99], %dot_general3A_71 {strides = array<i32>} : memref<256x384xf32, #tpu.memory_space<vmem>>, vector<256x128xf32>,
    return
  }
}

</mosaic_0001>

<sc_bundles>
// kernel: kernel.11.cloned.1.call-start
scs
__scs_entry_jumppad:
0x0: {  	(pc) =	sbr.rel $0x88, $3  }
0x1: {  	(tag) =	ssettag $0x0;
	lr =	simm.s32 $0x1  }
0x2: {  	[smem:$0x3F8C] =	sst lr;
	_ =	strace $0xD0000000  }
0x3: {  	_ = 	snop  }
0x4: {  	_ = 	snop  }
0x5: {  	_ = 	snop  }
0x6: {  	_ = 	snop  }
0x7: {  	_ = 	snop  }
__scs_overlays_trampoline_lowered:
0x8: {  	[smem:$0x3F9B] =	sst s0  }
0x9: {  	[smem:$0x3F9C] =	sst s1  }
0xa: {  	[smem:$0x3F9D] =	sst s2  }
0xb: {  	[smem:$0x3F9E] =	sst s3  }
0xc: {  	[smem:$0x3F9F] =	sst s4  }
0xd: {  	[smem:$0x3FA0] =	sst s5  }
0xe: {  	[smem:$0x3FA1] =	sst s6  }
0xf: {  	[smem:$0x3FA2] =	sst s7  }
0x10: {  	[smem:$0x3FA3] =	sst s8  }
0x11: {  	[smem:$0x3FA4] =	sst s9;
	s0 =	simm.s32 @!p0 $0x0  }
0x12: {  	s1 =	sld [smem:$0x3F8A];
	s0 =	simm.s32 @p0 $0x1  }
0x13: {  	[smem:$0x3FA5] =	sst s0;
	s0 =	simm.s32 @!p1 $0x0  }
0x14: {  	s2 =	sld [smem:$0x3F89];
	s0 =	simm.s32 @p1 $0x1  }
0x15: {  	[smem:$0x3FA6] =	sst s0;
	s0 =	simm.s32 @!p2 $0x0  }
0x16: {  	s3 =	sld [smem:$0x3FDB];
	s0 =	simm.s32 @p2 $0x1  }
0x17: {  	s4 =	simm.s32 $0x1BF5;
	[smem:$0x3FA8] =	sst s0  }
0x18: {  	s0 =	sld [smem:$0x3F8B];
	_ =	swait.ge [sflag:s4], $0x0  }
0x19: {  	s7 =	sld [smem:$0x3F8C]  }
0x1a: {  	s8 =	sadd.s32 $0xFFFFE003, lr  }
0x1b: {  	s9 =	sadd.s32 $0xFFFFFEF7, lr;
	s5 =	simm.s32 $0xFFFFFFFF;
	p2 =	slt.u32 s8, $0xFFFFF086  }
0x1c: {  	p1 =	slt.u32 s9, $0xF7A;
	s5 =	simm.s32 @!p2 $0x0  }
0x1d: {  	s5 =	simm.s32 @p1 $0x1;
	p0 =	seq.s32 s7, s2  }
0x1e: {  	s7 =	smul.u32 @!p0 $0xF7A, s2;
	p2 =	seq.s32 @!p0 s5, $0x0  }
0x1f: {  	s9 =	smul.u32 $0xF7A, s1;
	s8 =	simm.s32 @!p0 $0x1BF5;
	p2 =	por !p2, p0  }
0x20: {  	[sflag:s8] =	ssyncset.s32 @!p0 $0xFFFFF086;
	s6 =	sadd.s32 @!p0 s3, s7;
	s7 =	simm.s32 @!p0 $0x108  }
0x21: {  	s3 =	sadd.s32 s3, s9;
	s6 =	sadd.s32 @!p0 $0x88, s6;
	s7 =	simm.s32 @p2 $0x1082  }
0x22: {  	[simem:s7], [sflag:s8] =	dma.local @!p0 [hbm:s6], $0xF7A  }
0x23: {  	s9 =	sor.u32 $0xD0000000, s2;
	s6 =	simm.s32 $0x108;
	_ =	swait.ge @!p0 [sflag:s8], $0x0  }
0x24: {  	s3 =	sadd.s32 $0x88, s3;
	s6 =	simm.s32 @!p1 $0x1082;
	[sflag:s4] =	ssyncset.s32 $0xFFFFF086  }
0x25: {  	[simem:s6], [sflag:s4] =	dma.local [hbm:s3], $0xF7A  }
0x26: {  	[smem:$0x3F8C] =	sst s1;
	(tag) =	ssettag s2;
	_ =	strace s9  }
0x27: {  	s1 =	sld [smem:$0x3F9C]  }
0x28: {  	s2 =	sld [smem:$0x3F9D]  }
0x29: {  	s4 =	sld [smem:$0x3F9F]  }
0x2a: {  	p0 =	seq.s32 s5, $0x0;
	s5 =	sld [smem:$0x3FA0]  }
0x2b: {  	s6 =	sld [smem:$0x3FA1]  }
0x2c: {  	s7 =	sld [smem:$0x3FA2]  }
0x2d: {  	s3 =	simm.s32 $0x108;
	s8 =	sld [smem:$0x3FA3]  }
0x2e: {  	s3 =	simm.s32 @!p0 $0x1082;
	s9 =	sld [smem:$0x3FA4]  }
0x2f: {  	lr =	sadd.s32 s0, s3;
	s0 =	sld [smem:$0x3F9B]  }
0x30: {  	s3 =	sld [smem:$0x3F9E]  }
0x31: {  	[smem:$0x3FA7] =	sst s10  }
0x32: {  	s10 =	sld [smem:$0x3FA5];
	_ =	sdelay $0x3  }
0x33: {  	p0 =	seq.s32 s10, $0x1;
	s10 =	sld [smem:$0x3FA7];
	_ =	sdelay $0x3  }
0x34: {  	[smem:$0x3FA7] =	sst s10  }
0x35: {  	s10 =	sld [smem:$0x3FA6];
	_ =	sdelay $0x3  }
0x36: {  	p1 =	seq.s32 s10, $0x1;
	s10 =	sld [smem:$0x3FA7];
	_ =	sdelay $0x3  }
0x37: {  	[smem:$0x3FA7] =	sst s10  }
0x38: {  	s10 =	sld [smem:$0x3FA8]  }
0x39: {  	_ = 	snop;
	(pc) =	sbr.ind lr, $3  }
0x3a: {  	_ = 	snop  }
0x3b: {  	_ = 	snop  }
0x3c: {  	p2 =	seq.s32 s10, $0x1;
	s10 =	sld [smem:$0x3FA7]  }
0x3d: {  	_ =	shalt  }
0x3e: {  	_ =	shalt  }
0x3f: {  	_ =	shalt  }
0x40: {  	_ =	shalt  }
0x41: {  	_ =	shalt  }
0x42: {  	_ =	shalt  }
0x43: {  	_ =	shalt  }
0x44: {  	_ =	shalt  }
0x45: {  	_ =	shalt  }
0x46: {  	_ =	shalt  }
0x47: {  	_ =	shalt  }
0x48: {  	_ =	shalt  }
0x49: {  	_ =	shalt  }
0x4a: {  	_ =	shalt  }
0x4b: {  	_ =	shalt  }
0x4c: {  	_ =	shalt  }
0x4d: {  	_ =	shalt  }
0x4e: {  	_ =	shalt  }
0x4f: {  	_ =	shalt  }
0x50: {  	_ =	shalt  }
0x51: {  	_ =	shalt  }
0x52: {  	_ =	shalt  }
0x53: {  	_ =	shalt  }
0x54: {  	_ =	shalt  }
0x55: {  	_ =	shalt  }
0x56: {  	_ =	shalt  }
0x57: {  	_ =	shalt  }
0x58: {  	_ =	shalt  }
0x59: {  	_ =	shalt  }
0x5a: {  	_ =	shalt  }
0x5b: {  	_ =	shalt  }
0x5c: {  	_ =	shalt  }
0x5d: {  	_ =	shalt  }
0x5e: {  	_ =	shalt  }
0x5f: {  	_ =	shalt  }
0x60: {  	_ =	shalt  }
0x61: {  	_ =	shalt  }
0x62: {  	_ =	shalt  }
0x63: {  	_ =	shalt  }
0x64: {  	_ =	shalt  }
0x65: {  	_ =	shalt  }
0x66: {  	_ =	shalt  }
0x67: {  	_ =	shalt  }
0x68: {  	_ =	shalt  }
0x69: {  	_ =	shalt  }
0x6a: {  	_ =	shalt  }
0x6b: {  	_ =	shalt  }
0x6c: {  	_ =	shalt  }
0x6d: {  	_ =	shalt  }
0x6e: {  	_ =	shalt  }
0x6f: {  	_ =	shalt  }
0x70: {  	_ =	shalt  }
0x71: {  	_ =	shalt  }
0x72: {  	_ =	shalt  }
0x73: {  	_ =	shalt  }
0x74: {  	_ =	shalt  }
0x75: {  	_ =	shalt  }
0x76: {  	_ =	shalt  }
0x77: {  	_ =	shalt  }
0x78: {  	_ =	shalt  }
0x79: {  	_ =	shalt  }
0x7a: {  	_ =	shalt  }
0x7b: {  	_ =	shalt  }
0x7c: {  	_ =	shalt  }
0x7d: {  	_ =	shalt  }
0x7e: {  	_ =	shalt  }
0x7f: {  	_ =	shalt  }
0x80: {  	_ =	shalt  }
0x81: {  	_ =	shalt  }
0x82: {  	_ =	shalt  }
0x83: {  	_ =	shalt  }
0x84: {  	_ =	shalt  }
0x85: {  	_ =	shalt  }
0x86: {  	_ =	shalt  }
0x87: {  	_ =	shalt  }
.Lfunc_end0:
.L_simem_size_0:
called_computation.1_lowered:
.L_overlay_start_0:
0x88: {  	s2 =	sld [smem:$0x3FD9]  }
0x89: {  	s3 =	sld [smem:$0x3FFE];
	_ =	sdelay $0x1  }
0x8a: {  	s1 =	srdreg.scid  }
0x8b: {  	s0 =	sand.u32 $0x1, s1  }
0x8c: {  	s14 =	sshll.u32 s0, $0xA;
	s2 =	sadd.s32 s3, s2  }
0x8d: {  	s2 =	sadd.s32 s2, s14  }
0x8e: {  	[smem:$0x3FB3] =	sst s2  }
0x8f: {  	_ = 	snop  }
0x90: {  	s2 =	sld [smem:$0x3FD0];
	_ =	sdelay $0x2  }
0x91: {  	s15 =	simm.s32 $0xA;
	s4 =	simm.s32 $0x10  }
0x92: {  	[smem:s4], [sflag:s15] =	dma.local [hbm:s2], $0x1  }
0x93: {  	_ =	swait.eq [sflag:s15], $0x1  }
0x94: {  	[sflag:s15] =	ssyncset.done $0x0  }
0x95: {  	s16 =	sld [smem:$0x10];
	[sflag:s15] =	ssyncadd.s32 $0xFFFFFFFF  }
0x96: {  	s17 =	sld [smem:$0x11];
	(tm) =	ssettm $0x1  }
0x97: {  	s18 =	sld [smem:$0x3FFB];
	_ =	sdelay $0x3  }
0x98: {  	_ =	strace s18  }
0x99: {  	s4 =	sld [smem:$0x3FFC];
	_ =	sdelay $0x3  }
0x9a: {  	_ =	strace s4  }
0x9b: {  	s4 =	sld [smem:$0x3FFD];
	_ =	sdelay $0x3  }
0x9c: {  	_ =	strace s4  }
0x9d: {  	_ =	strace $0x8FFFFFFF  }
0x9e: {  	s19 =	sld [smem:$0x3FDB];
	_ =	sdelay $0x1  }
0x9f: {  	s5 =	simm.s32 $_scs_section_size  }
0xa0: {  	s6 =	simm.s32 $_size__tile_overlayer_lowered;
	s7 =	simm.s32 $_tile_overlayer_lowered  }
0xa1: {  	s22 =	simm.s32 $0x1BFF;
	s21 =	sshll.u32 s7, $0x1;
	s4 =	sadd.s32 s5, s19  }
0xa2: {  	s8 =	simm.s32 $0x0;
	s20 =	sshll.u32 s6, $0x1;
	s6 =	sadd.s32 s21, s4  }
0xa3: {  	[timem:s8], [sflag:s22] =	dma.local [hbm:s6], s20  }
0xa4: {  	_ =	swait.ge [sflag:s22], s20  }
0xa5: {  	s5 =	ssub.s32 $0x0, s20;
	[sflag:s22] =	ssyncset.done $0x0  }
0xa6: {  	[sflag:s22] =	ssyncadd.s32 s5;
	_ =	sdelay $0x1  }
0xa7: {  	s23 =	simm.s32 $0x1B8B  }
0xa8: {  	_ =	swait.ge [sflag:s23], $0x1  }
0xa9: {  	[sflag:s23] =	ssyncset.done $0x0  }
0xaa: {  	s25 =	simm.s32 $0x1B8E;
	s24 =	sld [smem:$0x3FFE];
	[sflag:s23] =	ssyncadd.s32 $0xFFFFFFFF  }
0xab: {  	s26 =	simm.s32 $execute0_lowered;
	[smem:$0x3FD2] =	sst s25  }
0xac: {  	s6 =	sshll.u32 s26, $0x1;
	_ =	strace $0x80000049;
	[dreg:$0x1] =	wrdreg $0xFFFFFFFF  }
0xad: {  	s28 =	simm.s32 $_size_execute0_lowered;
	s4 =	sadd.s32 s4, s6;
	[dreg:$0x0] =	wrdreg $0x0  }
0xae: {  	s6 =	sshll.u32 s28, $0x1;
	[dreg:$0x2] =	wrdreg s4  }
0xaf: {  	[dreg:$0x3] =	wrdreg s6  }
0xb0: {  	[dreg:$0x4] =	wrdreg $0xC0  }
0xb1: {  	_ =	task [dreg:s8], $0x5FFFF  }
0xb2: {  	[dreg:$0x1] =	wrdreg $0xFFFFFFFF  }
0xb3: {  	[dreg:$0x0] =	wrdreg $0x60  }
0xb4: {  	[dreg:$0x2] =	wrdreg s24  }
0xb5: {  	[dreg:$0x3] =	wrdreg s16  }
0xb6: {  	[dreg:$0x4] =	wrdreg s17  }
0xb7: {  	[dreg:$0x5] =	wrdreg $0xC0000  }
0xb8: {  	[dreg:$0x6] =	wrdreg $0x9  }
0xb9: {  	_ =	task.clear_ibuf [dreg:s8], $0x7FFFF;
	_ =	strace $0x90000049  }
0xba: {  	s29 =	simm.s32 $0x9;
	_ =	strace $0x8000004B  }
0xbb: {  	_ =	swait.ge [sflag:s29], $0x1  }
0xbc: {  	[sflag:s29] =	ssyncadd.s32 $0xFFFFFFFF  }
0xbd: {  	_ =	strace $0x9000004B  }
0xbe: {  	_ =	sfence  }
0xbf: {  	s30 =	sld [smem:$0x0];
	_ =	sdelay $0x2  }
0xc0: {  	s31 =	sshll.u32 s1, $0xD;
	s1 =	sshrl.u32 s1, $0x2  }
0xc1: {  	s3 =	sand.u32 $0x4000, s31;
	s1 =	sadd.s32 s1, s30  }
0xc2: {  	s0 =	sor.u32 s3, s0;
	s1 =	sshll.u32 s1, $0x11  }
0xc3: {  	s0 =	sor.u32 s1, s0  }
0xc4: {  	s0 =	sadd.s32 $0x8F2B, s0  }
0xc5: {  	[sflag:s0] =	ssyncadd.remote.s32 $0x1  }
0xc6: {  	_ =	sfence.sel $0xFFFF  }
0xc7: {  	[dreg:$0x0] =	wrdreg $0xFFFFFFFF;
	(pc) =	sbr.abs _section_cstart, $3  }
0xc8: {  	[dreg:$0x1] =	wrdreg $0xFFFFFFFF  }
0xc9: {  	_ =	task.clear_ibuf [dreg:s8], $0x2FFFF;
	_ =	strace $0x9FFFFFFF  }
0xca: {  	(tm) =	ssettm $0x7FFFFFFF  }
0xcb: {  	_ =	shalt  }
tec
execute0_lowered:
.L_overlay_start_1:
0x0: {  	(tag) =	ssettag $0x1  }
0x1: {  	s0 =	srdreg.scid;
	s9 =	stileid.u32  }
0x2: {  	s2 =	sand.u32 $0x1, s0;
	s4 =	smul.u32 $0xA000, s9  }
0x3: {  	s1 =	rddreg [dreg:$0x0];
	s5 =	smul.u32 $0x5000, s2  }
0x4: {  	s3 =	rddreg [dreg:$0x3]  }
0x5: {  	s0 =	rddreg [dreg:$0x2];
	s5 =	sadd.s32 s5, s4;
	s4 =	simm.s32 $0x0  }
0x6: {  	s21 =	simm.s32 $0x80;
	[smem:$0x7FF] =	sst s4  }
0x7: {  	s22 =	simm.s32 $0x100;
	_ =	strace $0x8000004A;
	[dreg:$0x7] =	wrdreg s21  }
0x8: {  	s23 =	simm.s32 $0x180;
	[dreg:$0x8] =	wrdreg s22  }
0x9: {  	s24 =	simm.s32 $0x1080;
	[dreg:$0x9] =	wrdreg s23  }
0xa: {  	s25 =	simm.s32 $0x1100;
	[dreg:$0xa] =	wrdreg s24  }
0xb: {  	s26 =	simm.s32 $0x1180;
	[dreg:$0xb] =	wrdreg s25  }
0xc: {  	s8 =	simm.s32 $0x300;
	s10 =	simm.s32 $0x380;
	[dreg:$0xc] =	wrdreg s26  }
0xd: {  	s12 =	simm.s32 $0x1200;
	s14 =	simm.s32 $0x1280;
	[dreg:$0xf] =	wrdreg s8  }
0xe: {  	s15 =	simm.s32 $0x1300;
	s16 =	simm.s32 $0x1380;
	[dreg:$0x10] =	wrdreg s10  }
0xf: {  	s18 =	simm.s32 $0x400;
	s19 =	simm.s32 $0x480;
	[dreg:$0x11] =	wrdreg s12  }
0x10: {  	s28 =	simm.s32 $0xB80;
	s29 =	simm.s32 $0x1A00;
	[dreg:$0x12] =	wrdreg s14  }
0x11: {  	s30 =	simm.s32 $0x1A80;
	s31 =	simm.s32 $0x1B00;
	[dreg:$0x13] =	wrdreg s15  }
0x12: {  	s7 =	sadd.s32 $0x4E00, s1;
	s20 =	sshll.u32 s9, $0x6;
	[dreg:$0x14] =	wrdreg s16  }
0x13: {  	s6 =	sadd.s32 $0xA0000, s5;
	s5 =	sshrl.u32 s5, $0x3;
	[dreg:$0x15] =	wrdreg s18  }
0x14: {  	s11 =	ssub.s32 $0x2, s2;
	s5 =	sadd.s32 s5, s7;
	[dreg:$0x16] =	wrdreg s19  }
0x15: {  	s2 =	smul.u32 $0x140000, s2;
	s21 =	simm.s32 $0x500;
	[dreg:$0x6] =	wrdreg s5  }
0x16: {  	s13 =	sshrl.u32 s11, $0x1;
	s22 =	simm.s32 $0x580;
	[dreg:$0x17] =	wrdreg s21  }
0x17: {  	s6 =	sshrl.u32 s6, $0x3;
	s23 =	simm.s32 $0x1400;
	[dreg:$0x18] =	wrdreg s22  }
0x18: {  	s8 =	smul.u32 $0x50000, s9;
	s24 =	simm.s32 $0x1480;
	[dreg:$0x19] =	wrdreg s23  }
0x19: {  	s9 =	smul.u32 $0x14000, s9;
	s25 =	simm.s32 $0x1500;
	[dreg:$0x1a] =	wrdreg s24  }
0x1a: {  	s26 =	simm.s32 $0x1580;
	s12 =	simm.s32 $0x700;
	[dreg:$0x1b] =	wrdreg s25  }
0x1b: {  	s14 =	simm.s32 $0x1600;
	s15 =	simm.s32 $0x1680;
	[dreg:$0x1c] =	wrdreg s26  }
0x1c: {  	s16 =	simm.s32 $0x1700;
	s18 =	simm.s32 $0x800;
	[dreg:$0x1f] =	wrdreg s12  }
0x1d: {  	s19 =	simm.s32 $0x880;
	s6 =	sadd.s32 s6, s7;
	[smem:$0x7EF] =	sst s14  }
0x1e: {  	s7 =	simm.s32 $0x280;
	s5 =	sadd.s32 $0x2CE00, s1;
	[smem:$0x7F0] =	sst s15  }
0x1f: {  	s12 =	simm.s32 $0x50;
	s14 =	simm.s32 $0x4800;
	[smem:$0x7F1] =	sst s16  }
0x20: {  	s15 =	simm.s32 $0x7000;
	s16 =	simm.s32 $0x9800;
	[smem:$0x7F3] =	sst s18  }
0x21: {  	[smem:$0x7F4] =	sst s19;
	s18 =	simm.s32 $0x2;
	s21 =	simm.s32 $0x980  }
0x22: {  	s19 =	simm.s32 $0x3;
	s22 =	simm.s32 $0x1800;
	[dreg:$0x5] =	wrdreg s6  }
0x23: {  	s23 =	simm.s32 $0x1880;
	s24 =	simm.s32 $0x1900;
	[dreg:$0xe] =	wrdreg s7  }
0x24: {  	s25 =	simm.s32 $0x1980;
	s26 =	simm.s32 $0xA00;
	[smem:$0x7F6] =	sst s21  }
0x25: {  	s1 =	simm.s32 $0x1B80;
	s6 =	simm.s32 $0x200;
	[smem:$0x7F7] =	sst s22  }
0x26: {  	s17 =	sshrl.u32 s8, $0x2;
	s8 =	sor.u32 $0x1C09, s20;
	[smem:$0x7F8] =	sst s23  }
0x27: {  	s2 =	sadd.s32 s9, s2;
	s9 =	simm.s32 $0x600;
	[smem:$0x7F9] =	sst s24  }
0x28: {  	s20 =	simm.s32 $0x900;
	s21 =	simm.s32 $0x5;
	[smem:$0x7FA] =	sst s25  }
0x29: {  	s22 =	simm.s32 $0x6;
	s23 =	simm.s32 $0x7;
	[smem:$0x7FB] =	sst s26  }
0x2a: {  	s24 =	simm.s32 $0x8;
	s25 =	simm.s32 $0xA80;
	[dreg:$0xd] =	wrdreg s6  }
0x2b: {  	s26 =	simm.s32 $0xB00;
	s6 =	ssub.s32 s11, s13;
	[dreg:$0x1d] =	wrdreg s9  }
0x2c: {  	s7 =	sadd.s32 s17, s3;
	s2 =	sshrl.u32 s2, $0x3;
	[smem:$0x7F5] =	sst s20  }
0x2d: {  	s11 =	simm.s32 $0x680;
	s13 =	simm.s32 $0x780;
	[smem:$0x7FC] =	sst s8  }
0x2e: {  	s17 =	simm.s32 $0x1780;
	s20 =	simm.s32 $0x4;
	[dreg:$0x1e] =	wrdreg s11  }
0x2f: {  	s9 =	simm.s32 $0x0;
	s0 =	sadd.s32 s0, s2;
	[smem:$0x7EE] =	sst s13  }
0x30: {  	s10 =	smax.u32 s6, $0x1;
	s7 =	sshrl.u32 s7, $0x3;
	[smem:$0x7F2] =	sst s17  }
0x31: {  	s11 =	simm.s32 $0x1000;
	s13 =	simm.s32 $0x2000;
	[smem:$0x7EC] =	sst s0  }
0x32: {  	s17 =	simm.s32 $0x1;
	s2 =	simm.s32 $0x1C00;
	[smem:$0x7ED] =	sst s10  }
0x33: {  	s10 =	simm.s32 $0x9;
	s0 =	simm.s32 $0xC00;
	[smem:$0x7FD] =	sst s7  }
.LBB2_1:
0x34: {  	[smem:$0x7EB] =	sst s9  }
0x35: {  	s6 =	rddreg [dreg:$0x1]  }
0x36: {  	[spmem:s7], [sflag:s8] =	dma.local [hbm:s6], $0x2800  }
0x37: {  	_ =	swait.ge [sflag:s10], $0x2800  }
0x38: {  	[sflag:s10] =	ssyncset.done $0x0  }
0x39: {  	[sflag:s10] =	ssyncadd.s32 $0xFFFFD800  }
0x3a: {  	[bflag:$0x0] =	sbarrier.arrive $0xFFFF  }
0x3b: {  	s7 =	rddreg [dreg:$0x6]  }
0x3c: {  	s6 =	sadd.s32 $0x0, s7  }
0x3d: {  	[tilespmem:s4], [sflag:$0x9] =	stream.linear.gather [hbm4b:s6+s4], $0xC80, $0x38;
	v63 =	vld [tilespmem:$0x0]  }
0x3e: {  	_ =	swait.ge [sflag:s10], $0xC80  }
0x3f: {  	s8 =	rddreg [dreg:$0x5];
	[sflag:s10] =	ssyncset.done $0x0  }
0x40: {  	[sflag:s10] =	ssyncadd.s32 $0xFFFFF380;
	s6 =	sadd.s32 $0x0, s8  }
0x41: {  	[tilespmem:s11], [sflag:$0x9] =	stream.linear.gather [hbm4b:s6+s4], $0xC80, $0x38;
	v63 =	vld [tilespmem:$0x0]  }
0x42: {  	_ =	swait.ge [sflag:s10], $0xC80  }
0x43: {  	[sflag:s10] =	ssyncset.done $0x0  }
0x44: {  	[sflag:s10] =	ssyncadd.s32 $0xFFFFF380  }
0x45: {  	[tilespmem:s13], [sflag:$0x1] =	stream.indirect.gather [hbm4b:s5+s12], $0x80, s4, s12, $0xb8;
	v63 =	vld [tilespmem:$0x0]  }
0x46: {  	s9 =	rddreg [dreg:$0x7]  }
0x47: {  	[tilespmem:s14], [sflag:$0x2] =	stream.indirect.gather [hbm4b:s5+s12], $0x80, s9, s12, $0xb8;
	v63 =	vld [tilespmem:$0x0]  }
0x48: {  	s7 =	rddreg [dreg:$0x8]  }
0x49: {  	[tilespmem:s15], [sflag:$0x3] =	stream.indirect.gather [hbm4b:s5+s12], $0x80, s7, s12, $0xb8;
	v63 =	vld [tilespmem:$0x0]  }
0x4a: {  	s9 =	rddreg [dreg:$0x9]  }
0x4b: {  	[tilespmem:s16], [sflag:$0x4] =	stream.indirect.gather [hbm4b:s5+s12], $0x80, s9, s12, $0xb8;
	v63 =	vld [tilespmem:$0x0]  }
0x4c: {  	_ =	swait.ge [sflag:s17], $0x2800  }
0x4d: {  	[sflag:s17] =	ssyncset.done $0x0  }
0x4e: {  	[sflag:s17] =	ssyncadd.s32 $0xFFFFD800  }
0x4f: {  	[spmem:s3] =	stream.indirect.scatter.add.f32 [tilespmem:s13], [sflag:$0x5], $0x80, s11, s12, $0xb8;
	v63 =	vld [tilespmem:$0x0]  }
0x50: {  	_ =	swait.ge [sflag:s18], $0x2800  }
0x51: {  	[sflag:s18] =	ssyncset.done $0x0  }
0x52: {  	s7 =	rddreg [dreg:$0xa];
	[sflag:s18] =	ssyncadd.s32 $0xFFFFD800  }
0x53: {  	[spmem:s3] =	stream.indirect.scatter.add.f32 [tilespmem:s14], [sflag:$0x6], $0x80, s7, s12, $0xb8;
	v63 =	vld [tilespmem:$0x0]  }
0x54: {  	_ =	swait.ge [sflag:s19], $0x2800  }
0x55: {  	[sflag:s19] =	ssyncset.done $0x0  }
0x56: {  	s8 =	rddreg [dreg:$0xb];
	[sflag:s19] =	ssyncadd.s32 $0xFFFFD800  }
0x57: {  	[spmem:s3] =	stream.indirect.scatter.add.f32 [tilespmem:s15], [sflag:$0x7], $0x80, s8, s12, $0xb8;
	v63 =	vld [tilespmem:$0x0]  }
0x58: {  	_ =	swait.ge [sflag:s20], $0x2800  }
0x59: {  	[sflag:s20] =	ssyncset.done $0x0  }
0x5a: {  	s9 =	rddreg [dreg:$0xc];
	[sflag:s20] =	ssyncadd.s32 $0xFFFFD800  }
0x5b: {  	[spmem:s3] =	stream.indirect.scatter.add.f32 [tilespmem:s16], [sflag:$0x8], $0x80, s9, s12, $0xb8;
	v63 =	vld [tilespmem:$0x0]  }
0x5c: {  	_ =	swait.ge [sflag:s21], $0x2800  }
0x5d: {  	[sflag:s21] =	ssyncset.done $0x0  }
0x5e: {  	s7 =	rddreg [dreg:$0xd];
	[sflag:s21] =	ssyncadd.s32 $0xFFFFD800  }
0x5f: {  	[tilespmem:s13], [sflag:$0x1] =	stream.indirect.gather [hbm4b:s5+s12], $0x80, s7, s12, $0xb8;
	v63 =	vld [tilespmem:$0x0]  }
0x60: {  	_ =	swait.ge [sflag:s22], $0x2800  }
0x61: {  	[sflag:s22] =	ssyncset.done $0x0  }
0x62: {  	s8 =	rddreg [dreg:$0xe];
	[sflag:s22] =	ssyncadd.s32 $0xFFFFD800  }
0x63: {  	[tilespmem:s14], [sflag:$0x2] =	stream.indirect.gather [hbm4b:s5+s12], $0x80, s8, s12, $0xb8;
	v63 =	vld [tilespmem:$0x0]  }
0x64: {  	_ =	swait.ge [sflag:s23], $0x2800  }
0x65: {  	[sflag:s23] =	ssyncset.done $0x0  }
0x66: {  	s9 =	rddreg [dreg:$0xf];
	[sflag:s23] =	ssyncadd.s32 $0xFFFFD800  }
0x67: {  	[tilespmem:s15], [sflag:$0x3] =	stream.indirect.gather [hbm4b:s5+s12], $0x80, s9, s12, $0xb8;
	v63 =	vld [tilespmem:$0x0]  }
0x68: {  	_ =	swait.ge [sflag:s24], $0x2800  }
0x69: {  	[sflag:s24] =	ssyncset.done $0x0  }
0x6a: {  	s7 =	rddreg [dreg:$0x10];
	[sflag:s24] =	ssyncadd.s32 $0xFFFFD800  }
0x6b: {  	[tilespmem:s16], [sflag:$0x4] =	stream.indirect.gather [hbm4b:s5+s12], $0x80, s7, s12, $0xb8;
	v63 =	vld [tilespmem:$0x0]  }
0x6c: {  	_ =	swait.ge [sflag:s17], $0x2800  }
0x6d: {  	[sflag:s17] =	ssyncset.done $0x0  }
0x6e: {  	s8 =	rddreg [dreg:$0x11];
	[sflag:s17] =	ssyncadd.s32 $0xFFFFD800  }
0x6f: {  	[spmem:s3] =	stream.indirect.scatter.add.f32 [tilespmem:s13], [sflag:$0x5], $0x80, s8, s12, $0xb8;
	v63 =	vld [tilespmem:$0x0]  }
0x70: {  	_ =	swait.ge [sflag:s18], $0x2800  }
0x71: {  	[sflag:s18] =	ssyncset.done $0x0  }
0x72: {  	s9 =	rddreg [dreg:$0x12];
	[sflag:s18] =	ssyncadd.s32 $0xFFFFD800  }
0x73: {  	[spmem:s3] =	stream.indirect.scatter.add.f32 [tilespmem:s14], [sflag:$0x6], $0x80, s9, s12, $0xb8;
	v63 =	vld [tilespmem:$0x0]  }
0x74: {  	_ =	swait.ge [sflag:s19], $0x2800  }
0x75: {  	[sflag:s19] =	ssyncset.done $0x0  }
0x76: {  	s7 =	rddreg [dreg:$0x13];
	[sflag:s19] =	ssyncadd.s32 $0xFFFFD800  }
0x77: {  	[spmem:s3] =	stream.indirect.scatter.add.f32 [tilespmem:s15], [sflag:$0x7], $0x80, s7, s12, $0xb8;
	v63 =	vld [tilespmem:$0x0]  }
0x78: {  	_ =	swait.ge [sflag:s20], $0x2800  }
0x79: {  	[sflag:s20] =	ssyncset.done $0x0  }
0x7a: {  	s8 =	rddreg [dreg:$0x14];
	[sflag:s20] =	ssyncadd.s32 $0xFFFFD800  }
0x7b: {  	[spmem:s3] =	stream.indirect.scatter.add.f32 [tilespmem:s16], [sflag:$0x8], $0x80, s8, s12, $0xb8;
	v63 =	vld [tilespmem:$0x0]  }
0x7c: {  	_ =	swait.ge [sflag:s21], $0x2800  }
0x7d: {  	[sflag:s21] =	ssyncset.done $0x0  }
0x7e: {  	s9 =	rddreg [dreg:$0x15];
	[sflag:s21] =	ssyncadd.s32 $0xFFFFD800  }
0x7f: {  	[tilespmem:s13], [sflag:$0x1] =	stream.indirect.gather [hbm4b:s5+s12], $0x80, s9, s12, $0xb8;
	v63 =	vld [tilespmem:$0x0]  }
0x80: {  	_ =	swait.ge [sflag:s22], $0x2800  }
0x81: {  	[sflag:s22] =	ssyncset.done $0x0  }
0x82: {  	s7 =	rddreg [dreg:$0x16];
	[sflag:s22] =	ssyncadd.s32 $0xFFFFD800  }
0x83: {  	[tilespmem:s14], [sflag:$0x2] =	stream.indirect.gather [hbm4b:s5+s12], $0x80, s7, s12, $0xb8;
	v63 =	vld [tilespmem:$0x0]  }
0x84: {  	_ =	swait.ge [sflag:s23], $0x2800  }
0x85: {  	[sflag:s23] =	ssyncset.done $0x0  }
0x86: {  	s8 =	rddreg [dreg:$0x17];
	[sflag:s23] =	ssyncadd.s32 $0xFFFFD800  }
0x87: {  	[tilespmem:s15], [sflag:$0x3] =	stream.indirect.gather [hbm4b:s5+s12], $0x80, s8, s12, $0xb8;
	v63 =	vld [tilespmem:$0x0]  }
0x88: {  	_ =	swait.ge [sflag:s24], $0x2800  }
0x89: {  	[sflag:s24] =	ssyncset.done $0x0  }
0x8a: {  	s9 =	rddreg [dreg:$0x18];
	[sflag:s24] =	ssyncadd.s32 $0xFFFFD800  }
0x8b: {  	[tilespmem:s16], [sflag:$0x4] =	stream.indirect.gather [hbm4b:s5+s12], $0x80, s9, s12, $0xb8;
	v63 =	vld [tilespmem:$0x0]  }
0x8c: {  	_ =	swait.ge [sflag:s17], $0x2800  }
0x8d: {  	[sflag:s17] =	ssyncset.done $0x0  }
0x8e: {  	s7 =	rddreg [dreg:$0x19];
	[sflag:s17] =	ssyncadd.s32 $0xFFFFD800  }
0x8f: {  	[spmem:s3] =	stream.indirect.scatter.add.f32 [tilespmem:s13], [sflag:$0x5], $0x80, s7, s12, $0xb8;
	v63 =	vld [tilespmem:$0x0]  }
0x90: {  	_ =	swait.ge [sflag:s18], $0x2800  }
0x91: {  	[sflag:s18] =	ssyncset.done $0x0  }
0x92: {  	s8 =	rddreg [dreg:$0x1a];
	[sflag:s18] =	ssyncadd.s32 $0xFFFFD800  }
0x93: {  	[spmem:s3] =	stream.indirect.scatter.add.f32 [tilespmem:s14], [sflag:$0x6], $0x80, s8, s12, $0xb8;
	v63 =	vld [tilespmem:$0x0]  }
0x94: {  	_ =	swait.ge [sflag:s19], $0x2800  }
0x95: {  	[sflag:s19] =	ssyncset.done $0x0  }
0x96: {  	s9 =	rddreg [dreg:$0x1b];
	[sflag:s19] =	ssyncadd.s32 $0xFFFFD800  }
0x97: {  	[spmem:s3] =	stream.indirect.scatter.add.f32 [tilespmem:s15], [sflag:$0x7], $0x80, s9, s12, $0xb8;
	v63 =	vld [tilespmem:$0x0]  }
0x98: {  	_ =	swait.ge [sflag:s20], $0x2800  }
0x99: {  	[sflag:s20] =	ssyncset.done $0x0  }
0x9a: {  	s7 =	rddreg [dreg:$0x1c];
	[sflag:s20] =	ssyncadd.s32 $0xFFFFD800  }
0x9b: {  	[spmem:s3] =	stream.indirect.scatter.add.f32 [tilespmem:s16], [sflag:$0x8], $0x80, s7, s12, $0xb8;
	v63 =	vld [tilespmem:$0x0]  }
0x9c: {  	_ =	swait.ge [sflag:s21], $0x2800  }
0x9d: {  	[sflag:s21] =	ssyncset.done $0x0  }
0x9e: {  	s8 =	rddreg [dreg:$0x1d];
	[sflag:s21] =	ssyncadd.s32 $0xFFFFD800  }
0x9f: {  	[tilespmem:s13], [sflag:$0x1] =	stream.indirect.gather [hbm4b:s5+s12], $0x80, s8, s12, $0xb8;
	v63 =	vld [tilespmem:$0x0]  }
0xa0: {  	_ =	swait.ge [sflag:s22], $0x2800  }
0xa1: {  	[sflag:s22] =	ssyncset.done $0x0  }
0xa2: {  	s9 =	rddreg [dreg:$0x1e];
	[sflag:s22] =	ssyncadd.s32 $0xFFFFD800  }
0xa3: {  	[tilespmem:s14], [sflag:$0x2] =	stream.indirect.gather [hbm4b:s5+s12], $0x80, s9, s12, $0xb8;
	v63 =	vld [tilespmem:$0x0]  }
0xa4: {  	_ =	swait.ge [sflag:s23], $0x2800  }
0xa5: {  	[sflag:s23] =	ssyncset.done $0x0  }
0xa6: {  	s7 =	rddreg [dreg:$0x1f];
	[sflag:s23] =	ssyncadd.s32 $0xFFFFD800  }
0xa7: {  	[tilespmem:s15], [sflag:$0x3] =	stream.indirect.gather [hbm4b:s5+s12], $0x80, s7, s12, $0xb8;
	v63 =	vld [tilespmem:$0x0]  }
0xa8: {  	_ =	swait.ge [sflag:s24], $0x2800  }
0xa9: {  	s8 =	sld [smem:$0x7EE]  }
0xaa: {  	[sflag:s24] =	ssyncset.done $0x0  }
0xab: {  	[sflag:s24] =	ssyncadd.s32 $0xFFFFD800  }
0xac: {  	[tilespmem:s16], [sflag:$0x4] =	stream.indirect.gather [hbm4b:s5+s12], $0x80, s8, s12, $0xb8;
	v63 =	vld [tilespmem:$0x0]  }
0xad: {  	_ =	swait.ge [sflag:s17], $0x2800  }
0xae: {  	s9 =	sld [smem:$0x7EF]  }
0xaf: {  	[sflag:s17] =	ssyncset.done $0x0  }
0xb0: {  	[sflag:s17] =	ssyncadd.s32 $0xFFFFD800  }
0xb1: {  	[spmem:s3] =	stream.indirect.scatter.add.f32 [tilespmem:s13], [sflag:$0x5], $0x80, s9, s12, $0xb8;
	v63 =	vld [tilespmem:$0x0]  }
0xb2: {  	_ =	swait.ge [sflag:s18], $0x2800  }
0xb3: {  	s7 =	sld [smem:$0x7F0]  }
0xb4: {  	[sflag:s18] =	ssyncset.done $0x0  }
0xb5: {  	[sflag:s18] =	ssyncadd.s32 $0xFFFFD800  }
0xb6: {  	[spmem:s3] =	stream.indirect.scatter.add.f32 [tilespmem:s14], [sflag:$0x6], $0x80, s7, s12, $0xb8;
	v63 =	vld [tilespmem:$0x0]  }
0xb7: {  	_ =	swait.ge [sflag:s19], $0x2800  }
0xb8: {  	s8 =	sld [smem:$0x7F1]  }
0xb9: {  	[sflag:s19] =	ssyncset.done $0x0  }
0xba: {  	[sflag:s19] =	ssyncadd.s32 $0xFFFFD800  }
0xbb: {  	[spmem:s3] =	stream.indirect.scatter.add.f32 [tilespmem:s15], [sflag:$0x7], $0x80, s8, s12, $0xb8;
	v63 =	vld [tilespmem:$0x0]  }
0xbc: {  	_ =	swait.ge [sflag:s20], $0x2800  }
0xbd: {  	s9 =	sld [smem:$0x7F2]  }
0xbe: {  	[sflag:s20] =	ssyncset.done $0x0  }
0xbf: {  	[sflag:s20] =	ssyncadd.s32 $0xFFFFD800  }
0xc0: {  	[spmem:s3] =	stream.indirect.scatter.add.f32 [tilespmem:s16], [sflag:$0x8], $0x80, s9, s12, $0xb8;
	v63 =	vld [tilespmem:$0x0]  }
0xc1: {  	_ =	swait.ge [sflag:s21], $0x2800  }
0xc2: {  	s7 =	sld [smem:$0x7F3]  }
0xc3: {  	[sflag:s21] =	ssyncset.done $0x0  }
0xc4: {  	[sflag:s21] =	ssyncadd.s32 $0xFFFFD800  }
0xc5: {  	[tilespmem:s13], [sflag:$0x1] =	stream.indirect.gather [hbm4b:s5+s12], $0x80, s7, s12, $0xb8;
	v63 =	vld [tilespmem:$0x0]  }
0xc6: {  	_ =	swait.ge [sflag:s22], $0x2800  }
0xc7: {  	s8 =	sld [smem:$0x7F4]  }
0xc8: {  	[sflag:s22] =	ssyncset.done $0x0  }
0xc9: {  	[sflag:s22] =	ssyncadd.s32 $0xFFFFD800  }
0xca: {  	[tilespmem:s14], [sflag:$0x2] =	stream.indirect.gather [hbm4b:s5+s12], $0x80, s8, s12, $0xb8;
	v63 =	vld [tilespmem:$0x0]  }
0xcb: {  	_ =	swait.ge [sflag:s23], $0x2800  }
0xcc: {  	s9 =	sld [smem:$0x7F5]  }
0xcd: {  	[sflag:s23] =	ssyncset.done $0x0  }
0xce: {  	[sflag:s23] =	ssyncadd.s32 $0xFFFFD800  }
0xcf: {  	[tilespmem:s15], [sflag:$0x3] =	stream.indirect.gather [hbm4b:s5+s12], $0x80, s9, s12, $0xb8;
	v63 =	vld [tilespmem:$0x0]  }
0xd0: {  	_ =	swait.ge [sflag:s24], $0x2800  }
0xd1: {  	s7 =	sld [smem:$0x7F6]  }
0xd2: {  	[sflag:s24] =	ssyncset.done $0x0  }
0xd3: {  	[sflag:s24] =	ssyncadd.s32 $0xFFFFD800  }
0xd4: {  	[tilespmem:s16], [sflag:$0x4] =	stream.indirect.gather [hbm4b:s5+s12], $0x80, s7, s12, $0xb8;
	v63 =	vld [tilespmem:$0x0]  }
0xd5: {  	_ =	swait.ge [sflag:s17], $0x2800  }
0xd6: {  	s8 =	sld [smem:$0x7F7]  }
0xd7: {  	[sflag:s17] =	ssyncset.done $0x0  }
0xd8: {  	[sflag:s17] =	ssyncadd.s32 $0xFFFFD800  }
0xd9: {  	[spmem:s3] =	stream.indirect.scatter.add.f32 [tilespmem:s13], [sflag:$0x5], $0x80, s8, s12, $0xb8;
	v63 =	vld [tilespmem:$0x0]  }
0xda: {  	_ =	swait.ge [sflag:s18], $0x2800  }
0xdb: {  	s9 =	sld [smem:$0x7F8]  }
0xdc: {  	[sflag:s18] =	ssyncset.done $0x0  }
0xdd: {  	[sflag:s18] =	ssyncadd.s32 $0xFFFFD800  }
0xde: {  	[spmem:s3] =	stream.indirect.scatter.add.f32 [tilespmem:s14], [sflag:$0x6], $0x80, s9, s12, $0xb8;
	v63 =	vld [tilespmem:$0x0]  }
0xdf: {  	_ =	swait.ge [sflag:s19], $0x2800  }
0xe0: {  	s7 =	sld [smem:$0x7F9]  }
0xe1: {  	[sflag:s19] =	ssyncset.done $0x0  }
0xe2: {  	[sflag:s19] =	ssyncadd.s32 $0xFFFFD800  }
0xe3: {  	[spmem:s3] =	stream.indirect.scatter.add.f32 [tilespmem:s15], [sflag:$0x7], $0x80, s7, s12, $0xb8;
	v63 =	vld [tilespmem:$0x0]  }
0xe4: {  	_ =	swait.ge [sflag:s20], $0x2800  }
0xe5: {  	s8 =	sld [smem:$0x7FA]  }
0xe6: {  	[sflag:s20] =	ssyncset.done $0x0  }
0xe7: {  	[sflag:s20] =	ssyncadd.s32 $0xFFFFD800  }
0xe8: {  	[spmem:s3] =	stream.indirect.scatter.add.f32 [tilespmem:s16], [sflag:$0x8], $0x80, s8, s12, $0xb8;
	v63 =	vld [tilespmem:$0x0]  }
0xe9: {  	_ =	swait.ge [sflag:s21], $0x2800  }
0xea: {  	s9 =	sld [smem:$0x7FB]  }
0xeb: {  	[sflag:s21] =	ssyncset.done $0x0  }
0xec: {  	[sflag:s21] =	ssyncadd.s32 $0xFFFFD800  }
0xed: {  	[tilespmem:s13], [sflag:$0x1] =	stream.indirect.gather [hbm4b:s5+s12], $0x80, s9, s12, $0xb8;
	v63 =	vld [tilespmem:$0x0]  }
0xee: {  	_ =	swait.ge [sflag:s22], $0x2800  }
0xef: {  	[sflag:s22] =	ssyncset.done $0x0  }
0xf0: {  	[sflag:s22] =	ssyncadd.s32 $0xFFFFD800  }
0xf1: {  	[tilespmem:s14], [sflag:$0x2] =	stream.indirect.gather [hbm4b:s5+s12], $0x80, s25, s12, $0xb8;
	v63 =	vld [tilespmem:$0x0]  }
0xf2: {  	_ =	swait.ge [sflag:s23], $0x2800  }
0xf3: {  	[sflag:s23] =	ssyncset.done $0x0  }
0xf4: {  	[sflag:s23] =	ssyncadd.s32 $0xFFFFD800  }
0xf5: {  	[tilespmem:s15], [sflag:$0x3] =	stream.indirect.gather [hbm4b:s5+s12], $0x80, s26, s12, $0xb8;
	v63 =	vld [tilespmem:$0x0]  }
0xf6: {  	_ =	swait.ge [sflag:s24], $0x2800  }
0xf7: {  	[sflag:s24] =	ssyncset.done $0x0  }
0xf8: {  	[sflag:s24] =	ssyncadd.s32 $0xFFFFD800  }
0xf9: {  	[tilespmem:s16], [sflag:$0x4] =	stream.indirect.gather [hbm4b:s5+s12], $0x80, s28, s12, $0xb8;
	v63 =	vld [tilespmem:$0x0]  }
0xfa: {  	_ =	swait.ge [sflag:s17], $0x2800  }
0xfb: {  	[sflag:s17] =	ssyncset.done $0x0  }
0xfc: {  	[sflag:s17] =	ssyncadd.s32 $0xFFFFD800  }
0xfd: {  	[spmem:s3] =	stream.indirect.scatter.add.f32 [tilespmem:s13], [sflag:$0x5], $0x80, s29, s12, $0xb8;
	v63 =	vld [tilespmem:$0x0]  }
0xfe: {  	_ =	swait.ge [sflag:s18], $0x2800  }
0xff: {  	[sflag:s18] =	ssyncset.done $0x0  }
0x100: {  	[sflag:s18] =	ssyncadd.s32 $0xFFFFD800  }
0x101: {  	[spmem:s3] =	stream.indirect.scatter.add.f32 [tilespmem:s14], [sflag:$0x6], $0x80, s30, s12, $0xb8;
	v63 =	vld [tilespmem:$0x0]  }
0x102: {  	_ =	swait.ge [sflag:s19], $0x2800  }
0x103: {  	[sflag:s19] =	ssyncset.done $0x0  }
0x104: {  	[sflag:s19] =	ssyncadd.s32 $0xFFFFD800  }
0x105: {  	[spmem:s3] =	stream.indirect.scatter.add.f32 [tilespmem:s15], [sflag:$0x7], $0x80, s31, s12, $0xb8;
	v63 =	vld [tilespmem:$0x0]  }
0x106: {  	_ =	swait.ge [sflag:s20], $0x2800  }
0x107: {  	[sflag:s20] =	ssyncset.done $0x0  }
0x108: {  	[sflag:s20] =	ssyncadd.s32 $0xFFFFD800  }
0x109: {  	[spmem:s3] =	stream.indirect.scatter.add.f32 [tilespmem:s16], [sflag:$0x8], $0x80, s1, s12, $0xb8;
	v63 =	vld [tilespmem:$0x0]  }
0x10a: {  	_ =	swait.ge [sflag:s21], $0x2800  }
0x10b: {  	[sflag:s21] =	ssyncset.done $0x0  }
0x10c: {  	[sflag:s21] =	ssyncadd.s32 $0xFFFFD800  }
0x10d: {  	[tilespmem:s13], [sflag:$0x1] =	stream.indirect.gather [hbm4b:s5+s12], $0x80, s0, s12, $0xb8;
	v63 =	vld [tilespmem:$0x0]  }
0x10e: {  	_ =	swait.ge [sflag:s22], $0x2800  }
0x10f: {  	[sflag:s22] =	ssyncset.done $0x0  }
0x110: {  	[sflag:s22] =	ssyncadd.s32 $0xFFFFD800  }
0x111: {  	_ =	swait.ge [sflag:s23], $0x2800  }
0x112: {  	[sflag:s23] =	ssyncset.done $0x0  }
0x113: {  	[sflag:s23] =	ssyncadd.s32 $0xFFFFD800  }
0x114: {  	_ =	swait.ge [sflag:s24], $0x2800  }
0x115: {  	[sflag:s24] =	ssyncset.done $0x0  }
0x116: {  	[sflag:s24] =	ssyncadd.s32 $0xFFFFD800  }
0x117: {  	_ =	swait.ge [sflag:s17], $0x2800  }
0x118: {  	[sflag:s17] =	ssyncset.done $0x0  }
0x119: {  	[sflag:s17] =	ssyncadd.s32 $0xFFFFD800  }
0x11a: {  	[spmem:s3] =	stream.indirect.scatter.add.f32 [tilespmem:s13], [sflag:$0x9], $0x80, s2, s12, $0xb8;
	v63 =	vld [tilespmem:$0x0]  }
0x11b: {  	s6 =	simm.s32 $0x400;
	_ =	swait.ge [sflag:s10], $0x2800  }
0x11c: {  	s8 =	simm.s32 $0x200;
	s9 =	rddreg [dreg:$0x6];
	[sflag:s10] =	ssyncset.done $0x0  }
.LBB2_2:
0x11d: {  	[sflag:s10] =	ssyncadd.s32 $0xFFFFD800;
	s9 =	sadd.s32 s8, s9  }
0x11e: {  	[tilespmem:s4], [sflag:$0x9] =	stream.linear.gather [hbm4b:s9+s4], $0xC80, $0x38;
	v63 =	vld [tilespmem:$0x0]  }
0x11f: {  	_ =	swait.ge [sflag:s10], $0xC80  }
0x120: {  	s9 =	rddreg [dreg:$0x5];
	[sflag:s10] =	ssyncset.done $0x0  }
0x121: {  	[sflag:s10] =	ssyncadd.s32 $0xFFFFF380;
	s9 =	sadd.s32 s8, s9  }
0x122: {  	[tilespmem:s11], [sflag:$0x9] =	stream.linear.gather [hbm4b:s9+s4], $0xC80, $0x38;
	v63 =	vld [tilespmem:$0x0]  }
0x123: {  	_ =	swait.ge [sflag:s10], $0xC80  }
0x124: {  	[sflag:s10] =	ssyncset.done $0x0  }
0x125: {  	s7 =	smov.u32 s6;
	[sflag:s10] =	ssyncadd.s32 $0xFFFFF380  }
0x126: {  	[tilespmem:s13], [sflag:$0x1] =	stream.indirect.gather [hbm4b:s5+s12], $0x80, s4, s12, $0xb8;
	v63 =	vld [tilespmem:$0x0]  }
0x127: {  	s8 =	smov.u32 s7;
	s7 =	rddreg [dreg:$0x7]  }
0x128: {  	[tilespmem:s14], [sflag:$0x2] =	stream.indirect.gather [hbm4b:s5+s12], $0x80, s7, s12, $0xb8;
	v63 =	vld [tilespmem:$0x0]  }
0x129: {  	s9 =	rddreg [dreg:$0x8]  }
0x12a: {  	[tilespmem:s15], [sflag:$0x3] =	stream.indirect.gather [hbm4b:s5+s12], $0x80, s9, s12, $0xb8;
	v63 =	vld [tilespmem:$0x0]  }
0x12b: {  	s7 =	rddreg [dreg:$0x9]  }
0x12c: {  	[tilespmem:s16], [sflag:$0x4] =	stream.indirect.gather [hbm4b:s5+s12], $0x80, s7, s12, $0xb8;
	v63 =	vld [tilespmem:$0x0]  }
0x12d: {  	_ =	swait.ge [sflag:s17], $0x2800  }
0x12e: {  	[sflag:s17] =	ssyncset.done $0x0  }
0x12f: {  	[sflag:s17] =	ssyncadd.s32 $0xFFFFD800  }
0x130: {  	[spmem:s3] =	stream.indirect.scatter.add.f32 [tilespmem:s13], [sflag:$0x5], $0x80, s11, s12, $0xb8;
	v63 =	vld [tilespmem:$0x0]  }
0x131: {  	_ =	swait.ge [sflag:s18], $0x2800  }
0x132: {  	[sflag:s18] =	ssyncset.done $0x0  }
0x133: {  	s9 =	rddreg [dreg:$0xa];
	[sflag:s18] =	ssyncadd.s32 $0xFFFFD800  }
0x134: {  	[spmem:s3] =	stream.indirect.scatter.add.f32 [tilespmem:s14], [sflag:$0x6], $0x80, s9, s12, $0xb8;
	v63 =	vld [tilespmem:$0x0]  }
0x135: {  	_ =	swait.ge [sflag:s19], $0x2800  }
0x136: {  	[sflag:s19] =	ssyncset.done $0x0  }
0x137: {  	s9 =	rddreg [dreg:$0xb];
	[sflag:s19] =	ssyncadd.s32 $0xFFFFD800  }
0x138: {  	[spmem:s3] =	stream.indirect.scatter.add.f32 [tilespmem:s15], [sflag:$0x7], $0x80, s9, s12, $0xb8;
	v63 =	vld [tilespmem:$0x0]  }
0x139: {  	_ =	swait.ge [sflag:s20], $0x2800  }
0x13a: {  	[sflag:s20] =	ssyncset.done $0x0  }
0x13b: {  	s9 =	rddreg [dreg:$0xc];
	[sflag:s20] =	ssyncadd.s32 $0xFFFFD800  }
0x13c: {  	[spmem:s3] =	stream.indirect.scatter.add.f32 [tilespmem:s16], [sflag:$0x8], $0x80, s9, s12, $0xb8;
	v63 =	vld [tilespmem:$0x0]  }
0x13d: {  	_ =	swait.ge [sflag:s21], $0x2800  }
0x13e: {  	[sflag:s21] =	ssyncset.done $0x0  }
0x13f: {  	s9 =	rddreg [dreg:$0xd];
	[sflag:s21] =	ssyncadd.s32 $0xFFFFD800  }
0x140: {  	[tilespmem:s13], [sflag:$0x1] =	stream.indirect.gather [hbm4b:s5+s12], $0x80, s9, s12, $0xb8;
	v63 =	vld [tilespmem:$0x0]  }
0x141: {  	_ =	swait.ge [sflag:s22], $0x2800  }
0x142: {  	[sflag:s22] =	ssyncset.done $0x0  }
0x143: {  	s9 =	rddreg [dreg:$0xe];
	[sflag:s22] =	ssyncadd.s32 $0xFFFFD800  }
0x144: {  	[tilespmem:s14], [sflag:$0x2] =	stream.indirect.gather [hbm4b:s5+s12], $0x80, s9, s12, $0xb8;
	v63 =	vld [tilespmem:$0x0]  }
0x145: {  	_ =	swait.ge [sflag:s23], $0x2800  }
0x146: {  	[sflag:s23] =	ssyncset.done $0x0  }
0x147: {  	s9 =	rddreg [dreg:$0xf];
	[sflag:s23] =	ssyncadd.s32 $0xFFFFD800  }
0x148: {  	[tilespmem:s15], [sflag:$0x3] =	stream.indirect.gather [hbm4b:s5+s12], $0x80, s9, s12, $0xb8;
	v63 =	vld [tilespmem:$0x0]  }
0x149: {  	_ =	swait.ge [sflag:s24], $0x2800  }
0x14a: {  	[sflag:s24] =	ssyncset.done $0x0  }
0x14b: {  	s9 =	rddreg [dreg:$0x10];
	[sflag:s24] =	ssyncadd.s32 $0xFFFFD800  }
0x14c: {  	[tilespmem:s16], [sflag:$0x4] =	stream.indirect.gather [hbm4b:s5+s12], $0x80, s9, s12, $0xb8;
	v63 =	vld [tilespmem:$0x0]  }
0x14d: {  	_ =	swait.ge [sflag:s17], $0x2800  }
0x14e: {  	[sflag:s17] =	ssyncset.done $0x0  }
0x14f: {  	s9 =	rddreg [dreg:$0x11];
	[sflag:s17] =	ssyncadd.s32 $0xFFFFD800  }
0x150: {  	[spmem:s3] =	stream.indirect.scatter.add.f32 [tilespmem:s13], [sflag:$0x5], $0x80, s9, s12, $0xb8;
	v63 =	vld [tilespmem:$0x0]  }
0x151: {  	_ =	swait.ge [sflag:s18], $0x2800  }
0x152: {  	[sflag:s18] =	ssyncset.done $0x0  }
0x153: {  	s9 =	rddreg [dreg:$0x12];
	[sflag:s18] =	ssyncadd.s32 $0xFFFFD800  }
0x154: {  	[spmem:s3] =	stream.indirect.scatter.add.f32 [tilespmem:s14], [sflag:$0x6], $0x80, s9, s12, $0xb8;
	v63 =	vld [tilespmem:$0x0]  }
0x155: {  	_ =	swait.ge [sflag:s19], $0x2800  }
0x156: {  	[sflag:s19] =	ssyncset.done $0x0  }
0x157: {  	s9 =	rddreg [dreg:$0x13];
	[sflag:s19] =	ssyncadd.s32 $0xFFFFD800  }
0x158: {  	[spmem:s3] =	stream.indirect.scatter.add.f32 [tilespmem:s15], [sflag:$0x7], $0x80, s9, s12, $0xb8;
	v63 =	vld [tilespmem:$0x0]  }
0x159: {  	_ =	swait.ge [sflag:s20], $0x2800  }
0x15a: {  	[sflag:s20] =	ssyncset.done $0x0  }
0x15b: {  	s9 =	rddreg [dreg:$0x14];
	[sflag:s20] =	ssyncadd.s32 $0xFFFFD800  }
0x15c: {  	[spmem:s3] =	stream.indirect.scatter.add.f32 [tilespmem:s16], [sflag:$0x8], $0x80, s9, s12, $0xb8;
	v63 =	vld [tilespmem:$0x0]  }
0x15d: {  	_ =	swait.ge [sflag:s21], $0x2800  }
0x15e: {  	[sflag:s21] =	ssyncset.done $0x0  }
0x15f: {  	s9 =	rddreg [dreg:$0x15];
	[sflag:s21] =	ssyncadd.s32 $0xFFFFD800  }
0x160: {  	[tilespmem:s13], [sflag:$0x1] =	stream.indirect.gather [hbm4b:s5+s12], $0x80, s9, s12, $0xb8;
	v63 =	vld [tilespmem:$0x0]  }
0x161: {  	_ =	swait.ge [sflag:s22], $0x2800  }
0x162: {  	[sflag:s22] =	ssyncset.done $0x0  }
0x163: {  	s9 =	rddreg [dreg:$0x16];
	[sflag:s22] =	ssyncadd.s32 $0xFFFFD800  }
0x164: {  	[tilespmem:s14], [sflag:$0x2] =	stream.indirect.gather [hbm4b:s5+s12], $0x80, s9, s12, $0xb8;
	v63 =	vld [tilespmem:$0x0]  }
0x165: {  	_ =	swait.ge [sflag:s23], $0x2800  }
0x166: {  	[sflag:s23] =	ssyncset.done $0x0  }
0x167: {  	s9 =	rddreg [dreg:$0x17];
	[sflag:s23] =	ssyncadd.s32 $0xFFFFD800  }
0x168: {  	[tilespmem:s15], [sflag:$0x3] =	stream.indirect.gather [hbm4b:s5+s12], $0x80, s9, s12, $0xb8;
	v63 =	vld [tilespmem:$0x0]  }
0x169: {  	_ =	swait.ge [sflag:s24], $0x2800  }
0x16a: {  	[sflag:s24] =	ssyncset.done $0x0  }
0x16b: {  	s9 =	rddreg [dreg:$0x18];
	[sflag:s24] =	ssyncadd.s32 $0xFFFFD800  }
0x16c: {  	[tilespmem:s16], [sflag:$0x4] =	stream.indirect.gather [hbm4b:s5+s12], $0x80, s9, s12, $0xb8;
	v63 =	vld [tilespmem:$0x0]  }
0x16d: {  	_ =	swait.ge [sflag:s17], $0x2800  }
0x16e: {  	[sflag:s17] =	ssyncset.done $0x0  }
0x16f: {  	s9 =	rddreg [dreg:$0x19];
	[sflag:s17] =	ssyncadd.s32 $0xFFFFD800  }
0x170: {  	[spmem:s3] =	stream.indirect.scatter.add.f32 [tilespmem:s13], [sflag:$0x5], $0x80, s9, s12, $0xb8;
	v63 =	vld [tilespmem:$0x0]  }
0x171: {  	_ =	swait.ge [sflag:s18], $0x2800  }
0x172: {  	[sflag:s18] =	ssyncset.done $0x0  }
0x173: {  	s9 =	rddreg [dreg:$0x1a];
	[sflag:s18] =	ssyncadd.s32 $0xFFFFD800  }
0x174: {  	[spmem:s3] =	stream.indirect.scatter.add.f32 [tilespmem:s14], [sflag:$0x6], $0x80, s9, s12, $0xb8;
	v63 =	vld [tilespmem:$0x0]  }
0x175: {  	_ =	swait.ge [sflag:s19], $0x2800  }
0x176: {  	[sflag:s19] =	ssyncset.done $0x0  }
0x177: {  	s9 =	rddreg [dreg:$0x1b];
	[sflag:s19] =	ssyncadd.s32 $0xFFFFD800  }
0x178: {  	[spmem:s3] =	stream.indirect.scatter.add.f32 [tilespmem:s15], [sflag:$0x7], $0x80, s9, s12, $0xb8;
	v63 =	vld [tilespmem:$0x0]  }
0x179: {  	_ =	swait.ge [sflag:s20], $0x2800  }
0x17a: {  	[sflag:s20] =	ssyncset.done $0x0  }
0x17b: {  	s9 =	rddreg [dreg:$0x1c];
	[sflag:s20] =	ssyncadd.s32 $0xFFFFD800  }
0x17c: {  	[spmem:s3] =	stream.indirect.scatter.add.f32 [tilespmem:s16], [sflag:$0x8], $0x80, s9, s12, $0xb8;
	v63 =	vld [tilespmem:$0x0]  }
0x17d: {  	_ =	swait.ge [sflag:s21], $0x2800  }
0x17e: {  	[sflag:s21] =	ssyncset.done $0x0  }
0x17f: {  	s9 =	rddreg [dreg:$0x1d];
	[sflag:s21] =	ssyncadd.s32 $0xFFFFD800  }
0x180: {  	[tilespmem:s13], [sflag:$0x1] =	stream.indirect.gather [hbm4b:s5+s12], $0x80, s9, s12, $0xb8;
	v63 =	vld [tilespmem:$0x0]  }
0x181: {  	_ =	swait.ge [sflag:s22], $0x2800  }
0x182: {  	[sflag:s22] =	ssyncset.done $0x0  }
0x183: {  	s9 =	rddreg [dreg:$0x1e];
	[sflag:s22] =	ssyncadd.s32 $0xFFFFD800  }
0x184: {  	[tilespmem:s14], [sflag:$0x2] =	stream.indirect.gather [hbm4b:s5+s12], $0x80, s9, s12, $0xb8;
	v63 =	vld [tilespmem:$0x0]  }
0x185: {  	_ =	swait.ge [sflag:s23], $0x2800  }
0x186: {  	[sflag:s23] =	ssyncset.done $0x0  }
0x187: {  	s9 =	rddreg [dreg:$0x1f];
	[sflag:s23] =	ssyncadd.s32 $0xFFFFD800  }
0x188: {  	[tilespmem:s15], [sflag:$0x3] =	stream.indirect.gather [hbm4b:s5+s12], $0x80, s9, s12, $0xb8;
	v63 =	vld [tilespmem:$0x0]  }
0x189: {  	_ =	swait.ge [sflag:s24], $0x2800  }
0x18a: {  	s9 =	sld [smem:$0x7EE]  }
0x18b: {  	[sflag:s24] =	ssyncset.done $0x0  }
0x18c: {  	[sflag:s24] =	ssyncadd.s32 $0xFFFFD800  }
0x18d: {  	[tilespmem:s16], [sflag:$0x4] =	stream.indirect.gather [hbm4b:s5+s12], $0x80, s9, s12, $0xb8;
	v63 =	vld [tilespmem:$0x0]  }
0x18e: {  	_ =	swait.ge [sflag:s17], $0x2800  }
0x18f: {  	s9 =	sld [smem:$0x7EF]  }
0x190: {  	[sflag:s17] =	ssyncset.done $0x0  }
0x191: {  	[sflag:s17] =	ssyncadd.s32 $0xFFFFD800  }
0x192: {  	[spmem:s3] =	stream.indirect.scatter.add.f32 [tilespmem:s13], [sflag:$0x5], $0x80, s9, s12, $0xb8;
	v63 =	vld [tilespmem:$0x0]  }
0x193: {  	_ =	swait.ge [sflag:s18], $0x2800  }
0x194: {  	s9 =	sld [smem:$0x7F0]  }
0x195: {  	[sflag:s18] =	ssyncset.done $0x0  }
0x196: {  	[sflag:s18] =	ssyncadd.s32 $0xFFFFD800  }
0x197: {  	[spmem:s3] =	stream.indirect.scatter.add.f32 [tilespmem:s14], [sflag:$0x6], $0x80, s9, s12, $0xb8;
	v63 =	vld [tilespmem:$0x0]  }
0x198: {  	_ =	swait.ge [sflag:s19], $0x2800  }
0x199: {  	s9 =	sld [smem:$0x7F1]  }
0x19a: {  	[sflag:s19] =	ssyncset.done $0x0  }
0x19b: {  	[sflag:s19] =	ssyncadd.s32 $0xFFFFD800  }
0x19c: {  	[spmem:s3] =	stream.indirect.scatter.add.f32 [tilespmem:s15], [sflag:$0x7], $0x80, s9, s12, $0xb8;
	v63 =	vld [tilespmem:$0x0]  }
0x19d: {  	_ =	swait.ge [sflag:s20], $0x2800  }
0x19e: {  	s9 =	sld [smem:$0x7F2]  }
0x19f: {  	[sflag:s20] =	ssyncset.done $0x0  }
0x1a0: {  	[sflag:s20] =	ssyncadd.s32 $0xFFFFD800  }
0x1a1: {  	[spmem:s3] =	stream.indirect.scatter.add.f32 [tilespmem:s16], [sflag:$0x8], $0x80, s9, s12, $0xb8;
	v63 =	vld [tilespmem:$0x0]  }
0x1a2: {  	_ =	swait.ge [sflag:s21], $0x2800  }
0x1a3: {  	s9 =	sld [smem:$0x7F3]  }
0x1a4: {  	[sflag:s21] =	ssyncset.done $0x0  }
0x1a5: {  	[sflag:s21] =	ssyncadd.s32 $0xFFFFD800  }
0x1a6: {  	[tilespmem:s13], [sflag:$0x1] =	stream.indirect.gather [hbm4b:s5+s12], $0x80, s9, s12, $0xb8;
	v63 =	vld [tilespmem:$0x0]  }
0x1a7: {  	_ =	swait.ge [sflag:s22], $0x2800  }
0x1a8: {  	s9 =	sld [smem:$0x7F4]  }
0x1a9: {  	[sflag:s22] =	ssyncset.done $0x0  }
0x1aa: {  	[sflag:s22] =	ssyncadd.s32 $0xFFFFD800  }
0x1ab: {  	[tilespmem:s14], [sflag:$0x2] =	stream.indirect.gather [hbm4b:s5+s12], $0x80, s9, s12, $0xb8;
	v63 =	vld [tilespmem:$0x0]  }
0x1ac: {  	_ =	swait.ge [sflag:s23], $0x2800  }
0x1ad: {  	s9 =	sld [smem:$0x7F5]  }
0x1ae: {  	[sflag:s23] =	ssyncset.done $0x0  }
0x1af: {  	[sflag:s23] =	ssyncadd.s32 $0xFFFFD800  }
0x1b0: {  	[tilespmem:s15], [sflag:$0x3] =	stream.indirect.gather [hbm4b:s5+s12], $0x80, s9, s12, $0xb8;
	v63 =	vld [tilespmem:$0x0]  }
0x1b1: {  	_ =	swait.ge [sflag:s24], $0x2800  }
0x1b2: {  	s9 =	sld [smem:$0x7F6]  }
0x1b3: {  	[sflag:s24] =	ssyncset.done $0x0  }
0x1b4: {  	[sflag:s24] =	ssyncadd.s32 $0xFFFFD800  }
0x1b5: {  	[tilespmem:s16], [sflag:$0x4] =	stream.indirect.gather [hbm4b:s5+s12], $0x80, s9, s12, $0xb8;
	v63 =	vld [tilespmem:$0x0]  }
0x1b6: {  	_ =	swait.ge [sflag:s17], $0x2800  }
0x1b7: {  	s9 =	sld [smem:$0x7F7]  }
0x1b8: {  	[sflag:s17] =	ssyncset.done $0x0  }
0x1b9: {  	[sflag:s17] =	ssyncadd.s32 $0xFFFFD800  }
0x1ba: {  	[spmem:s3] =	stream.indirect.scatter.add.f32 [tilespmem:s13], [sflag:$0x5], $0x80, s9, s12, $0xb8;
	v63 =	vld [tilespmem:$0x0]  }
0x1bb: {  	_ =	swait.ge [sflag:s18], $0x2800  }
0x1bc: {  	s9 =	sld [smem:$0x7F8]  }
0x1bd: {  	[sflag:s18] =	ssyncset.done $0x0  }
0x1be: {  	[sflag:s18] =	ssyncadd.s32 $0xFFFFD800  }
0x1bf: {  	[spmem:s3] =	stream.indirect.scatter.add.f32 [tilespmem:s14], [sflag:$0x6], $0x80, s9, s12, $0xb8;
	v63 =	vld [tilespmem:$0x0]  }
0x1c0: {  	_ =	swait.ge [sflag:s19], $0x2800  }
0x1c1: {  	s9 =	sld [smem:$0x7F9]  }
0x1c2: {  	[sflag:s19] =	ssyncset.done $0x0  }
0x1c3: {  	[sflag:s19] =	ssyncadd.s32 $0xFFFFD800  }
0x1c4: {  	[spmem:s3] =	stream.indirect.scatter.add.f32 [tilespmem:s15], [sflag:$0x7], $0x80, s9, s12, $0xb8;
	v63 =	vld [tilespmem:$0x0]  }
0x1c5: {  	_ =	swait.ge [sflag:s20], $0x2800  }
0x1c6: {  	s9 =	sld [smem:$0x7FA]  }
0x1c7: {  	[sflag:s20] =	ssyncset.done $0x0  }
0x1c8: {  	[sflag:s20] =	ssyncadd.s32 $0xFFFFD800  }
0x1c9: {  	[spmem:s3] =	stream.indirect.scatter.add.f32 [tilespmem:s16], [sflag:$0x8], $0x80, s9, s12, $0xb8;
	v63 =	vld [tilespmem:$0x0]  }
0x1ca: {  	_ =	swait.ge [sflag:s21], $0x2800  }
0x1cb: {  	s9 =	sld [smem:$0x7FB]  }
0x1cc: {  	[sflag:s21] =	ssyncset.done $0x0  }
0x1cd: {  	[sflag:s21] =	ssyncadd.s32 $0xFFFFD800  }
0x1ce: {  	[tilespmem:s13], [sflag:$0x1] =	stream.indirect.gather [hbm4b:s5+s12], $0x80, s9, s12, $0xb8;
	v63 =	vld [tilespmem:$0x0]  }
0x1cf: {  	_ =	swait.ge [sflag:s22], $0x2800  }
0x1d0: {  	[sflag:s22] =	ssyncset.done $0x0  }
0x1d1: {  	[sflag:s22] =	ssyncadd.s32 $0xFFFFD800  }
0x1d2: {  	[tilespmem:s14], [sflag:$0x2] =	stream.indirect.gather [hbm4b:s5+s12], $0x80, s25, s12, $0xb8;
	v63 =	vld [tilespmem:$0x0]  }
0x1d3: {  	_ =	swait.ge [sflag:s23], $0x2800  }
0x1d4: {  	[sflag:s23] =	ssyncset.done $0x0  }
0x1d5: {  	[sflag:s23] =	ssyncadd.s32 $0xFFFFD800  }
0x1d6: {  	[tilespmem:s15], [sflag:$0x3] =	stream.indirect.gather [hbm4b:s5+s12], $0x80, s26, s12, $0xb8;
	v63 =	vld [tilespmem:$0x0]  }
0x1d7: {  	_ =	swait.ge [sflag:s24], $0x2800  }
0x1d8: {  	[sflag:s24] =	ssyncset.done $0x0  }
0x1d9: {  	[sflag:s24] =	ssyncadd.s32 $0xFFFFD800  }
0x1da: {  	[tilespmem:s16], [sflag:$0x4] =	stream.indirect.gather [hbm4b:s5+s12], $0x80, s28, s12, $0xb8;
	v63 =	vld [tilespmem:$0x0]  }
0x1db: {  	_ =	swait.ge [sflag:s17], $0x2800  }
0x1dc: {  	[sflag:s17] =	ssyncset.done $0x0  }
0x1dd: {  	[sflag:s17] =	ssyncadd.s32 $0xFFFFD800  }
0x1de: {  	[spmem:s3] =	stream.indirect.scatter.add.f32 [tilespmem:s13], [sflag:$0x5], $0x80, s29, s12, $0xb8;
	v63 =	vld [tilespmem:$0x0]  }
0x1df: {  	_ =	swait.ge [sflag:s18], $0x2800  }
0x1e0: {  	[sflag:s18] =	ssyncset.done $0x0  }
0x1e1: {  	[sflag:s18] =	ssyncadd.s32 $0xFFFFD800  }
0x1e2: {  	[spmem:s3] =	stream.indirect.scatter.add.f32 [tilespmem:s14], [sflag:$0x6], $0x80, s30, s12, $0xb8;
	v63 =	vld [tilespmem:$0x0]  }
0x1e3: {  	_ =	swait.ge [sflag:s19], $0x2800  }
0x1e4: {  	[sflag:s19] =	ssyncset.done $0x0  }
0x1e5: {  	[sflag:s19] =	ssyncadd.s32 $0xFFFFD800  }
0x1e6: {  	[spmem:s3] =	stream.indirect.scatter.add.f32 [tilespmem:s15], [sflag:$0x7], $0x80, s31, s12, $0xb8;
	v63 =	vld [tilespmem:$0x0]  }
0x1e7: {  	_ =	swait.ge [sflag:s20], $0x2800  }
0x1e8: {  	[sflag:s20] =	ssyncset.done $0x0  }
0x1e9: {  	[sflag:s20] =	ssyncadd.s32 $0xFFFFD800  }
0x1ea: {  	[spmem:s3] =	stream.indirect.scatter.add.f32 [tilespmem:s16], [sflag:$0x8], $0x80, s1, s12, $0xb8;
	v63 =	vld [tilespmem:$0x0]  }
0x1eb: {  	_ =	swait.ge [sflag:s21], $0x2800  }
0x1ec: {  	[sflag:s21] =	ssyncset.done $0x0  }
0x1ed: {  	[sflag:s21] =	ssyncadd.s32 $0xFFFFD800  }
0x1ee: {  	[tilespmem:s13], [sflag:$0x1] =	stream.indirect.gather [hbm4b:s5+s12], $0x80, s0, s12, $0xb8;
	v63 =	vld [tilespmem:$0x0]  }
0x1ef: {  	_ =	swait.ge [sflag:s22], $0x2800  }
0x1f0: {  	[sflag:s22] =	ssyncset.done $0x0  }
0x1f1: {  	[sflag:s22] =	ssyncadd.s32 $0xFFFFD800  }
0x1f2: {  	_ =	swait.ge [sflag:s23], $0x2800  }
0x1f3: {  	[sflag:s23] =	ssyncset.done $0x0  }
0x1f4: {  	[sflag:s23] =	ssyncadd.s32 $0xFFFFD800  }
0x1f5: {  	_ =	swait.ge [sflag:s24], $0x2800  }
0x1f6: {  	[sflag:s24] =	ssyncset.done $0x0  }
0x1f7: {  	[sflag:s24] =	ssyncadd.s32 $0xFFFFD800  }
0x1f8: {  	p0 =	sne.s32 s6, $0x800;
	_ =	swait.ge [sflag:s17], $0x2800  }
.Ltmp0:
0x1f9: {  	[sflag:s17] =	ssyncset.done $0x0;
	(pc) =	sbr.rel @p0 .LBB2_2-.Ltmp0, $4  }
0x1fa: {  	[sflag:s17] =	ssyncadd.s32 $0xFFFFD800  }
0x1fb: {  	[spmem:s3] =	stream.indirect.scatter.add.f32 [tilespmem:s13], [sflag:$0x9], $0x80, s2, s12, $0xb8;
	v63 =	vld [tilespmem:$0x0]  }
0x1fc: {  	_ =	swait.ge [sflag:s10], $0x2800  }
0x1fd: {  	s6 =	sadd.s32 $0x200, s6;
	s9 =	rddreg [dreg:$0x6];
	[sflag:s10] =	ssyncset.done $0x0  }
0x1fe: {  	[sflag:s10] =	ssyncadd.s32 $0xFFFFD800;
	s6 =	sadd.s32 s8, s9  }
0x1ff: {  	[tilespmem:s4], [sflag:$0x9] =	stream.linear.gather [hbm4b:s6+s4], $0xC80, $0x38;
	v63 =	vld [tilespmem:$0x0]  }
0x200: {  	_ =	swait.ge [sflag:s10], $0xC80  }
0x201: {  	s7 =	rddreg [dreg:$0x5];
	[sflag:s10] =	ssyncset.done $0x0  }
0x202: {  	[sflag:s10] =	ssyncadd.s32 $0xFFFFF380;
	s6 =	sadd.s32 s8, s7  }
0x203: {  	[tilespmem:s11], [sflag:$0x9] =	stream.linear.gather [hbm4b:s6+s4], $0xC80, $0x38;
	v63 =	vld [tilespmem:$0x0]  }
0x204: {  	_ =	swait.ge [sflag:s10], $0xC80  }
0x205: {  	[sflag:s10] =	ssyncset.done $0x0  }
0x206: {  	[sflag:s10] =	ssyncadd.s32 $0xFFFFF380  }
0x207: {  	[tilespmem:s13], [sflag:$0x1] =	stream.indirect.gather [hbm4b:s5+s12], $0x80, s4, s12, $0xb8;
	v63 =	vld [tilespmem:$0x0]  }
0x208: {  	s9 =	rddreg [dreg:$0x7]  }
0x209: {  	[tilespmem:s14], [sflag:$0x2] =	stream.indirect.gather [hbm4b:s5+s12], $0x80, s9, s12, $0xb8;
	v63 =	vld [tilespmem:$0x0]  }
0x20a: {  	s7 =	rddreg [dreg:$0x8]  }
0x20b: {  	[tilespmem:s15], [sflag:$0x3] =	stream.indirect.gather [hbm4b:s5+s12], $0x80, s7, s12, $0xb8;
	v63 =	vld [tilespmem:$0x0]  }
0x20c: {  	s8 =	rddreg [dreg:$0x9]  }
0x20d: {  	[tilespmem:s16], [sflag:$0x4] =	stream.indirect.gather [hbm4b:s5+s12], $0x80, s8, s12, $0xb8;
	v63 =	vld [tilespmem:$0x0]  }
0x20e: {  	_ =	swait.ge [sflag:s17], $0x2800  }
0x20f: {  	[sflag:s17] =	ssyncset.done $0x0  }
0x210: {  	[sflag:s17] =	ssyncadd.s32 $0xFFFFD800  }
0x211: {  	[spmem:s3] =	stream.indirect.scatter.add.f32 [tilespmem:s13], [sflag:$0x5], $0x80, s11, s12, $0xb8;
	v63 =	vld [tilespmem:$0x0]  }
0x212: {  	_ =	swait.ge [sflag:s18], $0x2800  }
0x213: {  	[sflag:s18] =	ssyncset.done $0x0  }
0x214: {  	s9 =	rddreg [dreg:$0xa];
	[sflag:s18] =	ssyncadd.s32 $0xFFFFD800  }
0x215: {  	[spmem:s3] =	stream.indirect.scatter.add.f32 [tilespmem:s14], [sflag:$0x6], $0x80, s9, s12, $0xb8;
	v63 =	vld [tilespmem:$0x0]  }
0x216: {  	_ =	swait.ge [sflag:s19], $0x2800  }
0x217: {  	[sflag:s19] =	ssyncset.done $0x0  }
0x218: {  	s7 =	rddreg [dreg:$0xb];
	[sflag:s19] =	ssyncadd.s32 $0xFFFFD800  }
0x219: {  	[spmem:s3] =	stream.indirect.scatter.add.f32 [tilespmem:s15], [sflag:$0x7], $0x80, s7, s12, $0xb8;
	v63 =	vld [tilespmem:$0x0]  }
0x21a: {  	_ =	swait.ge [sflag:s20], $0x2800  }
0x21b: {  	[sflag:s20] =	ssyncset.done $0x0  }
0x21c: {  	s8 =	rddreg [dreg:$0xc];
	[sflag:s20] =	ssyncadd.s32 $0xFFFFD800  }
0x21d: {  	[spmem:s3] =	stream.indirect.scatter.add.f32 [tilespmem:s16], [sflag:$0x8], $0x80, s8, s12, $0xb8;
	v63 =	vld [tilespmem:$0x0]  }
0x21e: {  	_ =	swait.ge [sflag:s21], $0x2800  }
0x21f: {  	[sflag:s21] =	ssyncset.done $0x0  }
0x220: {  	s9 =	rddreg [dreg:$0xd];
	[sflag:s21] =	ssyncadd.s32 $0xFFFFD800  }
0x221: {  	[tilespmem:s13], [sflag:$0x1] =	stream.indirect.gather [hbm4b:s5+s12], $0x80, s9, s12, $0xb8;
	v63 =	vld [tilespmem:$0x0]  }
0x222: {  	_ =	swait.ge [sflag:s22], $0x2800  }
0x223: {  	[sflag:s22] =	ssyncset.done $0x0  }
0x224: {  	s7 =	rddreg [dreg:$0xe];
	[sflag:s22] =	ssyncadd.s32 $0xFFFFD800  }
0x225: {  	[tilespmem:s14], [sflag:$0x2] =	stream.indirect.gather [hbm4b:s5+s12], $0x80, s7, s12, $0xb8;
	v63 =	vld [tilespmem:$0x0]  }
0x226: {  	_ =	swait.ge [sflag:s23], $0x2800  }
0x227: {  	[sflag:s23] =	ssyncset.done $0x0  }
0x228: {  	s8 =	rddreg [dreg:$0xf];
	[sflag:s23] =	ssyncadd.s32 $0xFFFFD800  }
0x229: {  	[tilespmem:s15], [sflag:$0x3] =	stream.indirect.gather [hbm4b:s5+s12], $0x80, s8, s12, $0xb8;
	v63 =	vld [tilespmem:$0x0]  }
0x22a: {  	_ =	swait.ge [sflag:s24], $0x2800  }
0x22b: {  	[sflag:s24] =	ssyncset.done $0x0  }
0x22c: {  	s9 =	rddreg [dreg:$0x10];
	[sflag:s24] =	ssyncadd.s32 $0xFFFFD800  }
0x22d: {  	[tilespmem:s16], [sflag:$0x4] =	stream.indirect.gather [hbm4b:s5+s12], $0x80, s9, s12, $0xb8;
	v63 =	vld [tilespmem:$0x0]  }
0x22e: {  	_ =	swait.ge [sflag:s17], $0x2800  }
0x22f: {  	[sflag:s17] =	ssyncset.done $0x0  }
0x230: {  	s7 =	rddreg [dreg:$0x11];
	[sflag:s17] =	ssyncadd.s32 $0xFFFFD800  }
0x231: {  	[spmem:s3] =	stream.indirect.scatter.add.f32 [tilespmem:s13], [sflag:$0x5], $0x80, s7, s12, $0xb8;
	v63 =	vld [tilespmem:$0x0]  }
0x232: {  	_ =	swait.ge [sflag:s18], $0x2800  }
0x233: {  	[sflag:s18] =	ssyncset.done $0x0  }
0x234: {  	s8 =	rddreg [dreg:$0x12];
	[sflag:s18] =	ssyncadd.s32 $0xFFFFD800  }
0x235: {  	[spmem:s3] =	stream.indirect.scatter.add.f32 [tilespmem:s14], [sflag:$0x6], $0x80, s8, s12, $0xb8;
	v63 =	vld [tilespmem:$0x0]  }
0x236: {  	_ =	swait.ge [sflag:s19], $0x2800  }
0x237: {  	[sflag:s19] =	ssyncset.done $0x0  }
0x238: {  	s9 =	rddreg [dreg:$0x13];
	[sflag:s19] =	ssyncadd.s32 $0xFFFFD800  }
0x239: {  	[spmem:s3] =	stream.indirect.scatter.add.f32 [tilespmem:s15], [sflag:$0x7], $0x80, s9, s12, $0xb8;
	v63 =	vld [tilespmem:$0x0]  }
0x23a: {  	_ =	swait.ge [sflag:s20], $0x2800  }
0x23b: {  	[sflag:s20] =	ssyncset.done $0x0  }
0x23c: {  	s7 =	rddreg [dreg:$0x14];
	[sflag:s20] =	ssyncadd.s32 $0xFFFFD800  }
0x23d: {  	[spmem:s3] =	stream.indirect.scatter.add.f32 [tilespmem:s16], [sflag:$0x8], $0x80, s7, s12, $0xb8;
	v63 =	vld [tilespmem:$0x0]  }
0x23e: {  	_ =	swait.ge [sflag:s21], $0x2800  }
0x23f: {  	[sflag:s21] =	ssyncset.done $0x0  }
0x240: {  	s8 =	rddreg [dreg:$0x15];
	[sflag:s21] =	ssyncadd.s32 $0xFFFFD800  }
0x241: {  	[tilespmem:s13], [sflag:$0x1] =	stream.indirect.gather [hbm4b:s5+s12], $0x80, s8, s12, $0xb8;
	v63 =	vld [tilespmem:$0x0]  }
0x242: {  	_ =	swait.ge [sflag:s22], $0x2800  }
0x243: {  	[sflag:s22] =	ssyncset.done $0x0  }
0x244: {  	s9 =	rddreg [dreg:$0x16];
	[sflag:s22] =	ssyncadd.s32 $0xFFFFD800  }
0x245: {  	[tilespmem:s14], [sflag:$0x2] =	stream.indirect.gather [hbm4b:s5+s12], $0x80, s9, s12, $0xb8;
	v63 =	vld [tilespmem:$0x0]  }
0x246: {  	_ =	swait.ge [sflag:s23], $0x2800  }
0x247: {  	[sflag:s23] =	ssyncset.done $0x0  }
0x248: {  	s7 =	rddreg [dreg:$0x17];
	[sflag:s23] =	ssyncadd.s32 $0xFFFFD800  }
0x249: {  	[tilespmem:s15], [sflag:$0x3] =	stream.indirect.gather [hbm4b:s5+s12], $0x80, s7, s12, $0xb8;
	v63 =	vld [tilespmem:$0x0]  }
0x24a: {  	_ =	swait.ge [sflag:s24], $0x2800  }
0x24b: {  	[sflag:s24] =	ssyncset.done $0x0  }
0x24c: {  	s8 =	rddreg [dreg:$0x18];
	[sflag:s24] =	ssyncadd.s32 $0xFFFFD800  }
0x24d: {  	[tilespmem:s16], [sflag:$0x4] =	stream.indirect.gather [hbm4b:s5+s12], $0x80, s8, s12, $0xb8;
	v63 =	vld [tilespmem:$0x0]  }
0x24e: {  	_ =	swait.ge [sflag:s17], $0x2800  }
0x24f: {  	[sflag:s17] =	ssyncset.done $0x0  }
0x250: {  	s9 =	rddreg [dreg:$0x19];
	[sflag:s17] =	ssyncadd.s32 $0xFFFFD800  }
0x251: {  	[spmem:s3] =	stream.indirect.scatter.add.f32 [tilespmem:s13], [sflag:$0x5], $0x80, s9, s12, $0xb8;
	v63 =	vld [tilespmem:$0x0]  }
0x252: {  	_ =	swait.ge [sflag:s18], $0x2800  }
0x253: {  	[sflag:s18] =	ssyncset.done $0x0  }
0x254: {  	s7 =	rddreg [dreg:$0x1a];
	[sflag:s18] =	ssyncadd.s32 $0xFFFFD800  }
0x255: {  	[spmem:s3] =	stream.indirect.scatter.add.f32 [tilespmem:s14], [sflag:$0x6], $0x80, s7, s12, $0xb8;
	v63 =	vld [tilespmem:$0x0]  }
0x256: {  	_ =	swait.ge [sflag:s19], $0x2800  }
0x257: {  	[sflag:s19] =	ssyncset.done $0x0  }
0x258: {  	s8 =	rddreg [dreg:$0x1b];
	[sflag:s19] =	ssyncadd.s32 $0xFFFFD800  }
0x259: {  	[spmem:s3] =	stream.indirect.scatter.add.f32 [tilespmem:s15], [sflag:$0x7], $0x80, s8, s12, $0xb8;
	v63 =	vld [tilespmem:$0x0]  }
0x25a: {  	_ =	swait.ge [sflag:s20], $0x2800  }
0x25b: {  	[sflag:s20] =	ssyncset.done $0x0  }
0x25c: {  	s9 =	rddreg [dreg:$0x1c];
	[sflag:s20] =	ssyncadd.s32 $0xFFFFD800  }
0x25d: {  	[spmem:s3] =	stream.indirect.scatter.add.f32 [tilespmem:s16], [sflag:$0x8], $0x80, s9, s12, $0xb8;
	v63 =	vld [tilespmem:$0x0]  }
0x25e: {  	_ =	swait.ge [sflag:s21], $0x2800  }
0x25f: {  	[sflag:s21] =	ssyncset.done $0x0  }
0x260: {  	s7 =	rddreg [dreg:$0x1d];
	[sflag:s21] =	ssyncadd.s32 $0xFFFFD800  }
0x261: {  	[tilespmem:s13], [sflag:$0x1] =	stream.indirect.gather [hbm4b:s5+s12], $0x80, s7, s12, $0xb8;
	v63 =	vld [tilespmem:$0x0]  }
0x262: {  	_ =	swait.ge [sflag:s22], $0x2800  }
0x263: {  	[sflag:s22] =	ssyncset.done $0x0  }
0x264: {  	s8 =	rddreg [dreg:$0x1e];
	[sflag:s22] =	ssyncadd.s32 $0xFFFFD800  }
0x265: {  	[tilespmem:s14], [sflag:$0x2] =	stream.indirect.gather [hbm4b:s5+s12], $0x80, s8, s12, $0xb8;
	v63 =	vld [tilespmem:$0x0]  }
0x266: {  	_ =	swait.ge [sflag:s23], $0x2800  }
0x267: {  	[sflag:s23] =	ssyncset.done $0x0  }
0x268: {  	s9 =	rddreg [dreg:$0x1f];
	[sflag:s23] =	ssyncadd.s32 $0xFFFFD800  }
0x269: {  	[tilespmem:s15], [sflag:$0x3] =	stream.indirect.gather [hbm4b:s5+s12], $0x80, s9, s12, $0xb8;
	v63 =	vld [tilespmem:$0x0]  }
0x26a: {  	_ =	swait.ge [sflag:s24], $0x2800  }
0x26b: {  	s7 =	sld [smem:$0x7EE]  }
0x26c: {  	[sflag:s24] =	ssyncset.done $0x0  }
0x26d: {  	[sflag:s24] =	ssyncadd.s32 $0xFFFFD800  }
0x26e: {  	[tilespmem:s16], [sflag:$0x4] =	stream.indirect.gather [hbm4b:s5+s12], $0x80, s7, s12, $0xb8;
	v63 =	vld [tilespmem:$0x0]  }
0x26f: {  	_ =	swait.ge [sflag:s17], $0x2800  }
0x270: {  	s8 =	sld [smem:$0x7EF]  }
0x271: {  	[sflag:s17] =	ssyncset.done $0x0  }
0x272: {  	[sflag:s17] =	ssyncadd.s32 $0xFFFFD800  }
0x273: {  	[spmem:s3] =	stream.indirect.scatter.add.f32 [tilespmem:s13], [sflag:$0x5], $0x80, s8, s12, $0xb8;
	v63 =	vld [tilespmem:$0x0]  }
0x274: {  	_ =	swait.ge [sflag:s18], $0x2800  }
0x275: {  	s9 =	sld [smem:$0x7F0]  }
0x276: {  	[sflag:s18] =	ssyncset.done $0x0  }
0x277: {  	[sflag:s18] =	ssyncadd.s32 $0xFFFFD800  }
0x278: {  	[spmem:s3] =	stream.indirect.scatter.add.f32 [tilespmem:s14], [sflag:$0x6], $0x80, s9, s12, $0xb8;
	v63 =	vld [tilespmem:$0x0]  }
0x279: {  	_ =	swait.ge [sflag:s19], $0x2800  }
0x27a: {  	s7 =	sld [smem:$0x7F1]  }
0x27b: {  	[sflag:s19] =	ssyncset.done $0x0  }
0x27c: {  	[sflag:s19] =	ssyncadd.s32 $0xFFFFD800  }
0x27d: {  	[spmem:s3] =	stream.indirect.scatter.add.f32 [tilespmem:s15], [sflag:$0x7], $0x80, s7, s12, $0xb8;
	v63 =	vld [tilespmem:$0x0]  }
0x27e: {  	_ =	swait.ge [sflag:s20], $0x2800  }
0x27f: {  	s8 =	sld [smem:$0x7F2]  }
0x280: {  	[sflag:s20] =	ssyncset.done $0x0  }
0x281: {  	[sflag:s20] =	ssyncadd.s32 $0xFFFFD800  }
0x282: {  	[spmem:s3] =	stream.indirect.scatter.add.f32 [tilespmem:s16], [sflag:$0x8], $0x80, s8, s12, $0xb8;
	v63 =	vld [tilespmem:$0x0]  }
0x283: {  	_ =	swait.ge [sflag:s21], $0x2800  }
0x284: {  	s9 =	sld [smem:$0x7F3]  }
0x285: {  	[sflag:s21] =	ssyncset.done $0x0  }
0x286: {  	[sflag:s21] =	ssyncadd.s32 $0xFFFFD800  }
0x287: {  	[tilespmem:s13], [sflag:$0x1] =	stream.indirect.gather [hbm4b:s5+s12], $0x80, s9, s12, $0xb8;
	v63 =	vld [tilespmem:$0x0]  }
0x288: {  	_ =	swait.ge [sflag:s22], $0x2800  }
0x289: {  	s7 =	sld [smem:$0x7F4]  }
0x28a: {  	[sflag:s22] =	ssyncset.done $0x0  }
0x28b: {  	[sflag:s22] =	ssyncadd.s32 $0xFFFFD800  }
0x28c: {  	[tilespmem:s14], [sflag:$0x2] =	stream.indirect.gather [hbm4b:s5+s12], $0x80, s7, s12, $0xb8;
	v63 =	vld [tilespmem:$0x0]  }
0x28d: {  	_ =	swait.ge [sflag:s23], $0x2800  }
0x28e: {  	s8 =	sld [smem:$0x7F5]  }
0x28f: {  	[sflag:s23] =	ssyncset.done $0x0  }
0x290: {  	[sflag:s23] =	ssyncadd.s32 $0xFFFFD800  }
0x291: {  	[tilespmem:s15], [sflag:$0x3] =	stream.indirect.gather [hbm4b:s5+s12], $0x80, s8, s12, $0xb8;
	v63 =	vld [tilespmem:$0x0]  }
0x292: {  	_ =	swait.ge [sflag:s24], $0x2800  }
0x293: {  	s9 =	sld [smem:$0x7F6]  }
0x294: {  	[sflag:s24] =	ssyncset.done $0x0  }
0x295: {  	[sflag:s24] =	ssyncadd.s32 $0xFFFFD800  }
0x296: {  	[tilespmem:s16], [sflag:$0x4] =	stream.indirect.gather [hbm4b:s5+s12], $0x80, s9, s12, $0xb8;
	v63 =	vld [tilespmem:$0x0]  }
0x297: {  	_ =	swait.ge [sflag:s17], $0x2800  }
0x298: {  	s7 =	sld [smem:$0x7F7]  }
0x299: {  	[sflag:s17] =	ssyncset.done $0x0  }
0x29a: {  	[sflag:s17] =	ssyncadd.s32 $0xFFFFD800  }
0x29b: {  	[spmem:s3] =	stream.indirect.scatter.add.f32 [tilespmem:s13], [sflag:$0x5], $0x80, s7, s12, $0xb8;
	v63 =	vld [tilespmem:$0x0]  }
0x29c: {  	_ =	swait.ge [sflag:s18], $0x2800  }
0x29d: {  	s8 =	sld [smem:$0x7F8]  }
0x29e: {  	[sflag:s18] =	ssyncset.done $0x0  }
0x29f: {  	[sflag:s18] =	ssyncadd.s32 $0xFFFFD800  }
0x2a0: {  	[spmem:s3] =	stream.indirect.scatter.add.f32 [tilespmem:s14], [sflag:$0x6], $0x80, s8, s12, $0xb8;
	v63 =	vld [tilespmem:$0x0]  }
0x2a1: {  	_ =	swait.ge [sflag:s19], $0x2800  }
0x2a2: {  	s9 =	sld [smem:$0x7F9]  }
0x2a3: {  	[sflag:s19] =	ssyncset.done $0x0  }
0x2a4: {  	[sflag:s19] =	ssyncadd.s32 $0xFFFFD800  }
0x2a5: {  	[spmem:s3] =	stream.indirect.scatter.add.f32 [tilespmem:s15], [sflag:$0x7], $0x80, s9, s12, $0xb8;
	v63 =	vld [tilespmem:$0x0]  }
0x2a6: {  	_ =	swait.ge [sflag:s20], $0x2800  }
0x2a7: {  	s7 =	sld [smem:$0x7FA]  }
0x2a8: {  	[sflag:s20] =	ssyncset.done $0x0  }
0x2a9: {  	[sflag:s20] =	ssyncadd.s32 $0xFFFFD800  }
0x2aa: {  	[spmem:s3] =	stream.indirect.scatter.add.f32 [tilespmem:s16], [sflag:$0x8], $0x80, s7, s12, $0xb8;
	v63 =	vld [tilespmem:$0x0]  }
0x2ab: {  	_ =	swait.ge [sflag:s21], $0x2800  }
0x2ac: {  	s8 =	sld [smem:$0x7FB]  }
0x2ad: {  	[sflag:s21] =	ssyncset.done $0x0  }
0x2ae: {  	[sflag:s21] =	ssyncadd.s32 $0xFFFFD800  }
0x2af: {  	[tilespmem:s13], [sflag:$0x1] =	stream.indirect.gather [hbm4b:s5+s12], $0x80, s8, s12, $0xb8;
	v63 =	vld [tilespmem:$0x0]  }
0x2b0: {  	_ =	swait.ge [sflag:s22], $0x2800  }
0x2b1: {  	[sflag:s22] =	ssyncset.done $0x0  }
0x2b2: {  	[sflag:s22] =	ssyncadd.s32 $0xFFFFD800  }
0x2b3: {  	[tilespmem:s14], [sflag:$0x2] =	stream.indirect.gather [hbm4b:s5+s12], $0x80, s25, s12, $0xb8;
	v63 =	vld [tilespmem:$0x0]  }
0x2b4: {  	_ =	swait.ge [sflag:s23], $0x2800  }
0x2b5: {  	[sflag:s23] =	ssyncset.done $0x0  }
0x2b6: {  	[sflag:s23] =	ssyncadd.s32 $0xFFFFD800  }
0x2b7: {  	[tilespmem:s15], [sflag:$0x3] =	stream.indirect.gather [hbm4b:s5+s12], $0x80, s26, s12, $0xb8;
	v63 =	vld [tilespmem:$0x0]  }
0x2b8: {  	_ =	swait.ge [sflag:s24], $0x2800  }
0x2b9: {  	[sflag:s24] =	ssyncset.done $0x0  }
0x2ba: {  	[sflag:s24] =	ssyncadd.s32 $0xFFFFD800  }
0x2bb: {  	[tilespmem:s16], [sflag:$0x4] =	stream.indirect.gather [hbm4b:s5+s12], $0x80, s28, s12, $0xb8;
	v63 =	vld [tilespmem:$0x0]  }
0x2bc: {  	_ =	swait.ge [sflag:s17], $0x2800  }
0x2bd: {  	[sflag:s17] =	ssyncset.done $0x0  }
0x2be: {  	[sflag:s17] =	ssyncadd.s32 $0xFFFFD800  }
0x2bf: {  	[spmem:s3] =	stream.indirect.scatter.add.f32 [tilespmem:s13], [sflag:$0x5], $0x80, s29, s12, $0xb8;
	v63 =	vld [tilespmem:$0x0]  }
0x2c0: {  	_ =	swait.ge [sflag:s18], $0x2800  }
0x2c1: {  	[sflag:s18] =	ssyncset.done $0x0  }
0x2c2: {  	[sflag:s18] =	ssyncadd.s32 $0xFFFFD800  }
0x2c3: {  	[spmem:s3] =	stream.indirect.scatter.add.f32 [tilespmem:s14], [sflag:$0x6], $0x80, s30, s12, $0xb8;
	v63 =	vld [tilespmem:$0x0]  }
0x2c4: {  	_ =	swait.ge [sflag:s19], $0x2800  }
0x2c5: {  	[sflag:s19] =	ssyncset.done $0x0  }
0x2c6: {  	[sflag:s19] =	ssyncadd.s32 $0xFFFFD800  }
0x2c7: {  	[spmem:s3] =	stream.indirect.scatter.add.f32 [tilespmem:s15], [sflag:$0x7], $0x80, s31, s12, $0xb8;
	v63 =	vld [tilespmem:$0x0]  }
0x2c8: {  	_ =	swait.ge [sflag:s20], $0x2800  }
0x2c9: {  	[sflag:s20] =	ssyncset.done $0x0  }
0x2ca: {  	[sflag:s20] =	ssyncadd.s32 $0xFFFFD800  }
0x2cb: {  	[spmem:s3] =	stream.indirect.scatter.add.f32 [tilespmem:s16], [sflag:$0x8], $0x80, s1, s12, $0xb8;
	v63 =	vld [tilespmem:$0x0]  }
0x2cc: {  	_ =	swait.ge [sflag:s21], $0x2800  }
0x2cd: {  	[sflag:s21] =	ssyncset.done $0x0  }
0x2ce: {  	[sflag:s21] =	ssyncadd.s32 $0xFFFFD800  }
0x2cf: {  	[tilespmem:s13], [sflag:$0x1] =	stream.indirect.gather [hbm4b:s5+s12], $0x80, s0, s12, $0xb8;
	v63 =	vld [tilespmem:$0x0]  }
0x2d0: {  	_ =	swait.ge [sflag:s22], $0x2800  }
0x2d1: {  	[sflag:s22] =	ssyncset.done $0x0  }
0x2d2: {  	[sflag:s22] =	ssyncadd.s32 $0xFFFFD800  }
0x2d3: {  	_ =	swait.ge [sflag:s23], $0x2800  }
0x2d4: {  	[sflag:s23] =	ssyncset.done $0x0  }
0x2d5: {  	[sflag:s23] =	ssyncadd.s32 $0xFFFFD800  }
0x2d6: {  	_ =	swait.ge [sflag:s24], $0x2800  }
0x2d7: {  	[sflag:s24] =	ssyncset.done $0x0  }
0x2d8: {  	[sflag:s24] =	ssyncadd.s32 $0xFFFFD800  }
0x2d9: {  	_ =	swait.ge [sflag:s17], $0x2800  }
0x2da: {  	[sflag:s17] =	ssyncset.done $0x0  }
0x2db: {  	[sflag:s17] =	ssyncadd.s32 $0xFFFFD800  }
0x2dc: {  	[spmem:s3] =	stream.indirect.scatter.add.f32 [tilespmem:s13], [sflag:$0x9], $0x80, s2, s12, $0xb8;
	v63 =	vld [tilespmem:$0x0]  }
0x2dd: {  	_ =	swait.ge [sflag:s10], $0x2800  }
0x2de: {  	[sflag:s10] =	ssyncset.done $0x0  }
0x2df: {  	[sflag:s10] =	ssyncadd.s32 $0xFFFFD800  }
0x2e0: {  	[bflag:$0x0] =	sbarrier.arrive $0xFFFF  }
0x2e1: {  	s8 =	sld [smem:$0x7FC]  }
0x2e2: {  	s9 =	sld [smem:$0x7EC]  }
0x2e3: {  	s7 =	sld [smem:$0x7FD];
	_ =	sdelay $0x2  }
0x2e4: {  	[hbm:s9], [sflag:s8] =	dma.local [spmem:s7], $0x2800  }
0x2e5: {  	_ =	swait.ge [sflag:s10], $0x2800  }
0x2e6: {  	s6 =	sld [smem:$0x7EB];
	_ =	sdelay $0x2  }
0x2e7: {  	s9 =	sadd.s32 $0x1, s6;
	s6 =	sld [smem:$0x7ED];
	_ =	sdelay $0x2  }
0x2e8: {  	p0 =	sne.s32 s9, s6  }
.Ltmp1:
0x2e9: {  	_ = 	snop;
	(pc) =	sbr.rel @p0 .LBB2_1-.Ltmp1, $3  }
0x2ea: {  	_ =	sdelay $0x1  }
0x2eb: {  	[sflag:s10] =	ssyncset.done $0x0  }
0x2ec: {  	[sflag:s10] =	ssyncadd.s32 $0xFFFFD800  }
0x2ed: {  	_ =	sfence.sel $0x180000  }
0x2ee: {  	[bflag:$0x0] =	sbarrier.arrive $0xFFFF  }
0x2ef: {  	_ =	strace $0x9000004A  }
0x2f0: {  	s0 =	stileid.u32;
	[bflag:$0x2] =	sbarrier.arrive $0xFFFF  }
0x2f1: {  	p0 =	sne.s32 s0, $0x0;
	s0 =	rddreg [dreg:$0x4]  }
0x2f2: {  	s0 =	sadd.s32 @!p0 $0x100000, s0  }
0x2f3: {  	[sflag:s0] =	ssyncadd.tile.s32 @!p0 $0x1;
	_ =	shalt  }
.Lfunc_end2:
_tile_overlayer_lowered:
.L_overlay_start_2:
0x2f4: {  	(tag) =	ssettag $0x2  }
0x2f5: {  	s0 =	rddreg [dreg:$0x0];
	s2 =	stileid.u32  }
0x2f6: {  	s1 =	rddreg [dreg:$0x1];
	p0 =	sne.s32 s2, $0x0  }
0x2f7: {  	s3 =	rddreg [dreg:$0x2];
	[bflag:$0x3] =	sbarrier.arrive $0xFFFF;
	s2 =	simm.s32 @!p0 $0x1C09  }
0x2f8: {  	[timem:s3], [sflag:s2] =	dma.local @!p0 [hbm:s0], s1  }
0x2f9: {  	s0 =	simm.s32 @!p0 $0x9  }
0x2fa: {  	_ =	swait.ge @!p0 [sflag:s0], s1  }
0x2fb: {  	s1 =	ssub.s32 @!p0 $0x0, s1;
	[sflag:s0] =	ssyncset.done @!p0 $0x0  }
0x2fc: {  	[sflag:s0] =	ssyncadd.s32 @!p0 s1  }
0x2fd: {  	[bflag:$0x3] =	sbarrier.arrive $0xFFFF  }
0x2fe: {  	_ =	shalt  }

// kernel: kernel.14.cloned.1.call-start
scs
__scs_entry_jumppad:
0x0: {  	(pc) =	sbr.rel $0x88, $3  }
0x1: {  	(tag) =	ssettag $0x0;
	lr =	simm.s32 $0x1  }
0x2: {  	[smem:$0x3F8C] =	sst lr;
	_ =	strace $0xD0000000  }
0x3: {  	_ = 	snop  }
0x4: {  	_ = 	snop  }
0x5: {  	_ = 	snop  }
0x6: {  	_ = 	snop  }
0x7: {  	_ = 	snop  }
__scs_overlays_trampoline_lowered:
0x8: {  	[smem:$0x3F9B] =	sst s0  }
0x9: {  	[smem:$0x3F9C] =	sst s1  }
0xa: {  	[smem:$0x3F9D] =	sst s2  }
0xb: {  	[smem:$0x3F9E] =	sst s3  }
0xc: {  	[smem:$0x3F9F] =	sst s4  }
0xd: {  	[smem:$0x3FA0] =	sst s5  }
0xe: {  	[smem:$0x3FA1] =	sst s6  }
0xf: {  	[smem:$0x3FA2] =	sst s7  }
0x10: {  	[smem:$0x3FA3] =	sst s8  }
0x11: {  	[smem:$0x3FA4] =	sst s9;
	s0 =	simm.s32 @!p0 $0x0  }
0x12: {  	s1 =	sld [smem:$0x3F8A];
	s0 =	simm.s32 @p0 $0x1  }
0x13: {  	[smem:$0x3FA5] =	sst s0;
	s0 =	simm.s32 @!p1 $0x0  }
0x14: {  	s2 =	sld [smem:$0x3F89];
	s0 =	simm.s32 @p1 $0x1  }
0x15: {  	[smem:$0x3FA6] =	sst s0;
	s0 =	simm.s32 @!p2 $0x0  }
0x16: {  	s3 =	sld [smem:$0x3FDB];
	s0 =	simm.s32 @p2 $0x1  }
0x17: {  	s4 =	simm.s32 $0x1BF5;
	[smem:$0x3FA8] =	sst s0  }
0x18: {  	s0 =	sld [smem:$0x3F8B];
	_ =	swait.ge [sflag:s4], $0x0  }
0x19: {  	s7 =	sld [smem:$0x3F8C]  }
0x1a: {  	s8 =	sadd.s32 $0xFFFFE003, lr  }
0x1b: {  	s9 =	sadd.s32 $0xFFFFFEF7, lr;
	s5 =	simm.s32 $0xFFFFFFFF;
	p2 =	slt.u32 s8, $0xFFFFF086  }
0x1c: {  	p1 =	slt.u32 s9, $0xF7A;
	s5 =	simm.s32 @!p2 $0x0  }
0x1d: {  	s5 =	simm.s32 @p1 $0x1;
	p0 =	seq.s32 s7, s2  }
0x1e: {  	s7 =	smul.u32 @!p0 $0xF7A, s2;
	p2 =	seq.s32 @!p0 s5, $0x0  }
0x1f: {  	s9 =	smul.u32 $0xF7A, s1;
	s8 =	simm.s32 @!p0 $0x1BF5;
	p2 =	por !p2, p0  }
0x20: {  	[sflag:s8] =	ssyncset.s32 @!p0 $0xFFFFF086;
	s6 =	sadd.s32 @!p0 s3, s7;
	s7 =	simm.s32 @!p0 $0x108  }
0x21: {  	s3 =	sadd.s32 s3, s9;
	s6 =	sadd.s32 @!p0 $0x88, s6;
	s7 =	simm.s32 @p2 $0x1082  }
0x22: {  	[simem:s7], [sflag:s8] =	dma.local @!p0 [hbm:s6], $0xF7A  }
0x23: {  	s9 =	sor.u32 $0xD0000000, s2;
	s6 =	simm.s32 $0x108;
	_ =	swait.ge @!p0 [sflag:s8], $0x0  }
0x24: {  	s3 =	sadd.s32 $0x88, s3;
	s6 =	simm.s32 @!p1 $0x1082;
	[sflag:s4] =	ssyncset.s32 $0xFFFFF086  }
0x25: {  	[simem:s6], [sflag:s4] =	dma.local [hbm:s3], $0xF7A  }
0x26: {  	[smem:$0x3F8C] =	sst s1;
	(tag) =	ssettag s2;
	_ =	strace s9  }
0x27: {  	s1 =	sld [smem:$0x3F9C]  }
0x28: {  	s2 =	sld [smem:$0x3F9D]  }
0x29: {  	s4 =	sld [smem:$0x3F9F]  }
0x2a: {  	p0 =	seq.s32 s5, $0x0;
	s5 =	sld [smem:$0x3FA0]  }
0x2b: {  	s6 =	sld [smem:$0x3FA1]  }
0x2c: {  	s7 =	sld [smem:$0x3FA2]  }
0x2d: {  	s3 =	simm.s32 $0x108;
	s8 =	sld [smem:$0x3FA3]  }
0x2e: {  	s3 =	simm.s32 @!p0 $0x1082;
	s9 =	sld [smem:$0x3FA4]  }
0x2f: {  	lr =	sadd.s32 s0, s3;
	s0 =	sld [smem:$0x3F9B]  }
0x30: {  	s3 =	sld [smem:$0x3F9E]  }
0x31: {  	[smem:$0x3FA7] =	sst s10  }
0x32: {  	s10 =	sld [smem:$0x3FA5];
	_ =	sdelay $0x3  }
0x33: {  	p0 =	seq.s32 s10, $0x1;
	s10 =	sld [smem:$0x3FA7];
	_ =	sdelay $0x3  }
0x34: {  	[smem:$0x3FA7] =	sst s10  }
0x35: {  	s10 =	sld [smem:$0x3FA6];
	_ =	sdelay $0x3  }
0x36: {  	p1 =	seq.s32 s10, $0x1;
	s10 =	sld [smem:$0x3FA7];
	_ =	sdelay $0x3  }
0x37: {  	[smem:$0x3FA7] =	sst s10  }
0x38: {  	s10 =	sld [smem:$0x3FA8]  }
0x39: {  	_ = 	snop;
	(pc) =	sbr.ind lr, $3  }
0x3a: {  	_ = 	snop  }
0x3b: {  	_ = 	snop  }
0x3c: {  	p2 =	seq.s32 s10, $0x1;
	s10 =	sld [smem:$0x3FA7]  }
0x3d: {  	_ =	shalt  }
0x3e: {  	_ =	shalt  }
0x3f: {  	_ =	shalt  }
0x40: {  	_ =	shalt  }
0x41: {  	_ =	shalt  }
0x42: {  	_ =	shalt  }
0x43: {  	_ =	shalt  }
0x44: {  	_ =	shalt  }
0x45: {  	_ =	shalt  }
0x46: {  	_ =	shalt  }
0x47: {  	_ =	shalt  }
0x48: {  	_ =	shalt  }
0x49: {  	_ =	shalt  }
0x4a: {  	_ =	shalt  }
0x4b: {  	_ =	shalt  }
0x4c: {  	_ =	shalt  }
0x4d: {  	_ =	shalt  }
0x4e: {  	_ =	shalt  }
0x4f: {  	_ =	shalt  }
0x50: {  	_ =	shalt  }
0x51: {  	_ =	shalt  }
0x52: {  	_ =	shalt  }
0x53: {  	_ =	shalt  }
0x54: {  	_ =	shalt  }
0x55: {  	_ =	shalt  }
0x56: {  	_ =	shalt  }
0x57: {  	_ =	shalt  }
0x58: {  	_ =	shalt  }
0x59: {  	_ =	shalt  }
0x5a: {  	_ =	shalt  }
0x5b: {  	_ =	shalt  }
0x5c: {  	_ =	shalt  }
0x5d: {  	_ =	shalt  }
0x5e: {  	_ =	shalt  }
0x5f: {  	_ =	shalt  }
0x60: {  	_ =	shalt  }
0x61: {  	_ =	shalt  }
0x62: {  	_ =	shalt  }
0x63: {  	_ =	shalt  }
0x64: {  	_ =	shalt  }
0x65: {  	_ =	shalt  }
0x66: {  	_ =	shalt  }
0x67: {  	_ =	shalt  }
0x68: {  	_ =	shalt  }
0x69: {  	_ =	shalt  }
0x6a: {  	_ =	shalt  }
0x6b: {  	_ =	shalt  }
0x6c: {  	_ =	shalt  }
0x6d: {  	_ =	shalt  }
0x6e: {  	_ =	shalt  }
0x6f: {  	_ =	shalt  }
0x70: {  	_ =	shalt  }
0x71: {  	_ =	shalt  }
0x72: {  	_ =	shalt  }
0x73: {  	_ =	shalt  }
0x74: {  	_ =	shalt  }
0x75: {  	_ =	shalt  }
0x76: {  	_ =	shalt  }
0x77: {  	_ =	shalt  }
0x78: {  	_ =	shalt  }
0x79: {  	_ =	shalt  }
0x7a: {  	_ =	shalt  }
0x7b: {  	_ =	shalt  }
0x7c: {  	_ =	shalt  }
0x7d: {  	_ =	shalt  }
0x7e: {  	_ =	shalt  }
0x7f: {  	_ =	shalt  }
0x80: {  	_ =	shalt  }
0x81: {  	_ =	shalt  }
0x82: {  	_ =	shalt  }
0x83: {  	_ =	shalt  }
0x84: {  	_ =	shalt  }
0x85: {  	_ =	shalt  }
0x86: {  	_ =	shalt  }
0x87: {  	_ =	shalt  }
.Lfunc_end0:
.L_simem_size_0:
called_computation.2_lowered:
.L_overlay_start_0:
0x88: {  	s2 =	sld [smem:$0x3FD9]  }
0x89: {  	s3 =	sld [smem:$0x3FFE];
	_ =	sdelay $0x1  }
0x8a: {  	s1 =	srdreg.scid  }
0x8b: {  	s0 =	sand.u32 $0x1, s1  }
0x8c: {  	s14 =	sshll.u32 s0, $0xA;
	s2 =	sadd.s32 s3, s2  }
0x8d: {  	s2 =	sadd.s32 s2, s14  }
0x8e: {  	[smem:$0x3FB3] =	sst s2  }
0x8f: {  	_ = 	snop  }
0x90: {  	s2 =	sld [smem:$0x3FD0];
	_ =	sdelay $0x2  }
0x91: {  	s15 =	simm.s32 $0xA;
	s4 =	simm.s32 $0x10  }
0x92: {  	[smem:s4], [sflag:s15] =	dma.local [hbm:s2], $0x1  }
0x93: {  	_ =	swait.eq [sflag:s15], $0x1  }
0x94: {  	[sflag:s15] =	ssyncset.done $0x0  }
0x95: {  	s16 =	sld [smem:$0x10];
	[sflag:s15] =	ssyncadd.s32 $0xFFFFFFFF  }
0x96: {  	s17 =	sld [smem:$0x11];
	(tm) =	ssettm $0x1  }
0x97: {  	s18 =	sld [smem:$0x3FFB];
	_ =	sdelay $0x3  }
0x98: {  	_ =	strace s18  }
0x99: {  	s4 =	sld [smem:$0x3FFC];
	_ =	sdelay $0x3  }
0x9a: {  	_ =	strace s4  }
0x9b: {  	s4 =	sld [smem:$0x3FFD];
	_ =	sdelay $0x3  }
0x9c: {  	_ =	strace s4  }
0x9d: {  	_ =	strace $0x8FFFFFFF  }
0x9e: {  	s19 =	sld [smem:$0x3FDB];
	_ =	sdelay $0x1  }
0x9f: {  	s5 =	simm.s32 $_scs_section_size  }
0xa0: {  	s6 =	simm.s32 $_size__tile_overlayer_lowered;
	s7 =	simm.s32 $_tile_overlayer_lowered  }
0xa1: {  	s22 =	simm.s32 $0x1BFF;
	s21 =	sshll.u32 s7, $0x1;
	s4 =	sadd.s32 s5, s19  }
0xa2: {  	s8 =	simm.s32 $0x0;
	s20 =	sshll.u32 s6, $0x1;
	s6 =	sadd.s32 s21, s4  }
0xa3: {  	[timem:s8], [sflag:s22] =	dma.local [hbm:s6], s20  }
0xa4: {  	_ =	swait.ge [sflag:s22], s20  }
0xa5: {  	s5 =	ssub.s32 $0x0, s20;
	[sflag:s22] =	ssyncset.done $0x0  }
0xa6: {  	[sflag:s22] =	ssyncadd.s32 s5;
	_ =	sdelay $0x1  }
0xa7: {  	s23 =	simm.s32 $0x1B8B  }
0xa8: {  	_ =	swait.ge [sflag:s23], $0x1  }
0xa9: {  	[sflag:s23] =	ssyncset.done $0x0  }
0xaa: {  	s25 =	simm.s32 $0x1B8E;
	s24 =	sld [smem:$0x3FFE];
	[sflag:s23] =	ssyncadd.s32 $0xFFFFFFFF  }
0xab: {  	s26 =	simm.s32 $execute0_lowered;
	[smem:$0x3FD2] =	sst s25  }
0xac: {  	s6 =	sshll.u32 s26, $0x1;
	_ =	strace $0x8000004C;
	[dreg:$0x1] =	wrdreg $0xFFFFFFFF  }
0xad: {  	s28 =	simm.s32 $_size_execute0_lowered;
	s4 =	sadd.s32 s4, s6;
	[dreg:$0x0] =	wrdreg $0x0  }
0xae: {  	s6 =	sshll.u32 s28, $0x1;
	[dreg:$0x2] =	wrdreg s4  }
0xaf: {  	[dreg:$0x3] =	wrdreg s6  }
0xb0: {  	[dreg:$0x4] =	wrdreg $0xC0  }
0xb1: {  	_ =	task [dreg:s8], $0x5FFFF  }
0xb2: {  	[dreg:$0x1] =	wrdreg $0xFFFFFFFF  }
0xb3: {  	[dreg:$0x0] =	wrdreg $0x60  }
0xb4: {  	[dreg:$0x2] =	wrdreg s24  }
0xb5: {  	[dreg:$0x3] =	wrdreg s16  }
0xb6: {  	[dreg:$0x4] =	wrdreg s17  }
0xb7: {  	[dreg:$0x5] =	wrdreg $0xC0000  }
0xb8: {  	[dreg:$0x6] =	wrdreg $0x9  }
0xb9: {  	_ =	task.clear_ibuf [dreg:s8], $0x7FFFF;
	_ =	strace $0x9000004C  }
0xba: {  	s29 =	simm.s32 $0x9;
	_ =	strace $0x8000004E  }
0xbb: {  	_ =	swait.ge [sflag:s29], $0x1  }
0xbc: {  	[sflag:s29] =	ssyncadd.s32 $0xFFFFFFFF  }
0xbd: {  	_ =	strace $0x9000004E  }
0xbe: {  	_ =	sfence  }
0xbf: {  	s30 =	sld [smem:$0x0];
	_ =	sdelay $0x2  }
0xc0: {  	s31 =	sshll.u32 s1, $0xD;
	s1 =	sshrl.u32 s1, $0x2  }
0xc1: {  	s3 =	sand.u32 $0x4000, s31;
	s1 =	sadd.s32 s1, s30  }
0xc2: {  	s0 =	sor.u32 s3, s0;
	s1 =	sshll.u32 s1, $0x11  }
0xc3: {  	s0 =	sor.u32 s1, s0  }
0xc4: {  	s0 =	sadd.s32 $0x8F2B, s0  }
0xc5: {  	[sflag:s0] =	ssyncadd.remote.s32 $0x1  }
0xc6: {  	_ =	sfence.sel $0xFFFF  }
0xc7: {  	[dreg:$0x0] =	wrdreg $0xFFFFFFFF;
	(pc) =	sbr.abs _section_cstart, $3  }
0xc8: {  	[dreg:$0x1] =	wrdreg $0xFFFFFFFF  }
0xc9: {  	_ =	task.clear_ibuf [dreg:s8], $0x2FFFF;
	_ =	strace $0x9FFFFFFF  }
0xca: {  	(tm) =	ssettm $0x7FFFFFFF  }
0xcb: {  	_ =	shalt  }
tec
execute0_lowered:
.L_overlay_start_1:
0x0: {  	(tag) =	ssettag $0x1  }
0x1: {  	s0 =	srdreg.scid;
	s9 =	stileid.u32  }
0x2: {  	s2 =	sand.u32 $0x1, s0;
	s4 =	smul.u32 $0xA000, s9  }
0x3: {  	s1 =	rddreg [dreg:$0x0];
	s5 =	smul.u32 $0x5000, s2  }
0x4: {  	s3 =	rddreg [dreg:$0x3]  }
0x5: {  	s0 =	rddreg [dreg:$0x2];
	s5 =	sadd.s32 s5, s4;
	s4 =	simm.s32 $0x0  }
0x6: {  	s21 =	simm.s32 $0x80;
	[smem:$0x7FF] =	sst s4  }
0x7: {  	s22 =	simm.s32 $0x100;
	_ =	strace $0x8000004D;
	[dreg:$0x7] =	wrdreg s21  }
0x8: {  	s23 =	simm.s32 $0x180;
	[dreg:$0x8] =	wrdreg s22  }
0x9: {  	s24 =	simm.s32 $0x1080;
	[dreg:$0x9] =	wrdreg s23  }
0xa: {  	s25 =	simm.s32 $0x1100;
	[dreg:$0xa] =	wrdreg s24  }
0xb: {  	s26 =	simm.s32 $0x1180;
	[dreg:$0xb] =	wrdreg s25  }
0xc: {  	s8 =	simm.s32 $0x300;
	s10 =	simm.s32 $0x380;
	[dreg:$0xc] =	wrdreg s26  }
0xd: {  	s12 =	simm.s32 $0x1200;
	s14 =	simm.s32 $0x1280;
	[dreg:$0xf] =	wrdreg s8  }
0xe: {  	s15 =	simm.s32 $0x1300;
	s16 =	simm.s32 $0x1380;
	[dreg:$0x10] =	wrdreg s10  }
0xf: {  	s18 =	simm.s32 $0x400;
	s19 =	simm.s32 $0x480;
	[dreg:$0x11] =	wrdreg s12  }
0x10: {  	s28 =	simm.s32 $0xB80;
	s29 =	simm.s32 $0x1A00;
	[dreg:$0x12] =	wrdreg s14  }
0x11: {  	s30 =	simm.s32 $0x1A80;
	s31 =	simm.s32 $0x1B00;
	[dreg:$0x13] =	wrdreg s15  }
0x12: {  	s7 =	sadd.s32 $0x4E00, s1;
	s20 =	sshll.u32 s9, $0x6;
	[dreg:$0x14] =	wrdreg s16  }
0x13: {  	s6 =	sadd.s32 $0xA0000, s5;
	s5 =	sshrl.u32 s5, $0x3;
	[dreg:$0x15] =	wrdreg s18  }
0x14: {  	s11 =	ssub.s32 $0x2, s2;
	s5 =	sadd.s32 s5, s7;
	[dreg:$0x16] =	wrdreg s19  }
0x15: {  	s2 =	smul.u32 $0x140000, s2;
	s21 =	simm.s32 $0x500;
	[dreg:$0x6] =	wrdreg s5  }
0x16: {  	s13 =	sshrl.u32 s11, $0x1;
	s22 =	simm.s32 $0x580;
	[dreg:$0x17] =	wrdreg s21  }
0x17: {  	s6 =	sshrl.u32 s6, $0x3;
	s23 =	simm.s32 $0x1400;
	[dreg:$0x18] =	wrdreg s22  }
0x18: {  	s8 =	smul.u32 $0x50000, s9;
	s24 =	simm.s32 $0x1480;
	[dreg:$0x19] =	wrdreg s23  }
0x19: {  	s9 =	smul.u32 $0x14000, s9;
	s25 =	simm.s32 $0x1500;
	[dreg:$0x1a] =	wrdreg s24  }
0x1a: {  	s26 =	simm.s32 $0x1580;
	s12 =	simm.s32 $0x700;
	[dreg:$0x1b] =	wrdreg s25  }
0x1b: {  	s14 =	simm.s32 $0x1600;
	s15 =	simm.s32 $0x1680;
	[dreg:$0x1c] =	wrdreg s26  }
0x1c: {  	s16 =	simm.s32 $0x1700;
	s18 =	simm.s32 $0x800;
	[dreg:$0x1f] =	wrdreg s12  }
0x1d: {  	s19 =	simm.s32 $0x880;
	s6 =	sadd.s32 s6, s7;
	[smem:$0x7EF] =	sst s14  }
0x1e: {  	s7 =	simm.s32 $0x280;
	s5 =	sadd.s32 $0x2CE00, s1;
	[smem:$0x7F0] =	sst s15  }
0x1f: {  	s12 =	simm.s32 $0x50;
	s14 =	simm.s32 $0x4800;
	[smem:$0x7F1] =	sst s16  }
0x20: {  	s15 =	simm.s32 $0x7000;
	s16 =	simm.s32 $0x9800;
	[smem:$0x7F3] =	sst s18  }
0x21: {  	[smem:$0x7F4] =	sst s19;
	s18 =	simm.s32 $0x2;
	s21 =	simm.s32 $0x980  }
0x22: {  	s19 =	simm.s32 $0x3;
	s22 =	simm.s32 $0x1800;
	[dreg:$0x5] =	wrdreg s6  }
0x23: {  	s23 =	simm.s32 $0x1880;
	s24 =	simm.s32 $0x1900;
	[dreg:$0xe] =	wrdreg s7  }
0x24: {  	s25 =	simm.s32 $0x1980;
	s26 =	simm.s32 $0xA00;
	[smem:$0x7F6] =	sst s21  }
0x25: {  	s1 =	simm.s32 $0x1B80;
	s6 =	simm.s32 $0x200;
	[smem:$0x7F7] =	sst s22  }
0x26: {  	s17 =	sshrl.u32 s8, $0x2;
	s8 =	sor.u32 $0x1C09, s20;
	[smem:$0x7F8] =	sst s23  }
0x27: {  	s2 =	sadd.s32 s9, s2;
	s9 =	simm.s32 $0x600;
	[smem:$0x7F9] =	sst s24  }
0x28: {  	s20 =	simm.s32 $0x900;
	s21 =	simm.s32 $0x5;
	[smem:$0x7FA] =	sst s25  }
0x29: {  	s22 =	simm.s32 $0x6;
	s23 =	simm.s32 $0x7;
	[smem:$0x7FB] =	sst s26  }
0x2a: {  	s24 =	simm.s32 $0x8;
	s25 =	simm.s32 $0xA80;
	[dreg:$0xd] =	wrdreg s6  }
0x2b: {  	s26 =	simm.s32 $0xB00;
	s6 =	ssub.s32 s11, s13;
	[dreg:$0x1d] =	wrdreg s9  }
0x2c: {  	s7 =	sadd.s32 s17, s3;
	s2 =	sshrl.u32 s2, $0x3;
	[smem:$0x7F5] =	sst s20  }
0x2d: {  	s11 =	simm.s32 $0x680;
	s13 =	simm.s32 $0x780;
	[smem:$0x7FC] =	sst s8  }
0x2e: {  	s17 =	simm.s32 $0x1780;
	s20 =	simm.s32 $0x4;
	[dreg:$0x1e] =	wrdreg s11  }
0x2f: {  	s9 =	simm.s32 $0x0;
	s0 =	sadd.s32 s0, s2;
	[smem:$0x7EE] =	sst s13  }
0x30: {  	s10 =	smax.u32 s6, $0x1;
	s7 =	sshrl.u32 s7, $0x3;
	[smem:$0x7F2] =	sst s17  }
0x31: {  	s11 =	simm.s32 $0x1000;
	s13 =	simm.s32 $0x2000;
	[smem:$0x7EC] =	sst s0  }
0x32: {  	s17 =	simm.s32 $0x1;
	s2 =	simm.s32 $0x1C00;
	[smem:$0x7ED] =	sst s10  }
0x33: {  	s10 =	simm.s32 $0x9;
	s0 =	simm.s32 $0xC00;
	[smem:$0x7FD] =	sst s7  }
.LBB2_1:
0x34: {  	[smem:$0x7EB] =	sst s9  }
0x35: {  	s6 =	rddreg [dreg:$0x1]  }
0x36: {  	[spmem:s7], [sflag:s8] =	dma.local [hbm:s6], $0x2800  }
0x37: {  	_ =	swait.ge [sflag:s10], $0x2800  }
0x38: {  	[sflag:s10] =	ssyncset.done $0x0  }
0x39: {  	[sflag:s10] =	ssyncadd.s32 $0xFFFFD800  }
0x3a: {  	[bflag:$0x0] =	sbarrier.arrive $0xFFFF  }
0x3b: {  	s7 =	rddreg [dreg:$0x6]  }
0x3c: {  	s6 =	sadd.s32 $0x0, s7  }
0x3d: {  	[tilespmem:s4], [sflag:$0x9] =	stream.linear.gather [hbm4b:s6+s4], $0xC80, $0x38;
	v63 =	vld [tilespmem:$0x0]  }
0x3e: {  	_ =	swait.ge [sflag:s10], $0xC80  }
0x3f: {  	s8 =	rddreg [dreg:$0x5];
	[sflag:s10] =	ssyncset.done $0x0  }
0x40: {  	[sflag:s10] =	ssyncadd.s32 $0xFFFFF380;
	s6 =	sadd.s32 $0x0, s8  }
0x41: {  	[tilespmem:s11], [sflag:$0x9] =	stream.linear.gather [hbm4b:s6+s4], $0xC80, $0x38;
	v63 =	vld [tilespmem:$0x0]  }
0x42: {  	_ =	swait.ge [sflag:s10], $0xC80  }
0x43: {  	[sflag:s10] =	ssyncset.done $0x0  }
0x44: {  	[sflag:s10] =	ssyncadd.s32 $0xFFFFF380  }
0x45: {  	[tilespmem:s13], [sflag:$0x1] =	stream.indirect.gather [hbm4b:s5+s12], $0x80, s4, s12, $0xb8;
	v63 =	vld [tilespmem:$0x0]  }
0x46: {  	s9 =	rddreg [dreg:$0x7]  }
0x47: {  	[tilespmem:s14], [sflag:$0x2] =	stream.indirect.gather [hbm4b:s5+s12], $0x80, s9, s12, $0xb8;
	v63 =	vld [tilespmem:$0x0]  }
0x48: {  	s7 =	rddreg [dreg:$0x8]  }
0x49: {  	[tilespmem:s15], [sflag:$0x3] =	stream.indirect.gather [hbm4b:s5+s12], $0x80, s7, s12, $0xb8;
	v63 =	vld [tilespmem:$0x0]  }
0x4a: {  	s9 =	rddreg [dreg:$0x9]  }
0x4b: {  	[tilespmem:s16], [sflag:$0x4] =	stream.indirect.gather [hbm4b:s5+s12], $0x80, s9, s12, $0xb8;
	v63 =	vld [tilespmem:$0x0]  }
0x4c: {  	_ =	swait.ge [sflag:s17], $0x2800  }
0x4d: {  	[sflag:s17] =	ssyncset.done $0x0  }
0x4e: {  	[sflag:s17] =	ssyncadd.s32 $0xFFFFD800  }
0x4f: {  	[spmem:s3] =	stream.indirect.scatter.add.f32 [tilespmem:s13], [sflag:$0x5], $0x80, s11, s12, $0xb8;
	v63 =	vld [tilespmem:$0x0]  }
0x50: {  	_ =	swait.ge [sflag:s18], $0x2800  }
0x51: {  	[sflag:s18] =	ssyncset.done $0x0  }
0x52: {  	s7 =	rddreg [dreg:$0xa];
	[sflag:s18] =	ssyncadd.s32 $0xFFFFD800  }
0x53: {  	[spmem:s3] =	stream.indirect.scatter.add.f32 [tilespmem:s14], [sflag:$0x6], $0x80, s7, s12, $0xb8;
	v63 =	vld [tilespmem:$0x0]  }
0x54: {  	_ =	swait.ge [sflag:s19], $0x2800  }
0x55: {  	[sflag:s19] =	ssyncset.done $0x0  }
0x56: {  	s8 =	rddreg [dreg:$0xb];
	[sflag:s19] =	ssyncadd.s32 $0xFFFFD800  }
0x57: {  	[spmem:s3] =	stream.indirect.scatter.add.f32 [tilespmem:s15], [sflag:$0x7], $0x80, s8, s12, $0xb8;
	v63 =	vld [tilespmem:$0x0]  }
0x58: {  	_ =	swait.ge [sflag:s20], $0x2800  }
0x59: {  	[sflag:s20] =	ssyncset.done $0x0  }
0x5a: {  	s9 =	rddreg [dreg:$0xc];
	[sflag:s20] =	ssyncadd.s32 $0xFFFFD800  }
0x5b: {  	[spmem:s3] =	stream.indirect.scatter.add.f32 [tilespmem:s16], [sflag:$0x8], $0x80, s9, s12, $0xb8;
	v63 =	vld [tilespmem:$0x0]  }
0x5c: {  	_ =	swait.ge [sflag:s21], $0x2800  }
0x5d: {  	[sflag:s21] =	ssyncset.done $0x0  }
0x5e: {  	s7 =	rddreg [dreg:$0xd];
	[sflag:s21] =	ssyncadd.s32 $0xFFFFD800  }
0x5f: {  	[tilespmem:s13], [sflag:$0x1] =	stream.indirect.gather [hbm4b:s5+s12], $0x80, s7, s12, $0xb8;
	v63 =	vld [tilespmem:$0x0]  }
0x60: {  	_ =	swait.ge [sflag:s22], $0x2800  }
0x61: {  	[sflag:s22] =	ssyncset.done $0x0  }
0x62: {  	s8 =	rddreg [dreg:$0xe];
	[sflag:s22] =	ssyncadd.s32 $0xFFFFD800  }
0x63: {  	[tilespmem:s14], [sflag:$0x2] =	stream.indirect.gather [hbm4b:s5+s12], $0x80, s8, s12, $0xb8;
	v63 =	vld [tilespmem:$0x0]  }
0x64: {  	_ =	swait.ge [sflag:s23], $0x2800  }
0x65: {  	[sflag:s23] =	ssyncset.done $0x0  }
0x66: {  	s9 =	rddreg [dreg:$0xf];
	[sflag:s23] =	ssyncadd.s32 $0xFFFFD800  }
0x67: {  	[tilespmem:s15], [sflag:$0x3] =	stream.indirect.gather [hbm4b:s5+s12], $0x80, s9, s12, $0xb8;
	v63 =	vld [tilespmem:$0x0]  }
0x68: {  	_ =	swait.ge [sflag:s24], $0x2800  }
0x69: {  	[sflag:s24] =	ssyncset.done $0x0  }
0x6a: {  	s7 =	rddreg [dreg:$0x10];
	[sflag:s24] =	ssyncadd.s32 $0xFFFFD800  }
0x6b: {  	[tilespmem:s16], [sflag:$0x4] =	stream.indirect.gather [hbm4b:s5+s12], $0x80, s7, s12, $0xb8;
	v63 =	vld [tilespmem:$0x0]  }
0x6c: {  	_ =	swait.ge [sflag:s17], $0x2800  }
0x6d: {  	[sflag:s17] =	ssyncset.done $0x0  }
0x6e: {  	s8 =	rddreg [dreg:$0x11];
	[sflag:s17] =	ssyncadd.s32 $0xFFFFD800  }
0x6f: {  	[spmem:s3] =	stream.indirect.scatter.add.f32 [tilespmem:s13], [sflag:$0x5], $0x80, s8, s12, $0xb8;
	v63 =	vld [tilespmem:$0x0]  }
0x70: {  	_ =	swait.ge [sflag:s18], $0x2800  }
0x71: {  	[sflag:s18] =	ssyncset.done $0x0  }
0x72: {  	s9 =	rddreg [dreg:$0x12];
	[sflag:s18] =	ssyncadd.s32 $0xFFFFD800  }
0x73: {  	[spmem:s3] =	stream.indirect.scatter.add.f32 [tilespmem:s14], [sflag:$0x6], $0x80, s9, s12, $0xb8;
	v63 =	vld [tilespmem:$0x0]  }
0x74: {  	_ =	swait.ge [sflag:s19], $0x2800  }
0x75: {  	[sflag:s19] =	ssyncset.done $0x0  }
0x76: {  	s7 =	rddreg [dreg:$0x13];
	[sflag:s19] =	ssyncadd.s32 $0xFFFFD800  }
0x77: {  	[spmem:s3] =	stream.indirect.scatter.add.f32 [tilespmem:s15], [sflag:$0x7], $0x80, s7, s12, $0xb8;
	v63 =	vld [tilespmem:$0x0]  }
0x78: {  	_ =	swait.ge [sflag:s20], $0x2800  }
0x79: {  	[sflag:s20] =	ssyncset.done $0x0  }
0x7a: {  	s8 =	rddreg [dreg:$0x14];
	[sflag:s20] =	ssyncadd.s32 $0xFFFFD800  }
0x7b: {  	[spmem:s3] =	stream.indirect.scatter.add.f32 [tilespmem:s16], [sflag:$0x8], $0x80, s8, s12, $0xb8;
	v63 =	vld [tilespmem:$0x0]  }
0x7c: {  	_ =	swait.ge [sflag:s21], $0x2800  }
0x7d: {  	[sflag:s21] =	ssyncset.done $0x0  }
0x7e: {  	s9 =	rddreg [dreg:$0x15];
	[sflag:s21] =	ssyncadd.s32 $0xFFFFD800  }
0x7f: {  	[tilespmem:s13], [sflag:$0x1] =	stream.indirect.gather [hbm4b:s5+s12], $0x80, s9, s12, $0xb8;
	v63 =	vld [tilespmem:$0x0]  }
0x80: {  	_ =	swait.ge [sflag:s22], $0x2800  }
0x81: {  	[sflag:s22] =	ssyncset.done $0x0  }
0x82: {  	s7 =	rddreg [dreg:$0x16];
	[sflag:s22] =	ssyncadd.s32 $0xFFFFD800  }
0x83: {  	[tilespmem:s14], [sflag:$0x2] =	stream.indirect.gather [hbm4b:s5+s12], $0x80, s7, s12, $0xb8;
	v63 =	vld [tilespmem:$0x0]  }
0x84: {  	_ =	swait.ge [sflag:s23], $0x2800  }
0x85: {  	[sflag:s23] =	ssyncset.done $0x0  }
0x86: {  	s8 =	rddreg [dreg:$0x17];
	[sflag:s23] =	ssyncadd.s32 $0xFFFFD800  }
0x87: {  	[tilespmem:s15], [sflag:$0x3] =	stream.indirect.gather [hbm4b:s5+s12], $0x80, s8, s12, $0xb8;
	v63 =	vld [tilespmem:$0x0]  }
0x88: {  	_ =	swait.ge [sflag:s24], $0x2800  }
0x89: {  	[sflag:s24] =	ssyncset.done $0x0  }
0x8a: {  	s9 =	rddreg [dreg:$0x18];
	[sflag:s24] =	ssyncadd.s32 $0xFFFFD800  }
0x8b: {  	[tilespmem:s16], [sflag:$0x4] =	stream.indirect.gather [hbm4b:s5+s12], $0x80, s9, s12, $0xb8;
	v63 =	vld [tilespmem:$0x0]  }
0x8c: {  	_ =	swait.ge [sflag:s17], $0x2800  }
0x8d: {  	[sflag:s17] =	ssyncset.done $0x0  }
0x8e: {  	s7 =	rddreg [dreg:$0x19];
	[sflag:s17] =	ssyncadd.s32 $0xFFFFD800  }
0x8f: {  	[spmem:s3] =	stream.indirect.scatter.add.f32 [tilespmem:s13], [sflag:$0x5], $0x80, s7, s12, $0xb8;
	v63 =	vld [tilespmem:$0x0]  }
0x90: {  	_ =	swait.ge [sflag:s18], $0x2800  }
0x91: {  	[sflag:s18] =	ssyncset.done $0x0  }
0x92: {  	s8 =	rddreg [dreg:$0x1a];
	[sflag:s18] =	ssyncadd.s32 $0xFFFFD800  }
0x93: {  	[spmem:s3] =	stream.indirect.scatter.add.f32 [tilespmem:s14], [sflag:$0x6], $0x80, s8, s12, $0xb8;
	v63 =	vld [tilespmem:$0x0]  }
0x94: {  	_ =	swait.ge [sflag:s19], $0x2800  }
0x95: {  	[sflag:s19] =	ssyncset.done $0x0  }
0x96: {  	s9 =	rddreg [dreg:$0x1b];
	[sflag:s19] =	ssyncadd.s32 $0xFFFFD800  }
0x97: {  	[spmem:s3] =	stream.indirect.scatter.add.f32 [tilespmem:s15], [sflag:$0x7], $0x80, s9, s12, $0xb8;
	v63 =	vld [tilespmem:$0x0]  }
0x98: {  	_ =	swait.ge [sflag:s20], $0x2800  }
0x99: {  	[sflag:s20] =	ssyncset.done $0x0  }
0x9a: {  	s7 =	rddreg [dreg:$0x1c];
	[sflag:s20] =	ssyncadd.s32 $0xFFFFD800  }
0x9b: {  	[spmem:s3] =	stream.indirect.scatter.add.f32 [tilespmem:s16], [sflag:$0x8], $0x80, s7, s12, $0xb8;
	v63 =	vld [tilespmem:$0x0]  }
0x9c: {  	_ =	swait.ge [sflag:s21], $0x2800  }
0x9d: {  	[sflag:s21] =	ssyncset.done $0x0  }
0x9e: {  	s8 =	rddreg [dreg:$0x1d];
	[sflag:s21] =	ssyncadd.s32 $0xFFFFD800  }
0x9f: {  	[tilespmem:s13], [sflag:$0x1] =	stream.indirect.gather [hbm4b:s5+s12], $0x80, s8, s12, $0xb8;
	v63 =	vld [tilespmem:$0x0]  }
0xa0: {  	_ =	swait.ge [sflag:s22], $0x2800  }
0xa1: {  	[sflag:s22] =	ssyncset.done $0x0  }
0xa2: {  	s9 =	rddreg [dreg:$0x1e];
	[sflag:s22] =	ssyncadd.s32 $0xFFFFD800  }
0xa3: {  	[tilespmem:s14], [sflag:$0x2] =	stream.indirect.gather [hbm4b:s5+s12], $0x80, s9, s12, $0xb8;
	v63 =	vld [tilespmem:$0x0]  }
0xa4: {  	_ =	swait.ge [sflag:s23], $0x2800  }
0xa5: {  	[sflag:s23] =	ssyncset.done $0x0  }
0xa6: {  	s7 =	rddreg [dreg:$0x1f];
	[sflag:s23] =	ssyncadd.s32 $0xFFFFD800  }
0xa7: {  	[tilespmem:s15], [sflag:$0x3] =	stream.indirect.gather [hbm4b:s5+s12], $0x80, s7, s12, $0xb8;
	v63 =	vld [tilespmem:$0x0]  }
0xa8: {  	_ =	swait.ge [sflag:s24], $0x2800  }
0xa9: {  	s8 =	sld [smem:$0x7EE]  }
0xaa: {  	[sflag:s24] =	ssyncset.done $0x0  }
0xab: {  	[sflag:s24] =	ssyncadd.s32 $0xFFFFD800  }
0xac: {  	[tilespmem:s16], [sflag:$0x4] =	stream.indirect.gather [hbm4b:s5+s12], $0x80, s8, s12, $0xb8;
	v63 =	vld [tilespmem:$0x0]  }
0xad: {  	_ =	swait.ge [sflag:s17], $0x2800  }
0xae: {  	s9 =	sld [smem:$0x7EF]  }
0xaf: {  	[sflag:s17] =	ssyncset.done $0x0  }
0xb0: {  	[sflag:s17] =	ssyncadd.s32 $0xFFFFD800  }
0xb1: {  	[spmem:s3] =	stream.indirect.scatter.add.f32 [tilespmem:s13], [sflag:$0x5], $0x80, s9, s12, $0xb8;
	v63 =	vld [tilespmem:$0x0]  }
0xb2: {  	_ =	swait.ge [sflag:s18], $0x2800  }
0xb3: {  	s7 =	sld [smem:$0x7F0]  }
0xb4: {  	[sflag:s18] =	ssyncset.done $0x0  }
0xb5: {  	[sflag:s18] =	ssyncadd.s32 $0xFFFFD800  }
0xb6: {  	[spmem:s3] =	stream.indirect.scatter.add.f32 [tilespmem:s14], [sflag:$0x6], $0x80, s7, s12, $0xb8;
	v63 =	vld [tilespmem:$0x0]  }
0xb7: {  	_ =	swait.ge [sflag:s19], $0x2800  }
0xb8: {  	s8 =	sld [smem:$0x7F1]  }
0xb9: {  	[sflag:s19] =	ssyncset.done $0x0  }
0xba: {  	[sflag:s19] =	ssyncadd.s32 $0xFFFFD800  }
0xbb: {  	[spmem:s3] =	stream.indirect.scatter.add.f32 [tilespmem:s15], [sflag:$0x7], $0x80, s8, s12, $0xb8;
	v63 =	vld [tilespmem:$0x0]  }
0xbc: {  	_ =	swait.ge [sflag:s20], $0x2800  }
0xbd: {  	s9 =	sld [smem:$0x7F2]  }
0xbe: {  	[sflag:s20] =	ssyncset.done $0x0  }
0xbf: {  	[sflag:s20] =	ssyncadd.s32 $0xFFFFD800  }
0xc0: {  	[spmem:s3] =	stream.indirect.scatter.add.f32 [tilespmem:s16], [sflag:$0x8], $0x80, s9, s12, $0xb8;
	v63 =	vld [tilespmem:$0x0]  }
0xc1: {  	_ =	swait.ge [sflag:s21], $0x2800  }
0xc2: {  	s7 =	sld [smem:$0x7F3]  }
0xc3: {  	[sflag:s21] =	ssyncset.done $0x0  }
0xc4: {  	[sflag:s21] =	ssyncadd.s32 $0xFFFFD800  }
0xc5: {  	[tilespmem:s13], [sflag:$0x1] =	stream.indirect.gather [hbm4b:s5+s12], $0x80, s7, s12, $0xb8;
	v63 =	vld [tilespmem:$0x0]  }
0xc6: {  	_ =	swait.ge [sflag:s22], $0x2800  }
0xc7: {  	s8 =	sld [smem:$0x7F4]  }
0xc8: {  	[sflag:s22] =	ssyncset.done $0x0  }
0xc9: {  	[sflag:s22] =	ssyncadd.s32 $0xFFFFD800  }
0xca: {  	[tilespmem:s14], [sflag:$0x2] =	stream.indirect.gather [hbm4b:s5+s12], $0x80, s8, s12, $0xb8;
	v63 =	vld [tilespmem:$0x0]  }
0xcb: {  	_ =	swait.ge [sflag:s23], $0x2800  }
0xcc: {  	s9 =	sld [smem:$0x7F5]  }
0xcd: {  	[sflag:s23] =	ssyncset.done $0x0  }
0xce: {  	[sflag:s23] =	ssyncadd.s32 $0xFFFFD800  }
0xcf: {  	[tilespmem:s15], [sflag:$0x3] =	stream.indirect.gather [hbm4b:s5+s12], $0x80, s9, s12, $0xb8;
	v63 =	vld [tilespmem:$0x0]  }
0xd0: {  	_ =	swait.ge [sflag:s24], $0x2800  }
0xd1: {  	s7 =	sld [smem:$0x7F6]  }
0xd2: {  	[sflag:s24] =	ssyncset.done $0x0  }
0xd3: {  	[sflag:s24] =	ssyncadd.s32 $0xFFFFD800  }
0xd4: {  	[tilespmem:s16], [sflag:$0x4] =	stream.indirect.gather [hbm4b:s5+s12], $0x80, s7, s12, $0xb8;
	v63 =	vld [tilespmem:$0x0]  }
0xd5: {  	_ =	swait.ge [sflag:s17], $0x2800  }
0xd6: {  	s8 =	sld [smem:$0x7F7]  }
0xd7: {  	[sflag:s17] =	ssyncset.done $0x0  }
0xd8: {  	[sflag:s17] =	ssyncadd.s32 $0xFFFFD800  }
0xd9: {  	[spmem:s3] =	stream.indirect.scatter.add.f32 [tilespmem:s13], [sflag:$0x5], $0x80, s8, s12, $0xb8;
	v63 =	vld [tilespmem:$0x0]  }
0xda: {  	_ =	swait.ge [sflag:s18], $0x2800  }
0xdb: {  	s9 =	sld [smem:$0x7F8]  }
0xdc: {  	[sflag:s18] =	ssyncset.done $0x0  }
0xdd: {  	[sflag:s18] =	ssyncadd.s32 $0xFFFFD800  }
0xde: {  	[spmem:s3] =	stream.indirect.scatter.add.f32 [tilespmem:s14], [sflag:$0x6], $0x80, s9, s12, $0xb8;
	v63 =	vld [tilespmem:$0x0]  }
0xdf: {  	_ =	swait.ge [sflag:s19], $0x2800  }
0xe0: {  	s7 =	sld [smem:$0x7F9]  }
0xe1: {  	[sflag:s19] =	ssyncset.done $0x0  }
0xe2: {  	[sflag:s19] =	ssyncadd.s32 $0xFFFFD800  }
0xe3: {  	[spmem:s3] =	stream.indirect.scatter.add.f32 [tilespmem:s15], [sflag:$0x7], $0x80, s7, s12, $0xb8;
	v63 =	vld [tilespmem:$0x0]  }
0xe4: {  	_ =	swait.ge [sflag:s20], $0x2800  }
0xe5: {  	s8 =	sld [smem:$0x7FA]  }
0xe6: {  	[sflag:s20] =	ssyncset.done $0x0  }
0xe7: {  	[sflag:s20] =	ssyncadd.s32 $0xFFFFD800  }
0xe8: {  	[spmem:s3] =	stream.indirect.scatter.add.f32 [tilespmem:s16], [sflag:$0x8], $0x80, s8, s12, $0xb8;
	v63 =	vld [tilespmem:$0x0]  }
0xe9: {  	_ =	swait.ge [sflag:s21], $0x2800  }
0xea: {  	s9 =	sld [smem:$0x7FB]  }
0xeb: {  	[sflag:s21] =	ssyncset.done $0x0  }
0xec: {  	[sflag:s21] =	ssyncadd.s32 $0xFFFFD800  }
0xed: {  	[tilespmem:s13], [sflag:$0x1] =	stream.indirect.gather [hbm4b:s5+s12], $0x80, s9, s12, $0xb8;
	v63 =	vld [tilespmem:$0x0]  }
0xee: {  	_ =	swait.ge [sflag:s22], $0x2800  }
0xef: {  	[sflag:s22] =	ssyncset.done $0x0  }
0xf0: {  	[sflag:s22] =	ssyncadd.s32 $0xFFFFD800  }
0xf1: {  	[tilespmem:s14], [sflag:$0x2] =	stream.indirect.gather [hbm4b:s5+s12], $0x80, s25, s12, $0xb8;
	v63 =	vld [tilespmem:$0x0]  }
0xf2: {  	_ =	swait.ge [sflag:s23], $0x2800  }
0xf3: {  	[sflag:s23] =	ssyncset.done $0x0  }
0xf4: {  	[sflag:s23] =	ssyncadd.s32 $0xFFFFD800  }
0xf5: {  	[tilespmem:s15], [sflag:$0x3] =	stream.indirect.gather [hbm4b:s5+s12], $0x80, s26, s12, $0xb8;
	v63 =	vld [tilespmem:$0x0]  }
0xf6: {  	_ =	swait.ge [sflag:s24], $0x2800  }
0xf7: {  	[sflag:s24] =	ssyncset.done $0x0  }
0xf8: {  	[sflag:s24] =	ssyncadd.s32 $0xFFFFD800  }
0xf9: {  	[tilespmem:s16], [sflag:$0x4] =	stream.indirect.gather [hbm4b:s5+s12], $0x80, s28, s12, $0xb8;
	v63 =	vld [tilespmem:$0x0]  }
0xfa: {  	_ =	swait.ge [sflag:s17], $0x2800  }
0xfb: {  	[sflag:s17] =	ssyncset.done $0x0  }
0xfc: {  	[sflag:s17] =	ssyncadd.s32 $0xFFFFD800  }
0xfd: {  	[spmem:s3] =	stream.indirect.scatter.add.f32 [tilespmem:s13], [sflag:$0x5], $0x80, s29, s12, $0xb8;
	v63 =	vld [tilespmem:$0x0]  }
0xfe: {  	_ =	swait.ge [sflag:s18], $0x2800  }
0xff: {  	[sflag:s18] =	ssyncset.done $0x0  }
0x100: {  	[sflag:s18] =	ssyncadd.s32 $0xFFFFD800  }
0x101: {  	[spmem:s3] =	stream.indirect.scatter.add.f32 [tilespmem:s14], [sflag:$0x6], $0x80, s30, s12, $0xb8;
	v63 =	vld [tilespmem:$0x0]  }
0x102: {  	_ =	swait.ge [sflag:s19], $0x2800  }
0x103: {  	[sflag:s19] =	ssyncset.done $0x0  }
0x104: {  	[sflag:s19] =	ssyncadd.s32 $0xFFFFD800  }
0x105: {  	[spmem:s3] =	stream.indirect.scatter.add.f32 [tilespmem:s15], [sflag:$0x7], $0x80, s31, s12, $0xb8;
	v63 =	vld [tilespmem:$0x0]  }
0x106: {  	_ =	swait.ge [sflag:s20], $0x2800  }
0x107: {  	[sflag:s20] =	ssyncset.done $0x0  }
0x108: {  	[sflag:s20] =	ssyncadd.s32 $0xFFFFD800  }
0x109: {  	[spmem:s3] =	stream.indirect.scatter.add.f32 [tilespmem:s16], [sflag:$0x8], $0x80, s1, s12, $0xb8;
	v63 =	vld [tilespmem:$0x0]  }
0x10a: {  	_ =	swait.ge [sflag:s21], $0x2800  }
0x10b: {  	[sflag:s21] =	ssyncset.done $0x0  }
0x10c: {  	[sflag:s21] =	ssyncadd.s32 $0xFFFFD800  }
0x10d: {  	[tilespmem:s13], [sflag:$0x1] =	stream.indirect.gather [hbm4b:s5+s12], $0x80, s0, s12, $0xb8;
	v63 =	vld [tilespmem:$0x0]  }
0x10e: {  	_ =	swait.ge [sflag:s22], $0x2800  }
0x10f: {  	[sflag:s22] =	ssyncset.done $0x0  }
0x110: {  	[sflag:s22] =	ssyncadd.s32 $0xFFFFD800  }
0x111: {  	_ =	swait.ge [sflag:s23], $0x2800  }
0x112: {  	[sflag:s23] =	ssyncset.done $0x0  }
0x113: {  	[sflag:s23] =	ssyncadd.s32 $0xFFFFD800  }
0x114: {  	_ =	swait.ge [sflag:s24], $0x2800  }
0x115: {  	[sflag:s24] =	ssyncset.done $0x0  }
0x116: {  	[sflag:s24] =	ssyncadd.s32 $0xFFFFD800  }
0x117: {  	_ =	swait.ge [sflag:s17], $0x2800  }
0x118: {  	[sflag:s17] =	ssyncset.done $0x0  }
0x119: {  	[sflag:s17] =	ssyncadd.s32 $0xFFFFD800  }
0x11a: {  	[spmem:s3] =	stream.indirect.scatter.add.f32 [tilespmem:s13], [sflag:$0x9], $0x80, s2, s12, $0xb8;
	v63 =	vld [tilespmem:$0x0]  }
0x11b: {  	s6 =	simm.s32 $0x400;
	_ =	swait.ge [sflag:s10], $0x2800  }
0x11c: {  	s8 =	simm.s32 $0x200;
	s9 =	rddreg [dreg:$0x6];
	[sflag:s10] =	ssyncset.done $0x0  }
.LBB2_2:
0x11d: {  	[sflag:s10] =	ssyncadd.s32 $0xFFFFD800;
	s9 =	sadd.s32 s8, s9  }
0x11e: {  	[tilespmem:s4], [sflag:$0x9] =	stream.linear.gather [hbm4b:s9+s4], $0xC80, $0x38;
	v63 =	vld [tilespmem:$0x0]  }
0x11f: {  	_ =	swait.ge [sflag:s10], $0xC80  }
0x120: {  	s9 =	rddreg [dreg:$0x5];
	[sflag:s10] =	ssyncset.done $0x0  }
0x121: {  	[sflag:s10] =	ssyncadd.s32 $0xFFFFF380;
	s9 =	sadd.s32 s8, s9  }
0x122: {  	[tilespmem:s11], [sflag:$0x9] =	stream.linear.gather [hbm4b:s9+s4], $0xC80, $0x38;
	v63 =	vld [tilespmem:$0x0]  }
0x123: {  	_ =	swait.ge [sflag:s10], $0xC80  }
0x124: {  	[sflag:s10] =	ssyncset.done $0x0  }
0x125: {  	s7 =	smov.u32 s6;
	[sflag:s10] =	ssyncadd.s32 $0xFFFFF380  }
0x126: {  	[tilespmem:s13], [sflag:$0x1] =	stream.indirect.gather [hbm4b:s5+s12], $0x80, s4, s12, $0xb8;
	v63 =	vld [tilespmem:$0x0]  }
0x127: {  	s8 =	smov.u32 s7;
	s7 =	rddreg [dreg:$0x7]  }
0x128: {  	[tilespmem:s14], [sflag:$0x2] =	stream.indirect.gather [hbm4b:s5+s12], $0x80, s7, s12, $0xb8;
	v63 =	vld [tilespmem:$0x0]  }
0x129: {  	s9 =	rddreg [dreg:$0x8]  }
0x12a: {  	[tilespmem:s15], [sflag:$0x3] =	stream.indirect.gather [hbm4b:s5+s12], $0x80, s9, s12, $0xb8;
	v63 =	vld [tilespmem:$0x0]  }
0x12b: {  	s7 =	rddreg [dreg:$0x9]  }
0x12c: {  	[tilespmem:s16], [sflag:$0x4] =	stream.indirect.gather [hbm4b:s5+s12], $0x80, s7, s12, $0xb8;
	v63 =	vld [tilespmem:$0x0]  }
0x12d: {  	_ =	swait.ge [sflag:s17], $0x2800  }
0x12e: {  	[sflag:s17] =	ssyncset.done $0x0  }
0x12f: {  	[sflag:s17] =	ssyncadd.s32 $0xFFFFD800  }
0x130: {  	[spmem:s3] =	stream.indirect.scatter.add.f32 [tilespmem:s13], [sflag:$0x5], $0x80, s11, s12, $0xb8;
	v63 =	vld [tilespmem:$0x0]  }
0x131: {  	_ =	swait.ge [sflag:s18], $0x2800  }
0x132: {  	[sflag:s18] =	ssyncset.done $0x0  }
0x133: {  	s9 =	rddreg [dreg:$0xa];
	[sflag:s18] =	ssyncadd.s32 $0xFFFFD800  }
0x134: {  	[spmem:s3] =	stream.indirect.scatter.add.f32 [tilespmem:s14], [sflag:$0x6], $0x80, s9, s12, $0xb8;
	v63 =	vld [tilespmem:$0x0]  }
0x135: {  	_ =	swait.ge [sflag:s19], $0x2800  }
0x136: {  	[sflag:s19] =	ssyncset.done $0x0  }
0x137: {  	s9 =	rddreg [dreg:$0xb];
	[sflag:s19] =	ssyncadd.s32 $0xFFFFD800  }
0x138: {  	[spmem:s3] =	stream.indirect.scatter.add.f32 [tilespmem:s15], [sflag:$0x7], $0x80, s9, s12, $0xb8;
	v63 =	vld [tilespmem:$0x0]  }
0x139: {  	_ =	swait.ge [sflag:s20], $0x2800  }
0x13a: {  	[sflag:s20] =	ssyncset.done $0x0  }
0x13b: {  	s9 =	rddreg [dreg:$0xc];
	[sflag:s20] =	ssyncadd.s32 $0xFFFFD800  }
0x13c: {  	[spmem:s3] =	stream.indirect.scatter.add.f32 [tilespmem:s16], [sflag:$0x8], $0x80, s9, s12, $0xb8;
	v63 =	vld [tilespmem:$0x0]  }
0x13d: {  	_ =	swait.ge [sflag:s21], $0x2800  }
0x13e: {  	[sflag:s21] =	ssyncset.done $0x0  }
0x13f: {  	s9 =	rddreg [dreg:$0xd];
	[sflag:s21] =	ssyncadd.s32 $0xFFFFD800  }
0x140: {  	[tilespmem:s13], [sflag:$0x1] =	stream.indirect.gather [hbm4b:s5+s12], $0x80, s9, s12, $0xb8;
	v63 =	vld [tilespmem:$0x0]  }
0x141: {  	_ =	swait.ge [sflag:s22], $0x2800  }
0x142: {  	[sflag:s22] =	ssyncset.done $0x0  }
0x143: {  	s9 =	rddreg [dreg:$0xe];
	[sflag:s22] =	ssyncadd.s32 $0xFFFFD800  }
0x144: {  	[tilespmem:s14], [sflag:$0x2] =	stream.indirect.gather [hbm4b:s5+s12], $0x80, s9, s12, $0xb8;
	v63 =	vld [tilespmem:$0x0]  }
0x145: {  	_ =	swait.ge [sflag:s23], $0x2800  }
0x146: {  	[sflag:s23] =	ssyncset.done $0x0  }
0x147: {  	s9 =	rddreg [dreg:$0xf];
	[sflag:s23] =	ssyncadd.s32 $0xFFFFD800  }
0x148: {  	[tilespmem:s15], [sflag:$0x3] =	stream.indirect.gather [hbm4b:s5+s12], $0x80, s9, s12, $0xb8;
	v63 =	vld [tilespmem:$0x0]  }
0x149: {  	_ =	swait.ge [sflag:s24], $0x2800  }
0x14a: {  	[sflag:s24] =	ssyncset.done $0x0  }
0x14b: {  	s9 =	rddreg [dreg:$0x10];
	[sflag:s24] =	ssyncadd.s32 $0xFFFFD800  }
0x14c: {  	[tilespmem:s16], [sflag:$0x4] =	stream.indirect.gather [hbm4b:s5+s12], $0x80, s9, s12, $0xb8;
	v63 =	vld [tilespmem:$0x0]  }
0x14d: {  	_ =	swait.ge [sflag:s17], $0x2800  }
0x14e: {  	[sflag:s17] =	ssyncset.done $0x0  }
0x14f: {  	s9 =	rddreg [dreg:$0x11];
	[sflag:s17] =	ssyncadd.s32 $0xFFFFD800  }
0x150: {  	[spmem:s3] =	stream.indirect.scatter.add.f32 [tilespmem:s13], [sflag:$0x5], $0x80, s9, s12, $0xb8;
	v63 =	vld [tilespmem:$0x0]  }
0x151: {  	_ =	swait.ge [sflag:s18], $0x2800  }
0x152: {  	[sflag:s18] =	ssyncset.done $0x0  }
0x153: {  	s9 =	rddreg [dreg:$0x12];
	[sflag:s18] =	ssyncadd.s32 $0xFFFFD800  }
0x154: {  	[spmem:s3] =	stream.indirect.scatter.add.f32 [tilespmem:s14], [sflag:$0x6], $0x80, s9, s12, $0xb8;
	v63 =	vld [tilespmem:$0x0]  }
0x155: {  	_ =	swait.ge [sflag:s19], $0x2800  }
0x156: {  	[sflag:s19] =	ssyncset.done $0x0  }
0x157: {  	s9 =	rddreg [dreg:$0x13];
	[sflag:s19] =	ssyncadd.s32 $0xFFFFD800  }
0x158: {  	[spmem:s3] =	stream.indirect.scatter.add.f32 [tilespmem:s15], [sflag:$0x7], $0x80, s9, s12, $0xb8;
	v63 =	vld [tilespmem:$0x0]  }
0x159: {  	_ =	swait.ge [sflag:s20], $0x2800  }
0x15a: {  	[sflag:s20] =	ssyncset.done $0x0  }
0x15b: {  	s9 =	rddreg [dreg:$0x14];
	[sflag:s20] =	ssyncadd.s32 $0xFFFFD800  }
0x15c: {  	[spmem:s3] =	stream.indirect.scatter.add.f32 [tilespmem:s16], [sflag:$0x8], $0x80, s9, s12, $0xb8;
	v63 =	vld [tilespmem:$0x0]  }
0x15d: {  	_ =	swait.ge [sflag:s21], $0x2800  }
0x15e: {  	[sflag:s21] =	ssyncset.done $0x0  }
0x15f: {  	s9 =	rddreg [dreg:$0x15];
	[sflag:s21] =	ssyncadd.s32 $0xFFFFD800  }
0x160: {  	[tilespmem:s13], [sflag:$0x1] =	stream.indirect.gather [hbm4b:s5+s12], $0x80, s9, s12, $0xb8;
	v63 =	vld [tilespmem:$0x0]  }
0x161: {  	_ =	swait.ge [sflag:s22], $0x2800  }
0x162: {  	[sflag:s22] =	ssyncset.done $0x0  }
0x163: {  	s9 =	rddreg [dreg:$0x16];
	[sflag:s22] =	ssyncadd.s32 $0xFFFFD800  }
0x164: {  	[tilespmem:s14], [sflag:$0x2] =	stream.indirect.gather [hbm4b:s5+s12], $0x80, s9, s12, $0xb8;
	v63 =	vld [tilespmem:$0x0]  }
0x165: {  	_ =	swait.ge [sflag:s23], $0x2800  }
0x166: {  	[sflag:s23] =	ssyncset.done $0x0  }
0x167: {  	s9 =	rddreg [dreg:$0x17];
	[sflag:s23] =	ssyncadd.s32 $0xFFFFD800  }
0x168: {  	[tilespmem:s15], [sflag:$0x3] =	stream.indirect.gather [hbm4b:s5+s12], $0x80, s9, s12, $0xb8;
	v63 =	vld [tilespmem:$0x0]  }
0x169: {  	_ =	swait.ge [sflag:s24], $0x2800  }
0x16a: {  	[sflag:s24] =	ssyncset.done $0x0  }
0x16b: {  	s9 =	rddreg [dreg:$0x18];
	[sflag:s24] =	ssyncadd.s32 $0xFFFFD800  }
0x16c: {  	[tilespmem:s16], [sflag:$0x4] =	stream.indirect.gather [hbm4b:s5+s12], $0x80, s9, s12, $0xb8;
	v63 =	vld [tilespmem:$0x0]  }
0x16d: {  	_ =	swait.ge [sflag:s17], $0x2800  }
0x16e: {  	[sflag:s17] =	ssyncset.done $0x0  }
0x16f: {  	s9 =	rddreg [dreg:$0x19];
	[sflag:s17] =	ssyncadd.s32 $0xFFFFD800  }
0x170: {  	[spmem:s3] =	stream.indirect.scatter.add.f32 [tilespmem:s13], [sflag:$0x5], $0x80, s9, s12, $0xb8;
	v63 =	vld [tilespmem:$0x0]  }
0x171: {  	_ =	swait.ge [sflag:s18], $0x2800  }
0x172: {  	[sflag:s18] =	ssyncset.done $0x0  }
0x173: {  	s9 =	rddreg [dreg:$0x1a];
	[sflag:s18] =	ssyncadd.s32 $0xFFFFD800  }
0x174: {  	[spmem:s3] =	stream.indirect.scatter.add.f32 [tilespmem:s14], [sflag:$0x6], $0x80, s9, s12, $0xb8;
	v63 =	vld [tilespmem:$0x0]  }
0x175: {  	_ =	swait.ge [sflag:s19], $0x2800  }
0x176: {  	[sflag:s19] =	ssyncset.done $0x0  }
0x177: {  	s9 =	rddreg [dreg:$0x1b];
	[sflag:s19] =	ssyncadd.s32 $0xFFFFD800  }
0x178: {  	[spmem:s3] =	stream.indirect.scatter.add.f32 [tilespmem:s15], [sflag:$0x7], $0x80, s9, s12, $0xb8;
	v63 =	vld [tilespmem:$0x0]  }
0x179: {  	_ =	swait.ge [sflag:s20], $0x2800  }
0x17a: {  	[sflag:s20] =	ssyncset.done $0x0  }
0x17b: {  	s9 =	rddreg [dreg:$0x1c];
	[sflag:s20] =	ssyncadd.s32 $0xFFFFD800  }
0x17c: {  	[spmem:s3] =	stream.indirect.scatter.add.f32 [tilespmem:s16], [sflag:$0x8], $0x80, s9, s12, $0xb8;
	v63 =	vld [tilespmem:$0x0]  }
0x17d: {  	_ =	swait.ge [sflag:s21], $0x2800  }
0x17e: {  	[sflag:s21] =	ssyncset.done $0x0  }
0x17f: {  	s9 =	rddreg [dreg:$0x1d];
	[sflag:s21] =	ssyncadd.s32 $0xFFFFD800  }
0x180: {  	[tilespmem:s13], [sflag:$0x1] =	stream.indirect.gather [hbm4b:s5+s12], $0x80, s9, s12, $0xb8;
	v63 =	vld [tilespmem:$0x0]  }
0x181: {  	_ =	swait.ge [sflag:s22], $0x2800  }
0x182: {  	[sflag:s22] =	ssyncset.done $0x0  }
0x183: {  	s9 =	rddreg [dreg:$0x1e];
	[sflag:s22] =	ssyncadd.s32 $0xFFFFD800  }
0x184: {  	[tilespmem:s14], [sflag:$0x2] =	stream.indirect.gather [hbm4b:s5+s12], $0x80, s9, s12, $0xb8;
	v63 =	vld [tilespmem:$0x0]  }
0x185: {  	_ =	swait.ge [sflag:s23], $0x2800  }
0x186: {  	[sflag:s23] =	ssyncset.done $0x0  }
0x187: {  	s9 =	rddreg [dreg:$0x1f];
	[sflag:s23] =	ssyncadd.s32 $0xFFFFD800  }
0x188: {  	[tilespmem:s15], [sflag:$0x3] =	stream.indirect.gather [hbm4b:s5+s12], $0x80, s9, s12, $0xb8;
	v63 =	vld [tilespmem:$0x0]  }
0x189: {  	_ =	swait.ge [sflag:s24], $0x2800  }
0x18a: {  	s9 =	sld [smem:$0x7EE]  }
0x18b: {  	[sflag:s24] =	ssyncset.done $0x0  }
0x18c: {  	[sflag:s24] =	ssyncadd.s32 $0xFFFFD800  }
0x18d: {  	[tilespmem:s16], [sflag:$0x4] =	stream.indirect.gather [hbm4b:s5+s12], $0x80, s9, s12, $0xb8;
	v63 =	vld [tilespmem:$0x0]  }
0x18e: {  	_ =	swait.ge [sflag:s17], $0x2800  }
0x18f: {  	s9 =	sld [smem:$0x7EF]  }
0x190: {  	[sflag:s17] =	ssyncset.done $0x0  }
0x191: {  	[sflag:s17] =	ssyncadd.s32 $0xFFFFD800  }
0x192: {  	[spmem:s3] =	stream.indirect.scatter.add.f32 [tilespmem:s13], [sflag:$0x5], $0x80, s9, s12, $0xb8;
	v63 =	vld [tilespmem:$0x0]  }
0x193: {  	_ =	swait.ge [sflag:s18], $0x2800  }
0x194: {  	s9 =	sld [smem:$0x7F0]  }
0x195: {  	[sflag:s18] =	ssyncset.done $0x0  }
0x196: {  	[sflag:s18] =	ssyncadd.s32 $0xFFFFD800  }
0x197: {  	[spmem:s3] =	stream.indirect.scatter.add.f32 [tilespmem:s14], [sflag:$0x6], $0x80, s9, s12, $0xb8;
	v63 =	vld [tilespmem:$0x0]  }
0x198: {  	_ =	swait.ge [sflag:s19], $0x2800  }
0x199: {  	s9 =	sld [smem:$0x7F1]  }
0x19a: {  	[sflag:s19] =	ssyncset.done $0x0  }
0x19b: {  	[sflag:s19] =	ssyncadd.s32 $0xFFFFD800  }
0x19c: {  	[spmem:s3] =	stream.indirect.scatter.add.f32 [tilespmem:s15], [sflag:$0x7], $0x80, s9, s12, $0xb8;
	v63 =	vld [tilespmem:$0x0]  }
0x19d: {  	_ =	swait.ge [sflag:s20], $0x2800  }
0x19e: {  	s9 =	sld [smem:$0x7F2]  }
0x19f: {  	[sflag:s20] =	ssyncset.done $0x0  }
0x1a0: {  	[sflag:s20] =	ssyncadd.s32 $0xFFFFD800  }
0x1a1: {  	[spmem:s3] =	stream.indirect.scatter.add.f32 [tilespmem:s16], [sflag:$0x8], $0x80, s9, s12, $0xb8;
	v63 =	vld [tilespmem:$0x0]  }
0x1a2: {  	_ =	swait.ge [sflag:s21], $0x2800  }
0x1a3: {  	s9 =	sld [smem:$0x7F3]  }
0x1a4: {  	[sflag:s21] =	ssyncset.done $0x0  }
0x1a5: {  	[sflag:s21] =	ssyncadd.s32 $0xFFFFD800  }
0x1a6: {  	[tilespmem:s13], [sflag:$0x1] =	stream.indirect.gather [hbm4b:s5+s12], $0x80, s9, s12, $0xb8;
	v63 =	vld [tilespmem:$0x0]  }
0x1a7: {  	_ =	swait.ge [sflag:s22], $0x2800  }
0x1a8: {  	s9 =	sld [smem:$0x7F4]  }
0x1a9: {  	[sflag:s22] =	ssyncset.done $0x0  }
0x1aa: {  	[sflag:s22] =	ssyncadd.s32 $0xFFFFD800  }
0x1ab: {  	[tilespmem:s14], [sflag:$0x2] =	stream.indirect.gather [hbm4b:s5+s12], $0x80, s9, s12, $0xb8;
	v63 =	vld [tilespmem:$0x0]  }
0x1ac: {  	_ =	swait.ge [sflag:s23], $0x2800  }
0x1ad: {  	s9 =	sld [smem:$0x7F5]  }
0x1ae: {  	[sflag:s23] =	ssyncset.done $0x0  }
0x1af: {  	[sflag:s23] =	ssyncadd.s32 $0xFFFFD800  }
0x1b0: {  	[tilespmem:s15], [sflag:$0x3] =	stream.indirect.gather [hbm4b:s5+s12], $0x80, s9, s12, $0xb8;
	v63 =	vld [tilespmem:$0x0]  }
0x1b1: {  	_ =	swait.ge [sflag:s24], $0x2800  }
0x1b2: {  	s9 =	sld [smem:$0x7F6]  }
0x1b3: {  	[sflag:s24] =	ssyncset.done $0x0  }
0x1b4: {  	[sflag:s24] =	ssyncadd.s32 $0xFFFFD800  }
0x1b5: {  	[tilespmem:s16], [sflag:$0x4] =	stream.indirect.gather [hbm4b:s5+s12], $0x80, s9, s12, $0xb8;
	v63 =	vld [tilespmem:$0x0]  }
0x1b6: {  	_ =	swait.ge [sflag:s17], $0x2800  }
0x1b7: {  	s9 =	sld [smem:$0x7F7]  }
0x1b8: {  	[sflag:s17] =	ssyncset.done $0x0  }
0x1b9: {  	[sflag:s17] =	ssyncadd.s32 $0xFFFFD800  }
0x1ba: {  	[spmem:s3] =	stream.indirect.scatter.add.f32 [tilespmem:s13], [sflag:$0x5], $0x80, s9, s12, $0xb8;
	v63 =	vld [tilespmem:$0x0]  }
0x1bb: {  	_ =	swait.ge [sflag:s18], $0x2800  }
0x1bc: {  	s9 =	sld [smem:$0x7F8]  }
0x1bd: {  	[sflag:s18] =	ssyncset.done $0x0  }
0x1be: {  	[sflag:s18] =	ssyncadd.s32 $0xFFFFD800  }
0x1bf: {  	[spmem:s3] =	stream.indirect.scatter.add.f32 [tilespmem:s14], [sflag:$0x6], $0x80, s9, s12, $0xb8;
	v63 =	vld [tilespmem:$0x0]  }
0x1c0: {  	_ =	swait.ge [sflag:s19], $0x2800  }
0x1c1: {  	s9 =	sld [smem:$0x7F9]  }
0x1c2: {  	[sflag:s19] =	ssyncset.done $0x0  }
0x1c3: {  	[sflag:s19] =	ssyncadd.s32 $0xFFFFD800  }
0x1c4: {  	[spmem:s3] =	stream.indirect.scatter.add.f32 [tilespmem:s15], [sflag:$0x7], $0x80, s9, s12, $0xb8;
	v63 =	vld [tilespmem:$0x0]  }
0x1c5: {  	_ =	swait.ge [sflag:s20], $0x2800  }
0x1c6: {  	s9 =	sld [smem:$0x7FA]  }
0x1c7: {  	[sflag:s20] =	ssyncset.done $0x0  }
0x1c8: {  	[sflag:s20] =	ssyncadd.s32 $0xFFFFD800  }
0x1c9: {  	[spmem:s3] =	stream.indirect.scatter.add.f32 [tilespmem:s16], [sflag:$0x8], $0x80, s9, s12, $0xb8;
	v63 =	vld [tilespmem:$0x0]  }
0x1ca: {  	_ =	swait.ge [sflag:s21], $0x2800  }
0x1cb: {  	s9 =	sld [smem:$0x7FB]  }
0x1cc: {  	[sflag:s21] =	ssyncset.done $0x0  }
0x1cd: {  	[sflag:s21] =	ssyncadd.s32 $0xFFFFD800  }
0x1ce: {  	[tilespmem:s13], [sflag:$0x1] =	stream.indirect.gather [hbm4b:s5+s12], $0x80, s9, s12, $0xb8;
	v63 =	vld [tilespmem:$0x0]  }
0x1cf: {  	_ =	swait.ge [sflag:s22], $0x2800  }
0x1d0: {  	[sflag:s22] =	ssyncset.done $0x0  }
0x1d1: {  	[sflag:s22] =	ssyncadd.s32 $0xFFFFD800  }
0x1d2: {  	[tilespmem:s14], [sflag:$0x2] =	stream.indirect.gather [hbm4b:s5+s12], $0x80, s25, s12, $0xb8;
	v63 =	vld [tilespmem:$0x0]  }
0x1d3: {  	_ =	swait.ge [sflag:s23], $0x2800  }
0x1d4: {  	[sflag:s23] =	ssyncset.done $0x0  }
0x1d5: {  	[sflag:s23] =	ssyncadd.s32 $0xFFFFD800  }
0x1d6: {  	[tilespmem:s15], [sflag:$0x3] =	stream.indirect.gather [hbm4b:s5+s12], $0x80, s26, s12, $0xb8;
	v63 =	vld [tilespmem:$0x0]  }
0x1d7: {  	_ =	swait.ge [sflag:s24], $0x2800  }
0x1d8: {  	[sflag:s24] =	ssyncset.done $0x0  }
0x1d9: {  	[sflag:s24] =	ssyncadd.s32 $0xFFFFD800  }
0x1da: {  	[tilespmem:s16], [sflag:$0x4] =	stream.indirect.gather [hbm4b:s5+s12], $0x80, s28, s12, $0xb8;
	v63 =	vld [tilespmem:$0x0]  }
0x1db: {  	_ =	swait.ge [sflag:s17], $0x2800  }
0x1dc: {  	[sflag:s17] =	ssyncset.done $0x0  }
0x1dd: {  	[sflag:s17] =	ssyncadd.s32 $0xFFFFD800  }
0x1de: {  	[spmem:s3] =	stream.indirect.scatter.add.f32 [tilespmem:s13], [sflag:$0x5], $0x80, s29, s12, $0xb8;
	v63 =	vld [tilespmem:$0x0]  }
0x1df: {  	_ =	swait.ge [sflag:s18], $0x2800  }
0x1e0: {  	[sflag:s18] =	ssyncset.done $0x0  }
0x1e1: {  	[sflag:s18] =	ssyncadd.s32 $0xFFFFD800  }
0x1e2: {  	[spmem:s3] =	stream.indirect.scatter.add.f32 [tilespmem:s14], [sflag:$0x6], $0x80, s30, s12, $0xb8;
	v63 =	vld [tilespmem:$0x0]  }
0x1e3: {  	_ =	swait.ge [sflag:s19], $0x2800  }
0x1e4: {  	[sflag:s19] =	ssyncset.done $0x0  }
0x1e5: {  	[sflag:s19] =	ssyncadd.s32 $0xFFFFD800  }
0x1e6: {  	[spmem:s3] =	stream.indirect.scatter.add.f32 [tilespmem:s15], [sflag:$0x7], $0x80, s31, s12, $0xb8;
	v63 =	vld [tilespmem:$0x0]  }
0x1e7: {  	_ =	swait.ge [sflag:s20], $0x2800  }
0x1e8: {  	[sflag:s20] =	ssyncset.done $0x0  }
0x1e9: {  	[sflag:s20] =	ssyncadd.s32 $0xFFFFD800  }
0x1ea: {  	[spmem:s3] =	stream.indirect.scatter.add.f32 [tilespmem:s16], [sflag:$0x8], $0x80, s1, s12, $0xb8;
	v63 =	vld [tilespmem:$0x0]  }
0x1eb: {  	_ =	swait.ge [sflag:s21], $0x2800  }
0x1ec: {  	[sflag:s21] =	ssyncset.done $0x0  }
0x1ed: {  	[sflag:s21] =	ssyncadd.s32 $0xFFFFD800  }
0x1ee: {  	[tilespmem:s13], [sflag:$0x1] =	stream.indirect.gather [hbm4b:s5+s12], $0x80, s0, s12, $0xb8;
	v63 =	vld [tilespmem:$0x0]  }
0x1ef: {  	_ =	swait.ge [sflag:s22], $0x2800  }
0x1f0: {  	[sflag:s22] =	ssyncset.done $0x0  }
0x1f1: {  	[sflag:s22] =	ssyncadd.s32 $0xFFFFD800  }
0x1f2: {  	_ =	swait.ge [sflag:s23], $0x2800  }
0x1f3: {  	[sflag:s23] =	ssyncset.done $0x0  }
0x1f4: {  	[sflag:s23] =	ssyncadd.s32 $0xFFFFD800  }
0x1f5: {  	_ =	swait.ge [sflag:s24], $0x2800  }
0x1f6: {  	[sflag:s24] =	ssyncset.done $0x0  }
0x1f7: {  	[sflag:s24] =	ssyncadd.s32 $0xFFFFD800  }
0x1f8: {  	p0 =	sne.s32 s6, $0x800;
	_ =	swait.ge [sflag:s17], $0x2800  }
.Ltmp0:
0x1f9: {  	[sflag:s17] =	ssyncset.done $0x0;
	(pc) =	sbr.rel @p0 .LBB2_2-.Ltmp0, $4  }
0x1fa: {  	[sflag:s17] =	ssyncadd.s32 $0xFFFFD800  }
0x1fb: {  	[spmem:s3] =	stream.indirect.scatter.add.f32 [tilespmem:s13], [sflag:$0x9], $0x80, s2, s12, $0xb8;
	v63 =	vld [tilespmem:$0x0]  }
0x1fc: {  	_ =	swait.ge [sflag:s10], $0x2800  }
0x1fd: {  	s6 =	sadd.s32 $0x200, s6;
	s9 =	rddreg [dreg:$0x6];
	[sflag:s10] =	ssyncset.done $0x0  }
0x1fe: {  	[sflag:s10] =	ssyncadd.s32 $0xFFFFD800;
	s6 =	sadd.s32 s8, s9  }
0x1ff: {  	[tilespmem:s4], [sflag:$0x9] =	stream.linear.gather [hbm4b:s6+s4], $0xC80, $0x38;
	v63 =	vld [tilespmem:$0x0]  }
0x200: {  	_ =	swait.ge [sflag:s10], $0xC80  }
0x201: {  	s7 =	rddreg [dreg:$0x5];
	[sflag:s10] =	ssyncset.done $0x0  }
0x202: {  	[sflag:s10] =	ssyncadd.s32 $0xFFFFF380;
	s6 =	sadd.s32 s8, s7  }
0x203: {  	[tilespmem:s11], [sflag:$0x9] =	stream.linear.gather [hbm4b:s6+s4], $0xC80, $0x38;
	v63 =	vld [tilespmem:$0x0]  }
0x204: {  	_ =	swait.ge [sflag:s10], $0xC80  }
0x205: {  	[sflag:s10] =	ssyncset.done $0x0  }
0x206: {  	[sflag:s10] =	ssyncadd.s32 $0xFFFFF380  }
0x207: {  	[tilespmem:s13], [sflag:$0x1] =	stream.indirect.gather [hbm4b:s5+s12], $0x80, s4, s12, $0xb8;
	v63 =	vld [tilespmem:$0x0]  }
0x208: {  	s9 =	rddreg [dreg:$0x7]  }
0x209: {  	[tilespmem:s14], [sflag:$0x2] =	stream.indirect.gather [hbm4b:s5+s12], $0x80, s9, s12, $0xb8;
	v63 =	vld [tilespmem:$0x0]  }
0x20a: {  	s7 =	rddreg [dreg:$0x8]  }
0x20b: {  	[tilespmem:s15], [sflag:$0x3] =	stream.indirect.gather [hbm4b:s5+s12], $0x80, s7, s12, $0xb8;
	v63 =	vld [tilespmem:$0x0]  }
0x20c: {  	s8 =	rddreg [dreg:$0x9]  }
0x20d: {  	[tilespmem:s16], [sflag:$0x4] =	stream.indirect.gather [hbm4b:s5+s12], $0x80, s8, s12, $0xb8;
	v63 =	vld [tilespmem:$0x0]  }
0x20e: {  	_ =	swait.ge [sflag:s17], $0x2800  }
0x20f: {  	[sflag:s17] =	ssyncset.done $0x0  }
0x210: {  	[sflag:s17] =	ssyncadd.s32 $0xFFFFD800  }
0x211: {  	[spmem:s3] =	stream.indirect.scatter.add.f32 [tilespmem:s13], [sflag:$0x5], $0x80, s11, s12, $0xb8;
	v63 =	vld [tilespmem:$0x0]  }
0x212: {  	_ =	swait.ge [sflag:s18], $0x2800  }
0x213: {  	[sflag:s18] =	ssyncset.done $0x0  }
0x214: {  	s9 =	rddreg [dreg:$0xa];
	[sflag:s18] =	ssyncadd.s32 $0xFFFFD800  }
0x215: {  	[spmem:s3] =	stream.indirect.scatter.add.f32 [tilespmem:s14], [sflag:$0x6], $0x80, s9, s12, $0xb8;
	v63 =	vld [tilespmem:$0x0]  }
0x216: {  	_ =	swait.ge [sflag:s19], $0x2800  }
0x217: {  	[sflag:s19] =	ssyncset.done $0x0  }
0x218: {  	s7 =	rddreg [dreg:$0xb];
	[sflag:s19] =	ssyncadd.s32 $0xFFFFD800  }
0x219: {  	[spmem:s3] =	stream.indirect.scatter.add.f32 [tilespmem:s15], [sflag:$0x7], $0x80, s7, s12, $0xb8;
	v63 =	vld [tilespmem:$0x0]  }
0x21a: {  	_ =	swait.ge [sflag:s20], $0x2800  }
0x21b: {  	[sflag:s20] =	ssyncset.done $0x0  }
0x21c: {  	s8 =	rddreg [dreg:$0xc];
	[sflag:s20] =	ssyncadd.s32 $0xFFFFD800  }
0x21d: {  	[spmem:s3] =	stream.indirect.scatter.add.f32 [tilespmem:s16], [sflag:$0x8], $0x80, s8, s12, $0xb8;
	v63 =	vld [tilespmem:$0x0]  }
0x21e: {  	_ =	swait.ge [sflag:s21], $0x2800  }
0x21f: {  	[sflag:s21] =	ssyncset.done $0x0  }
0x220: {  	s9 =	rddreg [dreg:$0xd];
	[sflag:s21] =	ssyncadd.s32 $0xFFFFD800  }
0x221: {  	[tilespmem:s13], [sflag:$0x1] =	stream.indirect.gather [hbm4b:s5+s12], $0x80, s9, s12, $0xb8;
	v63 =	vld [tilespmem:$0x0]  }
0x222: {  	_ =	swait.ge [sflag:s22], $0x2800  }
0x223: {  	[sflag:s22] =	ssyncset.done $0x0  }
0x224: {  	s7 =	rddreg [dreg:$0xe];
	[sflag:s22] =	ssyncadd.s32 $0xFFFFD800  }
0x225: {  	[tilespmem:s14], [sflag:$0x2] =	stream.indirect.gather [hbm4b:s5+s12], $0x80, s7, s12, $0xb8;
	v63 =	vld [tilespmem:$0x0]  }
0x226: {  	_ =	swait.ge [sflag:s23], $0x2800  }
0x227: {  	[sflag:s23] =	ssyncset.done $0x0  }
0x228: {  	s8 =	rddreg [dreg:$0xf];
	[sflag:s23] =	ssyncadd.s32 $0xFFFFD800  }
0x229: {  	[tilespmem:s15], [sflag:$0x3] =	stream.indirect.gather [hbm4b:s5+s12], $0x80, s8, s12, $0xb8;
	v63 =	vld [tilespmem:$0x0]  }
0x22a: {  	_ =	swait.ge [sflag:s24], $0x2800  }
0x22b: {  	[sflag:s24] =	ssyncset.done $0x0  }
0x22c: {  	s9 =	rddreg [dreg:$0x10];
	[sflag:s24] =	ssyncadd.s32 $0xFFFFD800  }
0x22d: {  	[tilespmem:s16], [sflag:$0x4] =	stream.indirect.gather [hbm4b:s5+s12], $0x80, s9, s12, $0xb8;
	v63 =	vld [tilespmem:$0x0]  }
0x22e: {  	_ =	swait.ge [sflag:s17], $0x2800  }
0x22f: {  	[sflag:s17] =	ssyncset.done $0x0  }
0x230: {  	s7 =	rddreg [dreg:$0x11];
	[sflag:s17] =	ssyncadd.s32 $0xFFFFD800  }
0x231: {  	[spmem:s3] =	stream.indirect.scatter.add.f32 [tilespmem:s13], [sflag:$0x5], $0x80, s7, s12, $0xb8;
	v63 =	vld [tilespmem:$0x0]  }
0x232: {  	_ =	swait.ge [sflag:s18], $0x2800  }
0x233: {  	[sflag:s18] =	ssyncset.done $0x0  }
0x234: {  	s8 =	rddreg [dreg:$0x12];
	[sflag:s18] =	ssyncadd.s32 $0xFFFFD800  }
0x235: {  	[spmem:s3] =	stream.indirect.scatter.add.f32 [tilespmem:s14], [sflag:$0x6], $0x80, s8, s12, $0xb8;
	v63 =	vld [tilespmem:$0x0]  }
0x236: {  	_ =	swait.ge [sflag:s19], $0x2800  }
0x237: {  	[sflag:s19] =	ssyncset.done $0x0  }
0x238: {  	s9 =	rddreg [dreg:$0x13];
	[sflag:s19] =	ssyncadd.s32 $0xFFFFD800  }
0x239: {  	[spmem:s3] =	stream.indirect.scatter.add.f32 [tilespmem:s15], [sflag:$0x7], $0x80, s9, s12, $0xb8;
	v63 =	vld [tilespmem:$0x0]  }
0x23a: {  	_ =	swait.ge [sflag:s20], $0x2800  }
0x23b: {  	[sflag:s20] =	ssyncset.done $0x0  }
0x23c: {  	s7 =	rddreg [dreg:$0x14];
	[sflag:s20] =	ssyncadd.s32 $0xFFFFD800  }
0x23d: {  	[spmem:s3] =	stream.indirect.scatter.add.f32 [tilespmem:s16], [sflag:$0x8], $0x80, s7, s12, $0xb8;
	v63 =	vld [tilespmem:$0x0]  }
0x23e: {  	_ =	swait.ge [sflag:s21], $0x2800  }
0x23f: {  	[sflag:s21] =	ssyncset.done $0x0  }
0x240: {  	s8 =	rddreg [dreg:$0x15];
	[sflag:s21] =	ssyncadd.s32 $0xFFFFD800  }
0x241: {  	[tilespmem:s13], [sflag:$0x1] =	stream.indirect.gather [hbm4b:s5+s12], $0x80, s8, s12, $0xb8;
	v63 =	vld [tilespmem:$0x0]  }
0x242: {  	_ =	swait.ge [sflag:s22], $0x2800  }
0x243: {  	[sflag:s22] =	ssyncset.done $0x0  }
0x244: {  	s9 =	rddreg [dreg:$0x16];
	[sflag:s22] =	ssyncadd.s32 $0xFFFFD800  }
0x245: {  	[tilespmem:s14], [sflag:$0x2] =	stream.indirect.gather [hbm4b:s5+s12], $0x80, s9, s12, $0xb8;
	v63 =	vld [tilespmem:$0x0]  }
0x246: {  	_ =	swait.ge [sflag:s23], $0x2800  }
0x247: {  	[sflag:s23] =	ssyncset.done $0x0  }
0x248: {  	s7 =	rddreg [dreg:$0x17];
	[sflag:s23] =	ssyncadd.s32 $0xFFFFD800  }
0x249: {  	[tilespmem:s15], [sflag:$0x3] =	stream.indirect.gather [hbm4b:s5+s12], $0x80, s7, s12, $0xb8;
	v63 =	vld [tilespmem:$0x0]  }
0x24a: {  	_ =	swait.ge [sflag:s24], $0x2800  }
0x24b: {  	[sflag:s24] =	ssyncset.done $0x0  }
0x24c: {  	s8 =	rddreg [dreg:$0x18];
	[sflag:s24] =	ssyncadd.s32 $0xFFFFD800  }
0x24d: {  	[tilespmem:s16], [sflag:$0x4] =	stream.indirect.gather [hbm4b:s5+s12], $0x80, s8, s12, $0xb8;
	v63 =	vld [tilespmem:$0x0]  }
0x24e: {  	_ =	swait.ge [sflag:s17], $0x2800  }
0x24f: {  	[sflag:s17] =	ssyncset.done $0x0  }
0x250: {  	s9 =	rddreg [dreg:$0x19];
	[sflag:s17] =	ssyncadd.s32 $0xFFFFD800  }
0x251: {  	[spmem:s3] =	stream.indirect.scatter.add.f32 [tilespmem:s13], [sflag:$0x5], $0x80, s9, s12, $0xb8;
	v63 =	vld [tilespmem:$0x0]  }
0x252: {  	_ =	swait.ge [sflag:s18], $0x2800  }
0x253: {  	[sflag:s18] =	ssyncset.done $0x0  }
0x254: {  	s7 =	rddreg [dreg:$0x1a];
	[sflag:s18] =	ssyncadd.s32 $0xFFFFD800  }
0x255: {  	[spmem:s3] =	stream.indirect.scatter.add.f32 [tilespmem:s14], [sflag:$0x6], $0x80, s7, s12, $0xb8;
	v63 =	vld [tilespmem:$0x0]  }
0x256: {  	_ =	swait.ge [sflag:s19], $0x2800  }
0x257: {  	[sflag:s19] =	ssyncset.done $0x0  }
0x258: {  	s8 =	rddreg [dreg:$0x1b];
	[sflag:s19] =	ssyncadd.s32 $0xFFFFD800  }
0x259: {  	[spmem:s3] =	stream.indirect.scatter.add.f32 [tilespmem:s15], [sflag:$0x7], $0x80, s8, s12, $0xb8;
	v63 =	vld [tilespmem:$0x0]  }
0x25a: {  	_ =	swait.ge [sflag:s20], $0x2800  }
0x25b: {  	[sflag:s20] =	ssyncset.done $0x0  }
0x25c: {  	s9 =	rddreg [dreg:$0x1c];
	[sflag:s20] =	ssyncadd.s32 $0xFFFFD800  }
0x25d: {  	[spmem:s3] =	stream.indirect.scatter.add.f32 [tilespmem:s16], [sflag:$0x8], $0x80, s9, s12, $0xb8;
	v63 =	vld [tilespmem:$0x0]  }
0x25e: {  	_ =	swait.ge [sflag:s21], $0x2800  }
0x25f: {  	[sflag:s21] =	ssyncset.done $0x0  }
0x260: {  	s7 =	rddreg [dreg:$0x1d];
	[sflag:s21] =	ssyncadd.s32 $0xFFFFD800  }
0x261: {  	[tilespmem:s13], [sflag:$0x1] =	stream.indirect.gather [hbm4b:s5+s12], $0x80, s7, s12, $0xb8;
	v63 =	vld [tilespmem:$0x0]  }
0x262: {  	_ =	swait.ge [sflag:s22], $0x2800  }
0x263: {  	[sflag:s22] =	ssyncset.done $0x0  }
0x264: {  	s8 =	rddreg [dreg:$0x1e];
	[sflag:s22] =	ssyncadd.s32 $0xFFFFD800  }
0x265: {  	[tilespmem:s14], [sflag:$0x2] =	stream.indirect.gather [hbm4b:s5+s12], $0x80, s8, s12, $0xb8;
	v63 =	vld [tilespmem:$0x0]  }
0x266: {  	_ =	swait.ge [sflag:s23], $0x2800  }
0x267: {  	[sflag:s23] =	ssyncset.done $0x0  }
0x268: {  	s9 =	rddreg [dreg:$0x1f];
	[sflag:s23] =	ssyncadd.s32 $0xFFFFD800  }
0x269: {  	[tilespmem:s15], [sflag:$0x3] =	stream.indirect.gather [hbm4b:s5+s12], $0x80, s9, s12, $0xb8;
	v63 =	vld [tilespmem:$0x0]  }
0x26a: {  	_ =	swait.ge [sflag:s24], $0x2800  }
0x26b: {  	s7 =	sld [smem:$0x7EE]  }
0x26c: {  	[sflag:s24] =	ssyncset.done $0x0  }
0x26d: {  	[sflag:s24] =	ssyncadd.s32 $0xFFFFD800  }
0x26e: {  	[tilespmem:s16], [sflag:$0x4] =	stream.indirect.gather [hbm4b:s5+s12], $0x80, s7, s12, $0xb8;
	v63 =	vld [tilespmem:$0x0]  }
0x26f: {  	_ =	swait.ge [sflag:s17], $0x2800  }
0x270: {  	s8 =	sld [smem:$0x7EF]  }
0x271: {  	[sflag:s17] =	ssyncset.done $0x0  }
0x272: {  	[sflag:s17] =	ssyncadd.s32 $0xFFFFD800  }
0x273: {  	[spmem:s3] =	stream.indirect.scatter.add.f32 [tilespmem:s13], [sflag:$0x5], $0x80, s8, s12, $0xb8;
	v63 =	vld [tilespmem:$0x0]  }
0x274: {  	_ =	swait.ge [sflag:s18], $0x2800  }
0x275: {  	s9 =	sld [smem:$0x7F0]  }
0x276: {  	[sflag:s18] =	ssyncset.done $0x0  }
0x277: {  	[sflag:s18] =	ssyncadd.s32 $0xFFFFD800  }
0x278: {  	[spmem:s3] =	stream.indirect.scatter.add.f32 [tilespmem:s14], [sflag:$0x6], $0x80, s9, s12, $0xb8;
	v63 =	vld [tilespmem:$0x0]  }
0x279: {  	_ =	swait.ge [sflag:s19], $0x2800  }
0x27a: {  	s7 =	sld [smem:$0x7F1]  }
0x27b: {  	[sflag:s19] =	ssyncset.done $0x0  }
0x27c: {  	[sflag:s19] =	ssyncadd.s32 $0xFFFFD800  }
0x27d: {  	[spmem:s3] =	stream.indirect.scatter.add.f32 [tilespmem:s15], [sflag:$0x7], $0x80, s7, s12, $0xb8;
	v63 =	vld [tilespmem:$0x0]  }
0x27e: {  	_ =	swait.ge [sflag:s20], $0x2800  }
0x27f: {  	s8 =	sld [smem:$0x7F2]  }
0x280: {  	[sflag:s20] =	ssyncset.done $0x0  }
0x281: {  	[sflag:s20] =	ssyncadd.s32 $0xFFFFD800  }
0x282: {  	[spmem:s3] =	stream.indirect.scatter.add.f32 [tilespmem:s16], [sflag:$0x8], $0x80, s8, s12, $0xb8;
	v63 =	vld [tilespmem:$0x0]  }
0x283: {  	_ =	swait.ge [sflag:s21], $0x2800  }
0x284: {  	s9 =	sld [smem:$0x7F3]  }
0x285: {  	[sflag:s21] =	ssyncset.done $0x0  }
0x286: {  	[sflag:s21] =	ssyncadd.s32 $0xFFFFD800  }
0x287: {  	[tilespmem:s13], [sflag:$0x1] =	stream.indirect.gather [hbm4b:s5+s12], $0x80, s9, s12, $0xb8;
	v63 =	vld [tilespmem:$0x0]  }
0x288: {  	_ =	swait.ge [sflag:s22], $0x2800  }
0x289: {  	s7 =	sld [smem:$0x7F4]  }
0x28a: {  	[sflag:s22] =	ssyncset.done $0x0  }
0x28b: {  	[sflag:s22] =	ssyncadd.s32 $0xFFFFD800  }
0x28c: {  	[tilespmem:s14], [sflag:$0x2] =	stream.indirect.gather [hbm4b:s5+s12], $0x80, s7, s12, $0xb8;
	v63 =	vld [tilespmem:$0x0]  }
0x28d: {  	_ =	swait.ge [sflag:s23], $0x2800  }
0x28e: {  	s8 =	sld [smem:$0x7F5]  }
0x28f: {  	[sflag:s23] =	ssyncset.done $0x0  }
0x290: {  	[sflag:s23] =	ssyncadd.s32 $0xFFFFD800  }
0x291: {  	[tilespmem:s15], [sflag:$0x3] =	stream.indirect.gather [hbm4b:s5+s12], $0x80, s8, s12, $0xb8;
	v63 =	vld [tilespmem:$0x0]  }
0x292: {  	_ =	swait.ge [sflag:s24], $0x2800  }
0x293: {  	s9 =	sld [smem:$0x7F6]  }
0x294: {  	[sflag:s24] =	ssyncset.done $0x0  }
0x295: {  	[sflag:s24] =	ssyncadd.s32 $0xFFFFD800  }
0x296: {  	[tilespmem:s16], [sflag:$0x4] =	stream.indirect.gather [hbm4b:s5+s12], $0x80, s9, s12, $0xb8;
	v63 =	vld [tilespmem:$0x0]  }
0x297: {  	_ =	swait.ge [sflag:s17], $0x2800  }
0x298: {  	s7 =	sld [smem:$0x7F7]  }
0x299: {  	[sflag:s17] =	ssyncset.done $0x0  }
0x29a: {  	[sflag:s17] =	ssyncadd.s32 $0xFFFFD800  }
0x29b: {  	[spmem:s3] =	stream.indirect.scatter.add.f32 [tilespmem:s13], [sflag:$0x5], $0x80, s7, s12, $0xb8;
	v63 =	vld [tilespmem:$0x0]  }
0x29c: {  	_ =	swait.ge [sflag:s18], $0x2800  }
0x29d: {  	s8 =	sld [smem:$0x7F8]  }
0x29e: {  	[sflag:s18] =	ssyncset.done $0x0  }
0x29f: {  	[sflag:s18] =	ssyncadd.s32 $0xFFFFD800  }
0x2a0: {  	[spmem:s3] =	stream.indirect.scatter.add.f32 [tilespmem:s14], [sflag:$0x6], $0x80, s8, s12, $0xb8;
	v63 =	vld [tilespmem:$0x0]  }
0x2a1: {  	_ =	swait.ge [sflag:s19], $0x2800  }
0x2a2: {  	s9 =	sld [smem:$0x7F9]  }
0x2a3: {  	[sflag:s19] =	ssyncset.done $0x0  }
0x2a4: {  	[sflag:s19] =	ssyncadd.s32 $0xFFFFD800  }
0x2a5: {  	[spmem:s3] =	stream.indirect.scatter.add.f32 [tilespmem:s15], [sflag:$0x7], $0x80, s9, s12, $0xb8;
	v63 =	vld [tilespmem:$0x0]  }
0x2a6: {  	_ =	swait.ge [sflag:s20], $0x2800  }
0x2a7: {  	s7 =	sld [smem:$0x7FA]  }
0x2a8: {  	[sflag:s20] =	ssyncset.done $0x0  }
0x2a9: {  	[sflag:s20] =	ssyncadd.s32 $0xFFFFD800  }
0x2aa: {  	[spmem:s3] =	stream.indirect.scatter.add.f32 [tilespmem:s16], [sflag:$0x8], $0x80, s7, s12, $0xb8;
	v63 =	vld [tilespmem:$0x0]  }
0x2ab: {  	_ =	swait.ge [sflag:s21], $0x2800  }
0x2ac: {  	s8 =	sld [smem:$0x7FB]  }
0x2ad: {  	[sflag:s21] =	ssyncset.done $0x0  }
0x2ae: {  	[sflag:s21] =	ssyncadd.s32 $0xFFFFD800  }
0x2af: {  	[tilespmem:s13], [sflag:$0x1] =	stream.indirect.gather [hbm4b:s5+s12], $0x80, s8, s12, $0xb8;
	v63 =	vld [tilespmem:$0x0]  }
0x2b0: {  	_ =	swait.ge [sflag:s22], $0x2800  }
0x2b1: {  	[sflag:s22] =	ssyncset.done $0x0  }
0x2b2: {  	[sflag:s22] =	ssyncadd.s32 $0xFFFFD800  }
0x2b3: {  	[tilespmem:s14], [sflag:$0x2] =	stream.indirect.gather [hbm4b:s5+s12], $0x80, s25, s12, $0xb8;
	v63 =	vld [tilespmem:$0x0]  }
0x2b4: {  	_ =	swait.ge [sflag:s23], $0x2800  }
0x2b5: {  	[sflag:s23] =	ssyncset.done $0x0  }
0x2b6: {  	[sflag:s23] =	ssyncadd.s32 $0xFFFFD800  }
0x2b7: {  	[tilespmem:s15], [sflag:$0x3] =	stream.indirect.gather [hbm4b:s5+s12], $0x80, s26, s12, $0xb8;
	v63 =	vld [tilespmem:$0x0]  }
0x2b8: {  	_ =	swait.ge [sflag:s24], $0x2800  }
0x2b9: {  	[sflag:s24] =	ssyncset.done $0x0  }
0x2ba: {  	[sflag:s24] =	ssyncadd.s32 $0xFFFFD800  }
0x2bb: {  	[tilespmem:s16], [sflag:$0x4] =	stream.indirect.gather [hbm4b:s5+s12], $0x80, s28, s12, $0xb8;
	v63 =	vld [tilespmem:$0x0]  }
0x2bc: {  	_ =	swait.ge [sflag:s17], $0x2800  }
0x2bd: {  	[sflag:s17] =	ssyncset.done $0x0  }
0x2be: {  	[sflag:s17] =	ssyncadd.s32 $0xFFFFD800  }
0x2bf: {  	[spmem:s3] =	stream.indirect.scatter.add.f32 [tilespmem:s13], [sflag:$0x5], $0x80, s29, s12, $0xb8;
	v63 =	vld [tilespmem:$0x0]  }
0x2c0: {  	_ =	swait.ge [sflag:s18], $0x2800  }
0x2c1: {  	[sflag:s18] =	ssyncset.done $0x0  }
0x2c2: {  	[sflag:s18] =	ssyncadd.s32 $0xFFFFD800  }
0x2c3: {  	[spmem:s3] =	stream.indirect.scatter.add.f32 [tilespmem:s14], [sflag:$0x6], $0x80, s30, s12, $0xb8;
	v63 =	vld [tilespmem:$0x0]  }
0x2c4: {  	_ =	swait.ge [sflag:s19], $0x2800  }
0x2c5: {  	[sflag:s19] =	ssyncset.done $0x0  }
0x2c6: {  	[sflag:s19] =	ssyncadd.s32 $0xFFFFD800  }
0x2c7: {  	[spmem:s3] =	stream.indirect.scatter.add.f32 [tilespmem:s15], [sflag:$0x7], $0x80, s31, s12, $0xb8;
	v63 =	vld [tilespmem:$0x0]  }
0x2c8: {  	_ =	swait.ge [sflag:s20], $0x2800  }
0x2c9: {  	[sflag:s20] =	ssyncset.done $0x0  }
0x2ca: {  	[sflag:s20] =	ssyncadd.s32 $0xFFFFD800  }
0x2cb: {  	[spmem:s3] =	stream.indirect.scatter.add.f32 [tilespmem:s16], [sflag:$0x8], $0x80, s1, s12, $0xb8;
	v63 =	vld [tilespmem:$0x0]  }
0x2cc: {  	_ =	swait.ge [sflag:s21], $0x2800  }
0x2cd: {  	[sflag:s21] =	ssyncset.done $0x0  }
0x2ce: {  	[sflag:s21] =	ssyncadd.s32 $0xFFFFD800  }
0x2cf: {  	[tilespmem:s13], [sflag:$0x1] =	stream.indirect.gather [hbm4b:s5+s12], $0x80, s0, s12, $0xb8;
	v63 =	vld [tilespmem:$0x0]  }
0x2d0: {  	_ =	swait.ge [sflag:s22], $0x2800  }
0x2d1: {  	[sflag:s22] =	ssyncset.done $0x0  }
0x2d2: {  	[sflag:s22] =	ssyncadd.s32 $0xFFFFD800  }
0x2d3: {  	_ =	swait.ge [sflag:s23], $0x2800  }
0x2d4: {  	[sflag:s23] =	ssyncset.done $0x0  }
0x2d5: {  	[sflag:s23] =	ssyncadd.s32 $0xFFFFD800  }
0x2d6: {  	_ =	swait.ge [sflag:s24], $0x2800  }
0x2d7: {  	[sflag:s24] =	ssyncset.done $0x0  }
0x2d8: {  	[sflag:s24] =	ssyncadd.s32 $0xFFFFD800  }
0x2d9: {  	_ =	swait.ge [sflag:s17], $0x2800  }
0x2da: {  	[sflag:s17] =	ssyncset.done $0x0  }
0x2db: {  	[sflag:s17] =	ssyncadd.s32 $0xFFFFD800  }
0x2dc: {  	[spmem:s3] =	stream.indirect.scatter.add.f32 [tilespmem:s13], [sflag:$0x9], $0x80, s2, s12, $0xb8;
	v63 =	vld [tilespmem:$0x0]  }
0x2dd: {  	_ =	swait.ge [sflag:s10], $0x2800  }
0x2de: {  	[sflag:s10] =	ssyncset.done $0x0  }
0x2df: {  	[sflag:s10] =	ssyncadd.s32 $0xFFFFD800  }
0x2e0: {  	[bflag:$0x0] =	sbarrier.arrive $0xFFFF  }
0x2e1: {  	s8 =	sld [smem:$0x7FC]  }
0x2e2: {  	s9 =	sld [smem:$0x7EC]  }
0x2e3: {  	s7 =	sld [smem:$0x7FD];
	_ =	sdelay $0x2  }
0x2e4: {  	[hbm:s9], [sflag:s8] =	dma.local [spmem:s7], $0x2800  }
0x2e5: {  	_ =	swait.ge [sflag:s10], $0x2800  }
0x2e6: {  	s6 =	sld [smem:$0x7EB];
	_ =	sdelay $0x2  }
0x2e7: {  	s9 =	sadd.s32 $0x1, s6;
	s6 =	sld [smem:$0x7ED];
	_ =	sdelay $0x2  }
0x2e8: {  	p0 =	sne.s32 s9, s6  }
.Ltmp1:
0x2e9: {  	_ = 	snop;
	(pc) =	sbr.rel @p0 .LBB2_1-.Ltmp1, $3  }
0x2ea: {  	_ =	sdelay $0x1  }
0x2eb: {  	[sflag:s10] =	ssyncset.done $0x0  }
0x2ec: {  	[sflag:s10] =	ssyncadd.s32 $0xFFFFD800  }
0x2ed: {  	_ =	sfence.sel $0x180000  }
0x2ee: {  	[bflag:$0x0] =	sbarrier.arrive $0xFFFF  }
0x2ef: {  	_ =	strace $0x9000004D  }
0x2f0: {  	s0 =	stileid.u32;
	[bflag:$0x2] =	sbarrier.arrive $0xFFFF  }
0x2f1: {  	p0 =	sne.s32 s0, $0x0;
	s0 =	rddreg [dreg:$0x4]  }
0x2f2: {  	s0 =	sadd.s32 @!p0 $0x100000, s0  }
0x2f3: {  	[sflag:s0] =	ssyncadd.tile.s32 @!p0 $0x1;
	_ =	shalt  }
.Lfunc_end2:
_tile_overlayer_lowered:
.L_overlay_start_2:
0x2f4: {  	(tag) =	ssettag $0x2  }
0x2f5: {  	s0 =	rddreg [dreg:$0x0];
	s2 =	stileid.u32  }
0x2f6: {  	s1 =	rddreg [dreg:$0x1];
	p0 =	sne.s32 s2, $0x0  }
0x2f7: {  	s3 =	rddreg [dreg:$0x2];
	[bflag:$0x3] =	sbarrier.arrive $0xFFFF;
	s2 =	simm.s32 @!p0 $0x1C09  }
0x2f8: {  	[timem:s3], [sflag:s2] =	dma.local @!p0 [hbm:s0], s1  }
0x2f9: {  	s0 =	simm.s32 @!p0 $0x9  }
0x2fa: {  	_ =	swait.ge @!p0 [sflag:s0], s1  }
0x2fb: {  	s1 =	ssub.s32 @!p0 $0x0, s1;
	[sflag:s0] =	ssyncset.done @!p0 $0x0  }
0x2fc: {  	[sflag:s0] =	ssyncadd.s32 @!p0 s1  }
0x2fd: {  	[bflag:$0x3] =	sbarrier.arrive $0xFFFF  }
0x2fe: {  	_ =	shalt  }

// kernel: kernel.8.cloned.1.call-start
scs
__scs_entry_jumppad:
0x0: {  	(pc) =	sbr.rel $0x88, $3  }
0x1: {  	(tag) =	ssettag $0x0;
	lr =	simm.s32 $0x1  }
0x2: {  	[smem:$0x3F8C] =	sst lr;
	_ =	strace $0xD0000000  }
0x3: {  	_ = 	snop  }
0x4: {  	_ = 	snop  }
0x5: {  	_ = 	snop  }
0x6: {  	_ = 	snop  }
0x7: {  	_ = 	snop  }
__scs_overlays_trampoline_lowered:
0x8: {  	[smem:$0x3F9B] =	sst s0  }
0x9: {  	[smem:$0x3F9C] =	sst s1  }
0xa: {  	[smem:$0x3F9D] =	sst s2  }
0xb: {  	[smem:$0x3F9E] =	sst s3  }
0xc: {  	[smem:$0x3F9F] =	sst s4  }
0xd: {  	[smem:$0x3FA0] =	sst s5  }
0xe: {  	[smem:$0x3FA1] =	sst s6  }
0xf: {  	[smem:$0x3FA2] =	sst s7  }
0x10: {  	[smem:$0x3FA3] =	sst s8  }
0x11: {  	[smem:$0x3FA4] =	sst s9;
	s0 =	simm.s32 @!p0 $0x0  }
0x12: {  	s1 =	sld [smem:$0x3F8A];
	s0 =	simm.s32 @p0 $0x1  }
0x13: {  	[smem:$0x3FA5] =	sst s0;
	s0 =	simm.s32 @!p1 $0x0  }
0x14: {  	s2 =	sld [smem:$0x3F89];
	s0 =	simm.s32 @p1 $0x1  }
0x15: {  	[smem:$0x3FA6] =	sst s0;
	s0 =	simm.s32 @!p2 $0x0  }
0x16: {  	s3 =	sld [smem:$0x3FDB];
	s0 =	simm.s32 @p2 $0x1  }
0x17: {  	s4 =	simm.s32 $0x1BF5;
	[smem:$0x3FA8] =	sst s0  }
0x18: {  	s0 =	sld [smem:$0x3F8B];
	_ =	swait.ge [sflag:s4], $0x0  }
0x19: {  	s7 =	sld [smem:$0x3F8C]  }
0x1a: {  	s8 =	sadd.s32 $0xFFFFE003, lr  }
0x1b: {  	s9 =	sadd.s32 $0xFFFFFEF7, lr;
	s5 =	simm.s32 $0xFFFFFFFF;
	p2 =	slt.u32 s8, $0xFFFFF086  }
0x1c: {  	p1 =	slt.u32 s9, $0xF7A;
	s5 =	simm.s32 @!p2 $0x0  }
0x1d: {  	s5 =	simm.s32 @p1 $0x1;
	p0 =	seq.s32 s7, s2  }
0x1e: {  	s7 =	smul.u32 @!p0 $0xF7A, s2;
	p2 =	seq.s32 @!p0 s5, $0x0  }
0x1f: {  	s9 =	smul.u32 $0xF7A, s1;
	s8 =	simm.s32 @!p0 $0x1BF5;
	p2 =	por !p2, p0  }
0x20: {  	[sflag:s8] =	ssyncset.s32 @!p0 $0xFFFFF086;
	s6 =	sadd.s32 @!p0 s3, s7;
	s7 =	simm.s32 @!p0 $0x108  }
0x21: {  	s3 =	sadd.s32 s3, s9;
	s6 =	sadd.s32 @!p0 $0x88, s6;
	s7 =	simm.s32 @p2 $0x1082  }
0x22: {  	[simem:s7], [sflag:s8] =	dma.local @!p0 [hbm:s6], $0xF7A  }
0x23: {  	s9 =	sor.u32 $0xD0000000, s2;
	s6 =	simm.s32 $0x108;
	_ =	swait.ge @!p0 [sflag:s8], $0x0  }
0x24: {  	s3 =	sadd.s32 $0x88, s3;
	s6 =	simm.s32 @!p1 $0x1082;
	[sflag:s4] =	ssyncset.s32 $0xFFFFF086  }
0x25: {  	[simem:s6], [sflag:s4] =	dma.local [hbm:s3], $0xF7A  }
0x26: {  	[smem:$0x3F8C] =	sst s1;
	(tag) =	ssettag s2;
	_ =	strace s9  }
0x27: {  	s1 =	sld [smem:$0x3F9C]  }
0x28: {  	s2 =	sld [smem:$0x3F9D]  }
0x29: {  	s4 =	sld [smem:$0x3F9F]  }
0x2a: {  	p0 =	seq.s32 s5, $0x0;
	s5 =	sld [smem:$0x3FA0]  }
0x2b: {  	s6 =	sld [smem:$0x3FA1]  }
0x2c: {  	s7 =	sld [smem:$0x3FA2]  }
0x2d: {  	s3 =	simm.s32 $0x108;
	s8 =	sld [smem:$0x3FA3]  }
0x2e: {  	s3 =	simm.s32 @!p0 $0x1082;
	s9 =	sld [smem:$0x3FA4]  }
0x2f: {  	lr =	sadd.s32 s0, s3;
	s0 =	sld [smem:$0x3F9B]  }
0x30: {  	s3 =	sld [smem:$0x3F9E]  }
0x31: {  	[smem:$0x3FA7] =	sst s10  }
0x32: {  	s10 =	sld [smem:$0x3FA5];
	_ =	sdelay $0x3  }
0x33: {  	p0 =	seq.s32 s10, $0x1;
	s10 =	sld [smem:$0x3FA7];
	_ =	sdelay $0x3  }
0x34: {  	[smem:$0x3FA7] =	sst s10  }
0x35: {  	s10 =	sld [smem:$0x3FA6];
	_ =	sdelay $0x3  }
0x36: {  	p1 =	seq.s32 s10, $0x1;
	s10 =	sld [smem:$0x3FA7];
	_ =	sdelay $0x3  }
0x37: {  	[smem:$0x3FA7] =	sst s10  }
0x38: {  	s10 =	sld [smem:$0x3FA8]  }
0x39: {  	_ = 	snop;
	(pc) =	sbr.ind lr, $3  }
0x3a: {  	_ = 	snop  }
0x3b: {  	_ = 	snop  }
0x3c: {  	p2 =	seq.s32 s10, $0x1;
	s10 =	sld [smem:$0x3FA7]  }
0x3d: {  	_ =	shalt  }
0x3e: {  	_ =	shalt  }
0x3f: {  	_ =	shalt  }
0x40: {  	_ =	shalt  }
0x41: {  	_ =	shalt  }
0x42: {  	_ =	shalt  }
0x43: {  	_ =	shalt  }
0x44: {  	_ =	shalt  }
0x45: {  	_ =	shalt  }
0x46: {  	_ =	shalt  }
0x47: {  	_ =	shalt  }
0x48: {  	_ =	shalt  }
0x49: {  	_ =	shalt  }
0x4a: {  	_ =	shalt  }
0x4b: {  	_ =	shalt  }
0x4c: {  	_ =	shalt  }
0x4d: {  	_ =	shalt  }
0x4e: {  	_ =	shalt  }
0x4f: {  	_ =	shalt  }
0x50: {  	_ =	shalt  }
0x51: {  	_ =	shalt  }
0x52: {  	_ =	shalt  }
0x53: {  	_ =	shalt  }
0x54: {  	_ =	shalt  }
0x55: {  	_ =	shalt  }
0x56: {  	_ =	shalt  }
0x57: {  	_ =	shalt  }
0x58: {  	_ =	shalt  }
0x59: {  	_ =	shalt  }
0x5a: {  	_ =	shalt  }
0x5b: {  	_ =	shalt  }
0x5c: {  	_ =	shalt  }
0x5d: {  	_ =	shalt  }
0x5e: {  	_ =	shalt  }
0x5f: {  	_ =	shalt  }
0x60: {  	_ =	shalt  }
0x61: {  	_ =	shalt  }
0x62: {  	_ =	shalt  }
0x63: {  	_ =	shalt  }
0x64: {  	_ =	shalt  }
0x65: {  	_ =	shalt  }
0x66: {  	_ =	shalt  }
0x67: {  	_ =	shalt  }
0x68: {  	_ =	shalt  }
0x69: {  	_ =	shalt  }
0x6a: {  	_ =	shalt  }
0x6b: {  	_ =	shalt  }
0x6c: {  	_ =	shalt  }
0x6d: {  	_ =	shalt  }
0x6e: {  	_ =	shalt  }
0x6f: {  	_ =	shalt  }
0x70: {  	_ =	shalt  }
0x71: {  	_ =	shalt  }
0x72: {  	_ =	shalt  }
0x73: {  	_ =	shalt  }
0x74: {  	_ =	shalt  }
0x75: {  	_ =	shalt  }
0x76: {  	_ =	shalt  }
0x77: {  	_ =	shalt  }
0x78: {  	_ =	shalt  }
0x79: {  	_ =	shalt  }
0x7a: {  	_ =	shalt  }
0x7b: {  	_ =	shalt  }
0x7c: {  	_ =	shalt  }
0x7d: {  	_ =	shalt  }
0x7e: {  	_ =	shalt  }
0x7f: {  	_ =	shalt  }
0x80: {  	_ =	shalt  }
0x81: {  	_ =	shalt  }
0x82: {  	_ =	shalt  }
0x83: {  	_ =	shalt  }
0x84: {  	_ =	shalt  }
0x85: {  	_ =	shalt  }
0x86: {  	_ =	shalt  }
0x87: {  	_ =	shalt  }
.Lfunc_end0:
.L_simem_size_0:
called_computation_lowered:
.L_overlay_start_0:
0x88: {  	s2 =	sld [smem:$0x3FD9]  }
0x89: {  	s3 =	sld [smem:$0x3FFE];
	_ =	sdelay $0x1  }
0x8a: {  	s1 =	srdreg.scid  }
0x8b: {  	s0 =	sand.u32 $0x1, s1  }
0x8c: {  	s14 =	sshll.u32 s0, $0xA;
	s2 =	sadd.s32 s3, s2  }
0x8d: {  	s2 =	sadd.s32 s2, s14  }
0x8e: {  	[smem:$0x3FB3] =	sst s2  }
0x8f: {  	_ = 	snop  }
0x90: {  	s2 =	sld [smem:$0x3FD0];
	_ =	sdelay $0x2  }
0x91: {  	s4 =	simm.s32 $0xA;
	s5 =	simm.s32 $0x10;
	s15 =	sld [smem:$0x3FC9]  }
0x92: {  	[smem:s5], [sflag:s4] =	dma.local [hbm:s2], $0x1  }
0x93: {  	_ =	swait.eq [sflag:s4], $0x1  }
0x94: {  	[sflag:s4] =	ssyncset.done $0x0  }
0x95: {  	s16 =	sld [smem:$0x10];
	[sflag:s4] =	ssyncadd.s32 $0xFFFFFFFF  }
0x96: {  	s17 =	sld [smem:$0x11];
	(tm) =	ssettm $0x1  }
0x97: {  	s18 =	sld [smem:$0x3FFB];
	_ =	sdelay $0x3  }
0x98: {  	_ =	strace s18  }
0x99: {  	s5 =	sld [smem:$0x3FFC];
	_ =	sdelay $0x3  }
0x9a: {  	_ =	strace s5  }
0x9b: {  	s5 =	sld [smem:$0x3FFD];
	_ =	sdelay $0x3  }
0x9c: {  	_ =	strace s5  }
0x9d: {  	_ =	strace $0x8FFFFFFF  }
0x9e: {  	s19 =	sld [smem:$0x3FDB];
	_ =	sdelay $0x1  }
0x9f: {  	s6 =	simm.s32 $_scs_section_size  }
0xa0: {  	s7 =	simm.s32 $_size__tile_overlayer_lowered;
	s8 =	simm.s32 $_tile_overlayer_lowered  }
0xa1: {  	s22 =	simm.s32 $0x1BFF;
	s21 =	sshll.u32 s8, $0x1;
	s5 =	sadd.s32 s6, s19  }
0xa2: {  	s9 =	simm.s32 $0x0;
	s20 =	sshll.u32 s7, $0x1;
	s7 =	sadd.s32 s21, s5  }
0xa3: {  	[timem:s9], [sflag:s22] =	dma.local [hbm:s7], s20  }
0xa4: {  	_ =	swait.ge [sflag:s22], s20  }
0xa5: {  	s6 =	ssub.s32 $0x0, s20;
	[sflag:s22] =	ssyncset.done $0x0  }
0xa6: {  	[sflag:s22] =	ssyncadd.s32 s6;
	_ =	sdelay $0x1  }
0xa7: {  	s23 =	simm.s32 $0x1B8B  }
0xa8: {  	_ =	swait.ge [sflag:s23], $0x1  }
0xa9: {  	[sflag:s23] =	ssyncset.done $0x0  }
0xaa: {  	s25 =	simm.s32 $0x1B8E;
	s24 =	sld [smem:$0x3FFE];
	[sflag:s23] =	ssyncadd.s32 $0xFFFFFFFF  }
0xab: {  	s26 =	simm.s32 $execute0_lowered;
	[smem:$0x3FD2] =	sst s25  }
0xac: {  	s7 =	sshll.u32 s26, $0x1;
	_ =	strace $0x80000046;
	[dreg:$0x1] =	wrdreg $0xFFFFFFFF  }
0xad: {  	s28 =	simm.s32 $_size_execute0_lowered;
	s5 =	sadd.s32 s5, s7;
	[dreg:$0x0] =	wrdreg $0x0  }
0xae: {  	s7 =	sshll.u32 s28, $0x1;
	[dreg:$0x2] =	wrdreg s5  }
0xaf: {  	[dreg:$0x3] =	wrdreg s7  }
0xb0: {  	[dreg:$0x4] =	wrdreg $0xC0  }
0xb1: {  	_ =	task [dreg:s9], $0x5FFFF  }
0xb2: {  	[dreg:$0x1] =	wrdreg $0xFFFFFFFF  }
0xb3: {  	[dreg:$0x0] =	wrdreg $0x60  }
0xb4: {  	[dreg:$0x2] =	wrdreg s15  }
0xb5: {  	[dreg:$0x3] =	wrdreg s24  }
0xb6: {  	[dreg:$0x4] =	wrdreg s16  }
0xb7: {  	[dreg:$0x5] =	wrdreg s17  }
0xb8: {  	[dreg:$0x6] =	wrdreg $0xC0000  }
0xb9: {  	[dreg:$0x7] =	wrdreg $0x9  }
0xba: {  	_ =	task.clear_ibuf [dreg:s9], $0x8FFFF;
	_ =	strace $0x90000046  }
0xbb: {  	s29 =	simm.s32 $0x9;
	_ =	strace $0x80000048  }
0xbc: {  	_ =	swait.ge [sflag:s29], $0x1  }
0xbd: {  	[sflag:s29] =	ssyncadd.s32 $0xFFFFFFFF  }
0xbe: {  	_ =	strace $0x90000048  }
0xbf: {  	_ =	sfence  }
0xc0: {  	s30 =	sld [smem:$0x0];
	_ =	sdelay $0x2  }
0xc1: {  	s31 =	sshll.u32 s1, $0xD;
	s1 =	sshrl.u32 s1, $0x2  }
0xc2: {  	s3 =	sand.u32 $0x4000, s31;
	s1 =	sadd.s32 s1, s30  }
0xc3: {  	s0 =	sor.u32 s3, s0;
	s1 =	sshll.u32 s1, $0x11  }
0xc4: {  	s0 =	sor.u32 s1, s0  }
0xc5: {  	s0 =	sadd.s32 $0x8F2B, s0  }
0xc6: {  	[sflag:s0] =	ssyncadd.remote.s32 $0x1  }
0xc7: {  	_ =	sfence.sel $0xFFFF  }
0xc8: {  	[dreg:$0x0] =	wrdreg $0xFFFFFFFF;
	(pc) =	sbr.abs _section_cstart, $3  }
0xc9: {  	[dreg:$0x1] =	wrdreg $0xFFFFFFFF  }
0xca: {  	_ =	task.clear_ibuf [dreg:s9], $0x2FFFF;
	_ =	strace $0x9FFFFFFF  }
0xcb: {  	(tm) =	ssettm $0x7FFFFFFF  }
tec
execute0_lowered:
.L_overlay_start_1:
0x0: {  	(tag) =	ssettag $0x1  }
0x1: {  	s0 =	srdreg.scid;
	s9 =	stileid.u32  }
0x2: {  	s1 =	rddreg [dreg:$0x0];
	s3 =	sand.u32 $0x1, s0;
	s5 =	smul.u32 $0xA000, s9  }
0x3: {  	s2 =	rddreg [dreg:$0x1];
	s6 =	smul.u32 $0x5000, s3  }
0x4: {  	s4 =	rddreg [dreg:$0x4]  }
0x5: {  	s0 =	rddreg [dreg:$0x3];
	s6 =	sadd.s32 s6, s5;
	s5 =	simm.s32 $0x0  }
0x6: {  	s21 =	simm.s32 $0x80;
	[smem:$0x7FF] =	sst s5  }
0x7: {  	s22 =	simm.s32 $0x100;
	_ =	strace $0x80000047;
	[dreg:$0x8] =	wrdreg s21  }
0x8: {  	s23 =	simm.s32 $0x180;
	[dreg:$0x9] =	wrdreg s22  }
0x9: {  	s24 =	simm.s32 $0x1080;
	[dreg:$0xa] =	wrdreg s23  }
0xa: {  	s25 =	simm.s32 $0x1100;
	[dreg:$0xb] =	wrdreg s24  }
0xb: {  	s26 =	simm.s32 $0x1180;
	[dreg:$0xc] =	wrdreg s25  }
0xc: {  	s8 =	simm.s32 $0x300;
	[dreg:$0xd] =	wrdreg s26  }
0xd: {  	s10 =	simm.s32 $0x380;
	s12 =	simm.s32 $0x1200;
	[dreg:$0x10] =	wrdreg s8  }
0xe: {  	s14 =	simm.s32 $0x1280;
	s15 =	simm.s32 $0x1300;
	[dreg:$0x11] =	wrdreg s10  }
0xf: {  	s16 =	simm.s32 $0x1380;
	s18 =	simm.s32 $0x400;
	[dreg:$0x12] =	wrdreg s12  }
0x10: {  	s19 =	simm.s32 $0x480;
	s28 =	simm.s32 $0xB80;
	[dreg:$0x13] =	wrdreg s14  }
0x11: {  	s29 =	simm.s32 $0x1A00;
	s30 =	simm.s32 $0x1A80;
	[dreg:$0x14] =	wrdreg s15  }
0x12: {  	s31 =	simm.s32 $0x1B00;
	s2 =	sadd.s32 $0x4E00, s2;
	[dreg:$0x15] =	wrdreg s16  }
0x13: {  	s20 =	sshll.u32 s9, $0x6;
	s11 =	ssub.s32 $0x2, s3;
	[dreg:$0x16] =	wrdreg s18  }
0x14: {  	s3 =	smul.u32 $0x140000, s3;
	[dreg:$0x17] =	wrdreg s19;
	s21 =	simm.s32 $0x500  }
0x15: {  	s13 =	sshrl.u32 s11, $0x1;
	s22 =	simm.s32 $0x580;
	[dreg:$0x18] =	wrdreg s21  }
0x16: {  	s7 =	sadd.s32 $0xA0000, s6;
	s23 =	simm.s32 $0x1400;
	[dreg:$0x19] =	wrdreg s22  }
0x17: {  	s6 =	sshrl.u32 s6, $0x3;
	s24 =	simm.s32 $0x1480;
	[dreg:$0x1a] =	wrdreg s23  }
0x18: {  	s7 =	sshrl.u32 s7, $0x3;
	s25 =	simm.s32 $0x1500;
	[dreg:$0x1b] =	wrdreg s24  }
0x19: {  	s8 =	smul.u32 $0x50000, s9;
	s26 =	simm.s32 $0x1580;
	[dreg:$0x1c] =	wrdreg s25  }
0x1a: {  	s9 =	smul.u32 $0x14000, s9;
	s12 =	simm.s32 $0x700;
	[dreg:$0x1d] =	wrdreg s26  }
0x1b: {  	s14 =	simm.s32 $0x1600;
	s15 =	simm.s32 $0x1680;
	[smem:$0x7ED] =	sst s12  }
0x1c: {  	s16 =	simm.s32 $0x1700;
	s18 =	simm.s32 $0x800;
	[smem:$0x7EF] =	sst s14  }
0x1d: {  	s19 =	simm.s32 $0x880;
	s7 =	sadd.s32 s7, s2;
	[smem:$0x7F0] =	sst s15  }
0x1e: {  	s2 =	sadd.s32 s6, s2;
	s6 =	simm.s32 $0x200;
	[smem:$0x7F1] =	sst s16  }
0x1f: {  	s12 =	simm.s32 $0x50;
	s14 =	simm.s32 $0x4800;
	[smem:$0x7F3] =	sst s18  }
0x20: {  	s15 =	simm.s32 $0x7000;
	s16 =	simm.s32 $0x9800;
	[smem:$0x7F4] =	sst s19  }
0x21: {  	s18 =	simm.s32 $0x2;
	s21 =	simm.s32 $0x980;
	[dreg:$0x6] =	wrdreg s7  }
0x22: {  	s19 =	simm.s32 $0x3;
	s22 =	simm.s32 $0x1800;
	[dreg:$0x7] =	wrdreg s2  }
0x23: {  	s23 =	simm.s32 $0x1880;
	s24 =	simm.s32 $0x1900;
	[dreg:$0xe] =	wrdreg s6  }
0x24: {  	s25 =	simm.s32 $0x1980;
	s26 =	simm.s32 $0xA00;
	[smem:$0x7F6] =	sst s21  }
0x25: {  	s7 =	simm.s32 $0x280;
	s6 =	ssub.s32 s11, s13;
	[smem:$0x7F7] =	sst s22  }
0x26: {  	s17 =	sshrl.u32 s8, $0x2;
	s8 =	sor.u32 $0x1C09, s20;
	[smem:$0x7F8] =	sst s23  }
0x27: {  	s3 =	sadd.s32 s9, s3;
	s9 =	simm.s32 $0x600;
	[smem:$0x7F9] =	sst s24  }
0x28: {  	s11 =	simm.s32 $0x680;
	s13 =	simm.s32 $0x780;
	[smem:$0x7FA] =	sst s25  }
0x29: {  	s20 =	simm.s32 $0x900;
	s21 =	simm.s32 $0x5;
	[smem:$0x7FB] =	sst s26  }
0x2a: {  	s22 =	simm.s32 $0x6;
	s23 =	simm.s32 $0x7;
	[dreg:$0xf] =	wrdreg s7  }
0x2b: {  	s24 =	simm.s32 $0x8;
	s25 =	simm.s32 $0xA80;
	[dreg:$0x1e] =	wrdreg s9  }
0x2c: {  	s26 =	simm.s32 $0xB00;
	s2 =	simm.s32 $0x1B80;
	[dreg:$0x1f] =	wrdreg s11  }
0x2d: {  	s7 =	sadd.s32 s17, s4;
	s3 =	sshrl.u32 s3, $0x3;
	[smem:$0x7EE] =	sst s13  }
0x2e: {  	s10 =	smax.u32 s6, $0x1;
	s11 =	simm.s32 $0x1000;
	[smem:$0x7F5] =	sst s20  }
0x2f: {  	s13 =	simm.s32 $0x2000;
	s17 =	simm.s32 $0x1780;
	[smem:$0x7FC] =	sst s8  }
0x30: {  	s20 =	simm.s32 $0x4;
	s9 =	simm.s32 $0x0;
	[smem:$0x7EC] =	sst s10  }
0x31: {  	s0 =	sadd.s32 s0, s3;
	s7 =	sshrl.u32 s7, $0x3;
	[smem:$0x7F2] =	sst s17  }
0x32: {  	s10 =	simm.s32 $0x9;
	s17 =	simm.s32 $0x1;
	[smem:$0x7EB] =	sst s0  }
0x33: {  	s3 =	simm.s32 $0x1C00;
	s0 =	simm.s32 $0xC00;
	[smem:$0x7FD] =	sst s7  }
.LBB2_1:
0x34: {  	[smem:$0x7EA] =	sst s9  }
0x35: {  	s6 =	rddreg [dreg:$0x2]  }
0x36: {  	[spmem:s7], [sflag:s8] =	dma.local [hbm:s6], $0x2800  }
0x37: {  	_ =	swait.ge [sflag:s10], $0x2800  }
0x38: {  	[sflag:s10] =	ssyncset.done $0x0  }
0x39: {  	[sflag:s10] =	ssyncadd.s32 $0xFFFFD800  }
0x3a: {  	[bflag:$0x0] =	sbarrier.arrive $0xFFFF  }
0x3b: {  	s7 =	rddreg [dreg:$0x7]  }
0x3c: {  	s6 =	sadd.s32 $0x0, s7  }
0x3d: {  	[tilespmem:s5], [sflag:$0x9] =	stream.linear.gather [hbm4b:s6+s5], $0xC80, $0x38;
	v63 =	vld [tilespmem:$0x0]  }
0x3e: {  	_ =	swait.ge [sflag:s10], $0xC80  }
0x3f: {  	s8 =	rddreg [dreg:$0x6];
	[sflag:s10] =	ssyncset.done $0x0  }
0x40: {  	[sflag:s10] =	ssyncadd.s32 $0xFFFFF380;
	s6 =	sadd.s32 $0x0, s8  }
0x41: {  	[tilespmem:s11], [sflag:$0x9] =	stream.linear.gather [hbm4b:s6+s5], $0xC80, $0x38;
	v63 =	vld [tilespmem:$0x0]  }
0x42: {  	_ =	swait.ge [sflag:s10], $0xC80  }
0x43: {  	[sflag:s10] =	ssyncset.done $0x0  }
0x44: {  	[sflag:s10] =	ssyncadd.s32 $0xFFFFF380  }
0x45: {  	[tilespmem:s13], [sflag:$0x1] =	stream.indirect.gather [hbm4b:s1+s12], $0x80, s5, s12, $0xb8;
	v63 =	vld [tilespmem:$0x0]  }
0x46: {  	s9 =	rddreg [dreg:$0x8]  }
0x47: {  	[tilespmem:s14], [sflag:$0x2] =	stream.indirect.gather [hbm4b:s1+s12], $0x80, s9, s12, $0xb8;
	v63 =	vld [tilespmem:$0x0]  }
0x48: {  	s7 =	rddreg [dreg:$0x9]  }
0x49: {  	[tilespmem:s15], [sflag:$0x3] =	stream.indirect.gather [hbm4b:s1+s12], $0x80, s7, s12, $0xb8;
	v63 =	vld [tilespmem:$0x0]  }
0x4a: {  	s9 =	rddreg [dreg:$0xa]  }
0x4b: {  	[tilespmem:s16], [sflag:$0x4] =	stream.indirect.gather [hbm4b:s1+s12], $0x80, s9, s12, $0xb8;
	v63 =	vld [tilespmem:$0x0]  }
0x4c: {  	_ =	swait.ge [sflag:s17], $0x2800  }
0x4d: {  	[sflag:s17] =	ssyncset.done $0x0  }
0x4e: {  	[sflag:s17] =	ssyncadd.s32 $0xFFFFD800  }
0x4f: {  	[spmem:s4] =	stream.indirect.scatter.add.f32 [tilespmem:s13], [sflag:$0x5], $0x80, s11, s12, $0xb8;
	v63 =	vld [tilespmem:$0x0]  }
0x50: {  	_ =	swait.ge [sflag:s18], $0x2800  }
0x51: {  	[sflag:s18] =	ssyncset.done $0x0  }
0x52: {  	s7 =	rddreg [dreg:$0xb];
	[sflag:s18] =	ssyncadd.s32 $0xFFFFD800  }
0x53: {  	[spmem:s4] =	stream.indirect.scatter.add.f32 [tilespmem:s14], [sflag:$0x6], $0x80, s7, s12, $0xb8;
	v63 =	vld [tilespmem:$0x0]  }
0x54: {  	_ =	swait.ge [sflag:s19], $0x2800  }
0x55: {  	[sflag:s19] =	ssyncset.done $0x0  }
0x56: {  	s8 =	rddreg [dreg:$0xc];
	[sflag:s19] =	ssyncadd.s32 $0xFFFFD800  }
0x57: {  	[spmem:s4] =	stream.indirect.scatter.add.f32 [tilespmem:s15], [sflag:$0x7], $0x80, s8, s12, $0xb8;
	v63 =	vld [tilespmem:$0x0]  }
0x58: {  	_ =	swait.ge [sflag:s20], $0x2800  }
0x59: {  	[sflag:s20] =	ssyncset.done $0x0  }
0x5a: {  	s9 =	rddreg [dreg:$0xd];
	[sflag:s20] =	ssyncadd.s32 $0xFFFFD800  }
0x5b: {  	[spmem:s4] =	stream.indirect.scatter.add.f32 [tilespmem:s16], [sflag:$0x8], $0x80, s9, s12, $0xb8;
	v63 =	vld [tilespmem:$0x0]  }
0x5c: {  	_ =	swait.ge [sflag:s21], $0x2800  }
0x5d: {  	[sflag:s21] =	ssyncset.done $0x0  }
0x5e: {  	s7 =	rddreg [dreg:$0xe];
	[sflag:s21] =	ssyncadd.s32 $0xFFFFD800  }
0x5f: {  	[tilespmem:s13], [sflag:$0x1] =	stream.indirect.gather [hbm4b:s1+s12], $0x80, s7, s12, $0xb8;
	v63 =	vld [tilespmem:$0x0]  }
0x60: {  	_ =	swait.ge [sflag:s22], $0x2800  }
0x61: {  	[sflag:s22] =	ssyncset.done $0x0  }
0x62: {  	s8 =	rddreg [dreg:$0xf];
	[sflag:s22] =	ssyncadd.s32 $0xFFFFD800  }
0x63: {  	[tilespmem:s14], [sflag:$0x2] =	stream.indirect.gather [hbm4b:s1+s12], $0x80, s8, s12, $0xb8;
	v63 =	vld [tilespmem:$0x0]  }
0x64: {  	_ =	swait.ge [sflag:s23], $0x2800  }
0x65: {  	[sflag:s23] =	ssyncset.done $0x0  }
0x66: {  	s9 =	rddreg [dreg:$0x10];
	[sflag:s23] =	ssyncadd.s32 $0xFFFFD800  }
0x67: {  	[tilespmem:s15], [sflag:$0x3] =	stream.indirect.gather [hbm4b:s1+s12], $0x80, s9, s12, $0xb8;
	v63 =	vld [tilespmem:$0x0]  }
0x68: {  	_ =	swait.ge [sflag:s24], $0x2800  }
0x69: {  	[sflag:s24] =	ssyncset.done $0x0  }
0x6a: {  	s7 =	rddreg [dreg:$0x11];
	[sflag:s24] =	ssyncadd.s32 $0xFFFFD800  }
0x6b: {  	[tilespmem:s16], [sflag:$0x4] =	stream.indirect.gather [hbm4b:s1+s12], $0x80, s7, s12, $0xb8;
	v63 =	vld [tilespmem:$0x0]  }
0x6c: {  	_ =	swait.ge [sflag:s17], $0x2800  }
0x6d: {  	[sflag:s17] =	ssyncset.done $0x0  }
0x6e: {  	s8 =	rddreg [dreg:$0x12];
	[sflag:s17] =	ssyncadd.s32 $0xFFFFD800  }
0x6f: {  	[spmem:s4] =	stream.indirect.scatter.add.f32 [tilespmem:s13], [sflag:$0x5], $0x80, s8, s12, $0xb8;
	v63 =	vld [tilespmem:$0x0]  }
0x70: {  	_ =	swait.ge [sflag:s18], $0x2800  }
0x71: {  	[sflag:s18] =	ssyncset.done $0x0  }
0x72: {  	s9 =	rddreg [dreg:$0x13];
	[sflag:s18] =	ssyncadd.s32 $0xFFFFD800  }
0x73: {  	[spmem:s4] =	stream.indirect.scatter.add.f32 [tilespmem:s14], [sflag:$0x6], $0x80, s9, s12, $0xb8;
	v63 =	vld [tilespmem:$0x0]  }
0x74: {  	_ =	swait.ge [sflag:s19], $0x2800  }
0x75: {  	[sflag:s19] =	ssyncset.done $0x0  }
0x76: {  	s7 =	rddreg [dreg:$0x14];
	[sflag:s19] =	ssyncadd.s32 $0xFFFFD800  }
0x77: {  	[spmem:s4] =	stream.indirect.scatter.add.f32 [tilespmem:s15], [sflag:$0x7], $0x80, s7, s12, $0xb8;
	v63 =	vld [tilespmem:$0x0]  }
0x78: {  	_ =	swait.ge [sflag:s20], $0x2800  }
0x79: {  	[sflag:s20] =	ssyncset.done $0x0  }
0x7a: {  	s8 =	rddreg [dreg:$0x15];
	[sflag:s20] =	ssyncadd.s32 $0xFFFFD800  }
0x7b: {  	[spmem:s4] =	stream.indirect.scatter.add.f32 [tilespmem:s16], [sflag:$0x8], $0x80, s8, s12, $0xb8;
	v63 =	vld [tilespmem:$0x0]  }
0x7c: {  	_ =	swait.ge [sflag:s21], $0x2800  }
0x7d: {  	[sflag:s21] =	ssyncset.done $0x0  }
0x7e: {  	s9 =	rddreg [dreg:$0x16];
	[sflag:s21] =	ssyncadd.s32 $0xFFFFD800  }
0x7f: {  	[tilespmem:s13], [sflag:$0x1] =	stream.indirect.gather [hbm4b:s1+s12], $0x80, s9, s12, $0xb8;
	v63 =	vld [tilespmem:$0x0]  }
0x80: {  	_ =	swait.ge [sflag:s22], $0x2800  }
0x81: {  	[sflag:s22] =	ssyncset.done $0x0  }
0x82: {  	s7 =	rddreg [dreg:$0x17];
	[sflag:s22] =	ssyncadd.s32 $0xFFFFD800  }
0x83: {  	[tilespmem:s14], [sflag:$0x2] =	stream.indirect.gather [hbm4b:s1+s12], $0x80, s7, s12, $0xb8;
	v63 =	vld [tilespmem:$0x0]  }
0x84: {  	_ =	swait.ge [sflag:s23], $0x2800  }
0x85: {  	[sflag:s23] =	ssyncset.done $0x0  }
0x86: {  	s8 =	rddreg [dreg:$0x18];
	[sflag:s23] =	ssyncadd.s32 $0xFFFFD800  }
0x87: {  	[tilespmem:s15], [sflag:$0x3] =	stream.indirect.gather [hbm4b:s1+s12], $0x80, s8, s12, $0xb8;
	v63 =	vld [tilespmem:$0x0]  }
0x88: {  	_ =	swait.ge [sflag:s24], $0x2800  }
0x89: {  	[sflag:s24] =	ssyncset.done $0x0  }
0x8a: {  	s9 =	rddreg [dreg:$0x19];
	[sflag:s24] =	ssyncadd.s32 $0xFFFFD800  }
0x8b: {  	[tilespmem:s16], [sflag:$0x4] =	stream.indirect.gather [hbm4b:s1+s12], $0x80, s9, s12, $0xb8;
	v63 =	vld [tilespmem:$0x0]  }
0x8c: {  	_ =	swait.ge [sflag:s17], $0x2800  }
0x8d: {  	[sflag:s17] =	ssyncset.done $0x0  }
0x8e: {  	s7 =	rddreg [dreg:$0x1a];
	[sflag:s17] =	ssyncadd.s32 $0xFFFFD800  }
0x8f: {  	[spmem:s4] =	stream.indirect.scatter.add.f32 [tilespmem:s13], [sflag:$0x5], $0x80, s7, s12, $0xb8;
	v63 =	vld [tilespmem:$0x0]  }
0x90: {  	_ =	swait.ge [sflag:s18], $0x2800  }
0x91: {  	[sflag:s18] =	ssyncset.done $0x0  }
0x92: {  	s8 =	rddreg [dreg:$0x1b];
	[sflag:s18] =	ssyncadd.s32 $0xFFFFD800  }
0x93: {  	[spmem:s4] =	stream.indirect.scatter.add.f32 [tilespmem:s14], [sflag:$0x6], $0x80, s8, s12, $0xb8;
	v63 =	vld [tilespmem:$0x0]  }
0x94: {  	_ =	swait.ge [sflag:s19], $0x2800  }
0x95: {  	[sflag:s19] =	ssyncset.done $0x0  }
0x96: {  	s9 =	rddreg [dreg:$0x1c];
	[sflag:s19] =	ssyncadd.s32 $0xFFFFD800  }
0x97: {  	[spmem:s4] =	stream.indirect.scatter.add.f32 [tilespmem:s15], [sflag:$0x7], $0x80, s9, s12, $0xb8;
	v63 =	vld [tilespmem:$0x0]  }
0x98: {  	_ =	swait.ge [sflag:s20], $0x2800  }
0x99: {  	[sflag:s20] =	ssyncset.done $0x0  }
0x9a: {  	s7 =	rddreg [dreg:$0x1d];
	[sflag:s20] =	ssyncadd.s32 $0xFFFFD800  }
0x9b: {  	[spmem:s4] =	stream.indirect.scatter.add.f32 [tilespmem:s16], [sflag:$0x8], $0x80, s7, s12, $0xb8;
	v63 =	vld [tilespmem:$0x0]  }
0x9c: {  	_ =	swait.ge [sflag:s21], $0x2800  }
0x9d: {  	[sflag:s21] =	ssyncset.done $0x0  }
0x9e: {  	s8 =	rddreg [dreg:$0x1e];
	[sflag:s21] =	ssyncadd.s32 $0xFFFFD800  }
0x9f: {  	[tilespmem:s13], [sflag:$0x1] =	stream.indirect.gather [hbm4b:s1+s12], $0x80, s8, s12, $0xb8;
	v63 =	vld [tilespmem:$0x0]  }
0xa0: {  	_ =	swait.ge [sflag:s22], $0x2800  }
0xa1: {  	[sflag:s22] =	ssyncset.done $0x0  }
0xa2: {  	s9 =	rddreg [dreg:$0x1f];
	[sflag:s22] =	ssyncadd.s32 $0xFFFFD800  }
0xa3: {  	[tilespmem:s14], [sflag:$0x2] =	stream.indirect.gather [hbm4b:s1+s12], $0x80, s9, s12, $0xb8;
	v63 =	vld [tilespmem:$0x0]  }
0xa4: {  	_ =	swait.ge [sflag:s23], $0x2800  }
0xa5: {  	s7 =	sld [smem:$0x7ED]  }
0xa6: {  	[sflag:s23] =	ssyncset.done $0x0  }
0xa7: {  	[sflag:s23] =	ssyncadd.s32 $0xFFFFD800  }
0xa8: {  	[tilespmem:s15], [sflag:$0x3] =	stream.indirect.gather [hbm4b:s1+s12], $0x80, s7, s12, $0xb8;
	v63 =	vld [tilespmem:$0x0]  }
0xa9: {  	_ =	swait.ge [sflag:s24], $0x2800  }
0xaa: {  	s8 =	sld [smem:$0x7EE]  }
0xab: {  	[sflag:s24] =	ssyncset.done $0x0  }
0xac: {  	[sflag:s24] =	ssyncadd.s32 $0xFFFFD800  }
0xad: {  	[tilespmem:s16], [sflag:$0x4] =	stream.indirect.gather [hbm4b:s1+s12], $0x80, s8, s12, $0xb8;
	v63 =	vld [tilespmem:$0x0]  }
0xae: {  	_ =	swait.ge [sflag:s17], $0x2800  }
0xaf: {  	s9 =	sld [smem:$0x7EF]  }
0xb0: {  	[sflag:s17] =	ssyncset.done $0x0  }
0xb1: {  	[sflag:s17] =	ssyncadd.s32 $0xFFFFD800  }
0xb2: {  	[spmem:s4] =	stream.indirect.scatter.add.f32 [tilespmem:s13], [sflag:$0x5], $0x80, s9, s12, $0xb8;
	v63 =	vld [tilespmem:$0x0]  }
0xb3: {  	_ =	swait.ge [sflag:s18], $0x2800  }
0xb4: {  	s7 =	sld [smem:$0x7F0]  }
0xb5: {  	[sflag:s18] =	ssyncset.done $0x0  }
0xb6: {  	[sflag:s18] =	ssyncadd.s32 $0xFFFFD800  }
0xb7: {  	[spmem:s4] =	stream.indirect.scatter.add.f32 [tilespmem:s14], [sflag:$0x6], $0x80, s7, s12, $0xb8;
	v63 =	vld [tilespmem:$0x0]  }
0xb8: {  	_ =	swait.ge [sflag:s19], $0x2800  }
0xb9: {  	s8 =	sld [smem:$0x7F1]  }
0xba: {  	[sflag:s19] =	ssyncset.done $0x0  }
0xbb: {  	[sflag:s19] =	ssyncadd.s32 $0xFFFFD800  }
0xbc: {  	[spmem:s4] =	stream.indirect.scatter.add.f32 [tilespmem:s15], [sflag:$0x7], $0x80, s8, s12, $0xb8;
	v63 =	vld [tilespmem:$0x0]  }
0xbd: {  	_ =	swait.ge [sflag:s20], $0x2800  }
0xbe: {  	s9 =	sld [smem:$0x7F2]  }
0xbf: {  	[sflag:s20] =	ssyncset.done $0x0  }
0xc0: {  	[sflag:s20] =	ssyncadd.s32 $0xFFFFD800  }
0xc1: {  	[spmem:s4] =	stream.indirect.scatter.add.f32 [tilespmem:s16], [sflag:$0x8], $0x80, s9, s12, $0xb8;
	v63 =	vld [tilespmem:$0x0]  }
0xc2: {  	_ =	swait.ge [sflag:s21], $0x2800  }
0xc3: {  	s7 =	sld [smem:$0x7F3]  }
0xc4: {  	[sflag:s21] =	ssyncset.done $0x0  }
0xc5: {  	[sflag:s21] =	ssyncadd.s32 $0xFFFFD800  }
0xc6: {  	[tilespmem:s13], [sflag:$0x1] =	stream.indirect.gather [hbm4b:s1+s12], $0x80, s7, s12, $0xb8;
	v63 =	vld [tilespmem:$0x0]  }
0xc7: {  	_ =	swait.ge [sflag:s22], $0x2800  }
0xc8: {  	s8 =	sld [smem:$0x7F4]  }
0xc9: {  	[sflag:s22] =	ssyncset.done $0x0  }
0xca: {  	[sflag:s22] =	ssyncadd.s32 $0xFFFFD800  }
0xcb: {  	[tilespmem:s14], [sflag:$0x2] =	stream.indirect.gather [hbm4b:s1+s12], $0x80, s8, s12, $0xb8;
	v63 =	vld [tilespmem:$0x0]  }
0xcc: {  	_ =	swait.ge [sflag:s23], $0x2800  }
0xcd: {  	s9 =	sld [smem:$0x7F5]  }
0xce: {  	[sflag:s23] =	ssyncset.done $0x0  }
0xcf: {  	[sflag:s23] =	ssyncadd.s32 $0xFFFFD800  }
0xd0: {  	[tilespmem:s15], [sflag:$0x3] =	stream.indirect.gather [hbm4b:s1+s12], $0x80, s9, s12, $0xb8;
	v63 =	vld [tilespmem:$0x0]  }
0xd1: {  	_ =	swait.ge [sflag:s24], $0x2800  }
0xd2: {  	s7 =	sld [smem:$0x7F6]  }
0xd3: {  	[sflag:s24] =	ssyncset.done $0x0  }
0xd4: {  	[sflag:s24] =	ssyncadd.s32 $0xFFFFD800  }
0xd5: {  	[tilespmem:s16], [sflag:$0x4] =	stream.indirect.gather [hbm4b:s1+s12], $0x80, s7, s12, $0xb8;
	v63 =	vld [tilespmem:$0x0]  }
0xd6: {  	_ =	swait.ge [sflag:s17], $0x2800  }
0xd7: {  	s8 =	sld [smem:$0x7F7]  }
0xd8: {  	[sflag:s17] =	ssyncset.done $0x0  }
0xd9: {  	[sflag:s17] =	ssyncadd.s32 $0xFFFFD800  }
0xda: {  	[spmem:s4] =	stream.indirect.scatter.add.f32 [tilespmem:s13], [sflag:$0x5], $0x80, s8, s12, $0xb8;
	v63 =	vld [tilespmem:$0x0]  }
0xdb: {  	_ =	swait.ge [sflag:s18], $0x2800  }
0xdc: {  	s9 =	sld [smem:$0x7F8]  }
0xdd: {  	[sflag:s18] =	ssyncset.done $0x0  }
0xde: {  	[sflag:s18] =	ssyncadd.s32 $0xFFFFD800  }
0xdf: {  	[spmem:s4] =	stream.indirect.scatter.add.f32 [tilespmem:s14], [sflag:$0x6], $0x80, s9, s12, $0xb8;
	v63 =	vld [tilespmem:$0x0]  }
0xe0: {  	_ =	swait.ge [sflag:s19], $0x2800  }
0xe1: {  	s7 =	sld [smem:$0x7F9]  }
0xe2: {  	[sflag:s19] =	ssyncset.done $0x0  }
0xe3: {  	[sflag:s19] =	ssyncadd.s32 $0xFFFFD800  }
0xe4: {  	[spmem:s4] =	stream.indirect.scatter.add.f32 [tilespmem:s15], [sflag:$0x7], $0x80, s7, s12, $0xb8;
	v63 =	vld [tilespmem:$0x0]  }
0xe5: {  	_ =	swait.ge [sflag:s20], $0x2800  }
0xe6: {  	s8 =	sld [smem:$0x7FA]  }
0xe7: {  	[sflag:s20] =	ssyncset.done $0x0  }
0xe8: {  	[sflag:s20] =	ssyncadd.s32 $0xFFFFD800  }
0xe9: {  	[spmem:s4] =	stream.indirect.scatter.add.f32 [tilespmem:s16], [sflag:$0x8], $0x80, s8, s12, $0xb8;
	v63 =	vld [tilespmem:$0x0]  }
0xea: {  	_ =	swait.ge [sflag:s21], $0x2800  }
0xeb: {  	s9 =	sld [smem:$0x7FB]  }
0xec: {  	[sflag:s21] =	ssyncset.done $0x0  }
0xed: {  	[sflag:s21] =	ssyncadd.s32 $0xFFFFD800  }
0xee: {  	[tilespmem:s13], [sflag:$0x1] =	stream.indirect.gather [hbm4b:s1+s12], $0x80, s9, s12, $0xb8;
	v63 =	vld [tilespmem:$0x0]  }
0xef: {  	_ =	swait.ge [sflag:s22], $0x2800  }
0xf0: {  	[sflag:s22] =	ssyncset.done $0x0  }
0xf1: {  	[sflag:s22] =	ssyncadd.s32 $0xFFFFD800  }
0xf2: {  	[tilespmem:s14], [sflag:$0x2] =	stream.indirect.gather [hbm4b:s1+s12], $0x80, s25, s12, $0xb8;
	v63 =	vld [tilespmem:$0x0]  }
0xf3: {  	_ =	swait.ge [sflag:s23], $0x2800  }
0xf4: {  	[sflag:s23] =	ssyncset.done $0x0  }
0xf5: {  	[sflag:s23] =	ssyncadd.s32 $0xFFFFD800  }
0xf6: {  	[tilespmem:s15], [sflag:$0x3] =	stream.indirect.gather [hbm4b:s1+s12], $0x80, s26, s12, $0xb8;
	v63 =	vld [tilespmem:$0x0]  }
0xf7: {  	_ =	swait.ge [sflag:s24], $0x2800  }
0xf8: {  	[sflag:s24] =	ssyncset.done $0x0  }
0xf9: {  	[sflag:s24] =	ssyncadd.s32 $0xFFFFD800  }
0xfa: {  	[tilespmem:s16], [sflag:$0x4] =	stream.indirect.gather [hbm4b:s1+s12], $0x80, s28, s12, $0xb8;
	v63 =	vld [tilespmem:$0x0]  }
0xfb: {  	_ =	swait.ge [sflag:s17], $0x2800  }
0xfc: {  	[sflag:s17] =	ssyncset.done $0x0  }
0xfd: {  	[sflag:s17] =	ssyncadd.s32 $0xFFFFD800  }
0xfe: {  	[spmem:s4] =	stream.indirect.scatter.add.f32 [tilespmem:s13], [sflag:$0x5], $0x80, s29, s12, $0xb8;
	v63 =	vld [tilespmem:$0x0]  }
0xff: {  	_ =	swait.ge [sflag:s18], $0x2800  }
0x100: {  	[sflag:s18] =	ssyncset.done $0x0  }
0x101: {  	[sflag:s18] =	ssyncadd.s32 $0xFFFFD800  }
0x102: {  	[spmem:s4] =	stream.indirect.scatter.add.f32 [tilespmem:s14], [sflag:$0x6], $0x80, s30, s12, $0xb8;
	v63 =	vld [tilespmem:$0x0]  }
0x103: {  	_ =	swait.ge [sflag:s19], $0x2800  }
0x104: {  	[sflag:s19] =	ssyncset.done $0x0  }
0x105: {  	[sflag:s19] =	ssyncadd.s32 $0xFFFFD800  }
0x106: {  	[spmem:s4] =	stream.indirect.scatter.add.f32 [tilespmem:s15], [sflag:$0x7], $0x80, s31, s12, $0xb8;
	v63 =	vld [tilespmem:$0x0]  }
0x107: {  	_ =	swait.ge [sflag:s20], $0x2800  }
0x108: {  	[sflag:s20] =	ssyncset.done $0x0  }
0x109: {  	[sflag:s20] =	ssyncadd.s32 $0xFFFFD800  }
0x10a: {  	[spmem:s4] =	stream.indirect.scatter.add.f32 [tilespmem:s16], [sflag:$0x8], $0x80, s2, s12, $0xb8;
	v63 =	vld [tilespmem:$0x0]  }
0x10b: {  	_ =	swait.ge [sflag:s21], $0x2800  }
0x10c: {  	[sflag:s21] =	ssyncset.done $0x0  }
0x10d: {  	[sflag:s21] =	ssyncadd.s32 $0xFFFFD800  }
0x10e: {  	[tilespmem:s13], [sflag:$0x1] =	stream.indirect.gather [hbm4b:s1+s12], $0x80, s0, s12, $0xb8;
	v63 =	vld [tilespmem:$0x0]  }
0x10f: {  	_ =	swait.ge [sflag:s22], $0x2800  }
0x110: {  	[sflag:s22] =	ssyncset.done $0x0  }
0x111: {  	[sflag:s22] =	ssyncadd.s32 $0xFFFFD800  }
0x112: {  	_ =	swait.ge [sflag:s23], $0x2800  }
0x113: {  	[sflag:s23] =	ssyncset.done $0x0  }
0x114: {  	[sflag:s23] =	ssyncadd.s32 $0xFFFFD800  }
0x115: {  	_ =	swait.ge [sflag:s24], $0x2800  }
0x116: {  	[sflag:s24] =	ssyncset.done $0x0  }
0x117: {  	[sflag:s24] =	ssyncadd.s32 $0xFFFFD800  }
0x118: {  	_ =	swait.ge [sflag:s17], $0x2800  }
0x119: {  	[sflag:s17] =	ssyncset.done $0x0  }
0x11a: {  	[sflag:s17] =	ssyncadd.s32 $0xFFFFD800  }
0x11b: {  	[spmem:s4] =	stream.indirect.scatter.add.f32 [tilespmem:s13], [sflag:$0x9], $0x80, s3, s12, $0xb8;
	v63 =	vld [tilespmem:$0x0]  }
0x11c: {  	s6 =	simm.s32 $0x400;
	_ =	swait.ge [sflag:s10], $0x2800  }
0x11d: {  	s8 =	simm.s32 $0x200;
	s9 =	rddreg [dreg:$0x7];
	[sflag:s10] =	ssyncset.done $0x0  }
.LBB2_2:
0x11e: {  	[sflag:s10] =	ssyncadd.s32 $0xFFFFD800;
	s9 =	sadd.s32 s8, s9  }
0x11f: {  	[tilespmem:s5], [sflag:$0x9] =	stream.linear.gather [hbm4b:s9+s5], $0xC80, $0x38;
	v63 =	vld [tilespmem:$0x0]  }
0x120: {  	_ =	swait.ge [sflag:s10], $0xC80  }
0x121: {  	s9 =	rddreg [dreg:$0x6];
	[sflag:s10] =	ssyncset.done $0x0  }
0x122: {  	[sflag:s10] =	ssyncadd.s32 $0xFFFFF380;
	s9 =	sadd.s32 s8, s9  }
0x123: {  	[tilespmem:s11], [sflag:$0x9] =	stream.linear.gather [hbm4b:s9+s5], $0xC80, $0x38;
	v63 =	vld [tilespmem:$0x0]  }
0x124: {  	_ =	swait.ge [sflag:s10], $0xC80  }
0x125: {  	[sflag:s10] =	ssyncset.done $0x0  }
0x126: {  	s7 =	smov.u32 s6;
	[sflag:s10] =	ssyncadd.s32 $0xFFFFF380  }
0x127: {  	[tilespmem:s13], [sflag:$0x1] =	stream.indirect.gather [hbm4b:s1+s12], $0x80, s5, s12, $0xb8;
	v63 =	vld [tilespmem:$0x0]  }
0x128: {  	s8 =	smov.u32 s7;
	s7 =	rddreg [dreg:$0x8]  }
0x129: {  	[tilespmem:s14], [sflag:$0x2] =	stream.indirect.gather [hbm4b:s1+s12], $0x80, s7, s12, $0xb8;
	v63 =	vld [tilespmem:$0x0]  }
0x12a: {  	s9 =	rddreg [dreg:$0x9]  }
0x12b: {  	[tilespmem:s15], [sflag:$0x3] =	stream.indirect.gather [hbm4b:s1+s12], $0x80, s9, s12, $0xb8;
	v63 =	vld [tilespmem:$0x0]  }
0x12c: {  	s7 =	rddreg [dreg:$0xa]  }
0x12d: {  	[tilespmem:s16], [sflag:$0x4] =	stream.indirect.gather [hbm4b:s1+s12], $0x80, s7, s12, $0xb8;
	v63 =	vld [tilespmem:$0x0]  }
0x12e: {  	_ =	swait.ge [sflag:s17], $0x2800  }
0x12f: {  	[sflag:s17] =	ssyncset.done $0x0  }
0x130: {  	[sflag:s17] =	ssyncadd.s32 $0xFFFFD800  }
0x131: {  	[spmem:s4] =	stream.indirect.scatter.add.f32 [tilespmem:s13], [sflag:$0x5], $0x80, s11, s12, $0xb8;
	v63 =	vld [tilespmem:$0x0]  }
0x132: {  	_ =	swait.ge [sflag:s18], $0x2800  }
0x133: {  	[sflag:s18] =	ssyncset.done $0x0  }
0x134: {  	s9 =	rddreg [dreg:$0xb];
	[sflag:s18] =	ssyncadd.s32 $0xFFFFD800  }
0x135: {  	[spmem:s4] =	stream.indirect.scatter.add.f32 [tilespmem:s14], [sflag:$0x6], $0x80, s9, s12, $0xb8;
	v63 =	vld [tilespmem:$0x0]  }
0x136: {  	_ =	swait.ge [sflag:s19], $0x2800  }
0x137: {  	[sflag:s19] =	ssyncset.done $0x0  }
0x138: {  	s9 =	rddreg [dreg:$0xc];
	[sflag:s19] =	ssyncadd.s32 $0xFFFFD800  }
0x139: {  	[spmem:s4] =	stream.indirect.scatter.add.f32 [tilespmem:s15], [sflag:$0x7], $0x80, s9, s12, $0xb8;
	v63 =	vld [tilespmem:$0x0]  }
0x13a: {  	_ =	swait.ge [sflag:s20], $0x2800  }
0x13b: {  	[sflag:s20] =	ssyncset.done $0x0  }
0x13c: {  	s9 =	rddreg [dreg:$0xd];
	[sflag:s20] =	ssyncadd.s32 $0xFFFFD800  }
0x13d: {  	[spmem:s4] =	stream.indirect.scatter.add.f32 [tilespmem:s16], [sflag:$0x8], $0x80, s9, s12, $0xb8;
	v63 =	vld [tilespmem:$0x0]  }
0x13e: {  	_ =	swait.ge [sflag:s21], $0x2800  }
0x13f: {  	[sflag:s21] =	ssyncset.done $0x0  }
0x140: {  	s9 =	rddreg [dreg:$0xe];
	[sflag:s21] =	ssyncadd.s32 $0xFFFFD800  }
0x141: {  	[tilespmem:s13], [sflag:$0x1] =	stream.indirect.gather [hbm4b:s1+s12], $0x80, s9, s12, $0xb8;
	v63 =	vld [tilespmem:$0x0]  }
0x142: {  	_ =	swait.ge [sflag:s22], $0x2800  }
0x143: {  	[sflag:s22] =	ssyncset.done $0x0  }
0x144: {  	s9 =	rddreg [dreg:$0xf];
	[sflag:s22] =	ssyncadd.s32 $0xFFFFD800  }
0x145: {  	[tilespmem:s14], [sflag:$0x2] =	stream.indirect.gather [hbm4b:s1+s12], $0x80, s9, s12, $0xb8;
	v63 =	vld [tilespmem:$0x0]  }
0x146: {  	_ =	swait.ge [sflag:s23], $0x2800  }
0x147: {  	[sflag:s23] =	ssyncset.done $0x0  }
0x148: {  	s9 =	rddreg [dreg:$0x10];
	[sflag:s23] =	ssyncadd.s32 $0xFFFFD800  }
0x149: {  	[tilespmem:s15], [sflag:$0x3] =	stream.indirect.gather [hbm4b:s1+s12], $0x80, s9, s12, $0xb8;
	v63 =	vld [tilespmem:$0x0]  }
0x14a: {  	_ =	swait.ge [sflag:s24], $0x2800  }
0x14b: {  	[sflag:s24] =	ssyncset.done $0x0  }
0x14c: {  	s9 =	rddreg [dreg:$0x11];
	[sflag:s24] =	ssyncadd.s32 $0xFFFFD800  }
0x14d: {  	[tilespmem:s16], [sflag:$0x4] =	stream.indirect.gather [hbm4b:s1+s12], $0x80, s9, s12, $0xb8;
	v63 =	vld [tilespmem:$0x0]  }
0x14e: {  	_ =	swait.ge [sflag:s17], $0x2800  }
0x14f: {  	[sflag:s17] =	ssyncset.done $0x0  }
0x150: {  	s9 =	rddreg [dreg:$0x12];
	[sflag:s17] =	ssyncadd.s32 $0xFFFFD800  }
0x151: {  	[spmem:s4] =	stream.indirect.scatter.add.f32 [tilespmem:s13], [sflag:$0x5], $0x80, s9, s12, $0xb8;
	v63 =	vld [tilespmem:$0x0]  }
0x152: {  	_ =	swait.ge [sflag:s18], $0x2800  }
0x153: {  	[sflag:s18] =	ssyncset.done $0x0  }
0x154: {  	s9 =	rddreg [dreg:$0x13];
	[sflag:s18] =	ssyncadd.s32 $0xFFFFD800  }
0x155: {  	[spmem:s4] =	stream.indirect.scatter.add.f32 [tilespmem:s14], [sflag:$0x6], $0x80, s9, s12, $0xb8;
	v63 =	vld [tilespmem:$0x0]  }
0x156: {  	_ =	swait.ge [sflag:s19], $0x2800  }
0x157: {  	[sflag:s19] =	ssyncset.done $0x0  }
0x158: {  	s9 =	rddreg [dreg:$0x14];
	[sflag:s19] =	ssyncadd.s32 $0xFFFFD800  }
0x159: {  	[spmem:s4] =	stream.indirect.scatter.add.f32 [tilespmem:s15], [sflag:$0x7], $0x80, s9, s12, $0xb8;
	v63 =	vld [tilespmem:$0x0]  }
0x15a: {  	_ =	swait.ge [sflag:s20], $0x2800  }
0x15b: {  	[sflag:s20] =	ssyncset.done $0x0  }
0x15c: {  	s9 =	rddreg [dreg:$0x15];
	[sflag:s20] =	ssyncadd.s32 $0xFFFFD800  }
0x15d: {  	[spmem:s4] =	stream.indirect.scatter.add.f32 [tilespmem:s16], [sflag:$0x8], $0x80, s9, s12, $0xb8;
	v63 =	vld [tilespmem:$0x0]  }
0x15e: {  	_ =	swait.ge [sflag:s21], $0x2800  }
0x15f: {  	[sflag:s21] =	ssyncset.done $0x0  }
0x160: {  	s9 =	rddreg [dreg:$0x16];
	[sflag:s21] =	ssyncadd.s32 $0xFFFFD800  }
0x161: {  	[tilespmem:s13], [sflag:$0x1] =	stream.indirect.gather [hbm4b:s1+s12], $0x80, s9, s12, $0xb8;
	v63 =	vld [tilespmem:$0x0]  }
0x162: {  	_ =	swait.ge [sflag:s22], $0x2800  }
0x163: {  	[sflag:s22] =	ssyncset.done $0x0  }
0x164: {  	s9 =	rddreg [dreg:$0x17];
	[sflag:s22] =	ssyncadd.s32 $0xFFFFD800  }
0x165: {  	[tilespmem:s14], [sflag:$0x2] =	stream.indirect.gather [hbm4b:s1+s12], $0x80, s9, s12, $0xb8;
	v63 =	vld [tilespmem:$0x0]  }
0x166: {  	_ =	swait.ge [sflag:s23], $0x2800  }
0x167: {  	[sflag:s23] =	ssyncset.done $0x0  }
0x168: {  	s9 =	rddreg [dreg:$0x18];
	[sflag:s23] =	ssyncadd.s32 $0xFFFFD800  }
0x169: {  	[tilespmem:s15], [sflag:$0x3] =	stream.indirect.gather [hbm4b:s1+s12], $0x80, s9, s12, $0xb8;
	v63 =	vld [tilespmem:$0x0]  }
0x16a: {  	_ =	swait.ge [sflag:s24], $0x2800  }
0x16b: {  	[sflag:s24] =	ssyncset.done $0x0  }
0x16c: {  	s9 =	rddreg [dreg:$0x19];
	[sflag:s24] =	ssyncadd.s32 $0xFFFFD800  }
0x16d: {  	[tilespmem:s16], [sflag:$0x4] =	stream.indirect.gather [hbm4b:s1+s12], $0x80, s9, s12, $0xb8;
	v63 =	vld [tilespmem:$0x0]  }
0x16e: {  	_ =	swait.ge [sflag:s17], $0x2800  }
0x16f: {  	[sflag:s17] =	ssyncset.done $0x0  }
0x170: {  	s9 =	rddreg [dreg:$0x1a];
	[sflag:s17] =	ssyncadd.s32 $0xFFFFD800  }
0x171: {  	[spmem:s4] =	stream.indirect.scatter.add.f32 [tilespmem:s13], [sflag:$0x5], $0x80, s9, s12, $0xb8;
	v63 =	vld [tilespmem:$0x0]  }
0x172: {  	_ =	swait.ge [sflag:s18], $0x2800  }
0x173: {  	[sflag:s18] =	ssyncset.done $0x0  }
0x174: {  	s9 =	rddreg [dreg:$0x1b];
	[sflag:s18] =	ssyncadd.s32 $0xFFFFD800  }
0x175: {  	[spmem:s4] =	stream.indirect.scatter.add.f32 [tilespmem:s14], [sflag:$0x6], $0x80, s9, s12, $0xb8;
	v63 =	vld [tilespmem:$0x0]  }
0x176: {  	_ =	swait.ge [sflag:s19], $0x2800  }
0x177: {  	[sflag:s19] =	ssyncset.done $0x0  }
0x178: {  	s9 =	rddreg [dreg:$0x1c];
	[sflag:s19] =	ssyncadd.s32 $0xFFFFD800  }
0x179: {  	[spmem:s4] =	stream.indirect.scatter.add.f32 [tilespmem:s15], [sflag:$0x7], $0x80, s9, s12, $0xb8;
	v63 =	vld [tilespmem:$0x0]  }
0x17a: {  	_ =	swait.ge [sflag:s20], $0x2800  }
0x17b: {  	[sflag:s20] =	ssyncset.done $0x0  }
0x17c: {  	s9 =	rddreg [dreg:$0x1d];
	[sflag:s20] =	ssyncadd.s32 $0xFFFFD800  }
0x17d: {  	[spmem:s4] =	stream.indirect.scatter.add.f32 [tilespmem:s16], [sflag:$0x8], $0x80, s9, s12, $0xb8;
	v63 =	vld [tilespmem:$0x0]  }
0x17e: {  	_ =	swait.ge [sflag:s21], $0x2800  }
0x17f: {  	[sflag:s21] =	ssyncset.done $0x0  }
0x180: {  	s9 =	rddreg [dreg:$0x1e];
	[sflag:s21] =	ssyncadd.s32 $0xFFFFD800  }
0x181: {  	[tilespmem:s13], [sflag:$0x1] =	stream.indirect.gather [hbm4b:s1+s12], $0x80, s9, s12, $0xb8;
	v63 =	vld [tilespmem:$0x0]  }
0x182: {  	_ =	swait.ge [sflag:s22], $0x2800  }
0x183: {  	[sflag:s22] =	ssyncset.done $0x0  }
0x184: {  	s9 =	rddreg [dreg:$0x1f];
	[sflag:s22] =	ssyncadd.s32 $0xFFFFD800  }
0x185: {  	[tilespmem:s14], [sflag:$0x2] =	stream.indirect.gather [hbm4b:s1+s12], $0x80, s9, s12, $0xb8;
	v63 =	vld [tilespmem:$0x0]  }
0x186: {  	_ =	swait.ge [sflag:s23], $0x2800  }
0x187: {  	s9 =	sld [smem:$0x7ED]  }
0x188: {  	[sflag:s23] =	ssyncset.done $0x0  }
0x189: {  	[sflag:s23] =	ssyncadd.s32 $0xFFFFD800  }
0x18a: {  	[tilespmem:s15], [sflag:$0x3] =	stream.indirect.gather [hbm4b:s1+s12], $0x80, s9, s12, $0xb8;
	v63 =	vld [tilespmem:$0x0]  }
0x18b: {  	_ =	swait.ge [sflag:s24], $0x2800  }
0x18c: {  	s9 =	sld [smem:$0x7EE]  }
0x18d: {  	[sflag:s24] =	ssyncset.done $0x0  }
0x18e: {  	[sflag:s24] =	ssyncadd.s32 $0xFFFFD800  }
0x18f: {  	[tilespmem:s16], [sflag:$0x4] =	stream.indirect.gather [hbm4b:s1+s12], $0x80, s9, s12, $0xb8;
	v63 =	vld [tilespmem:$0x0]  }
0x190: {  	_ =	swait.ge [sflag:s17], $0x2800  }
0x191: {  	s9 =	sld [smem:$0x7EF]  }
0x192: {  	[sflag:s17] =	ssyncset.done $0x0  }
0x193: {  	[sflag:s17] =	ssyncadd.s32 $0xFFFFD800  }
0x194: {  	[spmem:s4] =	stream.indirect.scatter.add.f32 [tilespmem:s13], [sflag:$0x5], $0x80, s9, s12, $0xb8;
	v63 =	vld [tilespmem:$0x0]  }
0x195: {  	_ =	swait.ge [sflag:s18], $0x2800  }
0x196: {  	s9 =	sld [smem:$0x7F0]  }
0x197: {  	[sflag:s18] =	ssyncset.done $0x0  }
0x198: {  	[sflag:s18] =	ssyncadd.s32 $0xFFFFD800  }
0x199: {  	[spmem:s4] =	stream.indirect.scatter.add.f32 [tilespmem:s14], [sflag:$0x6], $0x80, s9, s12, $0xb8;
	v63 =	vld [tilespmem:$0x0]  }
0x19a: {  	_ =	swait.ge [sflag:s19], $0x2800  }
0x19b: {  	s9 =	sld [smem:$0x7F1]  }
0x19c: {  	[sflag:s19] =	ssyncset.done $0x0  }
0x19d: {  	[sflag:s19] =	ssyncadd.s32 $0xFFFFD800  }
0x19e: {  	[spmem:s4] =	stream.indirect.scatter.add.f32 [tilespmem:s15], [sflag:$0x7], $0x80, s9, s12, $0xb8;
	v63 =	vld [tilespmem:$0x0]  }
0x19f: {  	_ =	swait.ge [sflag:s20], $0x2800  }
0x1a0: {  	s9 =	sld [smem:$0x7F2]  }
0x1a1: {  	[sflag:s20] =	ssyncset.done $0x0  }
0x1a2: {  	[sflag:s20] =	ssyncadd.s32 $0xFFFFD800  }
0x1a3: {  	[spmem:s4] =	stream.indirect.scatter.add.f32 [tilespmem:s16], [sflag:$0x8], $0x80, s9, s12, $0xb8;
	v63 =	vld [tilespmem:$0x0]  }
0x1a4: {  	_ =	swait.ge [sflag:s21], $0x2800  }
0x1a5: {  	s9 =	sld [smem:$0x7F3]  }
0x1a6: {  	[sflag:s21] =	ssyncset.done $0x0  }
0x1a7: {  	[sflag:s21] =	ssyncadd.s32 $0xFFFFD800  }
0x1a8: {  	[tilespmem:s13], [sflag:$0x1] =	stream.indirect.gather [hbm4b:s1+s12], $0x80, s9, s12, $0xb8;
	v63 =	vld [tilespmem:$0x0]  }
0x1a9: {  	_ =	swait.ge [sflag:s22], $0x2800  }
0x1aa: {  	s9 =	sld [smem:$0x7F4]  }
0x1ab: {  	[sflag:s22] =	ssyncset.done $0x0  }
0x1ac: {  	[sflag:s22] =	ssyncadd.s32 $0xFFFFD800  }
0x1ad: {  	[tilespmem:s14], [sflag:$0x2] =	stream.indirect.gather [hbm4b:s1+s12], $0x80, s9, s12, $0xb8;
	v63 =	vld [tilespmem:$0x0]  }
0x1ae: {  	_ =	swait.ge [sflag:s23], $0x2800  }
0x1af: {  	s9 =	sld [smem:$0x7F5]  }
0x1b0: {  	[sflag:s23] =	ssyncset.done $0x0  }
0x1b1: {  	[sflag:s23] =	ssyncadd.s32 $0xFFFFD800  }
0x1b2: {  	[tilespmem:s15], [sflag:$0x3] =	stream.indirect.gather [hbm4b:s1+s12], $0x80, s9, s12, $0xb8;
	v63 =	vld [tilespmem:$0x0]  }
0x1b3: {  	_ =	swait.ge [sflag:s24], $0x2800  }
0x1b4: {  	s9 =	sld [smem:$0x7F6]  }
0x1b5: {  	[sflag:s24] =	ssyncset.done $0x0  }
0x1b6: {  	[sflag:s24] =	ssyncadd.s32 $0xFFFFD800  }
0x1b7: {  	[tilespmem:s16], [sflag:$0x4] =	stream.indirect.gather [hbm4b:s1+s12], $0x80, s9, s12, $0xb8;
	v63 =	vld [tilespmem:$0x0]  }
0x1b8: {  	_ =	swait.ge [sflag:s17], $0x2800  }
0x1b9: {  	s9 =	sld [smem:$0x7F7]  }
0x1ba: {  	[sflag:s17] =	ssyncset.done $0x0  }
0x1bb: {  	[sflag:s17] =	ssyncadd.s32 $0xFFFFD800  }
0x1bc: {  	[spmem:s4] =	stream.indirect.scatter.add.f32 [tilespmem:s13], [sflag:$0x5], $0x80, s9, s12, $0xb8;
	v63 =	vld [tilespmem:$0x0]  }
0x1bd: {  	_ =	swait.ge [sflag:s18], $0x2800  }
0x1be: {  	s9 =	sld [smem:$0x7F8]  }
0x1bf: {  	[sflag:s18] =	ssyncset.done $0x0  }
0x1c0: {  	[sflag:s18] =	ssyncadd.s32 $0xFFFFD800  }
0x1c1: {  	[spmem:s4] =	stream.indirect.scatter.add.f32 [tilespmem:s14], [sflag:$0x6], $0x80, s9, s12, $0xb8;
	v63 =	vld [tilespmem:$0x0]  }
0x1c2: {  	_ =	swait.ge [sflag:s19], $0x2800  }
0x1c3: {  	s9 =	sld [smem:$0x7F9]  }
0x1c4: {  	[sflag:s19] =	ssyncset.done $0x0  }
0x1c5: {  	[sflag:s19] =	ssyncadd.s32 $0xFFFFD800  }
0x1c6: {  	[spmem:s4] =	stream.indirect.scatter.add.f32 [tilespmem:s15], [sflag:$0x7], $0x80, s9, s12, $0xb8;
	v63 =	vld [tilespmem:$0x0]  }
0x1c7: {  	_ =	swait.ge [sflag:s20], $0x2800  }
0x1c8: {  	s9 =	sld [smem:$0x7FA]  }
0x1c9: {  	[sflag:s20] =	ssyncset.done $0x0  }
0x1ca: {  	[sflag:s20] =	ssyncadd.s32 $0xFFFFD800  }
0x1cb: {  	[spmem:s4] =	stream.indirect.scatter.add.f32 [tilespmem:s16], [sflag:$0x8], $0x80, s9, s12, $0xb8;
	v63 =	vld [tilespmem:$0x0]  }
0x1cc: {  	_ =	swait.ge [sflag:s21], $0x2800  }
0x1cd: {  	s9 =	sld [smem:$0x7FB]  }
0x1ce: {  	[sflag:s21] =	ssyncset.done $0x0  }
0x1cf: {  	[sflag:s21] =	ssyncadd.s32 $0xFFFFD800  }
0x1d0: {  	[tilespmem:s13], [sflag:$0x1] =	stream.indirect.gather [hbm4b:s1+s12], $0x80, s9, s12, $0xb8;
	v63 =	vld [tilespmem:$0x0]  }
0x1d1: {  	_ =	swait.ge [sflag:s22], $0x2800  }
0x1d2: {  	[sflag:s22] =	ssyncset.done $0x0  }
0x1d3: {  	[sflag:s22] =	ssyncadd.s32 $0xFFFFD800  }
0x1d4: {  	[tilespmem:s14], [sflag:$0x2] =	stream.indirect.gather [hbm4b:s1+s12], $0x80, s25, s12, $0xb8;
	v63 =	vld [tilespmem:$0x0]  }
0x1d5: {  	_ =	swait.ge [sflag:s23], $0x2800  }
0x1d6: {  	[sflag:s23] =	ssyncset.done $0x0  }
0x1d7: {  	[sflag:s23] =	ssyncadd.s32 $0xFFFFD800  }
0x1d8: {  	[tilespmem:s15], [sflag:$0x3] =	stream.indirect.gather [hbm4b:s1+s12], $0x80, s26, s12, $0xb8;
	v63 =	vld [tilespmem:$0x0]  }
0x1d9: {  	_ =	swait.ge [sflag:s24], $0x2800  }
0x1da: {  	[sflag:s24] =	ssyncset.done $0x0  }
0x1db: {  	[sflag:s24] =	ssyncadd.s32 $0xFFFFD800  }
0x1dc: {  	[tilespmem:s16], [sflag:$0x4] =	stream.indirect.gather [hbm4b:s1+s12], $0x80, s28, s12, $0xb8;
	v63 =	vld [tilespmem:$0x0]  }
0x1dd: {  	_ =	swait.ge [sflag:s17], $0x2800  }
0x1de: {  	[sflag:s17] =	ssyncset.done $0x0  }
0x1df: {  	[sflag:s17] =	ssyncadd.s32 $0xFFFFD800  }
0x1e0: {  	[spmem:s4] =	stream.indirect.scatter.add.f32 [tilespmem:s13], [sflag:$0x5], $0x80, s29, s12, $0xb8;
	v63 =	vld [tilespmem:$0x0]  }
0x1e1: {  	_ =	swait.ge [sflag:s18], $0x2800  }
0x1e2: {  	[sflag:s18] =	ssyncset.done $0x0  }
0x1e3: {  	[sflag:s18] =	ssyncadd.s32 $0xFFFFD800  }
0x1e4: {  	[spmem:s4] =	stream.indirect.scatter.add.f32 [tilespmem:s14], [sflag:$0x6], $0x80, s30, s12, $0xb8;
	v63 =	vld [tilespmem:$0x0]  }
0x1e5: {  	_ =	swait.ge [sflag:s19], $0x2800  }
0x1e6: {  	[sflag:s19] =	ssyncset.done $0x0  }
0x1e7: {  	[sflag:s19] =	ssyncadd.s32 $0xFFFFD800  }
0x1e8: {  	[spmem:s4] =	stream.indirect.scatter.add.f32 [tilespmem:s15], [sflag:$0x7], $0x80, s31, s12, $0xb8;
	v63 =	vld [tilespmem:$0x0]  }
0x1e9: {  	_ =	swait.ge [sflag:s20], $0x2800  }
0x1ea: {  	[sflag:s20] =	ssyncset.done $0x0  }
0x1eb: {  	[sflag:s20] =	ssyncadd.s32 $0xFFFFD800  }
0x1ec: {  	[spmem:s4] =	stream.indirect.scatter.add.f32 [tilespmem:s16], [sflag:$0x8], $0x80, s2, s12, $0xb8;
	v63 =	vld [tilespmem:$0x0]  }
0x1ed: {  	_ =	swait.ge [sflag:s21], $0x2800  }
0x1ee: {  	[sflag:s21] =	ssyncset.done $0x0  }
0x1ef: {  	[sflag:s21] =	ssyncadd.s32 $0xFFFFD800  }
0x1f0: {  	[tilespmem:s13], [sflag:$0x1] =	stream.indirect.gather [hbm4b:s1+s12], $0x80, s0, s12, $0xb8;
	v63 =	vld [tilespmem:$0x0]  }
0x1f1: {  	_ =	swait.ge [sflag:s22], $0x2800  }
0x1f2: {  	[sflag:s22] =	ssyncset.done $0x0  }
0x1f3: {  	[sflag:s22] =	ssyncadd.s32 $0xFFFFD800  }
0x1f4: {  	_ =	swait.ge [sflag:s23], $0x2800  }
0x1f5: {  	[sflag:s23] =	ssyncset.done $0x0  }
0x1f6: {  	[sflag:s23] =	ssyncadd.s32 $0xFFFFD800  }
0x1f7: {  	_ =	swait.ge [sflag:s24], $0x2800  }
0x1f8: {  	[sflag:s24] =	ssyncset.done $0x0  }
0x1f9: {  	[sflag:s24] =	ssyncadd.s32 $0xFFFFD800  }
0x1fa: {  	p0 =	sne.s32 s6, $0x800;
	_ =	swait.ge [sflag:s17], $0x2800  }
.Ltmp0:
0x1fb: {  	[sflag:s17] =	ssyncset.done $0x0;
	(pc) =	sbr.rel @p0 .LBB2_2-.Ltmp0, $4  }
0x1fc: {  	[sflag:s17] =	ssyncadd.s32 $0xFFFFD800  }
0x1fd: {  	[spmem:s4] =	stream.indirect.scatter.add.f32 [tilespmem:s13], [sflag:$0x9], $0x80, s3, s12, $0xb8;
	v63 =	vld [tilespmem:$0x0]  }
0x1fe: {  	_ =	swait.ge [sflag:s10], $0x2800  }
0x1ff: {  	s6 =	sadd.s32 $0x200, s6;
	s9 =	rddreg [dreg:$0x7];
	[sflag:s10] =	ssyncset.done $0x0  }
0x200: {  	[sflag:s10] =	ssyncadd.s32 $0xFFFFD800;
	s6 =	sadd.s32 s8, s9  }
0x201: {  	[tilespmem:s5], [sflag:$0x9] =	stream.linear.gather [hbm4b:s6+s5], $0xC80, $0x38;
	v63 =	vld [tilespmem:$0x0]  }
0x202: {  	_ =	swait.ge [sflag:s10], $0xC80  }
0x203: {  	s7 =	rddreg [dreg:$0x6];
	[sflag:s10] =	ssyncset.done $0x0  }
0x204: {  	[sflag:s10] =	ssyncadd.s32 $0xFFFFF380;
	s6 =	sadd.s32 s8, s7  }
0x205: {  	[tilespmem:s11], [sflag:$0x9] =	stream.linear.gather [hbm4b:s6+s5], $0xC80, $0x38;
	v63 =	vld [tilespmem:$0x0]  }
0x206: {  	_ =	swait.ge [sflag:s10], $0xC80  }
0x207: {  	[sflag:s10] =	ssyncset.done $0x0  }
0x208: {  	[sflag:s10] =	ssyncadd.s32 $0xFFFFF380  }
0x209: {  	[tilespmem:s13], [sflag:$0x1] =	stream.indirect.gather [hbm4b:s1+s12], $0x80, s5, s12, $0xb8;
	v63 =	vld [tilespmem:$0x0]  }
0x20a: {  	s9 =	rddreg [dreg:$0x8]  }
0x20b: {  	[tilespmem:s14], [sflag:$0x2] =	stream.indirect.gather [hbm4b:s1+s12], $0x80, s9, s12, $0xb8;
	v63 =	vld [tilespmem:$0x0]  }
0x20c: {  	s7 =	rddreg [dreg:$0x9]  }
0x20d: {  	[tilespmem:s15], [sflag:$0x3] =	stream.indirect.gather [hbm4b:s1+s12], $0x80, s7, s12, $0xb8;
	v63 =	vld [tilespmem:$0x0]  }
0x20e: {  	s8 =	rddreg [dreg:$0xa]  }
0x20f: {  	[tilespmem:s16], [sflag:$0x4] =	stream.indirect.gather [hbm4b:s1+s12], $0x80, s8, s12, $0xb8;
	v63 =	vld [tilespmem:$0x0]  }
0x210: {  	_ =	swait.ge [sflag:s17], $0x2800  }
0x211: {  	[sflag:s17] =	ssyncset.done $0x0  }
0x212: {  	[sflag:s17] =	ssyncadd.s32 $0xFFFFD800  }
0x213: {  	[spmem:s4] =	stream.indirect.scatter.add.f32 [tilespmem:s13], [sflag:$0x5], $0x80, s11, s12, $0xb8;
	v63 =	vld [tilespmem:$0x0]  }
0x214: {  	_ =	swait.ge [sflag:s18], $0x2800  }
0x215: {  	[sflag:s18] =	ssyncset.done $0x0  }
0x216: {  	s9 =	rddreg [dreg:$0xb];
	[sflag:s18] =	ssyncadd.s32 $0xFFFFD800  }
0x217: {  	[spmem:s4] =	stream.indirect.scatter.add.f32 [tilespmem:s14], [sflag:$0x6], $0x80, s9, s12, $0xb8;
	v63 =	vld [tilespmem:$0x0]  }
0x218: {  	_ =	swait.ge [sflag:s19], $0x2800  }
0x219: {  	[sflag:s19] =	ssyncset.done $0x0  }
0x21a: {  	s7 =	rddreg [dreg:$0xc];
	[sflag:s19] =	ssyncadd.s32 $0xFFFFD800  }
0x21b: {  	[spmem:s4] =	stream.indirect.scatter.add.f32 [tilespmem:s15], [sflag:$0x7], $0x80, s7, s12, $0xb8;
	v63 =	vld [tilespmem:$0x0]  }
0x21c: {  	_ =	swait.ge [sflag:s20], $0x2800  }
0x21d: {  	[sflag:s20] =	ssyncset.done $0x0  }
0x21e: {  	s8 =	rddreg [dreg:$0xd];
	[sflag:s20] =	ssyncadd.s32 $0xFFFFD800  }
0x21f: {  	[spmem:s4] =	stream.indirect.scatter.add.f32 [tilespmem:s16], [sflag:$0x8], $0x80, s8, s12, $0xb8;
	v63 =	vld [tilespmem:$0x0]  }
0x220: {  	_ =	swait.ge [sflag:s21], $0x2800  }
0x221: {  	[sflag:s21] =	ssyncset.done $0x0  }
0x222: {  	s9 =	rddreg [dreg:$0xe];
	[sflag:s21] =	ssyncadd.s32 $0xFFFFD800  }
0x223: {  	[tilespmem:s13], [sflag:$0x1] =	stream.indirect.gather [hbm4b:s1+s12], $0x80, s9, s12, $0xb8;
	v63 =	vld [tilespmem:$0x0]  }
0x224: {  	_ =	swait.ge [sflag:s22], $0x2800  }
0x225: {  	[sflag:s22] =	ssyncset.done $0x0  }
0x226: {  	s7 =	rddreg [dreg:$0xf];
	[sflag:s22] =	ssyncadd.s32 $0xFFFFD800  }
0x227: {  	[tilespmem:s14], [sflag:$0x2] =	stream.indirect.gather [hbm4b:s1+s12], $0x80, s7, s12, $0xb8;
	v63 =	vld [tilespmem:$0x0]  }
0x228: {  	_ =	swait.ge [sflag:s23], $0x2800  }
0x229: {  	[sflag:s23] =	ssyncset.done $0x0  }
0x22a: {  	s8 =	rddreg [dreg:$0x10];
	[sflag:s23] =	ssyncadd.s32 $0xFFFFD800  }
0x22b: {  	[tilespmem:s15], [sflag:$0x3] =	stream.indirect.gather [hbm4b:s1+s12], $0x80, s8, s12, $0xb8;
	v63 =	vld [tilespmem:$0x0]  }
0x22c: {  	_ =	swait.ge [sflag:s24], $0x2800  }
0x22d: {  	[sflag:s24] =	ssyncset.done $0x0  }
0x22e: {  	s9 =	rddreg [dreg:$0x11];
	[sflag:s24] =	ssyncadd.s32 $0xFFFFD800  }
0x22f: {  	[tilespmem:s16], [sflag:$0x4] =	stream.indirect.gather [hbm4b:s1+s12], $0x80, s9, s12, $0xb8;
	v63 =	vld [tilespmem:$0x0]  }
0x230: {  	_ =	swait.ge [sflag:s17], $0x2800  }
0x231: {  	[sflag:s17] =	ssyncset.done $0x0  }
0x232: {  	s7 =	rddreg [dreg:$0x12];
	[sflag:s17] =	ssyncadd.s32 $0xFFFFD800  }
0x233: {  	[spmem:s4] =	stream.indirect.scatter.add.f32 [tilespmem:s13], [sflag:$0x5], $0x80, s7, s12, $0xb8;
	v63 =	vld [tilespmem:$0x0]  }
0x234: {  	_ =	swait.ge [sflag:s18], $0x2800  }
0x235: {  	[sflag:s18] =	ssyncset.done $0x0  }
0x236: {  	s8 =	rddreg [dreg:$0x13];
	[sflag:s18] =	ssyncadd.s32 $0xFFFFD800  }
0x237: {  	[spmem:s4] =	stream.indirect.scatter.add.f32 [tilespmem:s14], [sflag:$0x6], $0x80, s8, s12, $0xb8;
	v63 =	vld [tilespmem:$0x0]  }
0x238: {  	_ =	swait.ge [sflag:s19], $0x2800  }
0x239: {  	[sflag:s19] =	ssyncset.done $0x0  }
0x23a: {  	s9 =	rddreg [dreg:$0x14];
	[sflag:s19] =	ssyncadd.s32 $0xFFFFD800  }
0x23b: {  	[spmem:s4] =	stream.indirect.scatter.add.f32 [tilespmem:s15], [sflag:$0x7], $0x80, s9, s12, $0xb8;
	v63 =	vld [tilespmem:$0x0]  }
0x23c: {  	_ =	swait.ge [sflag:s20], $0x2800  }
0x23d: {  	[sflag:s20] =	ssyncset.done $0x0  }
0x23e: {  	s7 =	rddreg [dreg:$0x15];
	[sflag:s20] =	ssyncadd.s32 $0xFFFFD800  }
0x23f: {  	[spmem:s4] =	stream.indirect.scatter.add.f32 [tilespmem:s16], [sflag:$0x8], $0x80, s7, s12, $0xb8;
	v63 =	vld [tilespmem:$0x0]  }
0x240: {  	_ =	swait.ge [sflag:s21], $0x2800  }
0x241: {  	[sflag:s21] =	ssyncset.done $0x0  }
0x242: {  	s8 =	rddreg [dreg:$0x16];
	[sflag:s21] =	ssyncadd.s32 $0xFFFFD800  }
0x243: {  	[tilespmem:s13], [sflag:$0x1] =	stream.indirect.gather [hbm4b:s1+s12], $0x80, s8, s12, $0xb8;
	v63 =	vld [tilespmem:$0x0]  }
0x244: {  	_ =	swait.ge [sflag:s22], $0x2800  }
0x245: {  	[sflag:s22] =	ssyncset.done $0x0  }
0x246: {  	s9 =	rddreg [dreg:$0x17];
	[sflag:s22] =	ssyncadd.s32 $0xFFFFD800  }
0x247: {  	[tilespmem:s14], [sflag:$0x2] =	stream.indirect.gather [hbm4b:s1+s12], $0x80, s9, s12, $0xb8;
	v63 =	vld [tilespmem:$0x0]  }
0x248: {  	_ =	swait.ge [sflag:s23], $0x2800  }
0x249: {  	[sflag:s23] =	ssyncset.done $0x0  }
0x24a: {  	s7 =	rddreg [dreg:$0x18];
	[sflag:s23] =	ssyncadd.s32 $0xFFFFD800  }
0x24b: {  	[tilespmem:s15], [sflag:$0x3] =	stream.indirect.gather [hbm4b:s1+s12], $0x80, s7, s12, $0xb8;
	v63 =	vld [tilespmem:$0x0]  }
0x24c: {  	_ =	swait.ge [sflag:s24], $0x2800  }
0x24d: {  	[sflag:s24] =	ssyncset.done $0x0  }
0x24e: {  	s8 =	rddreg [dreg:$0x19];
	[sflag:s24] =	ssyncadd.s32 $0xFFFFD800  }
0x24f: {  	[tilespmem:s16], [sflag:$0x4] =	stream.indirect.gather [hbm4b:s1+s12], $0x80, s8, s12, $0xb8;
	v63 =	vld [tilespmem:$0x0]  }
0x250: {  	_ =	swait.ge [sflag:s17], $0x2800  }
0x251: {  	[sflag:s17] =	ssyncset.done $0x0  }
0x252: {  	s9 =	rddreg [dreg:$0x1a];
	[sflag:s17] =	ssyncadd.s32 $0xFFFFD800  }
0x253: {  	[spmem:s4] =	stream.indirect.scatter.add.f32 [tilespmem:s13], [sflag:$0x5], $0x80, s9, s12, $0xb8;
	v63 =	vld [tilespmem:$0x0]  }
0x254: {  	_ =	swait.ge [sflag:s18], $0x2800  }
0x255: {  	[sflag:s18] =	ssyncset.done $0x0  }
0x256: {  	s7 =	rddreg [dreg:$0x1b];
	[sflag:s18] =	ssyncadd.s32 $0xFFFFD800  }
0x257: {  	[spmem:s4] =	stream.indirect.scatter.add.f32 [tilespmem:s14], [sflag:$0x6], $0x80, s7, s12, $0xb8;
	v63 =	vld [tilespmem:$0x0]  }
0x258: {  	_ =	swait.ge [sflag:s19], $0x2800  }
0x259: {  	[sflag:s19] =	ssyncset.done $0x0  }
0x25a: {  	s8 =	rddreg [dreg:$0x1c];
	[sflag:s19] =	ssyncadd.s32 $0xFFFFD800  }
0x25b: {  	[spmem:s4] =	stream.indirect.scatter.add.f32 [tilespmem:s15], [sflag:$0x7], $0x80, s8, s12, $0xb8;
	v63 =	vld [tilespmem:$0x0]  }
0x25c: {  	_ =	swait.ge [sflag:s20], $0x2800  }
0x25d: {  	[sflag:s20] =	ssyncset.done $0x0  }
0x25e: {  	s9 =	rddreg [dreg:$0x1d];
	[sflag:s20] =	ssyncadd.s32 $0xFFFFD800  }
0x25f: {  	[spmem:s4] =	stream.indirect.scatter.add.f32 [tilespmem:s16], [sflag:$0x8], $0x80, s9, s12, $0xb8;
	v63 =	vld [tilespmem:$0x0]  }
0x260: {  	_ =	swait.ge [sflag:s21], $0x2800  }
0x261: {  	[sflag:s21] =	ssyncset.done $0x0  }
0x262: {  	s7 =	rddreg [dreg:$0x1e];
	[sflag:s21] =	ssyncadd.s32 $0xFFFFD800  }
0x263: {  	[tilespmem:s13], [sflag:$0x1] =	stream.indirect.gather [hbm4b:s1+s12], $0x80, s7, s12, $0xb8;
	v63 =	vld [tilespmem:$0x0]  }
0x264: {  	_ =	swait.ge [sflag:s22], $0x2800  }
0x265: {  	[sflag:s22] =	ssyncset.done $0x0  }
0x266: {  	s8 =	rddreg [dreg:$0x1f];
	[sflag:s22] =	ssyncadd.s32 $0xFFFFD800  }
0x267: {  	[tilespmem:s14], [sflag:$0x2] =	stream.indirect.gather [hbm4b:s1+s12], $0x80, s8, s12, $0xb8;
	v63 =	vld [tilespmem:$0x0]  }
0x268: {  	_ =	swait.ge [sflag:s23], $0x2800  }
0x269: {  	s9 =	sld [smem:$0x7ED]  }
0x26a: {  	[sflag:s23] =	ssyncset.done $0x0  }
0x26b: {  	[sflag:s23] =	ssyncadd.s32 $0xFFFFD800  }
0x26c: {  	[tilespmem:s15], [sflag:$0x3] =	stream.indirect.gather [hbm4b:s1+s12], $0x80, s9, s12, $0xb8;
	v63 =	vld [tilespmem:$0x0]  }
0x26d: {  	_ =	swait.ge [sflag:s24], $0x2800  }
0x26e: {  	s7 =	sld [smem:$0x7EE]  }
0x26f: {  	[sflag:s24] =	ssyncset.done $0x0  }
0x270: {  	[sflag:s24] =	ssyncadd.s32 $0xFFFFD800  }
0x271: {  	[tilespmem:s16], [sflag:$0x4] =	stream.indirect.gather [hbm4b:s1+s12], $0x80, s7, s12, $0xb8;
	v63 =	vld [tilespmem:$0x0]  }
0x272: {  	_ =	swait.ge [sflag:s17], $0x2800  }
0x273: {  	s8 =	sld [smem:$0x7EF]  }
0x274: {  	[sflag:s17] =	ssyncset.done $0x0  }
0x275: {  	[sflag:s17] =	ssyncadd.s32 $0xFFFFD800  }
0x276: {  	[spmem:s4] =	stream.indirect.scatter.add.f32 [tilespmem:s13], [sflag:$0x5], $0x80, s8, s12, $0xb8;
	v63 =	vld [tilespmem:$0x0]  }
0x277: {  	_ =	swait.ge [sflag:s18], $0x2800  }
0x278: {  	s9 =	sld [smem:$0x7F0]  }
0x279: {  	[sflag:s18] =	ssyncset.done $0x0  }
0x27a: {  	[sflag:s18] =	ssyncadd.s32 $0xFFFFD800  }
0x27b: {  	[spmem:s4] =	stream.indirect.scatter.add.f32 [tilespmem:s14], [sflag:$0x6], $0x80, s9, s12, $0xb8;
	v63 =	vld [tilespmem:$0x0]  }
0x27c: {  	_ =	swait.ge [sflag:s19], $0x2800  }
0x27d: {  	s7 =	sld [smem:$0x7F1]  }
0x27e: {  	[sflag:s19] =	ssyncset.done $0x0  }
0x27f: {  	[sflag:s19] =	ssyncadd.s32 $0xFFFFD800  }
0x280: {  	[spmem:s4] =	stream.indirect.scatter.add.f32 [tilespmem:s15], [sflag:$0x7], $0x80, s7, s12, $0xb8;
	v63 =	vld [tilespmem:$0x0]  }
0x281: {  	_ =	swait.ge [sflag:s20], $0x2800  }
0x282: {  	s8 =	sld [smem:$0x7F2]  }
0x283: {  	[sflag:s20] =	ssyncset.done $0x0  }
0x284: {  	[sflag:s20] =	ssyncadd.s32 $0xFFFFD800  }
0x285: {  	[spmem:s4] =	stream.indirect.scatter.add.f32 [tilespmem:s16], [sflag:$0x8], $0x80, s8, s12, $0xb8;
	v63 =	vld [tilespmem:$0x0]  }
0x286: {  	_ =	swait.ge [sflag:s21], $0x2800  }
0x287: {  	s9 =	sld [smem:$0x7F3]  }
0x288: {  	[sflag:s21] =	ssyncset.done $0x0  }
0x289: {  	[sflag:s21] =	ssyncadd.s32 $0xFFFFD800  }
0x28a: {  	[tilespmem:s13], [sflag:$0x1] =	stream.indirect.gather [hbm4b:s1+s12], $0x80, s9, s12, $0xb8;
	v63 =	vld [tilespmem:$0x0]  }
0x28b: {  	_ =	swait.ge [sflag:s22], $0x2800  }
0x28c: {  	s7 =	sld [smem:$0x7F4]  }
0x28d: {  	[sflag:s22] =	ssyncset.done $0x0  }
0x28e: {  	[sflag:s22] =	ssyncadd.s32 $0xFFFFD800  }
0x28f: {  	[tilespmem:s14], [sflag:$0x2] =	stream.indirect.gather [hbm4b:s1+s12], $0x80, s7, s12, $0xb8;
	v63 =	vld [tilespmem:$0x0]  }
0x290: {  	_ =	swait.ge [sflag:s23], $0x2800  }
0x291: {  	s8 =	sld [smem:$0x7F5]  }
0x292: {  	[sflag:s23] =	ssyncset.done $0x0  }
0x293: {  	[sflag:s23] =	ssyncadd.s32 $0xFFFFD800  }
0x294: {  	[tilespmem:s15], [sflag:$0x3] =	stream.indirect.gather [hbm4b:s1+s12], $0x80, s8, s12, $0xb8;
	v63 =	vld [tilespmem:$0x0]  }
0x295: {  	_ =	swait.ge [sflag:s24], $0x2800  }
0x296: {  	s9 =	sld [smem:$0x7F6]  }
0x297: {  	[sflag:s24] =	ssyncset.done $0x0  }
0x298: {  	[sflag:s24] =	ssyncadd.s32 $0xFFFFD800  }
0x299: {  	[tilespmem:s16], [sflag:$0x4] =	stream.indirect.gather [hbm4b:s1+s12], $0x80, s9, s12, $0xb8;
	v63 =	vld [tilespmem:$0x0]  }
0x29a: {  	_ =	swait.ge [sflag:s17], $0x2800  }
0x29b: {  	s7 =	sld [smem:$0x7F7]  }
0x29c: {  	[sflag:s17] =	ssyncset.done $0x0  }
0x29d: {  	[sflag:s17] =	ssyncadd.s32 $0xFFFFD800  }
0x29e: {  	[spmem:s4] =	stream.indirect.scatter.add.f32 [tilespmem:s13], [sflag:$0x5], $0x80, s7, s12, $0xb8;
	v63 =	vld [tilespmem:$0x0]  }
0x29f: {  	_ =	swait.ge [sflag:s18], $0x2800  }
0x2a0: {  	s8 =	sld [smem:$0x7F8]  }
0x2a1: {  	[sflag:s18] =	ssyncset.done $0x0  }
0x2a2: {  	[sflag:s18] =	ssyncadd.s32 $0xFFFFD800  }
0x2a3: {  	[spmem:s4] =	stream.indirect.scatter.add.f32 [tilespmem:s14], [sflag:$0x6], $0x80, s8, s12, $0xb8;
	v63 =	vld [tilespmem:$0x0]  }
0x2a4: {  	_ =	swait.ge [sflag:s19], $0x2800  }
0x2a5: {  	s9 =	sld [smem:$0x7F9]  }
0x2a6: {  	[sflag:s19] =	ssyncset.done $0x0  }
0x2a7: {  	[sflag:s19] =	ssyncadd.s32 $0xFFFFD800  }
0x2a8: {  	[spmem:s4] =	stream.indirect.scatter.add.f32 [tilespmem:s15], [sflag:$0x7], $0x80, s9, s12, $0xb8;
	v63 =	vld [tilespmem:$0x0]  }
0x2a9: {  	_ =	swait.ge [sflag:s20], $0x2800  }
0x2aa: {  	s7 =	sld [smem:$0x7FA]  }
0x2ab: {  	[sflag:s20] =	ssyncset.done $0x0  }
0x2ac: {  	[sflag:s20] =	ssyncadd.s32 $0xFFFFD800  }
0x2ad: {  	[spmem:s4] =	stream.indirect.scatter.add.f32 [tilespmem:s16], [sflag:$0x8], $0x80, s7, s12, $0xb8;
	v63 =	vld [tilespmem:$0x0]  }
0x2ae: {  	_ =	swait.ge [sflag:s21], $0x2800  }
0x2af: {  	s8 =	sld [smem:$0x7FB]  }
0x2b0: {  	[sflag:s21] =	ssyncset.done $0x0  }
0x2b1: {  	[sflag:s21] =	ssyncadd.s32 $0xFFFFD800  }
0x2b2: {  	[tilespmem:s13], [sflag:$0x1] =	stream.indirect.gather [hbm4b:s1+s12], $0x80, s8, s12, $0xb8;
	v63 =	vld [tilespmem:$0x0]  }
0x2b3: {  	_ =	swait.ge [sflag:s22], $0x2800  }
0x2b4: {  	[sflag:s22] =	ssyncset.done $0x0  }
0x2b5: {  	[sflag:s22] =	ssyncadd.s32 $0xFFFFD800  }
0x2b6: {  	[tilespmem:s14], [sflag:$0x2] =	stream.indirect.gather [hbm4b:s1+s12], $0x80, s25, s12, $0xb8;
	v63 =	vld [tilespmem:$0x0]  }
0x2b7: {  	_ =	swait.ge [sflag:s23], $0x2800  }
0x2b8: {  	[sflag:s23] =	ssyncset.done $0x0  }
0x2b9: {  	[sflag:s23] =	ssyncadd.s32 $0xFFFFD800  }
0x2ba: {  	[tilespmem:s15], [sflag:$0x3] =	stream.indirect.gather [hbm4b:s1+s12], $0x80, s26, s12, $0xb8;
	v63 =	vld [tilespmem:$0x0]  }
0x2bb: {  	_ =	swait.ge [sflag:s24], $0x2800  }
0x2bc: {  	[sflag:s24] =	ssyncset.done $0x0  }
0x2bd: {  	[sflag:s24] =	ssyncadd.s32 $0xFFFFD800  }
0x2be: {  	[tilespmem:s16], [sflag:$0x4] =	stream.indirect.gather [hbm4b:s1+s12], $0x80, s28, s12, $0xb8;
	v63 =	vld [tilespmem:$0x0]  }
0x2bf: {  	_ =	swait.ge [sflag:s17], $0x2800  }
0x2c0: {  	[sflag:s17] =	ssyncset.done $0x0  }
0x2c1: {  	[sflag:s17] =	ssyncadd.s32 $0xFFFFD800  }
0x2c2: {  	[spmem:s4] =	stream.indirect.scatter.add.f32 [tilespmem:s13], [sflag:$0x5], $0x80, s29, s12, $0xb8;
	v63 =	vld [tilespmem:$0x0]  }
0x2c3: {  	_ =	swait.ge [sflag:s18], $0x2800  }
0x2c4: {  	[sflag:s18] =	ssyncset.done $0x0  }
0x2c5: {  	[sflag:s18] =	ssyncadd.s32 $0xFFFFD800  }
0x2c6: {  	[spmem:s4] =	stream.indirect.scatter.add.f32 [tilespmem:s14], [sflag:$0x6], $0x80, s30, s12, $0xb8;
	v63 =	vld [tilespmem:$0x0]  }
0x2c7: {  	_ =	swait.ge [sflag:s19], $0x2800  }
0x2c8: {  	[sflag:s19] =	ssyncset.done $0x0  }
0x2c9: {  	[sflag:s19] =	ssyncadd.s32 $0xFFFFD800  }
0x2ca: {  	[spmem:s4] =	stream.indirect.scatter.add.f32 [tilespmem:s15], [sflag:$0x7], $0x80, s31, s12, $0xb8;
	v63 =	vld [tilespmem:$0x0]  }
0x2cb: {  	_ =	swait.ge [sflag:s20], $0x2800  }
0x2cc: {  	[sflag:s20] =	ssyncset.done $0x0  }
0x2cd: {  	[sflag:s20] =	ssyncadd.s32 $0xFFFFD800  }
0x2ce: {  	[spmem:s4] =	stream.indirect.scatter.add.f32 [tilespmem:s16], [sflag:$0x8], $0x80, s2, s12, $0xb8;
	v63 =	vld [tilespmem:$0x0]  }
0x2cf: {  	_ =	swait.ge [sflag:s21], $0x2800  }
0x2d0: {  	[sflag:s21] =	ssyncset.done $0x0  }
0x2d1: {  	[sflag:s21] =	ssyncadd.s32 $0xFFFFD800  }
0x2d2: {  	[tilespmem:s13], [sflag:$0x1] =	stream.indirect.gather [hbm4b:s1+s12], $0x80, s0, s12, $0xb8;
	v63 =	vld [tilespmem:$0x0]  }
0x2d3: {  	_ =	swait.ge [sflag:s22], $0x2800  }
0x2d4: {  	[sflag:s22] =	ssyncset.done $0x0  }
0x2d5: {  	[sflag:s22] =	ssyncadd.s32 $0xFFFFD800  }
0x2d6: {  	_ =	swait.ge [sflag:s23], $0x2800  }
0x2d7: {  	[sflag:s23] =	ssyncset.done $0x0  }
0x2d8: {  	[sflag:s23] =	ssyncadd.s32 $0xFFFFD800  }
0x2d9: {  	_ =	swait.ge [sflag:s24], $0x2800  }
0x2da: {  	[sflag:s24] =	ssyncset.done $0x0  }
0x2db: {  	[sflag:s24] =	ssyncadd.s32 $0xFFFFD800  }
0x2dc: {  	_ =	swait.ge [sflag:s17], $0x2800  }
0x2dd: {  	[sflag:s17] =	ssyncset.done $0x0  }
0x2de: {  	[sflag:s17] =	ssyncadd.s32 $0xFFFFD800  }
0x2df: {  	[spmem:s4] =	stream.indirect.scatter.add.f32 [tilespmem:s13], [sflag:$0x9], $0x80, s3, s12, $0xb8;
	v63 =	vld [tilespmem:$0x0]  }
0x2e0: {  	_ =	swait.ge [sflag:s10], $0x2800  }
0x2e1: {  	[sflag:s10] =	ssyncset.done $0x0  }
0x2e2: {  	[sflag:s10] =	ssyncadd.s32 $0xFFFFD800  }
0x2e3: {  	[bflag:$0x0] =	sbarrier.arrive $0xFFFF  }
0x2e4: {  	s8 =	sld [smem:$0x7FC]  }
0x2e5: {  	s9 =	sld [smem:$0x7EB]  }
0x2e6: {  	s7 =	sld [smem:$0x7FD];
	_ =	sdelay $0x2  }
0x2e7: {  	[hbm:s9], [sflag:s8] =	dma.local [spmem:s7], $0x2800  }
0x2e8: {  	_ =	swait.ge [sflag:s10], $0x2800  }
0x2e9: {  	s6 =	sld [smem:$0x7EA];
	_ =	sdelay $0x2  }
0x2ea: {  	s9 =	sadd.s32 $0x1, s6;
	s6 =	sld [smem:$0x7EC];
	_ =	sdelay $0x2  }
0x2eb: {  	p0 =	sne.s32 s9, s6  }
.Ltmp1:
0x2ec: {  	_ = 	snop;
	(pc) =	sbr.rel @p0 .LBB2_1-.Ltmp1, $3  }
0x2ed: {  	_ =	sdelay $0x1  }
0x2ee: {  	[sflag:s10] =	ssyncset.done $0x0  }
0x2ef: {  	[sflag:s10] =	ssyncadd.s32 $0xFFFFD800  }
0x2f0: {  	_ =	sfence.sel $0x180000  }
0x2f1: {  	[bflag:$0x0] =	sbarrier.arrive $0xFFFF  }
0x2f2: {  	_ =	strace $0x90000047  }
0x2f3: {  	s0 =	stileid.u32;
	[bflag:$0x2] =	sbarrier.arrive $0xFFFF  }
0x2f4: {  	p0 =	sne.s32 s0, $0x0;
	s0 =	rddreg [dreg:$0x5]  }
0x2f5: {  	s0 =	sadd.s32 @!p0 $0x100000, s0  }
0x2f6: {  	[sflag:s0] =	ssyncadd.tile.s32 @!p0 $0x1;
	_ =	shalt  }
.Lfunc_end2:
_tile_overlayer_lowered:
.L_overlay_start_2:
0x2f7: {  	(tag) =	ssettag $0x2  }
0x2f8: {  	s0 =	rddreg [dreg:$0x0];
	s2 =	stileid.u32  }
0x2f9: {  	s1 =	rddreg [dreg:$0x1];
	p0 =	sne.s32 s2, $0x0  }
0x2fa: {  	s3 =	rddreg [dreg:$0x2];
	[bflag:$0x3] =	sbarrier.arrive $0xFFFF;
	s2 =	simm.s32 @!p0 $0x1C09  }
0x2fb: {  	[timem:s3], [sflag:s2] =	dma.local @!p0 [hbm:s0], s1  }
0x2fc: {  	s0 =	simm.s32 @!p0 $0x9  }
0x2fd: {  	_ =	swait.ge @!p0 [sflag:s0], s1  }
0x2fe: {  	s1 =	ssub.s32 @!p0 $0x0, s1;
	[sflag:s0] =	ssyncset.done @!p0 $0x0  }
0x2ff: {  	[sflag:s0] =	ssyncadd.s32 @!p0 s1  }
0x300: {  	[bflag:$0x3] =	sbarrier.arrive $0xFFFF  }
0x301: {  	_ =	shalt  }

</sc_bundles>
